<compile_context>
chip_gen: v7x
topology: tpu7x:2x2x1
jax: 0.10.2.dev20260603
libtpu: 0.0.44.dev20260713+nightly
codegen_flags: <defaults>
</compile_context>

<pallas_src>
import jax
import jax.numpy as jnp
from jax import lax
from jax.experimental import pallas as pl
from jax.experimental.pallas import tpu as pltpu
from jax.experimental.pallas import tpu_sc as plsc

N = 10000
E = 320000
D = 128
OUT = 128
ASSIGN = 500
APAD = 512
NBLK = APAD // 128
WCOLS = OUT + APAD

NC = 2
NS = 16
NP = 10240
SR = NP // NS
CH = 80
IB = 8
EPB = 256
EPAD = NS * EPB * CH
NSLOT = 4
DEPTH = 2

_MESH = plsc.VectorSubcoreMesh(core_axis_name="c", subcore_axis_name="s")


def _sweep(tab, g3, s3, s, acc, gib, sib, rows, semg, sems, off=None):

    def block(g, carry):
        pltpu.sync_copy(g3.at[s, pl.ds(g * IB, IB)], gib)
        pltpu.sync_copy(s3.at[s, pl.ds(g * IB, IB)], sib)
        if off is not None:
            for r in range(IB):
                for i in range(CH // 16):
                    gib[r, pl.ds(i * 16, 16)] = gib[r, pl.ds(i * 16, 16)] + off
        dg = [None] * IB
        dsc = [None] * IB

        def fire_scatter(k):
            dg[k].wait()
            return pltpu.async_copy(
                rows.at[k % NSLOT], acc.at[sib.at[k]], sems.at[k % NSLOT], add=True)

        for j in range(IB):
            if j >= NSLOT:
                dsc[j - NSLOT].wait()
            dg[j] = pltpu.async_copy(
                tab.at[gib.at[j]], rows.at[j % NSLOT], semg.at[j % NSLOT])
            if j >= DEPTH:
                dsc[j - DEPTH] = fire_scatter(j - DEPTH)
        for k in range(IB - DEPTH, IB):
            dsc[k] = fire_scatter(k)
        for k in range(IB - NSLOT, IB):
            dsc[k].wait()
        return carry

    lax.fori_loop(0, EPB // IB, block, 0)


def _seg_h_body(tab, g3, s3, zeros, ones, out, gib, sib, rows, acc, semg, sems):
    c = lax.axis_index("c")
    s = lax.axis_index("s")
    pltpu.sync_copy(zeros, acc.at[pl.ds(s * SR, SR)])
    plsc.subcore_barrier()

    @pl.when(c == 0)
    def _agg():
        _sweep(tab, g3, s3, s, acc, gib, sib, rows, semg, sems)

    @pl.when(c == 1)
    def _deg():
        pltpu.sync_copy(ones, rows.at[0])

        def block(g, carry):
            pltpu.sync_copy(s3.at[s, pl.ds(g * IB, IB)], sib)
            dsc = [None] * IB
            for j in range(IB):
                if j >= NSLOT:
                    dsc[j - NSLOT].wait()
                dsc[j] = pltpu.async_copy(
                    rows.at[0], acc.at[sib.at[j]], sems.at[j % NSLOT], add=True)
            for j in range(IB - NSLOT, IB):
                dsc[j].wait()
            return carry

        lax.fori_loop(0, EPB // IB, block, 0)

    plsc.subcore_barrier()
    pltpu.sync_copy(acc.at[pl.ds(s * SR, SR)], out.at[c, pl.ds(s * SR, SR)])


_seg_h = pl.kernel(
    _seg_h_body,
    out_type=jax.ShapeDtypeStruct((NC, NP, D), jnp.float32),
    mesh=_MESH,
    scratch_types=[
        pltpu.VMEM((IB, CH), jnp.int32),
        pltpu.VMEM((IB, CH), jnp.int32),
        pltpu.VMEM((NSLOT, CH, D), jnp.float32),
        pltpu.VMEM_SHARED((NP, D), jnp.float32),
        pltpu.SemaphoreType.DMA((NSLOT,)),
        pltpu.SemaphoreType.DMA((NSLOT,)),
    ],
)


def _seg_a_body(tab, g3, s3, zeros, out, gib, sib, rows, acc, semg, sems):
    c = lax.axis_index("c")
    s = lax.axis_index("s")
    for bi in range(NBLK // NC):
        b = c * (NBLK // NC) + bi
        pltpu.sync_copy(zeros, acc.at[pl.ds(s * SR, SR)])
        plsc.subcore_barrier()
        _sweep(tab, g3, s3, s, acc, gib, sib, rows, semg, sems, off=b * N)
        plsc.subcore_barrier()
        pltpu.sync_copy(acc.at[pl.ds(s * SR, SR)], out.at[b, pl.ds(s * SR, SR)])


_seg_a = pl.kernel(
    _seg_a_body,
    out_type=jax.ShapeDtypeStruct((NBLK, NP, 128), jnp.float32),
    mesh=_MESH,
    scratch_types=[
        pltpu.VMEM((IB, CH), jnp.int32),
        pltpu.VMEM((IB, CH), jnp.int32),
        pltpu.VMEM((NSLOT, CH, 128), jnp.float32),
        pltpu.VMEM_SHARED((NP, 128), jnp.float32),
        pltpu.SemaphoreType.DMA((NSLOT,)),
        pltpu.SemaphoreType.DMA((NSLOT,)),
    ],
)


TRA = 1000


def _dense_body(h_ref, agg_ref, w_ref, b_ref, feat_ref, asn_ref):
    deg = jnp.maximum(agg_ref[1][:, :1], 1.0)
    cmean = agg_ref[0] / deg
    y = jnp.dot(h_ref[...], w_ref[:D, :], preferred_element_type=jnp.float32)
    y = y + jnp.dot(cmean, w_ref[D:, :], preferred_element_type=jnp.float32)
    y = jnp.maximum(y + b_ref[...], 0.0)
    feat_ref[...] = y[:, :OUT]
    p = y[:, OUT:]
    valid = lax.broadcasted_iota(jnp.int32, p.shape, 1) < ASSIGN
    p = jnp.where(valid, p, -1e30)
    m = jnp.max(p, axis=1, keepdims=True)
    e = jnp.exp(p - m)
    a = e / jnp.sum(e, axis=1, keepdims=True)
    for bb in range(NBLK):
        asn_ref[bb] = a[:, bb * 128:(bb + 1) * 128]


_dense = pl.pallas_call(
    _dense_body,
    grid=(N // TRA,),
    in_specs=[
        pl.BlockSpec((TRA, D), lambda i: (i, 0)),
        pl.BlockSpec((NC, TRA, D), lambda i: (0, i, 0)),
        pl.BlockSpec((2 * D, WCOLS), lambda i: (0, 0)),
        pl.BlockSpec((1, WCOLS), lambda i: (0, 0)),
    ],
    out_specs=[
        pl.BlockSpec((TRA, OUT), lambda i: (i, 0)),
        pl.BlockSpec((NBLK, TRA, 128), lambda i: (0, i, 0)),
    ],
    out_shape=[
        jax.ShapeDtypeStruct((N, OUT), jnp.float32),
        jax.ShapeDtypeStruct((NBLK, N, 128), jnp.float32),
    ],
)


TRB = 1000


def _contract_body(asn_ref, feat_ref, as_ref, hn_ref, adj_ref):
    i = pl.program_id(0)

    @pl.when(i == 0)
    def _init():
        hn_ref[...] = jnp.zeros_like(hn_ref)
        adj_ref[...] = jnp.zeros_like(adj_ref)

    f = feat_ref[...]
    dn = (((0,), (0,)), ((), ()))
    for bi in range(NBLK):
        a = asn_ref[bi]
        hn_ref[bi] += lax.dot_general(a, f, dn, preferred_element_type=jnp.float32)
        for bj in range(NBLK):
            adj_ref[bi, bj] += lax.dot_general(
                a, as_ref[bj], dn, preferred_element_type=jnp.float32)


_contract = pl.pallas_call(
    _contract_body,
    grid=(N // TRB,),
    in_specs=[
        pl.BlockSpec((NBLK, TRB, 128), lambda i: (0, i, 0)),
        pl.BlockSpec((TRB, OUT), lambda i: (i, 0)),
        pl.BlockSpec((NBLK, TRB, 128), lambda i: (0, i, 0)),
    ],
    out_specs=[
        pl.BlockSpec((NBLK, 128, OUT), lambda i: (0, 0, 0)),
        pl.BlockSpec((NBLK, NBLK, 128, 128), lambda i: (0, 0, 0, 0)),
    ],
    out_shape=[
        jax.ShapeDtypeStruct((NBLK, 128, OUT), jnp.float32),
        jax.ShapeDtypeStruct((NBLK, NBLK, 128, 128), jnp.float32),
    ],
)


def kernel(h, edge_index, W_feat, b_feat, W_pool, b_pool):
    src = edge_index[0]
    dst = edge_index[1]

    npad = EPAD - E
    zpad = jnp.zeros((npad,), jnp.int32)
    jpad = jnp.full((npad,), NP - 1, jnp.int32)
    g1 = jnp.concatenate([src, zpad]).reshape(NS, EPB, CH)
    s1 = jnp.concatenate([dst, jpad]).reshape(NS, EPB, CH)
    g2 = jnp.concatenate([dst, zpad]).reshape(NS, EPB, CH)
    s2 = jnp.concatenate([src, jpad]).reshape(NS, EPB, CH)

    zeros_blk = jnp.zeros((SR, 128), jnp.float32)
    ones_blk = jnp.ones((CH, 128), jnp.float32)
    agg2 = _seg_h(h, g1, s1, zeros_blk, ones_blk)

    w_cat = jnp.concatenate(
        [W_feat, W_pool, jnp.zeros((2 * D, APAD - ASSIGN), jnp.float32)], axis=1)
    b_cat = jnp.concatenate(
        [b_feat, b_pool, jnp.zeros((APAD - ASSIGN,), jnp.float32)])[None, :]
    feat, asn = _dense(h, agg2, w_cat, b_cat)

    a_s = _seg_a(asn.reshape(NBLK * N, 128), g2, s2, zeros_blk)

    hn_pad, adj_pad = _contract(asn, feat, a_s)
    h_new = hn_pad.reshape(APAD, OUT)[:ASSIGN]
    adj_new = adj_pad.transpose(0, 2, 1, 3).reshape(APAD, APAD)[:ASSIGN, :ASSIGN]
    return (adj_new, h_new)

# --- scband reference (transcript-rebuilt; emitter-appended) ---
"""Pipeline reference for scband-diff-pool-batched-graph-layer-29016799052037 (READ-ONLY COPY).

The authoritative reference and input builder live on the scoring server;
editing this copy changes nothing except your own understanding.
"""

import jax, jax.numpy as jnp
import numpy as np

N = 10000
E = 320000
D = 128
OUT = 128
ASSIGN = 500


def setup_inputs(seed: int = 0) -> dict:
    key = jax.random.key(seed)
    k1, k2, k3, k4, k5, k6 = jax.random.split(key, 6)
    h = jax.random.normal(k1, (N, D), dtype=jnp.float32)
    edge_index = jax.random.randint(k2, (2, E), 0, N, dtype=jnp.int32)
    # GraphSage 'bundler' linear: concat(h_self, h_neigh_mean) -> out ; fan_in = 2*D
    W_feat = jax.random.normal(k3, (2 * D, OUT), dtype=jnp.float32) * (1.0 / np.sqrt(2 * D))
    b_feat = jnp.zeros((OUT,), dtype=jnp.float32)
    W_pool = jax.random.normal(k4, (2 * D, ASSIGN), dtype=jnp.float32) * (1.0 / np.sqrt(2 * D))
    b_pool = jnp.zeros((ASSIGN,), dtype=jnp.float32)
    return {"h": h, "edge_index": edge_index, "W_feat": W_feat, "b_feat": b_feat, "W_pool": W_pool, "b_pool": b_pool}


def _graphsage(h, src, dst, W, b):
    # copy_u message passing + mean aggregator (DGL update_all with MeanAggregator)
    msgs = jnp.take(h, src, axis=0)                                   # gather  [E, D]
    agg = jax.ops.segment_sum(msgs, dst, num_segments=N)              # scatter-add [N, D]
    deg = jax.ops.segment_sum(jnp.ones((src.shape[0], 1), h.dtype), dst, num_segments=N)
    c = agg / jnp.maximum(deg, 1.0)                                   # mean; isolated nodes -> 0 (DGL zero-init mailbox)
    # Bundler: linear on concat(self, neigh) + activation
    bundle = jnp.concatenate([h, c], axis=1) @ W + b
    return jax.nn.relu(bundle)


def reference(h, edge_index, W_feat, b_feat, W_pool, b_pool):
    src = edge_index[0]
    dst = edge_index[1]
    # feat_gc and pool_gc (dropout p=0.0 -> identity; eval mode)
    feat = _graphsage(h, src, dst, W_feat, b_feat)                    # [N, OUT]
    assign = jax.nn.softmax(_graphsage(h, src, dst, W_pool, b_pool), axis=1)  # [N, ASSIGN]
    # single graph in batch -> block_diag of one block is identity op
    h_new = assign.T @ feat                                           # [ASSIGN, OUT]
    # adj = g.adj_external(transpose=True): rows=src, cols=dst
    # adj_new = S^T (A S);  (A S)[u] = sum over edges (u->v) of S[v]
    a_s = jax.ops.segment_sum(jnp.take(assign, dst, axis=0), src, num_segments=N)  # [N, ASSIGN]
    adj_new = assign.T @ a_s                                          # [ASSIGN, ASSIGN]
    return (adj_new, h_new)

if __name__ == "__main__":
    import jax
    _d = setup_inputs()
    print(jax.jit(kernel)(*tuple(_d.values())))

</pallas_src>

<mosaic_0001>
#map = affine_map<(d0, d1) -> (0, 0)>
#map1 = affine_map<(d0, d1) -> (0, 0, 0)>
module attributes {stable_mosaic.version = 14 : i64} {
  func.func @_seg_h_body(%arg0: i32, %arg1: i32, %arg2: memref<10000x128xf32, #tpu.memory_space<hbm>>, %arg3: memref<16x256x80xi32, #tpu.memory_space<hbm>>, %arg4: memref<16x256x80xi32, #tpu.memory_space<hbm>>, %arg5: memref<640x128xf32, #tpu.memory_space<hbm>>, %arg6: memref<80x128xf32, #tpu.memory_space<hbm>>, %arg7: memref<2x10240x128xf32, #tpu.memory_space<hbm>>, %arg8: memref<8x80xi32, #tpu.memory_space<vmem>>, %arg9: memref<8x80xi32, #tpu.memory_space<vmem>>, %arg10: memref<4x80x128xf32, #tpu.memory_space<vmem>>, %arg11: memref<10240x128xf32, #tpu.memory_space<vmem_shared>>, %arg12: memref<4x!tpu.dma_semaphore, #tpu.memory_space<semaphore_mem>>, %arg13: memref<4x!tpu.dma_semaphore, #tpu.memory_space<semaphore_mem>>) attributes {dimension_semantics = [#tpu.dimension_semantics<core_parallel>, #tpu.dimension_semantics<subcore_parallel>], iteration_bounds = array<i64: 2, 16>, scalar_prefetch = 0 : i64, scratch_operands = 6 : i64, tpu.core_type = #tpu.core_type<sc_vector_subcore>, window_params = [{transform_indices = #map}, {transform_indices = #map1}, {transform_indices = #map1}, {transform_indices = #map}, {transform_indices = #map}, {transform_indices = #map1}]} {
    %mul3A = arith.constant 640 : i32
    %mul3A_0 = arith.muli %arg1, %mul3A : i32
    "tpu.region"() ({
      %run_scoped3A = tpu.sem_alloc : memref<!tpu.dma_semaphore, #tpu.memory_space<semaphore_mem>>
      %dma_start3A = arith.constant 0 : i32
      %dma_start3A_13 = tpu.memref_slice %arg11[%mul3A_0, %dma_start3A] : memref<10240x128xf32, #tpu.memory_space<vmem_shared>> -> memref<640x128xf32, #tpu.memory_space<vmem_shared>>
      tpu.enqueue_dma source(%arg5 : memref<640x128xf32, #tpu.memory_space<hbm>>) target(%dma_start3A_13 : memref<640x128xf32, #tpu.memory_space<vmem_shared>>) target_semaphore(%run_scoped3A : memref<!tpu.dma_semaphore, #tpu.memory_space<semaphore_mem>>)
      %dma_wait3A = arith.constant 0 : i32
      %dma_wait3A_14 = tpu.memref_slice %arg11[%mul3A_0, %dma_wait3A] : memref<10240x128xf32, #tpu.memory_space<vmem_shared>> -> memref<640x128xf32, #tpu.memory_space<vmem_shared>>
      tpu.wait_dma2 semaphore(%run_scoped3A : memref<!tpu.dma_semaphore, #tpu.memory_space<semaphore_mem>>) src(%arg5 : memref<640x128xf32, #tpu.memory_space<hbm>>) dst(%dma_wait3A_14 : memref<640x128xf32, #tpu.memory_space<vmem_shared>>)
      tpu.yield
    }) : () -> ()
    %barrier3A = arith.constant 0 : index
    tpu.barrier barrier_id(%barrier3A)
    %eq3A = arith.constant 0 : i32
    %eq3A_1 = arith.cmpi eq, %arg0, %eq3A : i32
    %convert_element_type3A = arith.extui %eq3A_1 : i1 to i32
    %cond3A = arith.constant 0 : i32
    %cond3A_2 = arith.cmpi ne, %convert_element_type3A, %cond3A : i32
    scf.if %cond3A_2 {
      %scan3A = arith.constant 0 : i32
      %scan3A_13 = arith.constant 0 : i32
      %scan3A_14 = arith.constant 32 : i32
      %scan3A_15 = arith.addi %scan3A_13, %scan3A_14 : i32
      %scan3A_16 = arith.constant 1 : i32
      scf.for %scan3A_18 = %scan3A_13 to %scan3A_15 step %scan3A_16  : i32 {
        %mul3A_19 = arith.constant 8 : i32
        %mul3A_20 = arith.muli %scan3A_18, %mul3A_19 : i32
        "tpu.region"() ({
          %run_scoped3A = tpu.sem_alloc : memref<!tpu.dma_semaphore, #tpu.memory_space<semaphore_mem>>
          %dma_start3A_501 = arith.constant 0 : i32
          %dma_start3A_502 = tpu.memref_slice %arg3[%arg1, %mul3A_20, %dma_start3A_501] : memref<16x256x80xi32, #tpu.memory_space<hbm>> -> memref<1x8x80xi32, #tpu.memory_space<hbm>>
          %dma_start3A_503 = tpu.memref_squeeze %dma_start3A_502 : memref<1x8x80xi32, #tpu.memory_space<hbm>> -> memref<8x80xi32, #tpu.memory_space<hbm>>
          %dma_start3A_504 = arith.constant 0 : i32
          %dma_start3A_505 = tpu.memref_slice %arg3[%arg1, %mul3A_20, %dma_start3A_504] : memref<16x256x80xi32, #tpu.memory_space<hbm>> -> memref<1x8x80xi32, #tpu.memory_space<hbm>>
          %dma_start3A_506 = tpu.memref_squeeze %dma_start3A_505 : memref<1x8x80xi32, #tpu.memory_space<hbm>> -> memref<8x80xi32, #tpu.memory_space<hbm>>
          tpu.enqueue_dma source(%dma_start3A_506 : memref<8x80xi32, #tpu.memory_space<hbm>>) target(%arg8 : memref<8x80xi32, #tpu.memory_space<vmem>>) target_semaphore(%run_scoped3A : memref<!tpu.dma_semaphore, #tpu.memory_space<semaphore_mem>>)
          %dma_wait3A_507 = arith.constant 0 : i32
          %dma_wait3A_508 = tpu.memref_slice %arg3[%arg1, %mul3A_20, %dma_wait3A_507] : memref<16x256x80xi32, #tpu.memory_space<hbm>> -> memref<1x8x80xi32, #tpu.memory_space<hbm>>
          %dma_wait3A_509 = tpu.memref_squeeze %dma_wait3A_508 : memref<1x8x80xi32, #tpu.memory_space<hbm>> -> memref<8x80xi32, #tpu.memory_space<hbm>>
          %dma_wait3A_510 = arith.constant 0 : i32
          %dma_wait3A_511 = tpu.memref_slice %arg3[%arg1, %mul3A_20, %dma_wait3A_510] : memref<16x256x80xi32, #tpu.memory_space<hbm>> -> memref<1x8x80xi32, #tpu.memory_space<hbm>>
          %dma_wait3A_512 = tpu.memref_squeeze %dma_wait3A_511 : memref<1x8x80xi32, #tpu.memory_space<hbm>> -> memref<8x80xi32, #tpu.memory_space<hbm>>
          tpu.wait_dma2 semaphore(%run_scoped3A : memref<!tpu.dma_semaphore, #tpu.memory_space<semaphore_mem>>) src(%dma_wait3A_512 : memref<8x80xi32, #tpu.memory_space<hbm>>) dst(%arg8 : memref<8x80xi32, #tpu.memory_space<vmem>>)
          tpu.yield
        }) : () -> ()
        %mul3A_21 = arith.constant 8 : i32
        %mul3A_22 = arith.muli %scan3A_18, %mul3A_21 : i32
        "tpu.region"() ({
          %run_scoped3A = tpu.sem_alloc : memref<!tpu.dma_semaphore, #tpu.memory_space<semaphore_mem>>
          %dma_start3A_501 = arith.constant 0 : i32
          %dma_start3A_502 = tpu.memref_slice %arg4[%arg1, %mul3A_22, %dma_start3A_501] : memref<16x256x80xi32, #tpu.memory_space<hbm>> -> memref<1x8x80xi32, #tpu.memory_space<hbm>>
          %dma_start3A_503 = tpu.memref_squeeze %dma_start3A_502 : memref<1x8x80xi32, #tpu.memory_space<hbm>> -> memref<8x80xi32, #tpu.memory_space<hbm>>
          %dma_start3A_504 = arith.constant 0 : i32
          %dma_start3A_505 = tpu.memref_slice %arg4[%arg1, %mul3A_22, %dma_start3A_504] : memref<16x256x80xi32, #tpu.memory_space<hbm>> -> memref<1x8x80xi32, #tpu.memory_space<hbm>>
          %dma_start3A_506 = tpu.memref_squeeze %dma_start3A_505 : memref<1x8x80xi32, #tpu.memory_space<hbm>> -> memref<8x80xi32, #tpu.memory_space<hbm>>
          tpu.enqueue_dma source(%dma_start3A_506 : memref<8x80xi32, #tpu.memory_space<hbm>>) target(%arg9 : memref<8x80xi32, #tpu.memory_space<vmem>>) target_semaphore(%run_scoped3A : memref<!tpu.dma_semaphore, #tpu.memory_space<semaphore_mem>>)
          %dma_wait3A_507 = arith.constant 0 : i32
          %dma_wait3A_508 = tpu.memref_slice %arg4[%arg1, %mul3A_22, %dma_wait3A_507] : memref<16x256x80xi32, #tpu.memory_space<hbm>> -> memref<1x8x80xi32, #tpu.memory_space<hbm>>
          %dma_wait3A_509 = tpu.memref_squeeze %dma_wait3A_508 : memref<1x8x80xi32, #tpu.memory_space<hbm>> -> memref<8x80xi32, #tpu.memory_space<hbm>>
          %dma_wait3A_510 = arith.constant 0 : i32
          %dma_wait3A_511 = tpu.memref_slice %arg4[%arg1, %mul3A_22, %dma_wait3A_510] : memref<16x256x80xi32, #tpu.memory_space<hbm>> -> memref<1x8x80xi32, #tpu.memory_space<hbm>>
          %dma_wait3A_512 = tpu.memref_squeeze %dma_wait3A_511 : memref<1x8x80xi32, #tpu.memory_space<hbm>> -> memref<8x80xi32, #tpu.memory_space<hbm>>
          tpu.wait_dma2 semaphore(%run_scoped3A : memref<!tpu.dma_semaphore, #tpu.memory_space<semaphore_mem>>) src(%dma_wait3A_512 : memref<8x80xi32, #tpu.memory_space<hbm>>) dst(%arg9 : memref<8x80xi32, #tpu.memory_space<vmem>>)
          tpu.yield
        }) : () -> ()
        %dma_start3A = arith.constant 0 : i32
        %dma_start3A_23 = arith.constant 0 : i32
        %dma_start3A_24 = arith.constant 0 : i32
        %dma_start3A_25 = arith.constant 0 : i32
        %dma_start3A_26 = arith.constant 0 : i32
        %dma_start3A_27 = tpu.memref_slice %arg10[%dma_start3A_23, %dma_start3A_25, %dma_start3A_26] : memref<4x80x128xf32, #tpu.memory_space<vmem>> -> memref<1x80x128xf32, #tpu.memory_space<vmem>>
        %dma_start3A_28 = tpu.memref_squeeze %dma_start3A_27 : memref<1x80x128xf32, #tpu.memory_space<vmem>> -> memref<80x128xf32, #tpu.memory_space<vmem>>
        %dma_start3A_29 = arith.constant 0 : i32
        %dma_start3A_30 = tpu.memref_slice %arg8[%dma_start3A, %dma_start3A_29] : memref<8x80xi32, #tpu.memory_space<vmem>> -> memref<1x80xi32, #tpu.memory_space<vmem>>
        %dma_start3A_31 = tpu.memref_squeeze %dma_start3A_30 : memref<1x80xi32, #tpu.memory_space<vmem>> -> memref<80xi32, #tpu.memory_space<vmem>>
        %dma_start3A_32 = arith.constant 0 : i32
        %dma_start3A_33 = arith.constant 0 : i32
        %dma_start3A_34 = tpu.memref_slice %arg2[%dma_start3A_32, %dma_start3A_33] : memref<10000x128xf32, #tpu.memory_space<hbm>> -> memref<10000x128xf32, #tpu.memory_space<hbm>>
        %dma_start3A_35 = tpu.memref_slice %arg12[%dma_start3A_24] : memref<4x!tpu.dma_semaphore, #tpu.memory_space<semaphore_mem>> -> memref<1x!tpu.dma_semaphore, #tpu.memory_space<semaphore_mem>>
        %dma_start3A_36 = tpu.memref_squeeze %dma_start3A_35 : memref<1x!tpu.dma_semaphore, #tpu.memory_space<semaphore_mem>> -> memref<!tpu.dma_semaphore, #tpu.memory_space<semaphore_mem>>
        tpu.enqueue_indirect_dma source(%dma_start3A_34 : memref<10000x128xf32, #tpu.memory_space<hbm>>) target(%dma_start3A_28 : memref<80x128xf32, #tpu.memory_space<vmem>>) offsets(%dma_start3A_31 : memref<80xi32, #tpu.memory_space<vmem>>) semaphore(%dma_start3A_36 : memref<!tpu.dma_semaphore, #tpu.memory_space<semaphore_mem>>)
        %dma_start3A_37 = arith.constant 1 : i32
        %dma_start3A_38 = arith.constant 1 : i32
        %dma_start3A_39 = arith.constant 1 : i32
        %dma_start3A_40 = arith.constant 0 : i32
        %dma_start3A_41 = arith.constant 0 : i32
        %dma_start3A_42 = tpu.memref_slice %arg10[%dma_start3A_38, %dma_start3A_40, %dma_start3A_41] : memref<4x80x128xf32, #tpu.memory_space<vmem>> -> memref<1x80x128xf32, #tpu.memory_space<vmem>>
        %dma_start3A_43 = tpu.memref_squeeze %dma_start3A_42 : memref<1x80x128xf32, #tpu.memory_space<vmem>> -> memref<80x128xf32, #tpu.memory_space<vmem>>
        %dma_start3A_44 = arith.constant 0 : i32
        %dma_start3A_45 = tpu.memref_slice %arg8[%dma_start3A_37, %dma_start3A_44] : memref<8x80xi32, #tpu.memory_space<vmem>> -> memref<1x80xi32, #tpu.memory_space<vmem>>
        %dma_start3A_46 = tpu.memref_squeeze %dma_start3A_45 : memref<1x80xi32, #tpu.memory_space<vmem>> -> memref<80xi32, #tpu.memory_space<vmem>>
        %dma_start3A_47 = arith.constant 0 : i32
        %dma_start3A_48 = arith.constant 0 : i32
        %dma_start3A_49 = tpu.memref_slice %arg2[%dma_start3A_47, %dma_start3A_48] : memref<10000x128xf32, #tpu.memory_space<hbm>> -> memref<10000x128xf32, #tpu.memory_space<hbm>>
        %dma_start3A_50 = tpu.memref_slice %arg12[%dma_start3A_39] : memref<4x!tpu.dma_semaphore, #tpu.memory_space<semaphore_mem>> -> memref<1x!tpu.dma_semaphore, #tpu.memory_space<semaphore_mem>>
        %dma_start3A_51 = tpu.memref_squeeze %dma_start3A_50 : memref<1x!tpu.dma_semaphore, #tpu.memory_space<semaphore_mem>> -> memref<!tpu.dma_semaphore, #tpu.memory_space<semaphore_mem>>
        tpu.enqueue_indirect_dma source(%dma_start3A_49 : memref<10000x128xf32, #tpu.memory_space<hbm>>) target(%dma_start3A_43 : memref<80x128xf32, #tpu.memory_space<vmem>>) offsets(%dma_start3A_46 : memref<80xi32, #tpu.memory_space<vmem>>) semaphore(%dma_start3A_51 : memref<!tpu.dma_semaphore, #tpu.memory_space<semaphore_mem>>)
        %dma_start3A_52 = arith.constant 2 : i32
        %dma_start3A_53 = arith.constant 2 : i32
        %dma_start3A_54 = arith.constant 2 : i32
        %dma_start3A_55 = arith.constant 0 : i32
        %dma_start3A_56 = arith.constant 0 : i32
        %dma_start3A_57 = tpu.memref_slice %arg10[%dma_start3A_53, %dma_start3A_55, %dma_start3A_56] : memref<4x80x128xf32, #tpu.memory_space<vmem>> -> memref<1x80x128xf32, #tpu.memory_space<vmem>>
        %dma_start3A_58 = tpu.memref_squeeze %dma_start3A_57 : memref<1x80x128xf32, #tpu.memory_space<vmem>> -> memref<80x128xf32, #tpu.memory_space<vmem>>
        %dma_start3A_59 = arith.constant 0 : i32
        %dma_start3A_60 = tpu.memref_slice %arg8[%dma_start3A_52, %dma_start3A_59] : memref<8x80xi32, #tpu.memory_space<vmem>> -> memref<1x80xi32, #tpu.memory_space<vmem>>
        %dma_start3A_61 = tpu.memref_squeeze %dma_start3A_60 : memref<1x80xi32, #tpu.memory_space<vmem>> -> memref<80xi32, #tpu.memory_space<vmem>>
        %dma_start3A_62 = arith.constant 0 : i32
        %dma_start3A_63 = arith.constant 0 : i32
        %dma_start3A_64 = tpu.memref_slice %arg2[%dma_start3A_62, %dma_start3A_63] : memref<10000x128xf32, #tpu.memory_space<hbm>> -> memref<10000x128xf32, #tpu.memory_space<hbm>>
        %dma_start3A_65 = tpu.memref_slice %arg12[%dma_start3A_54] : memref<4x!tpu.dma_semaphore, #tpu.memory_space<semaphore_mem>> -> memref<1x!tpu.dma_semaphore, #tpu.memory_space<semaphore_mem>>
        %dma_start3A_66 = tpu.memref_squeeze %dma_start3A_65 : memref<1x!tpu.dma_semaphore, #tpu.memory_space<semaphore_mem>> -> memref<!tpu.dma_semaphore, #tpu.memory_space<semaphore_mem>>
        tpu.enqueue_indirect_dma source(%dma_start3A_64 : memref<10000x128xf32, #tpu.memory_space<hbm>>) target(%dma_start3A_58 : memref<80x128xf32, #tpu.memory_space<vmem>>) offsets(%dma_start3A_61 : memref<80xi32, #tpu.memory_space<vmem>>) semaphore(%dma_start3A_66 : memref<!tpu.dma_semaphore, #tpu.memory_space<semaphore_mem>>)
        %dma_wait3A = arith.constant 0 : i32
        %dma_wait3A_67 = arith.constant 0 : i32
        %dma_wait3A_68 = arith.constant 0 : i32
        %dma_wait3A_69 = arith.constant 0 : i32
        %dma_wait3A_70 = arith.constant 0 : i32
        %dma_wait3A_71 = tpu.memref_slice %arg10[%dma_wait3A_67, %dma_wait3A_69, %dma_wait3A_70] : memref<4x80x128xf32, #tpu.memory_space<vmem>> -> memref<1x80x128xf32, #tpu.memory_space<vmem>>
        %dma_wait3A_72 = tpu.memref_squeeze %dma_wait3A_71 : memref<1x80x128xf32, #tpu.memory_space<vmem>> -> memref<80x128xf32, #tpu.memory_space<vmem>>
        %dma_wait3A_73 = arith.constant 0 : i32
        %dma_wait3A_74 = tpu.memref_slice %arg8[%dma_wait3A, %dma_wait3A_73] : memref<8x80xi32, #tpu.memory_space<vmem>> -> memref<1x80xi32, #tpu.memory_space<vmem>>
        %dma_wait3A_75 = tpu.memref_squeeze %dma_wait3A_74 : memref<1x80xi32, #tpu.memory_space<vmem>> -> memref<80xi32, #tpu.memory_space<vmem>>
        %dma_wait3A_76 = arith.constant 0 : i32
        %dma_wait3A_77 = arith.constant 0 : i32
        %dma_wait3A_78 = tpu.memref_slice %arg2[%dma_wait3A_76, %dma_wait3A_77] : memref<10000x128xf32, #tpu.memory_space<hbm>> -> memref<10000x128xf32, #tpu.memory_space<hbm>>
        %dma_wait3A_79 = tpu.memref_slice %arg12[%dma_wait3A_68] : memref<4x!tpu.dma_semaphore, #tpu.memory_space<semaphore_mem>> -> memref<1x!tpu.dma_semaphore, #tpu.memory_space<semaphore_mem>>
        %dma_wait3A_80 = tpu.memref_squeeze %dma_wait3A_79 : memref<1x!tpu.dma_semaphore, #tpu.memory_space<semaphore_mem>> -> memref<!tpu.dma_semaphore, #tpu.memory_space<semaphore_mem>>
        tpu.wait_indirect_dma semaphore(%dma_wait3A_80 : memref<!tpu.dma_semaphore, #tpu.memory_space<semaphore_mem>>) src(%dma_wait3A_78 : memref<10000x128xf32, #tpu.memory_space<hbm>>) dst(%dma_wait3A_72 : memref<80x128xf32, #tpu.memory_space<vmem>>)
        %dma_start3A_81 = arith.constant 0 : i32
        %dma_start3A_82 = arith.constant 0 : i32
        %dma_start3A_83 = arith.constant 0 : i32
        %dma_start3A_84 = arith.constant 0 : i32
        %dma_start3A_85 = arith.constant 0 : i32
        %dma_start3A_86 = tpu.memref_slice %arg10[%dma_start3A_81, %dma_start3A_84, %dma_start3A_85] : memref<4x80x128xf32, #tpu.memory_space<vmem>> -> memref<1x80x128xf32, #tpu.memory_space<vmem>>
        %dma_start3A_87 = tpu.memref_squeeze %dma_start3A_86 : memref<1x80x128xf32, #tpu.memory_space<vmem>> -> memref<80x128xf32, #tpu.memory_space<vmem>>
        %dma_start3A_88 = arith.constant 0 : i32
        %dma_start3A_89 = tpu.memref_slice %arg9[%dma_start3A_82, %dma_start3A_88] : memref<8x80xi32, #tpu.memory_space<vmem>> -> memref<1x80xi32, #tpu.memory_space<vmem>>
        %dma_start3A_90 = tpu.memref_squeeze %dma_start3A_89 : memref<1x80xi32, #tpu.memory_space<vmem>> -> memref<80xi32, #tpu.memory_space<vmem>>
        %dma_start3A_91 = arith.constant 0 : i32
        %dma_start3A_92 = arith.constant 0 : i32
        %dma_start3A_93 = tpu.memref_slice %arg11[%dma_start3A_91, %dma_start3A_92] : memref<10240x128xf32, #tpu.memory_space<vmem_shared>> -> memref<10240x128xf32, #tpu.memory_space<vmem_shared>>
        %dma_start3A_94 = tpu.memref_slice %arg13[%dma_start3A_83] : memref<4x!tpu.dma_semaphore, #tpu.memory_space<semaphore_mem>> -> memref<1x!tpu.dma_semaphore, #tpu.memory_space<semaphore_mem>>
        %dma_start3A_95 = tpu.memref_squeeze %dma_start3A_94 : memref<1x!tpu.dma_semaphore, #tpu.memory_space<semaphore_mem>> -> memref<!tpu.dma_semaphore, #tpu.memory_space<semaphore_mem>>
        tpu.enqueue_indirect_dma source(%dma_start3A_87 : memref<80x128xf32, #tpu.memory_space<vmem>>) target(%dma_start3A_93 : memref<10240x128xf32, #tpu.memory_space<vmem_shared>>) offsets(%dma_start3A_90 : memref<80xi32, #tpu.memory_space<vmem>>) semaphore(%dma_start3A_95 : memref<!tpu.dma_semaphore, #tpu.memory_space<semaphore_mem>>) {add = true}
        %dma_start3A_96 = arith.constant 3 : i32
        %dma_start3A_97 = arith.constant 3 : i32
        %dma_start3A_98 = arith.constant 3 : i32
        %dma_start3A_99 = arith.constant 0 : i32
        %dma_start3A_100 = arith.constant 0 : i32
        %dma_start3A_101 = tpu.memref_slice %arg10[%dma_start3A_97, %dma_start3A_99, %dma_start3A_100] : memref<4x80x128xf32, #tpu.memory_space<vmem>> -> memref<1x80x128xf32, #tpu.memory_space<vmem>>
        %dma_start3A_102 = tpu.memref_squeeze %dma_start3A_101 : memref<1x80x128xf32, #tpu.memory_space<vmem>> -> memref<80x128xf32, #tpu.memory_space<vmem>>
        %dma_start3A_103 = arith.constant 0 : i32
        %dma_start3A_104 = tpu.memref_slice %arg8[%dma_start3A_96, %dma_start3A_103] : memref<8x80xi32, #tpu.memory_space<vmem>> -> memref<1x80xi32, #tpu.memory_space<vmem>>
        %dma_start3A_105 = tpu.memref_squeeze %dma_start3A_104 : memref<1x80xi32, #tpu.memory_space<vmem>> -> memref<80xi32, #tpu.memory_space<vmem>>
        %dma_start3A_106 = arith.constant 0 : i32
        %dma_start3A_107 = arith.constant 0 : i32
        %dma_start3A_108 = tpu.memref_slice %arg2[%dma_start3A_106, %dma_start3A_107] : memref<10000x128xf32, #tpu.memory_space<hbm>> -> memref<10000x128xf32, #tpu.memory_space<hbm>>
        %dma_start3A_109 = tpu.memref_slice %arg12[%dma_start3A_98] : memref<4x!tpu.dma_semaphore, #tpu.memory_space<semaphore_mem>> -> memref<1x!tpu.dma_semaphore, #tpu.memory_space<semaphore_mem>>
        %dma_start3A_110 = tpu.memref_squeeze %dma_start3A_109 : memref<1x!tpu.dma_semaphore, #tpu.memory_space<semaphore_mem>> -> memref<!tpu.dma_semaphore, #tpu.memory_space<semaphore_mem>>
        tpu.enqueue_indirect_dma source(%dma_start3A_108 : memref<10000x128xf32, #tpu.memory_space<hbm>>) target(%dma_start3A_102 : memref<80x128xf32, #tpu.memory_space<vmem>>) offsets(%dma_start3A_105 : memref<80xi32, #tpu.memory_space<vmem>>) semaphore(%dma_start3A_110 : memref<!tpu.dma_semaphore, #tpu.memory_space<semaphore_mem>>)
        %dma_wait3A_111 = arith.constant 1 : i32
        %dma_wait3A_112 = arith.constant 1 : i32
        %dma_wait3A_113 = arith.constant 1 : i32
        %dma_wait3A_114 = arith.constant 0 : i32
        %dma_wait3A_115 = arith.constant 0 : i32
        %dma_wait3A_116 = tpu.memref_slice %arg10[%dma_wait3A_112, %dma_wait3A_114, %dma_wait3A_115] : memref<4x80x128xf32, #tpu.memory_space<vmem>> -> memref<1x80x128xf32, #tpu.memory_space<vmem>>
        %dma_wait3A_117 = tpu.memref_squeeze %dma_wait3A_116 : memref<1x80x128xf32, #tpu.memory_space<vmem>> -> memref<80x128xf32, #tpu.memory_space<vmem>>
        %dma_wait3A_118 = arith.constant 0 : i32
        %dma_wait3A_119 = tpu.memref_slice %arg8[%dma_wait3A_111, %dma_wait3A_118] : memref<8x80xi32, #tpu.memory_space<vmem>> -> memref<1x80xi32, #tpu.memory_space<vmem>>
        %dma_wait3A_120 = tpu.memref_squeeze %dma_wait3A_119 : memref<1x80xi32, #tpu.memory_space<vmem>> -> memref<80xi32, #tpu.memory_space<vmem>>
        %dma_wait3A_121 = arith.constant 0 : i32
        %dma_wait3A_122 = arith.constant 0 : i32
        %dma_wait3A_123 = tpu.memref_slice %arg2[%dma_wait3A_121, %dma_wait3A_122] : memref<10000x128xf32, #tpu.memory_space<hbm>> -> memref<10000x128xf32, #tpu.memory_space<hbm>>
        %dma_wait3A_124 = tpu.memref_slice %arg12[%dma_wait3A_113] : memref<4x!tpu.dma_semaphore, #tpu.memory_space<semaphore_mem>> -> memref<1x!tpu.dma_semaphore, #tpu.memory_space<semaphore_mem>>
        %dma_wait3A_125 = tpu.memref_squeeze %dma_wait3A_124 : memref<1x!tpu.dma_semaphore, #tpu.memory_space<semaphore_mem>> -> memref<!tpu.dma_semaphore, #tpu.memory_space<semaphore_mem>>
        tpu.wait_indirect_dma semaphore(%dma_wait3A_125 : memref<!tpu.dma_semaphore, #tpu.memory_space<semaphore_mem>>) src(%dma_wait3A_123 : memref<10000x128xf32, #tpu.memory_space<hbm>>) dst(%dma_wait3A_117 : memref<80x128xf32, #tpu.memory_space<vmem>>)
        %dma_start3A_126 = arith.constant 1 : i32
        %dma_start3A_127 = arith.constant 1 : i32
        %dma_start3A_128 = arith.constant 1 : i32
        %dma_start3A_129 = arith.constant 0 : i32
        %dma_start3A_130 = arith.constant 0 : i32
        %dma_start3A_131 = tpu.memref_slice %arg10[%dma_start3A_126, %dma_start3A_129, %dma_start3A_130] : memref<4x80x128xf32, #tpu.memory_space<vmem>> -> memref<1x80x128xf32, #tpu.memory_space<vmem>>
        %dma_start3A_132 = tpu.memref_squeeze %dma_start3A_131 : memref<1x80x128xf32, #tpu.memory_space<vmem>> -> memref<80x128xf32, #tpu.memory_space<vmem>>
        %dma_start3A_133 = arith.constant 0 : i32
        %dma_start3A_134 = tpu.memref_slice %arg9[%dma_start3A_127, %dma_start3A_133] : memref<8x80xi32, #tpu.memory_space<vmem>> -> memref<1x80xi32, #tpu.memory_space<vmem>>
        %dma_start3A_135 = tpu.memref_squeeze %dma_start3A_134 : memref<1x80xi32, #tpu.memory_space<vmem>> -> memref<80xi32, #tpu.memory_space<vmem>>
        %dma_start3A_136 = arith.constant 0 : i32
        %dma_start3A_137 = arith.constant 0 : i32
        %dma_start3A_138 = tpu.memref_slice %arg11[%dma_start3A_136, %dma_start3A_137] : memref<10240x128xf32, #tpu.memory_space<vmem_shared>> -> memref<10240x128xf32, #tpu.memory_space<vmem_shared>>
        %dma_start3A_139 = tpu.memref_slice %arg13[%dma_start3A_128] : memref<4x!tpu.dma_semaphore, #tpu.memory_space<semaphore_mem>> -> memref<1x!tpu.dma_semaphore, #tpu.memory_space<semaphore_mem>>
        %dma_start3A_140 = tpu.memref_squeeze %dma_start3A_139 : memref<1x!tpu.dma_semaphore, #tpu.memory_space<semaphore_mem>> -> memref<!tpu.dma_semaphore, #tpu.memory_space<semaphore_mem>>
        tpu.enqueue_indirect_dma source(%dma_start3A_132 : memref<80x128xf32, #tpu.memory_space<vmem>>) target(%dma_start3A_138 : memref<10240x128xf32, #tpu.memory_space<vmem_shared>>) offsets(%dma_start3A_135 : memref<80xi32, #tpu.memory_space<vmem>>) semaphore(%dma_start3A_140 : memref<!tpu.dma_semaphore, #tpu.memory_space<semaphore_mem>>) {add = true}
        %dma_wait3A_141 = arith.constant 0 : i32
        %dma_wait3A_142 = arith.constant 0 : i32
        %dma_wait3A_143 = arith.constant 0 : i32
        %dma_wait3A_144 = arith.constant 0 : i32
        %dma_wait3A_145 = arith.constant 0 : i32
        %dma_wait3A_146 = tpu.memref_slice %arg10[%dma_wait3A_141, %dma_wait3A_144, %dma_wait3A_145] : memref<4x80x128xf32, #tpu.memory_space<vmem>> -> memref<1x80x128xf32, #tpu.memory_space<vmem>>
        %dma_wait3A_147 = tpu.memref_squeeze %dma_wait3A_146 : memref<1x80x128xf32, #tpu.memory_space<vmem>> -> memref<80x128xf32, #tpu.memory_space<vmem>>
        %dma_wait3A_148 = arith.constant 0 : i32
        %dma_wait3A_149 = tpu.memref_slice %arg9[%dma_wait3A_142, %dma_wait3A_148] : memref<8x80xi32, #tpu.memory_space<vmem>> -> memref<1x80xi32, #tpu.memory_space<vmem>>
        %dma_wait3A_150 = tpu.memref_squeeze %dma_wait3A_149 : memref<1x80xi32, #tpu.memory_space<vmem>> -> memref<80xi32, #tpu.memory_space<vmem>>
        %dma_wait3A_151 = arith.constant 0 : i32
        %dma_wait3A_152 = arith.constant 0 : i32
        %dma_wait3A_153 = tpu.memref_slice %arg11[%dma_wait3A_151, %dma_wait3A_152] : memref<10240x128xf32, #tpu.memory_space<vmem_shared>> -> memref<10240x128xf32, #tpu.memory_space<vmem_shared>>
        %dma_wait3A_154 = tpu.memref_slice %arg13[%dma_wait3A_143] : memref<4x!tpu.dma_semaphore, #tpu.memory_space<semaphore_mem>> -> memref<1x!tpu.dma_semaphore, #tpu.memory_space<semaphore_mem>>
        %dma_wait3A_155 = tpu.memref_squeeze %dma_wait3A_154 : memref<1x!tpu.dma_semaphore, #tpu.memory_space<semaphore_mem>> -> memref<!tpu.dma_semaphore, #tpu.memory_space<semaphore_mem>>
        tpu.wait_indirect_dma semaphore(%dma_wait3A_155 : memref<!tpu.dma_semaphore, #tpu.memory_space<semaphore_mem>>) src(%dma_wait3A_147 : memref<80x128xf32, #tpu.memory_space<vmem>>) dst(%dma_wait3A_153 : memref<10240x128xf32, #tpu.memory_space<vmem_shared>>)
        %dma_start3A_156 = arith.constant 4 : i32
        %dma_start3A_157 = arith.constant 0 : i32
        %dma_start3A_158 = arith.constant 0 : i32
        %dma_start3A_159 = arith.constant 0 : i32
        %dma_start3A_160 = arith.constant 0 : i32
        %dma_start3A_161 = tpu.memref_slice %arg10[%dma_start3A_157, %dma_start3A_159, %dma_start3A_160] : memref<4x80x128xf32, #tpu.memory_space<vmem>> -> memref<1x80x128xf32, #tpu.memory_space<vmem>>
        %dma_start3A_162 = tpu.memref_squeeze %dma_start3A_161 : memref<1x80x128xf32, #tpu.memory_space<vmem>> -> memref<80x128xf32, #tpu.memory_space<vmem>>
        %dma_start3A_163 = arith.constant 0 : i32
        %dma_start3A_164 = tpu.memref_slice %arg8[%dma_start3A_156, %dma_start3A_163] : memref<8x80xi32, #tpu.memory_space<vmem>> -> memref<1x80xi32, #tpu.memory_space<vmem>>
        %dma_start3A_165 = tpu.memref_squeeze %dma_start3A_164 : memref<1x80xi32, #tpu.memory_space<vmem>> -> memref<80xi32, #tpu.memory_space<vmem>>
        %dma_start3A_166 = arith.constant 0 : i32
        %dma_start3A_167 = arith.constant 0 : i32
        %dma_start3A_168 = tpu.memref_slice %arg2[%dma_start3A_166, %dma_start3A_167] : memref<10000x128xf32, #tpu.memory_space<hbm>> -> memref<10000x128xf32, #tpu.memory_space<hbm>>
        %dma_start3A_169 = tpu.memref_slice %arg12[%dma_start3A_158] : memref<4x!tpu.dma_semaphore, #tpu.memory_space<semaphore_mem>> -> memref<1x!tpu.dma_semaphore, #tpu.memory_space<semaphore_mem>>
        %dma_start3A_170 = tpu.memref_squeeze %dma_start3A_169 : memref<1x!tpu.dma_semaphore, #tpu.memory_space<semaphore_mem>> -> memref<!tpu.dma_semaphore, #tpu.memory_space<semaphore_mem>>
        tpu.enqueue_indirect_dma source(%dma_start3A_168 : memref<10000x128xf32, #tpu.memory_space<hbm>>) target(%dma_start3A_162 : memref<80x128xf32, #tpu.memory_space<vmem>>) offsets(%dma_start3A_165 : memref<80xi32, #tpu.memory_space<vmem>>) semaphore(%dma_start3A_170 : memref<!tpu.dma_semaphore, #tpu.memory_space<semaphore_mem>>)
        %dma_wait3A_171 = arith.constant 2 : i32
        %dma_wait3A_172 = arith.constant 2 : i32
        %dma_wait3A_173 = arith.constant 2 : i32
        %dma_wait3A_174 = arith.constant 0 : i32
        %dma_wait3A_175 = arith.constant 0 : i32
        %dma_wait3A_176 = tpu.memref_slice %arg10[%dma_wait3A_172, %dma_wait3A_174, %dma_wait3A_175] : memref<4x80x128xf32, #tpu.memory_space<vmem>> -> memref<1x80x128xf32, #tpu.memory_space<vmem>>
        %dma_wait3A_177 = tpu.memref_squeeze %dma_wait3A_176 : memref<1x80x128xf32, #tpu.memory_space<vmem>> -> memref<80x128xf32, #tpu.memory_space<vmem>>
        %dma_wait3A_178 = arith.constant 0 : i32
        %dma_wait3A_179 = tpu.memref_slice %arg8[%dma_wait3A_171, %dma_wait3A_178] : memref<8x80xi32, #tpu.memory_space<vmem>> -> memref<1x80xi32, #tpu.memory_space<vmem>>
        %dma_wait3A_180 = tpu.memref_squeeze %dma_wait3A_179 : memref<1x80xi32, #tpu.memory_space<vmem>> -> memref<80xi32, #tpu.memory_space<vmem>>
        %dma_wait3A_181 = arith.constant 0 : i32
        %dma_wait3A_182 = arith.constant 0 : i32
        %dma_wait3A_183 = tpu.memref_slice %arg2[%dma_wait3A_181, %dma_wait3A_182] : memref<10000x128xf32, #tpu.memory_space<hbm>> -> memref<10000x128xf32, #tpu.memory_space<hbm>>
        %dma_wait3A_184 = tpu.memref_slice %arg12[%dma_wait3A_173] : memref<4x!tpu.dma_semaphore, #tpu.memory_space<semaphore_mem>> -> memref<1x!tpu.dma_semaphore, #tpu.memory_space<semaphore_mem>>
        %dma_wait3A_185 = tpu.memref_squeeze %dma_wait3A_184 : memref<1x!tpu.dma_semaphore, #tpu.memory_space<semaphore_mem>> -> memref<!tpu.dma_semaphore, #tpu.memory_space<semaphore_mem>>
        tpu.wait_indirect_dma semaphore(%dma_wait3A_185 : memref<!tpu.dma_semaphore, #tpu.memory_space<semaphore_mem>>) src(%dma_wait3A_183 : memref<10000x128xf32, #tpu.memory_space<hbm>>) dst(%dma_wait3A_177 : memref<80x128xf32, #tpu.memory_space<vmem>>)
        %dma_start3A_186 = arith.constant 2 : i32
        %dma_start3A_187 = arith.constant 2 : i32
        %dma_start3A_188 = arith.constant 2 : i32
        %dma_start3A_189 = arith.constant 0 : i32
        %dma_start3A_190 = arith.constant 0 : i32
        %dma_start3A_191 = tpu.memref_slice %arg10[%dma_start3A_186, %dma_start3A_189, %dma_start3A_190] : memref<4x80x128xf32, #tpu.memory_space<vmem>> -> memref<1x80x128xf32, #tpu.memory_space<vmem>>
        %dma_start3A_192 = tpu.memref_squeeze %dma_start3A_191 : memref<1x80x128xf32, #tpu.memory_space<vmem>> -> memref<80x128xf32, #tpu.memory_space<vmem>>
        %dma_start3A_193 = arith.constant 0 : i32
        %dma_start3A_194 = tpu.memref_slice %arg9[%dma_start3A_187, %dma_start3A_193] : memref<8x80xi32, #tpu.memory_space<vmem>> -> memref<1x80xi32, #tpu.memory_space<vmem>>
        %dma_start3A_195 = tpu.memref_squeeze %dma_start3A_194 : memref<1x80xi32, #tpu.memory_space<vmem>> -> memref<80xi32, #tpu.memory_space<vmem>>
        %dma_start3A_196 = arith.constant 0 : i32
        %dma_start3A_197 = arith.constant 0 : i32
        %dma_start3A_198 = tpu.memref_slice %arg11[%dma_start3A_196, %dma_start3A_197] : memref<10240x128xf32, #tpu.memory_space<vmem_shared>> -> memref<10240x128xf32, #tpu.memory_space<vmem_shared>>
        %dma_start3A_199 = tpu.memref_slice %arg13[%dma_start3A_188] : memref<4x!tpu.dma_semaphore, #tpu.memory_space<semaphore_mem>> -> memref<1x!tpu.dma_semaphore, #tpu.memory_space<semaphore_mem>>
        %dma_start3A_200 = tpu.memref_squeeze %dma_start3A_199 : memref<1x!tpu.dma_semaphore, #tpu.memory_space<semaphore_mem>> -> memref<!tpu.dma_semaphore, #tpu.memory_space<semaphore_mem>>
        tpu.enqueue_indirect_dma source(%dma_start3A_192 : memref<80x128xf32, #tpu.memory_space<vmem>>) target(%dma_start3A_198 : memref<10240x128xf32, #tpu.memory_space<vmem_shared>>) offsets(%dma_start3A_195 : memref<80xi32, #tpu.memory_space<vmem>>) semaphore(%dma_start3A_200 : memref<!tpu.dma_semaphore, #tpu.memory_space<semaphore_mem>>) {add = true}
        %dma_wait3A_201 = arith.constant 1 : i32
        %dma_wait3A_202 = arith.constant 1 : i32
        %dma_wait3A_203 = arith.constant 1 : i32
        %dma_wait3A_204 = arith.constant 0 : i32
        %dma_wait3A_205 = arith.constant 0 : i32
        %dma_wait3A_206 = tpu.memref_slice %arg10[%dma_wait3A_201, %dma_wait3A_204, %dma_wait3A_205] : memref<4x80x128xf32, #tpu.memory_space<vmem>> -> memref<1x80x128xf32, #tpu.memory_space<vmem>>
        %dma_wait3A_207 = tpu.memref_squeeze %dma_wait3A_206 : memref<1x80x128xf32, #tpu.memory_space<vmem>> -> memref<80x128xf32, #tpu.memory_space<vmem>>
        %dma_wait3A_208 = arith.constant 0 : i32
        %dma_wait3A_209 = tpu.memref_slice %arg9[%dma_wait3A_202, %dma_wait3A_208] : memref<8x80xi32, #tpu.memory_space<vmem>> -> memref<1x80xi32, #tpu.memory_space<vmem>>
        %dma_wait3A_210 = tpu.memref_squeeze %dma_wait3A_209 : memref<1x80xi32, #tpu.memory_space<vmem>> -> memref<80xi32, #tpu.memory_space<vmem>>
        %dma_wait3A_211 = arith.constant 0 : i32
        %dma_wait3A_212 = arith.constant 0 : i32
        %dma_wait3A_213 = tpu.memref_slice %arg11[%dma_wait3A_211, %dma_wait3A_212] : memref<10240x128xf32, #tpu.memory_space<vmem_shared>> -> memref<10240x128xf32, #tpu.memory_space<vmem_shared>>
        %dma_wait3A_214 = tpu.memref_slice %arg13[%dma_wait3A_203] : memref<4x!tpu.dma_semaphore, #tpu.memory_space<semaphore_mem>> -> memref<1x!tpu.dma_semaphore, #tpu.memory_space<semaphore_mem>>
        %dma_wait3A_215 = tpu.memref_squeeze %dma_wait3A_214 : memref<1x!tpu.dma_semaphore, #tpu.memory_space<semaphore_mem>> -> memref<!tpu.dma_semaphore, #tpu.memory_space<semaphore_mem>>
        tpu.wait_indirect_dma semaphore(%dma_wait3A_215 : memref<!tpu.dma_semaphore, #tpu.memory_space<semaphore_mem>>) src(%dma_wait3A_207 : memref<80x128xf32, #tpu.memory_space<vmem>>) dst(%dma_wait3A_213 : memref<10240x128xf32, #tpu.memory_space<vmem_shared>>)
        %dma_start3A_216 = arith.constant 5 : i32
        %dma_start3A_217 = arith.constant 1 : i32
        %dma_start3A_218 = arith.constant 1 : i32
        %dma_start3A_219 = arith.constant 0 : i32
        %dma_start3A_220 = arith.constant 0 : i32
        %dma_start3A_221 = tpu.memref_slice %arg10[%dma_start3A_217, %dma_start3A_219, %dma_start3A_220] : memref<4x80x128xf32, #tpu.memory_space<vmem>> -> memref<1x80x128xf32, #tpu.memory_space<vmem>>
        %dma_start3A_222 = tpu.memref_squeeze %dma_start3A_221 : memref<1x80x128xf32, #tpu.memory_space<vmem>> -> memref<80x128xf32, #tpu.memory_space<vmem>>
        %dma_start3A_223 = arith.constant 0 : i32
        %dma_start3A_224 = tpu.memref_slice %arg8[%dma_start3A_216, %dma_start3A_223] : memref<8x80xi32, #tpu.memory_space<vmem>> -> memref<1x80xi32, #tpu.memory_space<vmem>>
        %dma_start3A_225 = tpu.memref_squeeze %dma_start3A_224 : memref<1x80xi32, #tpu.memory_space<vmem>> -> memref<80xi32, #tpu.memory_space<vmem>>
        %dma_start3A_226 = arith.constant 0 : i32
        %dma_start3A_227 = arith.constant 0 : i32
        %dma_start3A_228 = tpu.memref_slice %arg2[%dma_start3A_226, %dma_start3A_227] : memref<10000x128xf32, #tpu.memory_space<hbm>> -> memref<10000x128xf32, #tpu.memory_space<hbm>>
        %dma_start3A_229 = tpu.memref_slice %arg12[%dma_start3A_218] : memref<4x!tpu.dma_semaphore, #tpu.memory_space<semaphore_mem>> -> memref<1x!tpu.dma_semaphore, #tpu.memory_space<semaphore_mem>>
        %dma_start3A_230 = tpu.memref_squeeze %dma_start3A_229 : memref<1x!tpu.dma_semaphore, #tpu.memory_space<semaphore_mem>> -> memref<!tpu.dma_semaphore, #tpu.memory_space<semaphore_mem>>
        tpu.enqueue_indirect_dma source(%dma_start3A_228 : memref<10000x128xf32, #tpu.memory_space<hbm>>) target(%dma_start3A_222 : memref<80x128xf32, #tpu.memory_space<vmem>>) offsets(%dma_start3A_225 : memref<80xi32, #tpu.memory_space<vmem>>) semaphore(%dma_start3A_230 : memref<!tpu.dma_semaphore, #tpu.memory_space<semaphore_mem>>)
        %dma_wait3A_231 = arith.constant 3 : i32
        %dma_wait3A_232 = arith.constant 3 : i32
        %dma_wait3A_233 = arith.constant 3 : i32
        %dma_wait3A_234 = arith.constant 0 : i32
        %dma_wait3A_235 = arith.constant 0 : i32
        %dma_wait3A_236 = tpu.memref_slice %arg10[%dma_wait3A_232, %dma_wait3A_234, %dma_wait3A_235] : memref<4x80x128xf32, #tpu.memory_space<vmem>> -> memref<1x80x128xf32, #tpu.memory_space<vmem>>
        %dma_wait3A_237 = tpu.memref_squeeze %dma_wait3A_236 : memref<1x80x128xf32, #tpu.memory_space<vmem>> -> memref<80x128xf32, #tpu.memory_space<vmem>>
        %dma_wait3A_238 = arith.constant 0 : i32
        %dma_wait3A_239 = tpu.memref_slice %arg8[%dma_wait3A_231, %dma_wait3A_238] : memref<8x80xi32, #tpu.memory_space<vmem>> -> memref<1x80xi32, #tpu.memory_space<vmem>>
        %dma_wait3A_240 = tpu.memref_squeeze %dma_wait3A_239 : memref<1x80xi32, #tpu.memory_space<vmem>> -> memref<80xi32, #tpu.memory_space<vmem>>
        %dma_wait3A_241 = arith.constant 0 : i32
        %dma_wait3A_242 = arith.constant 0 : i32
        %dma_wait3A_243 = tpu.memref_slice %arg2[%dma_wait3A_241, %dma_wait3A_242] : memref<10000x128xf32, #tpu.memory_space<hbm>> -> memref<10000x128xf32, #tpu.memory_space<hbm>>
        %dma_wait3A_244 = tpu.memref_slice %arg12[%dma_wait3A_233] : memref<4x!tpu.dma_semaphore, #tpu.memory_space<semaphore_mem>> -> memref<1x!tpu.dma_semaphore, #tpu.memory_space<semaphore_mem>>
        %dma_wait3A_245 = tpu.memref_squeeze %dma_wait3A_244 : memref<1x!tpu.dma_semaphore, #tpu.memory_space<semaphore_mem>> -> memref<!tpu.dma_semaphore, #tpu.memory_space<semaphore_mem>>
        tpu.wait_indirect_dma semaphore(%dma_wait3A_245 : memref<!tpu.dma_semaphore, #tpu.memory_space<semaphore_mem>>) src(%dma_wait3A_243 : memref<10000x128xf32, #tpu.memory_space<hbm>>) dst(%dma_wait3A_237 : memref<80x128xf32, #tpu.memory_space<vmem>>)
        %dma_start3A_246 = arith.constant 3 : i32
        %dma_start3A_247 = arith.constant 3 : i32
        %dma_start3A_248 = arith.constant 3 : i32
        %dma_start3A_249 = arith.constant 0 : i32
        %dma_start3A_250 = arith.constant 0 : i32
        %dma_start3A_251 = tpu.memref_slice %arg10[%dma_start3A_246, %dma_start3A_249, %dma_start3A_250] : memref<4x80x128xf32, #tpu.memory_space<vmem>> -> memref<1x80x128xf32, #tpu.memory_space<vmem>>
        %dma_start3A_252 = tpu.memref_squeeze %dma_start3A_251 : memref<1x80x128xf32, #tpu.memory_space<vmem>> -> memref<80x128xf32, #tpu.memory_space<vmem>>
        %dma_start3A_253 = arith.constant 0 : i32
        %dma_start3A_254 = tpu.memref_slice %arg9[%dma_start3A_247, %dma_start3A_253] : memref<8x80xi32, #tpu.memory_space<vmem>> -> memref<1x80xi32, #tpu.memory_space<vmem>>
        %dma_start3A_255 = tpu.memref_squeeze %dma_start3A_254 : memref<1x80xi32, #tpu.memory_space<vmem>> -> memref<80xi32, #tpu.memory_space<vmem>>
        %dma_start3A_256 = arith.constant 0 : i32
        %dma_start3A_257 = arith.constant 0 : i32
        %dma_start3A_258 = tpu.memref_slice %arg11[%dma_start3A_256, %dma_start3A_257] : memref<10240x128xf32, #tpu.memory_space<vmem_shared>> -> memref<10240x128xf32, #tpu.memory_space<vmem_shared>>
        %dma_start3A_259 = tpu.memref_slice %arg13[%dma_start3A_248] : memref<4x!tpu.dma_semaphore, #tpu.memory_space<semaphore_mem>> -> memref<1x!tpu.dma_semaphore, #tpu.memory_space<semaphore_mem>>
        %dma_start3A_260 = tpu.memref_squeeze %dma_start3A_259 : memref<1x!tpu.dma_semaphore, #tpu.memory_space<semaphore_mem>> -> memref<!tpu.dma_semaphore, #tpu.memory_space<semaphore_mem>>
        tpu.enqueue_indirect_dma source(%dma_start3A_252 : memref<80x128xf32, #tpu.memory_space<vmem>>) target(%dma_start3A_258 : memref<10240x128xf32, #tpu.memory_space<vmem_shared>>) offsets(%dma_start3A_255 : memref<80xi32, #tpu.memory_space<vmem>>) semaphore(%dma_start3A_260 : memref<!tpu.dma_semaphore, #tpu.memory_space<semaphore_mem>>) {add = true}
        %dma_wait3A_261 = arith.constant 2 : i32
        %dma_wait3A_262 = arith.constant 2 : i32
        %dma_wait3A_263 = arith.constant 2 : i32
        %dma_wait3A_264 = arith.constant 0 : i32
        %dma_wait3A_265 = arith.constant 0 : i32
        %dma_wait3A_266 = tpu.memref_slice %arg10[%dma_wait3A_261, %dma_wait3A_264, %dma_wait3A_265] : memref<4x80x128xf32, #tpu.memory_space<vmem>> -> memref<1x80x128xf32, #tpu.memory_space<vmem>>
        %dma_wait3A_267 = tpu.memref_squeeze %dma_wait3A_266 : memref<1x80x128xf32, #tpu.memory_space<vmem>> -> memref<80x128xf32, #tpu.memory_space<vmem>>
        %dma_wait3A_268 = arith.constant 0 : i32
        %dma_wait3A_269 = tpu.memref_slice %arg9[%dma_wait3A_262, %dma_wait3A_268] : memref<8x80xi32, #tpu.memory_space<vmem>> -> memref<1x80xi32, #tpu.memory_space<vmem>>
        %dma_wait3A_270 = tpu.memref_squeeze %dma_wait3A_269 : memref<1x80xi32, #tpu.memory_space<vmem>> -> memref<80xi32, #tpu.memory_space<vmem>>
        %dma_wait3A_271 = arith.constant 0 : i32
        %dma_wait3A_272 = arith.constant 0 : i32
        %dma_wait3A_273 = tpu.memref_slice %arg11[%dma_wait3A_271, %dma_wait3A_272] : memref<10240x128xf32, #tpu.memory_space<vmem_shared>> -> memref<10240x128xf32, #tpu.memory_space<vmem_shared>>
        %dma_wait3A_274 = tpu.memref_slice %arg13[%dma_wait3A_263] : memref<4x!tpu.dma_semaphore, #tpu.memory_space<semaphore_mem>> -> memref<1x!tpu.dma_semaphore, #tpu.memory_space<semaphore_mem>>
        %dma_wait3A_275 = tpu.memref_squeeze %dma_wait3A_274 : memref<1x!tpu.dma_semaphore, #tpu.memory_space<semaphore_mem>> -> memref<!tpu.dma_semaphore, #tpu.memory_space<semaphore_mem>>
        tpu.wait_indirect_dma semaphore(%dma_wait3A_275 : memref<!tpu.dma_semaphore, #tpu.memory_space<semaphore_mem>>) src(%dma_wait3A_267 : memref<80x128xf32, #tpu.memory_space<vmem>>) dst(%dma_wait3A_273 : memref<10240x128xf32, #tpu.memory_space<vmem_shared>>)
        %dma_start3A_276 = arith.constant 6 : i32
        %dma_start3A_277 = arith.constant 2 : i32
        %dma_start3A_278 = arith.constant 2 : i32
        %dma_start3A_279 = arith.constant 0 : i32
        %dma_start3A_280 = arith.constant 0 : i32
        %dma_start3A_281 = tpu.memref_slice %arg10[%dma_start3A_277, %dma_start3A_279, %dma_start3A_280] : memref<4x80x128xf32, #tpu.memory_space<vmem>> -> memref<1x80x128xf32, #tpu.memory_space<vmem>>
        %dma_start3A_282 = tpu.memref_squeeze %dma_start3A_281 : memref<1x80x128xf32, #tpu.memory_space<vmem>> -> memref<80x128xf32, #tpu.memory_space<vmem>>
        %dma_start3A_283 = arith.constant 0 : i32
        %dma_start3A_284 = tpu.memref_slice %arg8[%dma_start3A_276, %dma_start3A_283] : memref<8x80xi32, #tpu.memory_space<vmem>> -> memref<1x80xi32, #tpu.memory_space<vmem>>
        %dma_start3A_285 = tpu.memref_squeeze %dma_start3A_284 : memref<1x80xi32, #tpu.memory_space<vmem>> -> memref<80xi32, #tpu.memory_space<vmem>>
        %dma_start3A_286 = arith.constant 0 : i32
        %dma_start3A_287 = arith.constant 0 : i32
        %dma_start3A_288 = tpu.memref_slice %arg2[%dma_start3A_286, %dma_start3A_287] : memref<10000x128xf32, #tpu.memory_space<hbm>> -> memref<10000x128xf32, #tpu.memory_space<hbm>>
        %dma_start3A_289 = tpu.memref_slice %arg12[%dma_start3A_278] : memref<4x!tpu.dma_semaphore, #tpu.memory_space<semaphore_mem>> -> memref<1x!tpu.dma_semaphore, #tpu.memory_space<semaphore_mem>>
        %dma_start3A_290 = tpu.memref_squeeze %dma_start3A_289 : memref<1x!tpu.dma_semaphore, #tpu.memory_space<semaphore_mem>> -> memref<!tpu.dma_semaphore, #tpu.memory_space<semaphore_mem>>
        tpu.enqueue_indirect_dma source(%dma_start3A_288 : memref<10000x128xf32, #tpu.memory_space<hbm>>) target(%dma_start3A_282 : memref<80x128xf32, #tpu.memory_space<vmem>>) offsets(%dma_start3A_285 : memref<80xi32, #tpu.memory_space<vmem>>) semaphore(%dma_start3A_290 : memref<!tpu.dma_semaphore, #tpu.memory_space<semaphore_mem>>)
        %dma_wait3A_291 = arith.constant 4 : i32
        %dma_wait3A_292 = arith.constant 0 : i32
        %dma_wait3A_293 = arith.constant 0 : i32
        %dma_wait3A_294 = arith.constant 0 : i32
        %dma_wait3A_295 = arith.constant 0 : i32
        %dma_wait3A_296 = tpu.memref_slice %arg10[%dma_wait3A_292, %dma_wait3A_294, %dma_wait3A_295] : memref<4x80x128xf32, #tpu.memory_space<vmem>> -> memref<1x80x128xf32, #tpu.memory_space<vmem>>
        %dma_wait3A_297 = tpu.memref_squeeze %dma_wait3A_296 : memref<1x80x128xf32, #tpu.memory_space<vmem>> -> memref<80x128xf32, #tpu.memory_space<vmem>>
        %dma_wait3A_298 = arith.constant 0 : i32
        %dma_wait3A_299 = tpu.memref_slice %arg8[%dma_wait3A_291, %dma_wait3A_298] : memref<8x80xi32, #tpu.memory_space<vmem>> -> memref<1x80xi32, #tpu.memory_space<vmem>>
        %dma_wait3A_300 = tpu.memref_squeeze %dma_wait3A_299 : memref<1x80xi32, #tpu.memory_space<vmem>> -> memref<80xi32, #tpu.memory_space<vmem>>
        %dma_wait3A_301 = arith.constant 0 : i32
        %dma_wait3A_302 = arith.constant 0 : i32
        %dma_wait3A_303 = tpu.memref_slice %arg2[%dma_wait3A_301, %dma_wait3A_302] : memref<10000x128xf32, #tpu.memory_space<hbm>> -> memref<10000x128xf32, #tpu.memory_space<hbm>>
        %dma_wait3A_304 = tpu.memref_slice %arg12[%dma_wait3A_293] : memref<4x!tpu.dma_semaphore, #tpu.memory_space<semaphore_mem>> -> memref<1x!tpu.dma_semaphore, #tpu.memory_space<semaphore_mem>>
        %dma_wait3A_305 = tpu.memref_squeeze %dma_wait3A_304 : memref<1x!tpu.dma_semaphore, #tpu.memory_space<semaphore_mem>> -> memref<!tpu.dma_semaphore, #tpu.memory_space<semaphore_mem>>
        tpu.wait_indirect_dma semaphore(%dma_wait3A_305 : memref<!tpu.dma_semaphore, #tpu.memory_space<semaphore_mem>>) src(%dma_wait3A_303 : memref<10000x128xf32, #tpu.memory_space<hbm>>) dst(%dma_wait3A_297 : memref<80x128xf32, #tpu.memory_space<vmem>>)
        %dma_start3A_306 = arith.constant 0 : i32
        %dma_start3A_307 = arith.constant 4 : i32
        %dma_start3A_308 = arith.constant 0 : i32
        %dma_start3A_309 = arith.constant 0 : i32
        %dma_start3A_310 = arith.constant 0 : i32
        %dma_start3A_311 = tpu.memref_slice %arg10[%dma_start3A_306, %dma_start3A_309, %dma_start3A_310] : memref<4x80x128xf32, #tpu.memory_space<vmem>> -> memref<1x80x128xf32, #tpu.memory_space<vmem>>
        %dma_start3A_312 = tpu.memref_squeeze %dma_start3A_311 : memref<1x80x128xf32, #tpu.memory_space<vmem>> -> memref<80x128xf32, #tpu.memory_space<vmem>>
        %dma_start3A_313 = arith.constant 0 : i32
        %dma_start3A_314 = tpu.memref_slice %arg9[%dma_start3A_307, %dma_start3A_313] : memref<8x80xi32, #tpu.memory_space<vmem>> -> memref<1x80xi32, #tpu.memory_space<vmem>>
        %dma_start3A_315 = tpu.memref_squeeze %dma_start3A_314 : memref<1x80xi32, #tpu.memory_space<vmem>> -> memref<80xi32, #tpu.memory_space<vmem>>
        %dma_start3A_316 = arith.constant 0 : i32
        %dma_start3A_317 = arith.constant 0 : i32
        %dma_start3A_318 = tpu.memref_slice %arg11[%dma_start3A_316, %dma_start3A_317] : memref<10240x128xf32, #tpu.memory_space<vmem_shared>> -> memref<10240x128xf32, #tpu.memory_space<vmem_shared>>
        %dma_start3A_319 = tpu.memref_slice %arg13[%dma_start3A_308] : memref<4x!tpu.dma_semaphore, #tpu.memory_space<semaphore_mem>> -> memref<1x!tpu.dma_semaphore, #tpu.memory_space<semaphore_mem>>
        %dma_start3A_320 = tpu.memref_squeeze %dma_start3A_319 : memref<1x!tpu.dma_semaphore, #tpu.memory_space<semaphore_mem>> -> memref<!tpu.dma_semaphore, #tpu.memory_space<semaphore_mem>>
        tpu.enqueue_indirect_dma source(%dma_start3A_312 : memref<80x128xf32, #tpu.memory_space<vmem>>) target(%dma_start3A_318 : memref<10240x128xf32, #tpu.memory_space<vmem_shared>>) offsets(%dma_start3A_315 : memref<80xi32, #tpu.memory_space<vmem>>) semaphore(%dma_start3A_320 : memref<!tpu.dma_semaphore, #tpu.memory_space<semaphore_mem>>) {add = true}
        %dma_wait3A_321 = arith.constant 3 : i32
        %dma_wait3A_322 = arith.constant 3 : i32
        %dma_wait3A_323 = arith.constant 3 : i32
        %dma_wait3A_324 = arith.constant 0 : i32
        %dma_wait3A_325 = arith.constant 0 : i32
        %dma_wait3A_326 = tpu.memref_slice %arg10[%dma_wait3A_321, %dma_wait3A_324, %dma_wait3A_325] : memref<4x80x128xf32, #tpu.memory_space<vmem>> -> memref<1x80x128xf32, #tpu.memory_space<vmem>>
        %dma_wait3A_327 = tpu.memref_squeeze %dma_wait3A_326 : memref<1x80x128xf32, #tpu.memory_space<vmem>> -> memref<80x128xf32, #tpu.memory_space<vmem>>
        %dma_wait3A_328 = arith.constant 0 : i32
        %dma_wait3A_329 = tpu.memref_slice %arg9[%dma_wait3A_322, %dma_wait3A_328] : memref<8x80xi32, #tpu.memory_space<vmem>> -> memref<1x80xi32, #tpu.memory_space<vmem>>
        %dma_wait3A_330 = tpu.memref_squeeze %dma_wait3A_329 : memref<1x80xi32, #tpu.memory_space<vmem>> -> memref<80xi32, #tpu.memory_space<vmem>>
        %dma_wait3A_331 = arith.constant 0 : i32
        %dma_wait3A_332 = arith.constant 0 : i32
        %dma_wait3A_333 = tpu.memref_slice %arg11[%dma_wait3A_331, %dma_wait3A_332] : memref<10240x128xf32, #tpu.memory_space<vmem_shared>> -> memref<10240x128xf32, #tpu.memory_space<vmem_shared>>
        %dma_wait3A_334 = tpu.memref_slice %arg13[%dma_wait3A_323] : memref<4x!tpu.dma_semaphore, #tpu.memory_space<semaphore_mem>> -> memref<1x!tpu.dma_semaphore, #tpu.memory_space<semaphore_mem>>
        %dma_wait3A_335 = tpu.memref_squeeze %dma_wait3A_334 : memref<1x!tpu.dma_semaphore, #tpu.memory_space<semaphore_mem>> -> memref<!tpu.dma_semaphore, #tpu.memory_space<semaphore_mem>>
        tpu.wait_indirect_dma semaphore(%dma_wait3A_335 : memref<!tpu.dma_semaphore, #tpu.memory_space<semaphore_mem>>) src(%dma_wait3A_327 : memref<80x128xf32, #tpu.memory_space<vmem>>) dst(%dma_wait3A_333 : memref<10240x128xf32, #tpu.memory_space<vmem_shared>>)
        %dma_start3A_336 = arith.constant 7 : i32
        %dma_start3A_337 = arith.constant 3 : i32
        %dma_start3A_338 = arith.constant 3 : i32
        %dma_start3A_339 = arith.constant 0 : i32
        %dma_start3A_340 = arith.constant 0 : i32
        %dma_start3A_341 = tpu.memref_slice %arg10[%dma_start3A_337, %dma_start3A_339, %dma_start3A_340] : memref<4x80x128xf32, #tpu.memory_space<vmem>> -> memref<1x80x128xf32, #tpu.memory_space<vmem>>
        %dma_start3A_342 = tpu.memref_squeeze %dma_start3A_341 : memref<1x80x128xf32, #tpu.memory_space<vmem>> -> memref<80x128xf32, #tpu.memory_space<vmem>>
        %dma_start3A_343 = arith.constant 0 : i32
        %dma_start3A_344 = tpu.memref_slice %arg8[%dma_start3A_336, %dma_start3A_343] : memref<8x80xi32, #tpu.memory_space<vmem>> -> memref<1x80xi32, #tpu.memory_space<vmem>>
        %dma_start3A_345 = tpu.memref_squeeze %dma_start3A_344 : memref<1x80xi32, #tpu.memory_space<vmem>> -> memref<80xi32, #tpu.memory_space<vmem>>
        %dma_start3A_346 = arith.constant 0 : i32
        %dma_start3A_347 = arith.constant 0 : i32
        %dma_start3A_348 = tpu.memref_slice %arg2[%dma_start3A_346, %dma_start3A_347] : memref<10000x128xf32, #tpu.memory_space<hbm>> -> memref<10000x128xf32, #tpu.memory_space<hbm>>
        %dma_start3A_349 = tpu.memref_slice %arg12[%dma_start3A_338] : memref<4x!tpu.dma_semaphore, #tpu.memory_space<semaphore_mem>> -> memref<1x!tpu.dma_semaphore, #tpu.memory_space<semaphore_mem>>
        %dma_start3A_350 = tpu.memref_squeeze %dma_start3A_349 : memref<1x!tpu.dma_semaphore, #tpu.memory_space<semaphore_mem>> -> memref<!tpu.dma_semaphore, #tpu.memory_space<semaphore_mem>>
        tpu.enqueue_indirect_dma source(%dma_start3A_348 : memref<10000x128xf32, #tpu.memory_space<hbm>>) target(%dma_start3A_342 : memref<80x128xf32, #tpu.memory_space<vmem>>) offsets(%dma_start3A_345 : memref<80xi32, #tpu.memory_space<vmem>>) semaphore(%dma_start3A_350 : memref<!tpu.dma_semaphore, #tpu.memory_space<semaphore_mem>>)
        %dma_wait3A_351 = arith.constant 5 : i32
        %dma_wait3A_352 = arith.constant 1 : i32
        %dma_wait3A_353 = arith.constant 1 : i32
        %dma_wait3A_354 = arith.constant 0 : i32
        %dma_wait3A_355 = arith.constant 0 : i32
        %dma_wait3A_356 = tpu.memref_slice %arg10[%dma_wait3A_352, %dma_wait3A_354, %dma_wait3A_355] : memref<4x80x128xf32, #tpu.memory_space<vmem>> -> memref<1x80x128xf32, #tpu.memory_space<vmem>>
        %dma_wait3A_357 = tpu.memref_squeeze %dma_wait3A_356 : memref<1x80x128xf32, #tpu.memory_space<vmem>> -> memref<80x128xf32, #tpu.memory_space<vmem>>
        %dma_wait3A_358 = arith.constant 0 : i32
        %dma_wait3A_359 = tpu.memref_slice %arg8[%dma_wait3A_351, %dma_wait3A_358] : memref<8x80xi32, #tpu.memory_space<vmem>> -> memref<1x80xi32, #tpu.memory_space<vmem>>
        %dma_wait3A_360 = tpu.memref_squeeze %dma_wait3A_359 : memref<1x80xi32, #tpu.memory_space<vmem>> -> memref<80xi32, #tpu.memory_space<vmem>>
        %dma_wait3A_361 = arith.constant 0 : i32
        %dma_wait3A_362 = arith.constant 0 : i32
        %dma_wait3A_363 = tpu.memref_slice %arg2[%dma_wait3A_361, %dma_wait3A_362] : memref<10000x128xf32, #tpu.memory_space<hbm>> -> memref<10000x128xf32, #tpu.memory_space<hbm>>
        %dma_wait3A_364 = tpu.memref_slice %arg12[%dma_wait3A_353] : memref<4x!tpu.dma_semaphore, #tpu.memory_space<semaphore_mem>> -> memref<1x!tpu.dma_semaphore, #tpu.memory_space<semaphore_mem>>
        %dma_wait3A_365 = tpu.memref_squeeze %dma_wait3A_364 : memref<1x!tpu.dma_semaphore, #tpu.memory_space<semaphore_mem>> -> memref<!tpu.dma_semaphore, #tpu.memory_space<semaphore_mem>>
        tpu.wait_indirect_dma semaphore(%dma_wait3A_365 : memref<!tpu.dma_semaphore, #tpu.memory_space<semaphore_mem>>) src(%dma_wait3A_363 : memref<10000x128xf32, #tpu.memory_space<hbm>>) dst(%dma_wait3A_357 : memref<80x128xf32, #tpu.memory_space<vmem>>)
        %dma_start3A_366 = arith.constant 1 : i32
        %dma_start3A_367 = arith.constant 5 : i32
        %dma_start3A_368 = arith.constant 1 : i32
        %dma_start3A_369 = arith.constant 0 : i32
        %dma_start3A_370 = arith.constant 0 : i32
        %dma_start3A_371 = tpu.memref_slice %arg10[%dma_start3A_366, %dma_start3A_369, %dma_start3A_370] : memref<4x80x128xf32, #tpu.memory_space<vmem>> -> memref<1x80x128xf32, #tpu.memory_space<vmem>>
        %dma_start3A_372 = tpu.memref_squeeze %dma_start3A_371 : memref<1x80x128xf32, #tpu.memory_space<vmem>> -> memref<80x128xf32, #tpu.memory_space<vmem>>
        %dma_start3A_373 = arith.constant 0 : i32
        %dma_start3A_374 = tpu.memref_slice %arg9[%dma_start3A_367, %dma_start3A_373] : memref<8x80xi32, #tpu.memory_space<vmem>> -> memref<1x80xi32, #tpu.memory_space<vmem>>
        %dma_start3A_375 = tpu.memref_squeeze %dma_start3A_374 : memref<1x80xi32, #tpu.memory_space<vmem>> -> memref<80xi32, #tpu.memory_space<vmem>>
        %dma_start3A_376 = arith.constant 0 : i32
        %dma_start3A_377 = arith.constant 0 : i32
        %dma_start3A_378 = tpu.memref_slice %arg11[%dma_start3A_376, %dma_start3A_377] : memref<10240x128xf32, #tpu.memory_space<vmem_shared>> -> memref<10240x128xf32, #tpu.memory_space<vmem_shared>>
        %dma_start3A_379 = tpu.memref_slice %arg13[%dma_start3A_368] : memref<4x!tpu.dma_semaphore, #tpu.memory_space<semaphore_mem>> -> memref<1x!tpu.dma_semaphore, #tpu.memory_space<semaphore_mem>>
        %dma_start3A_380 = tpu.memref_squeeze %dma_start3A_379 : memref<1x!tpu.dma_semaphore, #tpu.memory_space<semaphore_mem>> -> memref<!tpu.dma_semaphore, #tpu.memory_space<semaphore_mem>>
        tpu.enqueue_indirect_dma source(%dma_start3A_372 : memref<80x128xf32, #tpu.memory_space<vmem>>) target(%dma_start3A_378 : memref<10240x128xf32, #tpu.memory_space<vmem_shared>>) offsets(%dma_start3A_375 : memref<80xi32, #tpu.memory_space<vmem>>) semaphore(%dma_start3A_380 : memref<!tpu.dma_semaphore, #tpu.memory_space<semaphore_mem>>) {add = true}
        %dma_wait3A_381 = arith.constant 6 : i32
        %dma_wait3A_382 = arith.constant 2 : i32
        %dma_wait3A_383 = arith.constant 2 : i32
        %dma_wait3A_384 = arith.constant 0 : i32
        %dma_wait3A_385 = arith.constant 0 : i32
        %dma_wait3A_386 = tpu.memref_slice %arg10[%dma_wait3A_382, %dma_wait3A_384, %dma_wait3A_385] : memref<4x80x128xf32, #tpu.memory_space<vmem>> -> memref<1x80x128xf32, #tpu.memory_space<vmem>>
        %dma_wait3A_387 = tpu.memref_squeeze %dma_wait3A_386 : memref<1x80x128xf32, #tpu.memory_space<vmem>> -> memref<80x128xf32, #tpu.memory_space<vmem>>
        %dma_wait3A_388 = arith.constant 0 : i32
        %dma_wait3A_389 = tpu.memref_slice %arg8[%dma_wait3A_381, %dma_wait3A_388] : memref<8x80xi32, #tpu.memory_space<vmem>> -> memref<1x80xi32, #tpu.memory_space<vmem>>
        %dma_wait3A_390 = tpu.memref_squeeze %dma_wait3A_389 : memref<1x80xi32, #tpu.memory_space<vmem>> -> memref<80xi32, #tpu.memory_space<vmem>>
        %dma_wait3A_391 = arith.constant 0 : i32
        %dma_wait3A_392 = arith.constant 0 : i32
        %dma_wait3A_393 = tpu.memref_slice %arg2[%dma_wait3A_391, %dma_wait3A_392] : memref<10000x128xf32, #tpu.memory_space<hbm>> -> memref<10000x128xf32, #tpu.memory_space<hbm>>
        %dma_wait3A_394 = tpu.memref_slice %arg12[%dma_wait3A_383] : memref<4x!tpu.dma_semaphore, #tpu.memory_space<semaphore_mem>> -> memref<1x!tpu.dma_semaphore, #tpu.memory_space<semaphore_mem>>
        %dma_wait3A_395 = tpu.memref_squeeze %dma_wait3A_394 : memref<1x!tpu.dma_semaphore, #tpu.memory_space<semaphore_mem>> -> memref<!tpu.dma_semaphore, #tpu.memory_space<semaphore_mem>>
        tpu.wait_indirect_dma semaphore(%dma_wait3A_395 : memref<!tpu.dma_semaphore, #tpu.memory_space<semaphore_mem>>) src(%dma_wait3A_393 : memref<10000x128xf32, #tpu.memory_space<hbm>>) dst(%dma_wait3A_387 : memref<80x128xf32, #tpu.memory_space<vmem>>)
        %dma_start3A_396 = arith.constant 2 : i32
        %dma_start3A_397 = arith.constant 6 : i32
        %dma_start3A_398 = arith.constant 2 : i32
        %dma_start3A_399 = arith.constant 0 : i32
        %dma_start3A_400 = arith.constant 0 : i32
        %dma_start3A_401 = tpu.memref_slice %arg10[%dma_start3A_396, %dma_start3A_399, %dma_start3A_400] : memref<4x80x128xf32, #tpu.memory_space<vmem>> -> memref<1x80x128xf32, #tpu.memory_space<vmem>>
        %dma_start3A_402 = tpu.memref_squeeze %dma_start3A_401 : memref<1x80x128xf32, #tpu.memory_space<vmem>> -> memref<80x128xf32, #tpu.memory_space<vmem>>
        %dma_start3A_403 = arith.constant 0 : i32
        %dma_start3A_404 = tpu.memref_slice %arg9[%dma_start3A_397, %dma_start3A_403] : memref<8x80xi32, #tpu.memory_space<vmem>> -> memref<1x80xi32, #tpu.memory_space<vmem>>
        %dma_start3A_405 = tpu.memref_squeeze %dma_start3A_404 : memref<1x80xi32, #tpu.memory_space<vmem>> -> memref<80xi32, #tpu.memory_space<vmem>>
        %dma_start3A_406 = arith.constant 0 : i32
        %dma_start3A_407 = arith.constant 0 : i32
        %dma_start3A_408 = tpu.memref_slice %arg11[%dma_start3A_406, %dma_start3A_407] : memref<10240x128xf32, #tpu.memory_space<vmem_shared>> -> memref<10240x128xf32, #tpu.memory_space<vmem_shared>>
        %dma_start3A_409 = tpu.memref_slice %arg13[%dma_start3A_398] : memref<4x!tpu.dma_semaphore, #tpu.memory_space<semaphore_mem>> -> memref<1x!tpu.dma_semaphore, #tpu.memory_space<semaphore_mem>>
        %dma_start3A_410 = tpu.memref_squeeze %dma_start3A_409 : memref<1x!tpu.dma_semaphore, #tpu.memory_space<semaphore_mem>> -> memref<!tpu.dma_semaphore, #tpu.memory_space<semaphore_mem>>
        tpu.enqueue_indirect_dma source(%dma_start3A_402 : memref<80x128xf32, #tpu.memory_space<vmem>>) target(%dma_start3A_408 : memref<10240x128xf32, #tpu.memory_space<vmem_shared>>) offsets(%dma_start3A_405 : memref<80xi32, #tpu.memory_space<vmem>>) semaphore(%dma_start3A_410 : memref<!tpu.dma_semaphore, #tpu.memory_space<semaphore_mem>>) {add = true}
        %dma_wait3A_411 = arith.constant 7 : i32
        %dma_wait3A_412 = arith.constant 3 : i32
        %dma_wait3A_413 = arith.constant 3 : i32
        %dma_wait3A_414 = arith.constant 0 : i32
        %dma_wait3A_415 = arith.constant 0 : i32
        %dma_wait3A_416 = tpu.memref_slice %arg10[%dma_wait3A_412, %dma_wait3A_414, %dma_wait3A_415] : memref<4x80x128xf32, #tpu.memory_space<vmem>> -> memref<1x80x128xf32, #tpu.memory_space<vmem>>
        %dma_wait3A_417 = tpu.memref_squeeze %dma_wait3A_416 : memref<1x80x128xf32, #tpu.memory_space<vmem>> -> memref<80x128xf32, #tpu.memory_space<vmem>>
        %dma_wait3A_418 = arith.constant 0 : i32
        %dma_wait3A_419 = tpu.memref_slice %arg8[%dma_wait3A_411, %dma_wait3A_418] : memref<8x80xi32, #tpu.memory_space<vmem>> -> memref<1x80xi32, #tpu.memory_space<vmem>>
        %dma_wait3A_420 = tpu.memref_squeeze %dma_wait3A_419 : memref<1x80xi32, #tpu.memory_space<vmem>> -> memref<80xi32, #tpu.memory_space<vmem>>
        %dma_wait3A_421 = arith.constant 0 : i32
        %dma_wait3A_422 = arith.constant 0 : i32
        %dma_wait3A_423 = tpu.memref_slice %arg2[%dma_wait3A_421, %dma_wait3A_422] : memref<10000x128xf32, #tpu.memory_space<hbm>> -> memref<10000x128xf32, #tpu.memory_space<hbm>>
        %dma_wait3A_424 = tpu.memref_slice %arg12[%dma_wait3A_413] : memref<4x!tpu.dma_semaphore, #tpu.memory_space<semaphore_mem>> -> memref<1x!tpu.dma_semaphore, #tpu.memory_space<semaphore_mem>>
        %dma_wait3A_425 = tpu.memref_squeeze %dma_wait3A_424 : memref<1x!tpu.dma_semaphore, #tpu.memory_space<semaphore_mem>> -> memref<!tpu.dma_semaphore, #tpu.memory_space<semaphore_mem>>
        tpu.wait_indirect_dma semaphore(%dma_wait3A_425 : memref<!tpu.dma_semaphore, #tpu.memory_space<semaphore_mem>>) src(%dma_wait3A_423 : memref<10000x128xf32, #tpu.memory_space<hbm>>) dst(%dma_wait3A_417 : memref<80x128xf32, #tpu.memory_space<vmem>>)
        %dma_start3A_426 = arith.constant 3 : i32
        %dma_start3A_427 = arith.constant 7 : i32
        %dma_start3A_428 = arith.constant 3 : i32
        %dma_start3A_429 = arith.constant 0 : i32
        %dma_start3A_430 = arith.constant 0 : i32
        %dma_start3A_431 = tpu.memref_slice %arg10[%dma_start3A_426, %dma_start3A_429, %dma_start3A_430] : memref<4x80x128xf32, #tpu.memory_space<vmem>> -> memref<1x80x128xf32, #tpu.memory_space<vmem>>
        %dma_start3A_432 = tpu.memref_squeeze %dma_start3A_431 : memref<1x80x128xf32, #tpu.memory_space<vmem>> -> memref<80x128xf32, #tpu.memory_space<vmem>>
        %dma_start3A_433 = arith.constant 0 : i32
        %dma_start3A_434 = tpu.memref_slice %arg9[%dma_start3A_427, %dma_start3A_433] : memref<8x80xi32, #tpu.memory_space<vmem>> -> memref<1x80xi32, #tpu.memory_space<vmem>>
        %dma_start3A_435 = tpu.memref_squeeze %dma_start3A_434 : memref<1x80xi32, #tpu.memory_space<vmem>> -> memref<80xi32, #tpu.memory_space<vmem>>
        %dma_start3A_436 = arith.constant 0 : i32
        %dma_start3A_437 = arith.constant 0 : i32
        %dma_start3A_438 = tpu.memref_slice %arg11[%dma_start3A_436, %dma_start3A_437] : memref<10240x128xf32, #tpu.memory_space<vmem_shared>> -> memref<10240x128xf32, #tpu.memory_space<vmem_shared>>
        %dma_start3A_439 = tpu.memref_slice %arg13[%dma_start3A_428] : memref<4x!tpu.dma_semaphore, #tpu.memory_space<semaphore_mem>> -> memref<1x!tpu.dma_semaphore, #tpu.memory_space<semaphore_mem>>
        %dma_start3A_440 = tpu.memref_squeeze %dma_start3A_439 : memref<1x!tpu.dma_semaphore, #tpu.memory_space<semaphore_mem>> -> memref<!tpu.dma_semaphore, #tpu.memory_space<semaphore_mem>>
        tpu.enqueue_indirect_dma source(%dma_start3A_432 : memref<80x128xf32, #tpu.memory_space<vmem>>) target(%dma_start3A_438 : memref<10240x128xf32, #tpu.memory_space<vmem_shared>>) offsets(%dma_start3A_435 : memref<80xi32, #tpu.memory_space<vmem>>) semaphore(%dma_start3A_440 : memref<!tpu.dma_semaphore, #tpu.memory_space<semaphore_mem>>) {add = true}
        %dma_wait3A_441 = arith.constant 0 : i32
        %dma_wait3A_442 = arith.constant 4 : i32
        %dma_wait3A_443 = arith.constant 0 : i32
        %dma_wait3A_444 = arith.constant 0 : i32
        %dma_wait3A_445 = arith.constant 0 : i32
        %dma_wait3A_446 = tpu.memref_slice %arg10[%dma_wait3A_441, %dma_wait3A_444, %dma_wait3A_445] : memref<4x80x128xf32, #tpu.memory_space<vmem>> -> memref<1x80x128xf32, #tpu.memory_space<vmem>>
        %dma_wait3A_447 = tpu.memref_squeeze %dma_wait3A_446 : memref<1x80x128xf32, #tpu.memory_space<vmem>> -> memref<80x128xf32, #tpu.memory_space<vmem>>
        %dma_wait3A_448 = arith.constant 0 : i32
        %dma_wait3A_449 = tpu.memref_slice %arg9[%dma_wait3A_442, %dma_wait3A_448] : memref<8x80xi32, #tpu.memory_space<vmem>> -> memref<1x80xi32, #tpu.memory_space<vmem>>
        %dma_wait3A_450 = tpu.memref_squeeze %dma_wait3A_449 : memref<1x80xi32, #tpu.memory_space<vmem>> -> memref<80xi32, #tpu.memory_space<vmem>>
        %dma_wait3A_451 = arith.constant 0 : i32
        %dma_wait3A_452 = arith.constant 0 : i32
        %dma_wait3A_453 = tpu.memref_slice %arg11[%dma_wait3A_451, %dma_wait3A_452] : memref<10240x128xf32, #tpu.memory_space<vmem_shared>> -> memref<10240x128xf32, #tpu.memory_space<vmem_shared>>
        %dma_wait3A_454 = tpu.memref_slice %arg13[%dma_wait3A_443] : memref<4x!tpu.dma_semaphore, #tpu.memory_space<semaphore_mem>> -> memref<1x!tpu.dma_semaphore, #tpu.memory_space<semaphore_mem>>
        %dma_wait3A_455 = tpu.memref_squeeze %dma_wait3A_454 : memref<1x!tpu.dma_semaphore, #tpu.memory_space<semaphore_mem>> -> memref<!tpu.dma_semaphore, #tpu.memory_space<semaphore_mem>>
        tpu.wait_indirect_dma semaphore(%dma_wait3A_455 : memref<!tpu.dma_semaphore, #tpu.memory_space<semaphore_mem>>) src(%dma_wait3A_447 : memref<80x128xf32, #tpu.memory_space<vmem>>) dst(%dma_wait3A_453 : memref<10240x128xf32, #tpu.memory_space<vmem_shared>>)
        %dma_wait3A_456 = arith.constant 1 : i32
        %dma_wait3A_457 = arith.constant 5 : i32
        %dma_wait3A_458 = arith.constant 1 : i32
        %dma_wait3A_459 = arith.constant 0 : i32
        %dma_wait3A_460 = arith.constant 0 : i32
        %dma_wait3A_461 = tpu.memref_slice %arg10[%dma_wait3A_456, %dma_wait3A_459, %dma_wait3A_460] : memref<4x80x128xf32, #tpu.memory_space<vmem>> -> memref<1x80x128xf32, #tpu.memory_space<vmem>>
        %dma_wait3A_462 = tpu.memref_squeeze %dma_wait3A_461 : memref<1x80x128xf32, #tpu.memory_space<vmem>> -> memref<80x128xf32, #tpu.memory_space<vmem>>
        %dma_wait3A_463 = arith.constant 0 : i32
        %dma_wait3A_464 = tpu.memref_slice %arg9[%dma_wait3A_457, %dma_wait3A_463] : memref<8x80xi32, #tpu.memory_space<vmem>> -> memref<1x80xi32, #tpu.memory_space<vmem>>
        %dma_wait3A_465 = tpu.memref_squeeze %dma_wait3A_464 : memref<1x80xi32, #tpu.memory_space<vmem>> -> memref<80xi32, #tpu.memory_space<vmem>>
        %dma_wait3A_466 = arith.constant 0 : i32
        %dma_wait3A_467 = arith.constant 0 : i32
        %dma_wait3A_468 = tpu.memref_slice %arg11[%dma_wait3A_466, %dma_wait3A_467] : memref<10240x128xf32, #tpu.memory_space<vmem_shared>> -> memref<10240x128xf32, #tpu.memory_space<vmem_shared>>
        %dma_wait3A_469 = tpu.memref_slice %arg13[%dma_wait3A_458] : memref<4x!tpu.dma_semaphore, #tpu.memory_space<semaphore_mem>> -> memref<1x!tpu.dma_semaphore, #tpu.memory_space<semaphore_mem>>
        %dma_wait3A_470 = tpu.memref_squeeze %dma_wait3A_469 : memref<1x!tpu.dma_semaphore, #tpu.memory_space<semaphore_mem>> -> memref<!tpu.dma_semaphore, #tpu.memory_space<semaphore_mem>>
        tpu.wait_indirect_dma semaphore(%dma_wait3A_470 : memref<!tpu.dma_semaphore, #tpu.memory_space<semaphore_mem>>) src(%dma_wait3A_462 : memref<80x128xf32, #tpu.memory_space<vmem>>) dst(%dma_wait3A_468 : memref<10240x128xf32, #tpu.memory_space<vmem_shared>>)
        %dma_wait3A_471 = arith.constant 2 : i32
        %dma_wait3A_472 = arith.constant 6 : i32
        %dma_wait3A_473 = arith.constant 2 : i32
        %dma_wait3A_474 = arith.constant 0 : i32
        %dma_wait3A_475 = arith.constant 0 : i32
        %dma_wait3A_476 = tpu.memref_slice %arg10[%dma_wait3A_471, %dma_wait3A_474, %dma_wait3A_475] : memref<4x80x128xf32, #tpu.memory_space<vmem>> -> memref<1x80x128xf32, #tpu.memory_space<vmem>>
        %dma_wait3A_477 = tpu.memref_squeeze %dma_wait3A_476 : memref<1x80x128xf32, #tpu.memory_space<vmem>> -> memref<80x128xf32, #tpu.memory_space<vmem>>
        %dma_wait3A_478 = arith.constant 0 : i32
        %dma_wait3A_479 = tpu.memref_slice %arg9[%dma_wait3A_472, %dma_wait3A_478] : memref<8x80xi32, #tpu.memory_space<vmem>> -> memref<1x80xi32, #tpu.memory_space<vmem>>
        %dma_wait3A_480 = tpu.memref_squeeze %dma_wait3A_479 : memref<1x80xi32, #tpu.memory_space<vmem>> -> memref<80xi32, #tpu.memory_space<vmem>>
        %dma_wait3A_481 = arith.constant 0 : i32
        %dma_wait3A_482 = arith.constant 0 : i32
        %dma_wait3A_483 = tpu.memref_slice %arg11[%dma_wait3A_481, %dma_wait3A_482] : memref<10240x128xf32, #tpu.memory_space<vmem_shared>> -> memref<10240x128xf32, #tpu.memory_space<vmem_shared>>
        %dma_wait3A_484 = tpu.memref_slice %arg13[%dma_wait3A_473] : memref<4x!tpu.dma_semaphore, #tpu.memory_space<semaphore_mem>> -> memref<1x!tpu.dma_semaphore, #tpu.memory_space<semaphore_mem>>
        %dma_wait3A_485 = tpu.memref_squeeze %dma_wait3A_484 : memref<1x!tpu.dma_semaphore, #tpu.memory_space<semaphore_mem>> -> memref<!tpu.dma_semaphore, #tpu.memory_space<semaphore_mem>>
        tpu.wait_indirect_dma semaphore(%dma_wait3A_485 : memref<!tpu.dma_semaphore, #tpu.memory_space<semaphore_mem>>) src(%dma_wait3A_477 : memref<80x128xf32, #tpu.memory_space<vmem>>) dst(%dma_wait3A_483 : memref<10240x128xf32, #tpu.memory_space<vmem_shared>>)
        %dma_wait3A_486 = arith.constant 3 : i32
        %dma_wait3A_487 = arith.constant 7 : i32
        %dma_wait3A_488 = arith.constant 3 : i32
        %dma_wait3A_489 = arith.constant 0 : i32
        %dma_wait3A_490 = arith.constant 0 : i32
        %dma_wait3A_491 = tpu.memref_slice %arg10[%dma_wait3A_486, %dma_wait3A_489, %dma_wait3A_490] : memref<4x80x128xf32, #tpu.memory_space<vmem>> -> memref<1x80x128xf32, #tpu.memory_space<vmem>>
        %dma_wait3A_492 = tpu.memref_squeeze %dma_wait3A_491 : memref<1x80x128xf32, #tpu.memory_space<vmem>> -> memref<80x128xf32, #tpu.memory_space<vmem>>
        %dma_wait3A_493 = arith.constant 0 : i32
        %dma_wait3A_494 = tpu.memref_slice %arg9[%dma_wait3A_487, %dma_wait3A_493] : memref<8x80xi32, #tpu.memory_space<vmem>> -> memref<1x80xi32, #tpu.memory_space<vmem>>
        %dma_wait3A_495 = tpu.memref_squeeze %dma_wait3A_494 : memref<1x80xi32, #tpu.memory_space<vmem>> -> memref<80xi32, #tpu.memory_space<vmem>>
        %dma_wait3A_496 = arith.constant 0 : i32
        %dma_wait3A_497 = arith.constant 0 : i32
        %dma_wait3A_498 = tpu.memref_slice %arg11[%dma_wait3A_496, %dma_wait3A_497] : memref<10240x128xf32, #tpu.memory_space<vmem_shared>> -> memref<10240x128xf32, #tpu.memory_space<vmem_shared>>
        %dma_wait3A_499 = tpu.memref_slice %arg13[%dma_wait3A_488] : memref<4x!tpu.dma_semaphore, #tpu.memory_space<semaphore_mem>> -> memref<1x!tpu.dma_semaphore, #tpu.memory_space<semaphore_mem>>
        %dma_wait3A_500 = tpu.memref_squeeze %dma_wait3A_499 : memref<1x!tpu.dma_semaphore, #tpu.memory_space<semaphore_mem>> -> memref<!tpu.dma_semaphore, #tpu.memory_space<semaphore_mem>>
        tpu.wait_indirect_dma semaphore(%dma_wait3A_500 : memref<!tpu.dma_semaphore, #tpu.memory_space<semaphore_mem>>) src(%dma_wait3A_492 : memref<80x128xf32, #tpu.memory_space<vmem>>) dst(%dma_wait3A_498 : memref<10240x128xf32, #tpu.memory_space<vmem_shared>>)
      }
      %scan3A_17 = arith.constant 32 : i32
    } else {
    }
    %eq3A_3 = arith.constant 1 : i32
    %eq3A_4 = arith.cmpi eq, %arg0, %eq3A_3 : i32
    %convert_element_type3A_5 = arith.extui %eq3A_4 : i1 to i32
    %cond3A_6 = arith.constant 0 : i32
    %cond3A_7 = arith.cmpi ne, %convert_element_type3A_5, %cond3A_6 : i32
    scf.if %cond3A_7 {
      %run_scoped3A = arith.constant 0 : i32
      "tpu.region"() ({
        %run_scoped3A_18 = tpu.sem_alloc : memref<!tpu.dma_semaphore, #tpu.memory_space<semaphore_mem>>
        %dma_start3A = arith.constant 0 : i32
        %dma_start3A_19 = arith.constant 0 : i32
        %dma_start3A_20 = tpu.memref_slice %arg10[%run_scoped3A, %dma_start3A, %dma_start3A_19] : memref<4x80x128xf32, #tpu.memory_space<vmem>> -> memref<1x80x128xf32, #tpu.memory_space<vmem>>
        %dma_start3A_21 = tpu.memref_squeeze %dma_start3A_20 : memref<1x80x128xf32, #tpu.memory_space<vmem>> -> memref<80x128xf32, #tpu.memory_space<vmem>>
        %dma_start3A_22 = arith.constant 0 : i32
        %dma_start3A_23 = arith.constant 0 : i32
        %dma_start3A_24 = tpu.memref_slice %arg10[%run_scoped3A, %dma_start3A_22, %dma_start3A_23] : memref<4x80x128xf32, #tpu.memory_space<vmem>> -> memref<1x80x128xf32, #tpu.memory_space<vmem>>
        %dma_start3A_25 = tpu.memref_squeeze %dma_start3A_24 : memref<1x80x128xf32, #tpu.memory_space<vmem>> -> memref<80x128xf32, #tpu.memory_space<vmem>>
        tpu.enqueue_dma source(%arg6 : memref<80x128xf32, #tpu.memory_space<hbm>>) target(%dma_start3A_25 : memref<80x128xf32, #tpu.memory_space<vmem>>) target_semaphore(%run_scoped3A_18 : memref<!tpu.dma_semaphore, #tpu.memory_space<semaphore_mem>>)
        %dma_wait3A = arith.constant 0 : i32
        %dma_wait3A_26 = arith.constant 0 : i32
        %dma_wait3A_27 = tpu.memref_slice %arg10[%run_scoped3A, %dma_wait3A, %dma_wait3A_26] : memref<4x80x128xf32, #tpu.memory_space<vmem>> -> memref<1x80x128xf32, #tpu.memory_space<vmem>>
        %dma_wait3A_28 = tpu.memref_squeeze %dma_wait3A_27 : memref<1x80x128xf32, #tpu.memory_space<vmem>> -> memref<80x128xf32, #tpu.memory_space<vmem>>
        %dma_wait3A_29 = arith.constant 0 : i32
        %dma_wait3A_30 = arith.constant 0 : i32
        %dma_wait3A_31 = tpu.memref_slice %arg10[%run_scoped3A, %dma_wait3A_29, %dma_wait3A_30] : memref<4x80x128xf32, #tpu.memory_space<vmem>> -> memref<1x80x128xf32, #tpu.memory_space<vmem>>
        %dma_wait3A_32 = tpu.memref_squeeze %dma_wait3A_31 : memref<1x80x128xf32, #tpu.memory_space<vmem>> -> memref<80x128xf32, #tpu.memory_space<vmem>>
        tpu.wait_dma2 semaphore(%run_scoped3A_18 : memref<!tpu.dma_semaphore, #tpu.memory_space<semaphore_mem>>) src(%arg6 : memref<80x128xf32, #tpu.memory_space<hbm>>) dst(%dma_wait3A_32 : memref<80x128xf32, #tpu.memory_space<vmem>>)
        tpu.yield
      }) : () -> ()
      %scan3A = arith.constant 0 : i32
      %scan3A_13 = arith.constant 0 : i32
      %scan3A_14 = arith.constant 32 : i32
      %scan3A_15 = arith.addi %scan3A_13, %scan3A_14 : i32
      %scan3A_16 = arith.constant 1 : i32
      scf.for %scan3A_18 = %scan3A_13 to %scan3A_15 step %scan3A_16  : i32 {
        %mul3A_19 = arith.constant 8 : i32
        %mul3A_20 = arith.muli %scan3A_18, %mul3A_19 : i32
        "tpu.region"() ({
          %run_scoped3A_259 = tpu.sem_alloc : memref<!tpu.dma_semaphore, #tpu.memory_space<semaphore_mem>>
          %dma_start3A_260 = arith.constant 0 : i32
          %dma_start3A_261 = tpu.memref_slice %arg4[%arg1, %mul3A_20, %dma_start3A_260] : memref<16x256x80xi32, #tpu.memory_space<hbm>> -> memref<1x8x80xi32, #tpu.memory_space<hbm>>
          %dma_start3A_262 = tpu.memref_squeeze %dma_start3A_261 : memref<1x8x80xi32, #tpu.memory_space<hbm>> -> memref<8x80xi32, #tpu.memory_space<hbm>>
          %dma_start3A_263 = arith.constant 0 : i32
          %dma_start3A_264 = tpu.memref_slice %arg4[%arg1, %mul3A_20, %dma_start3A_263] : memref<16x256x80xi32, #tpu.memory_space<hbm>> -> memref<1x8x80xi32, #tpu.memory_space<hbm>>
          %dma_start3A_265 = tpu.memref_squeeze %dma_start3A_264 : memref<1x8x80xi32, #tpu.memory_space<hbm>> -> memref<8x80xi32, #tpu.memory_space<hbm>>
          tpu.enqueue_dma source(%dma_start3A_265 : memref<8x80xi32, #tpu.memory_space<hbm>>) target(%arg9 : memref<8x80xi32, #tpu.memory_space<vmem>>) target_semaphore(%run_scoped3A_259 : memref<!tpu.dma_semaphore, #tpu.memory_space<semaphore_mem>>)
          %dma_wait3A_266 = arith.constant 0 : i32
          %dma_wait3A_267 = tpu.memref_slice %arg4[%arg1, %mul3A_20, %dma_wait3A_266] : memref<16x256x80xi32, #tpu.memory_space<hbm>> -> memref<1x8x80xi32, #tpu.memory_space<hbm>>
          %dma_wait3A_268 = tpu.memref_squeeze %dma_wait3A_267 : memref<1x8x80xi32, #tpu.memory_space<hbm>> -> memref<8x80xi32, #tpu.memory_space<hbm>>
          %dma_wait3A_269 = arith.constant 0 : i32
          %dma_wait3A_270 = tpu.memref_slice %arg4[%arg1, %mul3A_20, %dma_wait3A_269] : memref<16x256x80xi32, #tpu.memory_space<hbm>> -> memref<1x8x80xi32, #tpu.memory_space<hbm>>
          %dma_wait3A_271 = tpu.memref_squeeze %dma_wait3A_270 : memref<1x8x80xi32, #tpu.memory_space<hbm>> -> memref<8x80xi32, #tpu.memory_space<hbm>>
          tpu.wait_dma2 semaphore(%run_scoped3A_259 : memref<!tpu.dma_semaphore, #tpu.memory_space<semaphore_mem>>) src(%dma_wait3A_271 : memref<8x80xi32, #tpu.memory_space<hbm>>) dst(%arg9 : memref<8x80xi32, #tpu.memory_space<vmem>>)
          tpu.yield
        }) : () -> ()
        %dma_start3A = arith.constant 0 : i32
        %dma_start3A_21 = arith.constant 0 : i32
        %dma_start3A_22 = arith.constant 0 : i32
        %dma_start3A_23 = arith.constant 0 : i32
        %dma_start3A_24 = arith.constant 0 : i32
        %dma_start3A_25 = tpu.memref_slice %arg10[%dma_start3A, %dma_start3A_23, %dma_start3A_24] : memref<4x80x128xf32, #tpu.memory_space<vmem>> -> memref<1x80x128xf32, #tpu.memory_space<vmem>>
        %dma_start3A_26 = tpu.memref_squeeze %dma_start3A_25 : memref<1x80x128xf32, #tpu.memory_space<vmem>> -> memref<80x128xf32, #tpu.memory_space<vmem>>
        %dma_start3A_27 = arith.constant 0 : i32
        %dma_start3A_28 = tpu.memref_slice %arg9[%dma_start3A_21, %dma_start3A_27] : memref<8x80xi32, #tpu.memory_space<vmem>> -> memref<1x80xi32, #tpu.memory_space<vmem>>
        %dma_start3A_29 = tpu.memref_squeeze %dma_start3A_28 : memref<1x80xi32, #tpu.memory_space<vmem>> -> memref<80xi32, #tpu.memory_space<vmem>>
        %dma_start3A_30 = arith.constant 0 : i32
        %dma_start3A_31 = arith.constant 0 : i32
        %dma_start3A_32 = tpu.memref_slice %arg11[%dma_start3A_30, %dma_start3A_31] : memref<10240x128xf32, #tpu.memory_space<vmem_shared>> -> memref<10240x128xf32, #tpu.memory_space<vmem_shared>>
        %dma_start3A_33 = tpu.memref_slice %arg13[%dma_start3A_22] : memref<4x!tpu.dma_semaphore, #tpu.memory_space<semaphore_mem>> -> memref<1x!tpu.dma_semaphore, #tpu.memory_space<semaphore_mem>>
        %dma_start3A_34 = tpu.memref_squeeze %dma_start3A_33 : memref<1x!tpu.dma_semaphore, #tpu.memory_space<semaphore_mem>> -> memref<!tpu.dma_semaphore, #tpu.memory_space<semaphore_mem>>
        tpu.enqueue_indirect_dma source(%dma_start3A_26 : memref<80x128xf32, #tpu.memory_space<vmem>>) target(%dma_start3A_32 : memref<10240x128xf32, #tpu.memory_space<vmem_shared>>) offsets(%dma_start3A_29 : memref<80xi32, #tpu.memory_space<vmem>>) semaphore(%dma_start3A_34 : memref<!tpu.dma_semaphore, #tpu.memory_space<semaphore_mem>>) {add = true}
        %dma_start3A_35 = arith.constant 0 : i32
        %dma_start3A_36 = arith.constant 1 : i32
        %dma_start3A_37 = arith.constant 1 : i32
        %dma_start3A_38 = arith.constant 0 : i32
        %dma_start3A_39 = arith.constant 0 : i32
        %dma_start3A_40 = tpu.memref_slice %arg10[%dma_start3A_35, %dma_start3A_38, %dma_start3A_39] : memref<4x80x128xf32, #tpu.memory_space<vmem>> -> memref<1x80x128xf32, #tpu.memory_space<vmem>>
        %dma_start3A_41 = tpu.memref_squeeze %dma_start3A_40 : memref<1x80x128xf32, #tpu.memory_space<vmem>> -> memref<80x128xf32, #tpu.memory_space<vmem>>
        %dma_start3A_42 = arith.constant 0 : i32
        %dma_start3A_43 = tpu.memref_slice %arg9[%dma_start3A_36, %dma_start3A_42] : memref<8x80xi32, #tpu.memory_space<vmem>> -> memref<1x80xi32, #tpu.memory_space<vmem>>
        %dma_start3A_44 = tpu.memref_squeeze %dma_start3A_43 : memref<1x80xi32, #tpu.memory_space<vmem>> -> memref<80xi32, #tpu.memory_space<vmem>>
        %dma_start3A_45 = arith.constant 0 : i32
        %dma_start3A_46 = arith.constant 0 : i32
        %dma_start3A_47 = tpu.memref_slice %arg11[%dma_start3A_45, %dma_start3A_46] : memref<10240x128xf32, #tpu.memory_space<vmem_shared>> -> memref<10240x128xf32, #tpu.memory_space<vmem_shared>>
        %dma_start3A_48 = tpu.memref_slice %arg13[%dma_start3A_37] : memref<4x!tpu.dma_semaphore, #tpu.memory_space<semaphore_mem>> -> memref<1x!tpu.dma_semaphore, #tpu.memory_space<semaphore_mem>>
        %dma_start3A_49 = tpu.memref_squeeze %dma_start3A_48 : memref<1x!tpu.dma_semaphore, #tpu.memory_space<semaphore_mem>> -> memref<!tpu.dma_semaphore, #tpu.memory_space<semaphore_mem>>
        tpu.enqueue_indirect_dma source(%dma_start3A_41 : memref<80x128xf32, #tpu.memory_space<vmem>>) target(%dma_start3A_47 : memref<10240x128xf32, #tpu.memory_space<vmem_shared>>) offsets(%dma_start3A_44 : memref<80xi32, #tpu.memory_space<vmem>>) semaphore(%dma_start3A_49 : memref<!tpu.dma_semaphore, #tpu.memory_space<semaphore_mem>>) {add = true}
        %dma_start3A_50 = arith.constant 0 : i32
        %dma_start3A_51 = arith.constant 2 : i32
        %dma_start3A_52 = arith.constant 2 : i32
        %dma_start3A_53 = arith.constant 0 : i32
        %dma_start3A_54 = arith.constant 0 : i32
        %dma_start3A_55 = tpu.memref_slice %arg10[%dma_start3A_50, %dma_start3A_53, %dma_start3A_54] : memref<4x80x128xf32, #tpu.memory_space<vmem>> -> memref<1x80x128xf32, #tpu.memory_space<vmem>>
        %dma_start3A_56 = tpu.memref_squeeze %dma_start3A_55 : memref<1x80x128xf32, #tpu.memory_space<vmem>> -> memref<80x128xf32, #tpu.memory_space<vmem>>
        %dma_start3A_57 = arith.constant 0 : i32
        %dma_start3A_58 = tpu.memref_slice %arg9[%dma_start3A_51, %dma_start3A_57] : memref<8x80xi32, #tpu.memory_space<vmem>> -> memref<1x80xi32, #tpu.memory_space<vmem>>
        %dma_start3A_59 = tpu.memref_squeeze %dma_start3A_58 : memref<1x80xi32, #tpu.memory_space<vmem>> -> memref<80xi32, #tpu.memory_space<vmem>>
        %dma_start3A_60 = arith.constant 0 : i32
        %dma_start3A_61 = arith.constant 0 : i32
        %dma_start3A_62 = tpu.memref_slice %arg11[%dma_start3A_60, %dma_start3A_61] : memref<10240x128xf32, #tpu.memory_space<vmem_shared>> -> memref<10240x128xf32, #tpu.memory_space<vmem_shared>>
        %dma_start3A_63 = tpu.memref_slice %arg13[%dma_start3A_52] : memref<4x!tpu.dma_semaphore, #tpu.memory_space<semaphore_mem>> -> memref<1x!tpu.dma_semaphore, #tpu.memory_space<semaphore_mem>>
        %dma_start3A_64 = tpu.memref_squeeze %dma_start3A_63 : memref<1x!tpu.dma_semaphore, #tpu.memory_space<semaphore_mem>> -> memref<!tpu.dma_semaphore, #tpu.memory_space<semaphore_mem>>
        tpu.enqueue_indirect_dma source(%dma_start3A_56 : memref<80x128xf32, #tpu.memory_space<vmem>>) target(%dma_start3A_62 : memref<10240x128xf32, #tpu.memory_space<vmem_shared>>) offsets(%dma_start3A_59 : memref<80xi32, #tpu.memory_space<vmem>>) semaphore(%dma_start3A_64 : memref<!tpu.dma_semaphore, #tpu.memory_space<semaphore_mem>>) {add = true}
        %dma_start3A_65 = arith.constant 0 : i32
        %dma_start3A_66 = arith.constant 3 : i32
        %dma_start3A_67 = arith.constant 3 : i32
        %dma_start3A_68 = arith.constant 0 : i32
        %dma_start3A_69 = arith.constant 0 : i32
        %dma_start3A_70 = tpu.memref_slice %arg10[%dma_start3A_65, %dma_start3A_68, %dma_start3A_69] : memref<4x80x128xf32, #tpu.memory_space<vmem>> -> memref<1x80x128xf32, #tpu.memory_space<vmem>>
        %dma_start3A_71 = tpu.memref_squeeze %dma_start3A_70 : memref<1x80x128xf32, #tpu.memory_space<vmem>> -> memref<80x128xf32, #tpu.memory_space<vmem>>
        %dma_start3A_72 = arith.constant 0 : i32
        %dma_start3A_73 = tpu.memref_slice %arg9[%dma_start3A_66, %dma_start3A_72] : memref<8x80xi32, #tpu.memory_space<vmem>> -> memref<1x80xi32, #tpu.memory_space<vmem>>
        %dma_start3A_74 = tpu.memref_squeeze %dma_start3A_73 : memref<1x80xi32, #tpu.memory_space<vmem>> -> memref<80xi32, #tpu.memory_space<vmem>>
        %dma_start3A_75 = arith.constant 0 : i32
        %dma_start3A_76 = arith.constant 0 : i32
        %dma_start3A_77 = tpu.memref_slice %arg11[%dma_start3A_75, %dma_start3A_76] : memref<10240x128xf32, #tpu.memory_space<vmem_shared>> -> memref<10240x128xf32, #tpu.memory_space<vmem_shared>>
        %dma_start3A_78 = tpu.memref_slice %arg13[%dma_start3A_67] : memref<4x!tpu.dma_semaphore, #tpu.memory_space<semaphore_mem>> -> memref<1x!tpu.dma_semaphore, #tpu.memory_space<semaphore_mem>>
        %dma_start3A_79 = tpu.memref_squeeze %dma_start3A_78 : memref<1x!tpu.dma_semaphore, #tpu.memory_space<semaphore_mem>> -> memref<!tpu.dma_semaphore, #tpu.memory_space<semaphore_mem>>
        tpu.enqueue_indirect_dma source(%dma_start3A_71 : memref<80x128xf32, #tpu.memory_space<vmem>>) target(%dma_start3A_77 : memref<10240x128xf32, #tpu.memory_space<vmem_shared>>) offsets(%dma_start3A_74 : memref<80xi32, #tpu.memory_space<vmem>>) semaphore(%dma_start3A_79 : memref<!tpu.dma_semaphore, #tpu.memory_space<semaphore_mem>>) {add = true}
        %dma_wait3A = arith.constant 0 : i32
        %dma_wait3A_80 = arith.constant 0 : i32
        %dma_wait3A_81 = arith.constant 0 : i32
        %dma_wait3A_82 = arith.constant 0 : i32
        %dma_wait3A_83 = arith.constant 0 : i32
        %dma_wait3A_84 = tpu.memref_slice %arg10[%dma_wait3A, %dma_wait3A_82, %dma_wait3A_83] : memref<4x80x128xf32, #tpu.memory_space<vmem>> -> memref<1x80x128xf32, #tpu.memory_space<vmem>>
        %dma_wait3A_85 = tpu.memref_squeeze %dma_wait3A_84 : memref<1x80x128xf32, #tpu.memory_space<vmem>> -> memref<80x128xf32, #tpu.memory_space<vmem>>
        %dma_wait3A_86 = arith.constant 0 : i32
        %dma_wait3A_87 = tpu.memref_slice %arg9[%dma_wait3A_80, %dma_wait3A_86] : memref<8x80xi32, #tpu.memory_space<vmem>> -> memref<1x80xi32, #tpu.memory_space<vmem>>
        %dma_wait3A_88 = tpu.memref_squeeze %dma_wait3A_87 : memref<1x80xi32, #tpu.memory_space<vmem>> -> memref<80xi32, #tpu.memory_space<vmem>>
        %dma_wait3A_89 = arith.constant 0 : i32
        %dma_wait3A_90 = arith.constant 0 : i32
        %dma_wait3A_91 = tpu.memref_slice %arg11[%dma_wait3A_89, %dma_wait3A_90] : memref<10240x128xf32, #tpu.memory_space<vmem_shared>> -> memref<10240x128xf32, #tpu.memory_space<vmem_shared>>
        %dma_wait3A_92 = tpu.memref_slice %arg13[%dma_wait3A_81] : memref<4x!tpu.dma_semaphore, #tpu.memory_space<semaphore_mem>> -> memref<1x!tpu.dma_semaphore, #tpu.memory_space<semaphore_mem>>
        %dma_wait3A_93 = tpu.memref_squeeze %dma_wait3A_92 : memref<1x!tpu.dma_semaphore, #tpu.memory_space<semaphore_mem>> -> memref<!tpu.dma_semaphore, #tpu.memory_space<semaphore_mem>>
        tpu.wait_indirect_dma semaphore(%dma_wait3A_93 : memref<!tpu.dma_semaphore, #tpu.memory_space<semaphore_mem>>) src(%dma_wait3A_85 : memref<80x128xf32, #tpu.memory_space<vmem>>) dst(%dma_wait3A_91 : memref<10240x128xf32, #tpu.memory_space<vmem_shared>>)
        %dma_start3A_94 = arith.constant 0 : i32
        %dma_start3A_95 = arith.constant 4 : i32
        %dma_start3A_96 = arith.constant 0 : i32
        %dma_start3A_97 = arith.constant 0 : i32
        %dma_start3A_98 = arith.constant 0 : i32
        %dma_start3A_99 = tpu.memref_slice %arg10[%dma_start3A_94, %dma_start3A_97, %dma_start3A_98] : memref<4x80x128xf32, #tpu.memory_space<vmem>> -> memref<1x80x128xf32, #tpu.memory_space<vmem>>
        %dma_start3A_100 = tpu.memref_squeeze %dma_start3A_99 : memref<1x80x128xf32, #tpu.memory_space<vmem>> -> memref<80x128xf32, #tpu.memory_space<vmem>>
        %dma_start3A_101 = arith.constant 0 : i32
        %dma_start3A_102 = tpu.memref_slice %arg9[%dma_start3A_95, %dma_start3A_101] : memref<8x80xi32, #tpu.memory_space<vmem>> -> memref<1x80xi32, #tpu.memory_space<vmem>>
        %dma_start3A_103 = tpu.memref_squeeze %dma_start3A_102 : memref<1x80xi32, #tpu.memory_space<vmem>> -> memref<80xi32, #tpu.memory_space<vmem>>
        %dma_start3A_104 = arith.constant 0 : i32
        %dma_start3A_105 = arith.constant 0 : i32
        %dma_start3A_106 = tpu.memref_slice %arg11[%dma_start3A_104, %dma_start3A_105] : memref<10240x128xf32, #tpu.memory_space<vmem_shared>> -> memref<10240x128xf32, #tpu.memory_space<vmem_shared>>
        %dma_start3A_107 = tpu.memref_slice %arg13[%dma_start3A_96] : memref<4x!tpu.dma_semaphore, #tpu.memory_space<semaphore_mem>> -> memref<1x!tpu.dma_semaphore, #tpu.memory_space<semaphore_mem>>
        %dma_start3A_108 = tpu.memref_squeeze %dma_start3A_107 : memref<1x!tpu.dma_semaphore, #tpu.memory_space<semaphore_mem>> -> memref<!tpu.dma_semaphore, #tpu.memory_space<semaphore_mem>>
        tpu.enqueue_indirect_dma source(%dma_start3A_100 : memref<80x128xf32, #tpu.memory_space<vmem>>) target(%dma_start3A_106 : memref<10240x128xf32, #tpu.memory_space<vmem_shared>>) offsets(%dma_start3A_103 : memref<80xi32, #tpu.memory_space<vmem>>) semaphore(%dma_start3A_108 : memref<!tpu.dma_semaphore, #tpu.memory_space<semaphore_mem>>) {add = true}
        %dma_wait3A_109 = arith.constant 0 : i32
        %dma_wait3A_110 = arith.constant 1 : i32
        %dma_wait3A_111 = arith.constant 1 : i32
        %dma_wait3A_112 = arith.constant 0 : i32
        %dma_wait3A_113 = arith.constant 0 : i32
        %dma_wait3A_114 = tpu.memref_slice %arg10[%dma_wait3A_109, %dma_wait3A_112, %dma_wait3A_113] : memref<4x80x128xf32, #tpu.memory_space<vmem>> -> memref<1x80x128xf32, #tpu.memory_space<vmem>>
        %dma_wait3A_115 = tpu.memref_squeeze %dma_wait3A_114 : memref<1x80x128xf32, #tpu.memory_space<vmem>> -> memref<80x128xf32, #tpu.memory_space<vmem>>
        %dma_wait3A_116 = arith.constant 0 : i32
        %dma_wait3A_117 = tpu.memref_slice %arg9[%dma_wait3A_110, %dma_wait3A_116] : memref<8x80xi32, #tpu.memory_space<vmem>> -> memref<1x80xi32, #tpu.memory_space<vmem>>
        %dma_wait3A_118 = tpu.memref_squeeze %dma_wait3A_117 : memref<1x80xi32, #tpu.memory_space<vmem>> -> memref<80xi32, #tpu.memory_space<vmem>>
        %dma_wait3A_119 = arith.constant 0 : i32
        %dma_wait3A_120 = arith.constant 0 : i32
        %dma_wait3A_121 = tpu.memref_slice %arg11[%dma_wait3A_119, %dma_wait3A_120] : memref<10240x128xf32, #tpu.memory_space<vmem_shared>> -> memref<10240x128xf32, #tpu.memory_space<vmem_shared>>
        %dma_wait3A_122 = tpu.memref_slice %arg13[%dma_wait3A_111] : memref<4x!tpu.dma_semaphore, #tpu.memory_space<semaphore_mem>> -> memref<1x!tpu.dma_semaphore, #tpu.memory_space<semaphore_mem>>
        %dma_wait3A_123 = tpu.memref_squeeze %dma_wait3A_122 : memref<1x!tpu.dma_semaphore, #tpu.memory_space<semaphore_mem>> -> memref<!tpu.dma_semaphore, #tpu.memory_space<semaphore_mem>>
        tpu.wait_indirect_dma semaphore(%dma_wait3A_123 : memref<!tpu.dma_semaphore, #tpu.memory_space<semaphore_mem>>) src(%dma_wait3A_115 : memref<80x128xf32, #tpu.memory_space<vmem>>) dst(%dma_wait3A_121 : memref<10240x128xf32, #tpu.memory_space<vmem_shared>>)
        %dma_start3A_124 = arith.constant 0 : i32
        %dma_start3A_125 = arith.constant 5 : i32
        %dma_start3A_126 = arith.constant 1 : i32
        %dma_start3A_127 = arith.constant 0 : i32
        %dma_start3A_128 = arith.constant 0 : i32
        %dma_start3A_129 = tpu.memref_slice %arg10[%dma_start3A_124, %dma_start3A_127, %dma_start3A_128] : memref<4x80x128xf32, #tpu.memory_space<vmem>> -> memref<1x80x128xf32, #tpu.memory_space<vmem>>
        %dma_start3A_130 = tpu.memref_squeeze %dma_start3A_129 : memref<1x80x128xf32, #tpu.memory_space<vmem>> -> memref<80x128xf32, #tpu.memory_space<vmem>>
        %dma_start3A_131 = arith.constant 0 : i32
        %dma_start3A_132 = tpu.memref_slice %arg9[%dma_start3A_125, %dma_start3A_131] : memref<8x80xi32, #tpu.memory_space<vmem>> -> memref<1x80xi32, #tpu.memory_space<vmem>>
        %dma_start3A_133 = tpu.memref_squeeze %dma_start3A_132 : memref<1x80xi32, #tpu.memory_space<vmem>> -> memref<80xi32, #tpu.memory_space<vmem>>
        %dma_start3A_134 = arith.constant 0 : i32
        %dma_start3A_135 = arith.constant 0 : i32
        %dma_start3A_136 = tpu.memref_slice %arg11[%dma_start3A_134, %dma_start3A_135] : memref<10240x128xf32, #tpu.memory_space<vmem_shared>> -> memref<10240x128xf32, #tpu.memory_space<vmem_shared>>
        %dma_start3A_137 = tpu.memref_slice %arg13[%dma_start3A_126] : memref<4x!tpu.dma_semaphore, #tpu.memory_space<semaphore_mem>> -> memref<1x!tpu.dma_semaphore, #tpu.memory_space<semaphore_mem>>
        %dma_start3A_138 = tpu.memref_squeeze %dma_start3A_137 : memref<1x!tpu.dma_semaphore, #tpu.memory_space<semaphore_mem>> -> memref<!tpu.dma_semaphore, #tpu.memory_space<semaphore_mem>>
        tpu.enqueue_indirect_dma source(%dma_start3A_130 : memref<80x128xf32, #tpu.memory_space<vmem>>) target(%dma_start3A_136 : memref<10240x128xf32, #tpu.memory_space<vmem_shared>>) offsets(%dma_start3A_133 : memref<80xi32, #tpu.memory_space<vmem>>) semaphore(%dma_start3A_138 : memref<!tpu.dma_semaphore, #tpu.memory_space<semaphore_mem>>) {add = true}
        %dma_wait3A_139 = arith.constant 0 : i32
        %dma_wait3A_140 = arith.constant 2 : i32
        %dma_wait3A_141 = arith.constant 2 : i32
        %dma_wait3A_142 = arith.constant 0 : i32
        %dma_wait3A_143 = arith.constant 0 : i32
        %dma_wait3A_144 = tpu.memref_slice %arg10[%dma_wait3A_139, %dma_wait3A_142, %dma_wait3A_143] : memref<4x80x128xf32, #tpu.memory_space<vmem>> -> memref<1x80x128xf32, #tpu.memory_space<vmem>>
        %dma_wait3A_145 = tpu.memref_squeeze %dma_wait3A_144 : memref<1x80x128xf32, #tpu.memory_space<vmem>> -> memref<80x128xf32, #tpu.memory_space<vmem>>
        %dma_wait3A_146 = arith.constant 0 : i32
        %dma_wait3A_147 = tpu.memref_slice %arg9[%dma_wait3A_140, %dma_wait3A_146] : memref<8x80xi32, #tpu.memory_space<vmem>> -> memref<1x80xi32, #tpu.memory_space<vmem>>
        %dma_wait3A_148 = tpu.memref_squeeze %dma_wait3A_147 : memref<1x80xi32, #tpu.memory_space<vmem>> -> memref<80xi32, #tpu.memory_space<vmem>>
        %dma_wait3A_149 = arith.constant 0 : i32
        %dma_wait3A_150 = arith.constant 0 : i32
        %dma_wait3A_151 = tpu.memref_slice %arg11[%dma_wait3A_149, %dma_wait3A_150] : memref<10240x128xf32, #tpu.memory_space<vmem_shared>> -> memref<10240x128xf32, #tpu.memory_space<vmem_shared>>
        %dma_wait3A_152 = tpu.memref_slice %arg13[%dma_wait3A_141] : memref<4x!tpu.dma_semaphore, #tpu.memory_space<semaphore_mem>> -> memref<1x!tpu.dma_semaphore, #tpu.memory_space<semaphore_mem>>
        %dma_wait3A_153 = tpu.memref_squeeze %dma_wait3A_152 : memref<1x!tpu.dma_semaphore, #tpu.memory_space<semaphore_mem>> -> memref<!tpu.dma_semaphore, #tpu.memory_space<semaphore_mem>>
        tpu.wait_indirect_dma semaphore(%dma_wait3A_153 : memref<!tpu.dma_semaphore, #tpu.memory_space<semaphore_mem>>) src(%dma_wait3A_145 : memref<80x128xf32, #tpu.memory_space<vmem>>) dst(%dma_wait3A_151 : memref<10240x128xf32, #tpu.memory_space<vmem_shared>>)
        %dma_start3A_154 = arith.constant 0 : i32
        %dma_start3A_155 = arith.constant 6 : i32
        %dma_start3A_156 = arith.constant 2 : i32
        %dma_start3A_157 = arith.constant 0 : i32
        %dma_start3A_158 = arith.constant 0 : i32
        %dma_start3A_159 = tpu.memref_slice %arg10[%dma_start3A_154, %dma_start3A_157, %dma_start3A_158] : memref<4x80x128xf32, #tpu.memory_space<vmem>> -> memref<1x80x128xf32, #tpu.memory_space<vmem>>
        %dma_start3A_160 = tpu.memref_squeeze %dma_start3A_159 : memref<1x80x128xf32, #tpu.memory_space<vmem>> -> memref<80x128xf32, #tpu.memory_space<vmem>>
        %dma_start3A_161 = arith.constant 0 : i32
        %dma_start3A_162 = tpu.memref_slice %arg9[%dma_start3A_155, %dma_start3A_161] : memref<8x80xi32, #tpu.memory_space<vmem>> -> memref<1x80xi32, #tpu.memory_space<vmem>>
        %dma_start3A_163 = tpu.memref_squeeze %dma_start3A_162 : memref<1x80xi32, #tpu.memory_space<vmem>> -> memref<80xi32, #tpu.memory_space<vmem>>
        %dma_start3A_164 = arith.constant 0 : i32
        %dma_start3A_165 = arith.constant 0 : i32
        %dma_start3A_166 = tpu.memref_slice %arg11[%dma_start3A_164, %dma_start3A_165] : memref<10240x128xf32, #tpu.memory_space<vmem_shared>> -> memref<10240x128xf32, #tpu.memory_space<vmem_shared>>
        %dma_start3A_167 = tpu.memref_slice %arg13[%dma_start3A_156] : memref<4x!tpu.dma_semaphore, #tpu.memory_space<semaphore_mem>> -> memref<1x!tpu.dma_semaphore, #tpu.memory_space<semaphore_mem>>
        %dma_start3A_168 = tpu.memref_squeeze %dma_start3A_167 : memref<1x!tpu.dma_semaphore, #tpu.memory_space<semaphore_mem>> -> memref<!tpu.dma_semaphore, #tpu.memory_space<semaphore_mem>>
        tpu.enqueue_indirect_dma source(%dma_start3A_160 : memref<80x128xf32, #tpu.memory_space<vmem>>) target(%dma_start3A_166 : memref<10240x128xf32, #tpu.memory_space<vmem_shared>>) offsets(%dma_start3A_163 : memref<80xi32, #tpu.memory_space<vmem>>) semaphore(%dma_start3A_168 : memref<!tpu.dma_semaphore, #tpu.memory_space<semaphore_mem>>) {add = true}
        %dma_wait3A_169 = arith.constant 0 : i32
        %dma_wait3A_170 = arith.constant 3 : i32
        %dma_wait3A_171 = arith.constant 3 : i32
        %dma_wait3A_172 = arith.constant 0 : i32
        %dma_wait3A_173 = arith.constant 0 : i32
        %dma_wait3A_174 = tpu.memref_slice %arg10[%dma_wait3A_169, %dma_wait3A_172, %dma_wait3A_173] : memref<4x80x128xf32, #tpu.memory_space<vmem>> -> memref<1x80x128xf32, #tpu.memory_space<vmem>>
        %dma_wait3A_175 = tpu.memref_squeeze %dma_wait3A_174 : memref<1x80x128xf32, #tpu.memory_space<vmem>> -> memref<80x128xf32, #tpu.memory_space<vmem>>
        %dma_wait3A_176 = arith.constant 0 : i32
        %dma_wait3A_177 = tpu.memref_slice %arg9[%dma_wait3A_170, %dma_wait3A_176] : memref<8x80xi32, #tpu.memory_space<vmem>> -> memref<1x80xi32, #tpu.memory_space<vmem>>
        %dma_wait3A_178 = tpu.memref_squeeze %dma_wait3A_177 : memref<1x80xi32, #tpu.memory_space<vmem>> -> memref<80xi32, #tpu.memory_space<vmem>>
        %dma_wait3A_179 = arith.constant 0 : i32
        %dma_wait3A_180 = arith.constant 0 : i32
        %dma_wait3A_181 = tpu.memref_slice %arg11[%dma_wait3A_179, %dma_wait3A_180] : memref<10240x128xf32, #tpu.memory_space<vmem_shared>> -> memref<10240x128xf32, #tpu.memory_space<vmem_shared>>
        %dma_wait3A_182 = tpu.memref_slice %arg13[%dma_wait3A_171] : memref<4x!tpu.dma_semaphore, #tpu.memory_space<semaphore_mem>> -> memref<1x!tpu.dma_semaphore, #tpu.memory_space<semaphore_mem>>
        %dma_wait3A_183 = tpu.memref_squeeze %dma_wait3A_182 : memref<1x!tpu.dma_semaphore, #tpu.memory_space<semaphore_mem>> -> memref<!tpu.dma_semaphore, #tpu.memory_space<semaphore_mem>>
        tpu.wait_indirect_dma semaphore(%dma_wait3A_183 : memref<!tpu.dma_semaphore, #tpu.memory_space<semaphore_mem>>) src(%dma_wait3A_175 : memref<80x128xf32, #tpu.memory_space<vmem>>) dst(%dma_wait3A_181 : memref<10240x128xf32, #tpu.memory_space<vmem_shared>>)
        %dma_start3A_184 = arith.constant 0 : i32
        %dma_start3A_185 = arith.constant 7 : i32
        %dma_start3A_186 = arith.constant 3 : i32
        %dma_start3A_187 = arith.constant 0 : i32
        %dma_start3A_188 = arith.constant 0 : i32
        %dma_start3A_189 = tpu.memref_slice %arg10[%dma_start3A_184, %dma_start3A_187, %dma_start3A_188] : memref<4x80x128xf32, #tpu.memory_space<vmem>> -> memref<1x80x128xf32, #tpu.memory_space<vmem>>
        %dma_start3A_190 = tpu.memref_squeeze %dma_start3A_189 : memref<1x80x128xf32, #tpu.memory_space<vmem>> -> memref<80x128xf32, #tpu.memory_space<vmem>>
        %dma_start3A_191 = arith.constant 0 : i32
        %dma_start3A_192 = tpu.memref_slice %arg9[%dma_start3A_185, %dma_start3A_191] : memref<8x80xi32, #tpu.memory_space<vmem>> -> memref<1x80xi32, #tpu.memory_space<vmem>>
        %dma_start3A_193 = tpu.memref_squeeze %dma_start3A_192 : memref<1x80xi32, #tpu.memory_space<vmem>> -> memref<80xi32, #tpu.memory_space<vmem>>
        %dma_start3A_194 = arith.constant 0 : i32
        %dma_start3A_195 = arith.constant 0 : i32
        %dma_start3A_196 = tpu.memref_slice %arg11[%dma_start3A_194, %dma_start3A_195] : memref<10240x128xf32, #tpu.memory_space<vmem_shared>> -> memref<10240x128xf32, #tpu.memory_space<vmem_shared>>
        %dma_start3A_197 = tpu.memref_slice %arg13[%dma_start3A_186] : memref<4x!tpu.dma_semaphore, #tpu.memory_space<semaphore_mem>> -> memref<1x!tpu.dma_semaphore, #tpu.memory_space<semaphore_mem>>
        %dma_start3A_198 = tpu.memref_squeeze %dma_start3A_197 : memref<1x!tpu.dma_semaphore, #tpu.memory_space<semaphore_mem>> -> memref<!tpu.dma_semaphore, #tpu.memory_space<semaphore_mem>>
        tpu.enqueue_indirect_dma source(%dma_start3A_190 : memref<80x128xf32, #tpu.memory_space<vmem>>) target(%dma_start3A_196 : memref<10240x128xf32, #tpu.memory_space<vmem_shared>>) offsets(%dma_start3A_193 : memref<80xi32, #tpu.memory_space<vmem>>) semaphore(%dma_start3A_198 : memref<!tpu.dma_semaphore, #tpu.memory_space<semaphore_mem>>) {add = true}
        %dma_wait3A_199 = arith.constant 0 : i32
        %dma_wait3A_200 = arith.constant 4 : i32
        %dma_wait3A_201 = arith.constant 0 : i32
        %dma_wait3A_202 = arith.constant 0 : i32
        %dma_wait3A_203 = arith.constant 0 : i32
        %dma_wait3A_204 = tpu.memref_slice %arg10[%dma_wait3A_199, %dma_wait3A_202, %dma_wait3A_203] : memref<4x80x128xf32, #tpu.memory_space<vmem>> -> memref<1x80x128xf32, #tpu.memory_space<vmem>>
        %dma_wait3A_205 = tpu.memref_squeeze %dma_wait3A_204 : memref<1x80x128xf32, #tpu.memory_space<vmem>> -> memref<80x128xf32, #tpu.memory_space<vmem>>
        %dma_wait3A_206 = arith.constant 0 : i32
        %dma_wait3A_207 = tpu.memref_slice %arg9[%dma_wait3A_200, %dma_wait3A_206] : memref<8x80xi32, #tpu.memory_space<vmem>> -> memref<1x80xi32, #tpu.memory_space<vmem>>
        %dma_wait3A_208 = tpu.memref_squeeze %dma_wait3A_207 : memref<1x80xi32, #tpu.memory_space<vmem>> -> memref<80xi32, #tpu.memory_space<vmem>>
        %dma_wait3A_209 = arith.constant 0 : i32
        %dma_wait3A_210 = arith.constant 0 : i32
        %dma_wait3A_211 = tpu.memref_slice %arg11[%dma_wait3A_209, %dma_wait3A_210] : memref<10240x128xf32, #tpu.memory_space<vmem_shared>> -> memref<10240x128xf32, #tpu.memory_space<vmem_shared>>
        %dma_wait3A_212 = tpu.memref_slice %arg13[%dma_wait3A_201] : memref<4x!tpu.dma_semaphore, #tpu.memory_space<semaphore_mem>> -> memref<1x!tpu.dma_semaphore, #tpu.memory_space<semaphore_mem>>
        %dma_wait3A_213 = tpu.memref_squeeze %dma_wait3A_212 : memref<1x!tpu.dma_semaphore, #tpu.memory_space<semaphore_mem>> -> memref<!tpu.dma_semaphore, #tpu.memory_space<semaphore_mem>>
        tpu.wait_indirect_dma semaphore(%dma_wait3A_213 : memref<!tpu.dma_semaphore, #tpu.memory_space<semaphore_mem>>) src(%dma_wait3A_205 : memref<80x128xf32, #tpu.memory_space<vmem>>) dst(%dma_wait3A_211 : memref<10240x128xf32, #tpu.memory_space<vmem_shared>>)
        %dma_wait3A_214 = arith.constant 0 : i32
        %dma_wait3A_215 = arith.constant 5 : i32
        %dma_wait3A_216 = arith.constant 1 : i32
        %dma_wait3A_217 = arith.constant 0 : i32
        %dma_wait3A_218 = arith.constant 0 : i32
        %dma_wait3A_219 = tpu.memref_slice %arg10[%dma_wait3A_214, %dma_wait3A_217, %dma_wait3A_218] : memref<4x80x128xf32, #tpu.memory_space<vmem>> -> memref<1x80x128xf32, #tpu.memory_space<vmem>>
        %dma_wait3A_220 = tpu.memref_squeeze %dma_wait3A_219 : memref<1x80x128xf32, #tpu.memory_space<vmem>> -> memref<80x128xf32, #tpu.memory_space<vmem>>
        %dma_wait3A_221 = arith.constant 0 : i32
        %dma_wait3A_222 = tpu.memref_slice %arg9[%dma_wait3A_215, %dma_wait3A_221] : memref<8x80xi32, #tpu.memory_space<vmem>> -> memref<1x80xi32, #tpu.memory_space<vmem>>
        %dma_wait3A_223 = tpu.memref_squeeze %dma_wait3A_222 : memref<1x80xi32, #tpu.memory_space<vmem>> -> memref<80xi32, #tpu.memory_space<vmem>>
        %dma_wait3A_224 = arith.constant 0 : i32
        %dma_wait3A_225 = arith.constant 0 : i32
        %dma_wait3A_226 = tpu.memref_slice %arg11[%dma_wait3A_224, %dma_wait3A_225] : memref<10240x128xf32, #tpu.memory_space<vmem_shared>> -> memref<10240x128xf32, #tpu.memory_space<vmem_shared>>
        %dma_wait3A_227 = tpu.memref_slice %arg13[%dma_wait3A_216] : memref<4x!tpu.dma_semaphore, #tpu.memory_space<semaphore_mem>> -> memref<1x!tpu.dma_semaphore, #tpu.memory_space<semaphore_mem>>
        %dma_wait3A_228 = tpu.memref_squeeze %dma_wait3A_227 : memref<1x!tpu.dma_semaphore, #tpu.memory_space<semaphore_mem>> -> memref<!tpu.dma_semaphore, #tpu.memory_space<semaphore_mem>>
        tpu.wait_indirect_dma semaphore(%dma_wait3A_228 : memref<!tpu.dma_semaphore, #tpu.memory_space<semaphore_mem>>) src(%dma_wait3A_220 : memref<80x128xf32, #tpu.memory_space<vmem>>) dst(%dma_wait3A_226 : memref<10240x128xf32, #tpu.memory_space<vmem_shared>>)
        %dma_wait3A_229 = arith.constant 0 : i32
        %dma_wait3A_230 = arith.constant 6 : i32
        %dma_wait3A_231 = arith.constant 2 : i32
        %dma_wait3A_232 = arith.constant 0 : i32
        %dma_wait3A_233 = arith.constant 0 : i32
        %dma_wait3A_234 = tpu.memref_slice %arg10[%dma_wait3A_229, %dma_wait3A_232, %dma_wait3A_233] : memref<4x80x128xf32, #tpu.memory_space<vmem>> -> memref<1x80x128xf32, #tpu.memory_space<vmem>>
        %dma_wait3A_235 = tpu.memref_squeeze %dma_wait3A_234 : memref<1x80x128xf32, #tpu.memory_space<vmem>> -> memref<80x128xf32, #tpu.memory_space<vmem>>
        %dma_wait3A_236 = arith.constant 0 : i32
        %dma_wait3A_237 = tpu.memref_slice %arg9[%dma_wait3A_230, %dma_wait3A_236] : memref<8x80xi32, #tpu.memory_space<vmem>> -> memref<1x80xi32, #tpu.memory_space<vmem>>
        %dma_wait3A_238 = tpu.memref_squeeze %dma_wait3A_237 : memref<1x80xi32, #tpu.memory_space<vmem>> -> memref<80xi32, #tpu.memory_space<vmem>>
        %dma_wait3A_239 = arith.constant 0 : i32
        %dma_wait3A_240 = arith.constant 0 : i32
        %dma_wait3A_241 = tpu.memref_slice %arg11[%dma_wait3A_239, %dma_wait3A_240] : memref<10240x128xf32, #tpu.memory_space<vmem_shared>> -> memref<10240x128xf32, #tpu.memory_space<vmem_shared>>
        %dma_wait3A_242 = tpu.memref_slice %arg13[%dma_wait3A_231] : memref<4x!tpu.dma_semaphore, #tpu.memory_space<semaphore_mem>> -> memref<1x!tpu.dma_semaphore, #tpu.memory_space<semaphore_mem>>
        %dma_wait3A_243 = tpu.memref_squeeze %dma_wait3A_242 : memref<1x!tpu.dma_semaphore, #tpu.memory_space<semaphore_mem>> -> memref<!tpu.dma_semaphore, #tpu.memory_space<semaphore_mem>>
        tpu.wait_indirect_dma semaphore(%dma_wait3A_243 : memref<!tpu.dma_semaphore, #tpu.memory_space<semaphore_mem>>) src(%dma_wait3A_235 : memref<80x128xf32, #tpu.memory_space<vmem>>) dst(%dma_wait3A_241 : memref<10240x128xf32, #tpu.memory_space<vmem_shared>>)
        %dma_wait3A_244 = arith.constant 0 : i32
        %dma_wait3A_245 = arith.constant 7 : i32
        %dma_wait3A_246 = arith.constant 3 : i32
        %dma_wait3A_247 = arith.constant 0 : i32
        %dma_wait3A_248 = arith.constant 0 : i32
        %dma_wait3A_249 = tpu.memref_slice %arg10[%dma_wait3A_244, %dma_wait3A_247, %dma_wait3A_248] : memref<4x80x128xf32, #tpu.memory_space<vmem>> -> memref<1x80x128xf32, #tpu.memory_space<vmem>>
        %dma_wait3A_250 = tpu.memref_squeeze %dma_wait3A_249 : memref<1x80x128xf32, #tpu.memory_space<vmem>> -> memref<80x128xf32, #tpu.memory_space<vmem>>
        %dma_wait3A_251 = arith.constant 0 : i32
        %dma_wait3A_252 = tpu.memref_slice %arg9[%dma_wait3A_245, %dma_wait3A_251] : memref<8x80xi32, #tpu.memory_space<vmem>> -> memref<1x80xi32, #tpu.memory_space<vmem>>
        %dma_wait3A_253 = tpu.memref_squeeze %dma_wait3A_252 : memref<1x80xi32, #tpu.memory_space<vmem>> -> memref<80xi32, #tpu.memory_space<vmem>>
        %dma_wait3A_254 = arith.constant 0 : i32
        %dma_wait3A_255 = arith.constant 0 : i32
        %dma_wait3A_256 = tpu.memref_slice %arg11[%dma_wait3A_254, %dma_wait3A_255] : memref<10240x128xf32, #tpu.memory_space<vmem_shared>> -> memref<10240x128xf32, #tpu.memory_space<vmem_shared>>
        %dma_wait3A_257 = tpu.memref_slice %arg13[%dma_wait3A_246] : memref<4x!tpu.dma_semaphore, #tpu.memory_space<semaphore_mem>> -> memref<1x!tpu.dma_semaphore, #tpu.memory_space<semaphore_mem>>
        %dma_wait3A_258 = tpu.memref_squeeze %dma_wait3A_257 : memref<1x!tpu.dma_semaphore, #tpu.memory_space<semaphore_mem>> -> memref<!tpu.dma_semaphore, #tpu.memory_space<semaphore_mem>>
        tpu.wait_indirect_dma semaphore(%dma_wait3A_258 : memref<!tpu.dma_semaphore, #tpu.memory_space<semaphore_mem>>) src(%dma_wait3A_250 : memref<80x128xf32, #tpu.memory_space<vmem>>) dst(%dma_wait3A_256 : memref<10240x128xf32, #tpu.memory_space<vmem_shared>>)
      }
      %scan3A_17 = arith.constant 32 : i32
    } else {
    }
    %barrier3A_8 = arith.constant 0 : index
    tpu.barrier barrier_id(%barrier3A_8)
    %mul3A_9 = arith.constant 640 : i32
    %mul3A_10 = arith.muli %arg1, %mul3A_9 : i32
    %mul3A_11 = arith.constant 640 : i32
    %mul3A_12 = arith.muli %arg1, %mul3A_11 : i32
    "tpu.region"() ({
      %run_scoped3A = tpu.sem_alloc : memref<!tpu.dma_semaphore, #tpu.memory_space<semaphore_mem>>
      %dma_start3A = arith.constant 0 : i32
      %dma_start3A_13 = tpu.memref_slice %arg7[%arg0, %mul3A_12, %dma_start3A] : memref<2x10240x128xf32, #tpu.memory_space<hbm>> -> memref<1x640x128xf32, #tpu.memory_space<hbm>>
      %dma_start3A_14 = tpu.memref_squeeze %dma_start3A_13 : memref<1x640x128xf32, #tpu.memory_space<hbm>> -> memref<640x128xf32, #tpu.memory_space<hbm>>
      %dma_start3A_15 = arith.constant 0 : i32
      %dma_start3A_16 = tpu.memref_slice %arg11[%mul3A_10, %dma_start3A_15] : memref<10240x128xf32, #tpu.memory_space<vmem_shared>> -> memref<640x128xf32, #tpu.memory_space<vmem_shared>>
      tpu.enqueue_dma source(%dma_start3A_16 : memref<640x128xf32, #tpu.memory_space<vmem_shared>>) target(%dma_start3A_14 : memref<640x128xf32, #tpu.memory_space<hbm>>) target_semaphore(%run_scoped3A : memref<!tpu.dma_semaphore, #tpu.memory_space<semaphore_mem>>)
      %dma_wait3A = arith.constant 0 : i32
      %dma_wait3A_17 = tpu.memref_slice %arg7[%arg0, %mul3A_12, %dma_wait3A] : memref<2x10240x128xf32, #tpu.memory_space<hbm>> -> memref<1x640x128xf32, #tpu.memory_space<hbm>>
      %dma_wait3A_18 = tpu.memref_squeeze %dma_wait3A_17 : memref<1x640x128xf32, #tpu.memory_space<hbm>> -> memref<640x128xf32, #tpu.memory_space<hbm>>
      %dma_wait3A_19 = arith.constant 0 : i32
      %dma_wait3A_20 = tpu.memref_slice %arg11[%mul3A_10, %dma_wait3A_19] : memref<10240x128xf32, #tpu.memory_space<vmem_shared>> -> memref<640x128xf32, #tpu.memory_space<vmem_shared>>
      tpu.wait_dma2 semaphore(%run_scoped3A : memref<!tpu.dma_semaphore, #tpu.memory_space<semaphore_mem>>) src(%dma_wait3A_20 : memref<640x128xf32, #tpu.memory_space<vmem_shared>>) dst(%dma_wait3A_18 : memref<640x128xf32, #tpu.memory_space<hbm>>)
      tpu.yield
    }) : () -> ()
    return
  }
}

#map = affine_map<(d0, d1) -> (0, 0)>
#map1 = affine_map<(d0, d1) -> (0, 0, 0)>
module attributes {stable_mosaic.version = 14 : i64} {
  func.func @_seg_a_body(%arg0: i32, %arg1: i32, %arg2: memref<40000x128xf32, #tpu.memory_space<hbm>>, %arg3: memref<16x256x80xi32, #tpu.memory_space<hbm>>, %arg4: memref<16x256x80xi32, #tpu.memory_space<hbm>>, %arg5: memref<640x128xf32, #tpu.memory_space<hbm>>, %arg6: memref<4x10240x128xf32, #tpu.memory_space<hbm>>, %arg7: memref<8x80xi32, #tpu.memory_space<vmem>>, %arg8: memref<8x80xi32, #tpu.memory_space<vmem>>, %arg9: memref<4x80x128xf32, #tpu.memory_space<vmem>>, %arg10: memref<10240x128xf32, #tpu.memory_space<vmem_shared>>, %arg11: memref<4x!tpu.dma_semaphore, #tpu.memory_space<semaphore_mem>>, %arg12: memref<4x!tpu.dma_semaphore, #tpu.memory_space<semaphore_mem>>) attributes {dimension_semantics = [#tpu.dimension_semantics<core_parallel>, #tpu.dimension_semantics<subcore_parallel>], iteration_bounds = array<i64: 2, 16>, scalar_prefetch = 0 : i64, scratch_operands = 6 : i64, tpu.core_type = #tpu.core_type<sc_vector_subcore>, window_params = [{transform_indices = #map}, {transform_indices = #map1}, {transform_indices = #map1}, {transform_indices = #map}, {transform_indices = #map1}]} {
    %mul3A = arith.constant 2 : i32
    %mul3A_0 = arith.muli %arg0, %mul3A : i32
    %add3A = arith.constant 0 : i32
    %add3A_1 = arith.addi %mul3A_0, %add3A : i32
    %mul3A_2 = arith.constant 640 : i32
    %mul3A_3 = arith.muli %arg1, %mul3A_2 : i32
    "tpu.region"() ({
      %run_scoped3A = tpu.sem_alloc : memref<!tpu.dma_semaphore, #tpu.memory_space<semaphore_mem>>
      %dma_start3A = arith.constant 0 : i32
      %dma_start3A_36 = tpu.memref_slice %arg10[%mul3A_3, %dma_start3A] : memref<10240x128xf32, #tpu.memory_space<vmem_shared>> -> memref<640x128xf32, #tpu.memory_space<vmem_shared>>
      tpu.enqueue_dma source(%arg5 : memref<640x128xf32, #tpu.memory_space<hbm>>) target(%dma_start3A_36 : memref<640x128xf32, #tpu.memory_space<vmem_shared>>) target_semaphore(%run_scoped3A : memref<!tpu.dma_semaphore, #tpu.memory_space<semaphore_mem>>)
      %dma_wait3A = arith.constant 0 : i32
      %dma_wait3A_37 = tpu.memref_slice %arg10[%mul3A_3, %dma_wait3A] : memref<10240x128xf32, #tpu.memory_space<vmem_shared>> -> memref<640x128xf32, #tpu.memory_space<vmem_shared>>
      tpu.wait_dma2 semaphore(%run_scoped3A : memref<!tpu.dma_semaphore, #tpu.memory_space<semaphore_mem>>) src(%arg5 : memref<640x128xf32, #tpu.memory_space<hbm>>) dst(%dma_wait3A_37 : memref<640x128xf32, #tpu.memory_space<vmem_shared>>)
      tpu.yield
    }) : () -> ()
    %barrier3A = arith.constant 0 : index
    tpu.barrier barrier_id(%barrier3A)
    %mul3A_4 = arith.constant 10000 : i32
    %mul3A_5 = arith.muli %add3A_1, %mul3A_4 : i32
    %scan3A = arith.constant 0 : i32
    %scan3A_6 = arith.constant 0 : i32
    %scan3A_7 = arith.constant 32 : i32
    %scan3A_8 = arith.addi %scan3A_6, %scan3A_7 : i32
    %scan3A_9 = arith.constant 1 : i32
    scf.for %scan3A_36 = %scan3A_6 to %scan3A_8 step %scan3A_9  : i32 {
      %mul3A_37 = arith.constant 8 : i32
      %mul3A_38 = arith.muli %scan3A_36, %mul3A_37 : i32
      "tpu.region"() ({
        %run_scoped3A = tpu.sem_alloc : memref<!tpu.dma_semaphore, #tpu.memory_space<semaphore_mem>>
        %dma_start3A_1037 = arith.constant 0 : i32
        %dma_start3A_1038 = tpu.memref_slice %arg3[%arg1, %mul3A_38, %dma_start3A_1037] : memref<16x256x80xi32, #tpu.memory_space<hbm>> -> memref<1x8x80xi32, #tpu.memory_space<hbm>>
        %dma_start3A_1039 = tpu.memref_squeeze %dma_start3A_1038 : memref<1x8x80xi32, #tpu.memory_space<hbm>> -> memref<8x80xi32, #tpu.memory_space<hbm>>
        %dma_start3A_1040 = arith.constant 0 : i32
        %dma_start3A_1041 = tpu.memref_slice %arg3[%arg1, %mul3A_38, %dma_start3A_1040] : memref<16x256x80xi32, #tpu.memory_space<hbm>> -> memref<1x8x80xi32, #tpu.memory_space<hbm>>
        %dma_start3A_1042 = tpu.memref_squeeze %dma_start3A_1041 : memref<1x8x80xi32, #tpu.memory_space<hbm>> -> memref<8x80xi32, #tpu.memory_space<hbm>>
        tpu.enqueue_dma source(%dma_start3A_1042 : memref<8x80xi32, #tpu.memory_space<hbm>>) target(%arg7 : memref<8x80xi32, #tpu.memory_space<vmem>>) target_semaphore(%run_scoped3A : memref<!tpu.dma_semaphore, #tpu.memory_space<semaphore_mem>>)
        %dma_wait3A_1043 = arith.constant 0 : i32
        %dma_wait3A_1044 = tpu.memref_slice %arg3[%arg1, %mul3A_38, %dma_wait3A_1043] : memref<16x256x80xi32, #tpu.memory_space<hbm>> -> memref<1x8x80xi32, #tpu.memory_space<hbm>>
        %dma_wait3A_1045 = tpu.memref_squeeze %dma_wait3A_1044 : memref<1x8x80xi32, #tpu.memory_space<hbm>> -> memref<8x80xi32, #tpu.memory_space<hbm>>
        %dma_wait3A_1046 = arith.constant 0 : i32
        %dma_wait3A_1047 = tpu.memref_slice %arg3[%arg1, %mul3A_38, %dma_wait3A_1046] : memref<16x256x80xi32, #tpu.memory_space<hbm>> -> memref<1x8x80xi32, #tpu.memory_space<hbm>>
        %dma_wait3A_1048 = tpu.memref_squeeze %dma_wait3A_1047 : memref<1x8x80xi32, #tpu.memory_space<hbm>> -> memref<8x80xi32, #tpu.memory_space<hbm>>
        tpu.wait_dma2 semaphore(%run_scoped3A : memref<!tpu.dma_semaphore, #tpu.memory_space<semaphore_mem>>) src(%dma_wait3A_1048 : memref<8x80xi32, #tpu.memory_space<hbm>>) dst(%arg7 : memref<8x80xi32, #tpu.memory_space<vmem>>)
        tpu.yield
      }) : () -> ()
      %mul3A_39 = arith.constant 8 : i32
      %mul3A_40 = arith.muli %scan3A_36, %mul3A_39 : i32
      "tpu.region"() ({
        %run_scoped3A = tpu.sem_alloc : memref<!tpu.dma_semaphore, #tpu.memory_space<semaphore_mem>>
        %dma_start3A_1037 = arith.constant 0 : i32
        %dma_start3A_1038 = tpu.memref_slice %arg4[%arg1, %mul3A_40, %dma_start3A_1037] : memref<16x256x80xi32, #tpu.memory_space<hbm>> -> memref<1x8x80xi32, #tpu.memory_space<hbm>>
        %dma_start3A_1039 = tpu.memref_squeeze %dma_start3A_1038 : memref<1x8x80xi32, #tpu.memory_space<hbm>> -> memref<8x80xi32, #tpu.memory_space<hbm>>
        %dma_start3A_1040 = arith.constant 0 : i32
        %dma_start3A_1041 = tpu.memref_slice %arg4[%arg1, %mul3A_40, %dma_start3A_1040] : memref<16x256x80xi32, #tpu.memory_space<hbm>> -> memref<1x8x80xi32, #tpu.memory_space<hbm>>
        %dma_start3A_1042 = tpu.memref_squeeze %dma_start3A_1041 : memref<1x8x80xi32, #tpu.memory_space<hbm>> -> memref<8x80xi32, #tpu.memory_space<hbm>>
        tpu.enqueue_dma source(%dma_start3A_1042 : memref<8x80xi32, #tpu.memory_space<hbm>>) target(%arg8 : memref<8x80xi32, #tpu.memory_space<vmem>>) target_semaphore(%run_scoped3A : memref<!tpu.dma_semaphore, #tpu.memory_space<semaphore_mem>>)
        %dma_wait3A_1043 = arith.constant 0 : i32
        %dma_wait3A_1044 = tpu.memref_slice %arg4[%arg1, %mul3A_40, %dma_wait3A_1043] : memref<16x256x80xi32, #tpu.memory_space<hbm>> -> memref<1x8x80xi32, #tpu.memory_space<hbm>>
        %dma_wait3A_1045 = tpu.memref_squeeze %dma_wait3A_1044 : memref<1x8x80xi32, #tpu.memory_space<hbm>> -> memref<8x80xi32, #tpu.memory_space<hbm>>
        %dma_wait3A_1046 = arith.constant 0 : i32
        %dma_wait3A_1047 = tpu.memref_slice %arg4[%arg1, %mul3A_40, %dma_wait3A_1046] : memref<16x256x80xi32, #tpu.memory_space<hbm>> -> memref<1x8x80xi32, #tpu.memory_space<hbm>>
        %dma_wait3A_1048 = tpu.memref_squeeze %dma_wait3A_1047 : memref<1x8x80xi32, #tpu.memory_space<hbm>> -> memref<8x80xi32, #tpu.memory_space<hbm>>
        tpu.wait_dma2 semaphore(%run_scoped3A : memref<!tpu.dma_semaphore, #tpu.memory_space<semaphore_mem>>) src(%dma_wait3A_1048 : memref<8x80xi32, #tpu.memory_space<hbm>>) dst(%arg8 : memref<8x80xi32, #tpu.memory_space<vmem>>)
        tpu.yield
      }) : () -> ()
      %get3A = arith.constant 0 : i32
      %get3A_41 = arith.index_cast %get3A : i32 to index
      %get3A_42 = arith.constant 0 : index
      %get3A_43 = tpu.vector_load %arg7[%get3A_41, %get3A_42] {strides = array<i32>} : memref<8x80xi32, #tpu.memory_space<vmem>>, vector<1x16xi32>,
      %get3A_44 = vector.shape_cast %get3A_43 : vector<1x16xi32> to vector<16xi32>
      %add3A_45 = vector.broadcast %mul3A_5 : i32 to vector<16xi32>
      %add3A_46 = arith.addi %get3A_44, %add3A_45 : vector<16xi32>
      %swap3A = arith.constant 0 : i32
      %swap3A_47 = arith.index_cast %swap3A : i32 to index
      %swap3A_48 = arith.constant 0 : index
      %swap3A_49 = tpu.vector_load %arg7[%swap3A_47, %swap3A_48] {strides = array<i32>} : memref<8x80xi32, #tpu.memory_space<vmem>>, vector<1x16xi32>,
      %swap3A_50 = vector.shape_cast %swap3A_49 : vector<1x16xi32> to vector<16xi32>
      %swap3A_51 = vector.shape_cast %add3A_46 : vector<16xi32> to vector<1x16xi32>
      tpu.vector_store %arg7[%swap3A_47, %swap3A_48], %swap3A_51 {strides = array<i32>} : memref<8x80xi32, #tpu.memory_space<vmem>>, vector<1x16xi32>,
      %get3A_52 = arith.constant 0 : i32
      %get3A_53 = arith.index_cast %get3A_52 : i32 to index
      %get3A_54 = arith.constant 16 : index
      %get3A_55 = tpu.vector_load %arg7[%get3A_53, %get3A_54] {strides = array<i32>} : memref<8x80xi32, #tpu.memory_space<vmem>>, vector<1x16xi32>,
      %get3A_56 = vector.shape_cast %get3A_55 : vector<1x16xi32> to vector<16xi32>
      %add3A_57 = vector.broadcast %mul3A_5 : i32 to vector<16xi32>
      %add3A_58 = arith.addi %get3A_56, %add3A_57 : vector<16xi32>
      %swap3A_59 = arith.constant 0 : i32
      %swap3A_60 = arith.index_cast %swap3A_59 : i32 to index
      %swap3A_61 = arith.constant 16 : index
      %swap3A_62 = tpu.vector_load %arg7[%swap3A_60, %swap3A_61] {strides = array<i32>} : memref<8x80xi32, #tpu.memory_space<vmem>>, vector<1x16xi32>,
      %swap3A_63 = vector.shape_cast %swap3A_62 : vector<1x16xi32> to vector<16xi32>
      %swap3A_64 = vector.shape_cast %add3A_58 : vector<16xi32> to vector<1x16xi32>
      tpu.vector_store %arg7[%swap3A_60, %swap3A_61], %swap3A_64 {strides = array<i32>} : memref<8x80xi32, #tpu.memory_space<vmem>>, vector<1x16xi32>,
      %get3A_65 = arith.constant 0 : i32
      %get3A_66 = arith.index_cast %get3A_65 : i32 to index
      %get3A_67 = arith.constant 32 : index
      %get3A_68 = tpu.vector_load %arg7[%get3A_66, %get3A_67] {strides = array<i32>} : memref<8x80xi32, #tpu.memory_space<vmem>>, vector<1x16xi32>,
      %get3A_69 = vector.shape_cast %get3A_68 : vector<1x16xi32> to vector<16xi32>
      %add3A_70 = vector.broadcast %mul3A_5 : i32 to vector<16xi32>
      %add3A_71 = arith.addi %get3A_69, %add3A_70 : vector<16xi32>
      %swap3A_72 = arith.constant 0 : i32
      %swap3A_73 = arith.index_cast %swap3A_72 : i32 to index
      %swap3A_74 = arith.constant 32 : index
      %swap3A_75 = tpu.vector_load %arg7[%swap3A_73, %swap3A_74] {strides = array<i32>} : memref<8x80xi32, #tpu.memory_space<vmem>>, vector<1x16xi32>,
      %swap3A_76 = vector.shape_cast %swap3A_75 : vector<1x16xi32> to vector<16xi32>
      %swap3A_77 = vector.shape_cast %add3A_71 : vector<16xi32> to vector<1x16xi32>
      tpu.vector_store %arg7[%swap3A_73, %swap3A_74], %swap3A_77 {strides = array<i32>} : memref<8x80xi32, #tpu.memory_space<vmem>>, vector<1x16xi32>,
      %get3A_78 = arith.constant 0 : i32
      %get3A_79 = arith.index_cast %get3A_78 : i32 to index
      %get3A_80 = arith.constant 48 : index
      %get3A_81 = tpu.vector_load %arg7[%get3A_79, %get3A_80] {strides = array<i32>} : memref<8x80xi32, #tpu.memory_space<vmem>>, vector<1x16xi32>,
      %get3A_82 = vector.shape_cast %get3A_81 : vector<1x16xi32> to vector<16xi32>
      %add3A_83 = vector.broadcast %mul3A_5 : i32 to vector<16xi32>
      %add3A_84 = arith.addi %get3A_82, %add3A_83 : vector<16xi32>
      %swap3A_85 = arith.constant 0 : i32
      %swap3A_86 = arith.index_cast %swap3A_85 : i32 to index
      %swap3A_87 = arith.constant 48 : index
      %swap3A_88 = tpu.vector_load %arg7[%swap3A_86, %swap3A_87] {strides = array<i32>} : memref<8x80xi32, #tpu.memory_space<vmem>>, vector<1x16xi32>,
      %swap3A_89 = vector.shape_cast %swap3A_88 : vector<1x16xi32> to vector<16xi32>
      %swap3A_90 = vector.shape_cast %add3A_84 : vector<16xi32> to vector<1x16xi32>
      tpu.vector_store %arg7[%swap3A_86, %swap3A_87], %swap3A_90 {strides = array<i32>} : memref<8x80xi32, #tpu.memory_space<vmem>>, vector<1x16xi32>,
      %get3A_91 = arith.constant 0 : i32
      %get3A_92 = arith.index_cast %get3A_91 : i32 to index
      %get3A_93 = arith.constant 64 : index
      %get3A_94 = tpu.vector_load %arg7[%get3A_92, %get3A_93] {strides = array<i32>} : memref<8x80xi32, #tpu.memory_space<vmem>>, vector<1x16xi32>,
      %get3A_95 = vector.shape_cast %get3A_94 : vector<1x16xi32> to vector<16xi32>
      %add3A_96 = vector.broadcast %mul3A_5 : i32 to vector<16xi32>
      %add3A_97 = arith.addi %get3A_95, %add3A_96 : vector<16xi32>
      %swap3A_98 = arith.constant 0 : i32
      %swap3A_99 = arith.index_cast %swap3A_98 : i32 to index
      %swap3A_100 = arith.constant 64 : index
      %swap3A_101 = tpu.vector_load %arg7[%swap3A_99, %swap3A_100] {strides = array<i32>} : memref<8x80xi32, #tpu.memory_space<vmem>>, vector<1x16xi32>,
      %swap3A_102 = vector.shape_cast %swap3A_101 : vector<1x16xi32> to vector<16xi32>
      %swap3A_103 = vector.shape_cast %add3A_97 : vector<16xi32> to vector<1x16xi32>
      tpu.vector_store %arg7[%swap3A_99, %swap3A_100], %swap3A_103 {strides = array<i32>} : memref<8x80xi32, #tpu.memory_space<vmem>>, vector<1x16xi32>,
      %get3A_104 = arith.constant 1 : i32
      %get3A_105 = arith.index_cast %get3A_104 : i32 to index
      %get3A_106 = arith.constant 0 : index
      %get3A_107 = tpu.vector_load %arg7[%get3A_105, %get3A_106] {strides = array<i32>} : memref<8x80xi32, #tpu.memory_space<vmem>>, vector<1x16xi32>,
      %get3A_108 = vector.shape_cast %get3A_107 : vector<1x16xi32> to vector<16xi32>
      %add3A_109 = vector.broadcast %mul3A_5 : i32 to vector<16xi32>
      %add3A_110 = arith.addi %get3A_108, %add3A_109 : vector<16xi32>
      %swap3A_111 = arith.constant 1 : i32
      %swap3A_112 = arith.index_cast %swap3A_111 : i32 to index
      %swap3A_113 = arith.constant 0 : index
      %swap3A_114 = tpu.vector_load %arg7[%swap3A_112, %swap3A_113] {strides = array<i32>} : memref<8x80xi32, #tpu.memory_space<vmem>>, vector<1x16xi32>,
      %swap3A_115 = vector.shape_cast %swap3A_114 : vector<1x16xi32> to vector<16xi32>
      %swap3A_116 = vector.shape_cast %add3A_110 : vector<16xi32> to vector<1x16xi32>
      tpu.vector_store %arg7[%swap3A_112, %swap3A_113], %swap3A_116 {strides = array<i32>} : memref<8x80xi32, #tpu.memory_space<vmem>>, vector<1x16xi32>,
      %get3A_117 = arith.constant 1 : i32
      %get3A_118 = arith.index_cast %get3A_117 : i32 to index
      %get3A_119 = arith.constant 16 : index
      %get3A_120 = tpu.vector_load %arg7[%get3A_118, %get3A_119] {strides = array<i32>} : memref<8x80xi32, #tpu.memory_space<vmem>>, vector<1x16xi32>,
      %get3A_121 = vector.shape_cast %get3A_120 : vector<1x16xi32> to vector<16xi32>
      %add3A_122 = vector.broadcast %mul3A_5 : i32 to vector<16xi32>
      %add3A_123 = arith.addi %get3A_121, %add3A_122 : vector<16xi32>
      %swap3A_124 = arith.constant 1 : i32
      %swap3A_125 = arith.index_cast %swap3A_124 : i32 to index
      %swap3A_126 = arith.constant 16 : index
      %swap3A_127 = tpu.vector_load %arg7[%swap3A_125, %swap3A_126] {strides = array<i32>} : memref<8x80xi32, #tpu.memory_space<vmem>>, vector<1x16xi32>,
      %swap3A_128 = vector.shape_cast %swap3A_127 : vector<1x16xi32> to vector<16xi32>
      %swap3A_129 = vector.shape_cast %add3A_123 : vector<16xi32> to vector<1x16xi32>
      tpu.vector_store %arg7[%swap3A_125, %swap3A_126], %swap3A_129 {strides = array<i32>} : memref<8x80xi32, #tpu.memory_space<vmem>>, vector<1x16xi32>,
      %get3A_130 = arith.constant 1 : i32
      %get3A_131 = arith.index_cast %get3A_130 : i32 to index
      %get3A_132 = arith.constant 32 : index
      %get3A_133 = tpu.vector_load %arg7[%get3A_131, %get3A_132] {strides = array<i32>} : memref<8x80xi32, #tpu.memory_space<vmem>>, vector<1x16xi32>,
      %get3A_134 = vector.shape_cast %get3A_133 : vector<1x16xi32> to vector<16xi32>
      %add3A_135 = vector.broadcast %mul3A_5 : i32 to vector<16xi32>
      %add3A_136 = arith.addi %get3A_134, %add3A_135 : vector<16xi32>
      %swap3A_137 = arith.constant 1 : i32
      %swap3A_138 = arith.index_cast %swap3A_137 : i32 to index
      %swap3A_139 = arith.constant 32 : index
      %swap3A_140 = tpu.vector_load %arg7[%swap3A_138, %swap3A_139] {strides = array<i32>} : memref<8x80xi32, #tpu.memory_space<vmem>>, vector<1x16xi32>,
      %swap3A_141 = vector.shape_cast %swap3A_140 : vector<1x16xi32> to vector<16xi32>
      %swap3A_142 = vector.shape_cast %add3A_136 : vector<16xi32> to vector<1x16xi32>
      tpu.vector_store %arg7[%swap3A_138, %swap3A_139], %swap3A_142 {strides = array<i32>} : memref<8x80xi32, #tpu.memory_space<vmem>>, vector<1x16xi32>,
      %get3A_143 = arith.constant 1 : i32
      %get3A_144 = arith.index_cast %get3A_143 : i32 to index
      %get3A_145 = arith.constant 48 : index
      %get3A_146 = tpu.vector_load %arg7[%get3A_144, %get3A_145] {strides = array<i32>} : memref<8x80xi32, #tpu.memory_space<vmem>>, vector<1x16xi32>,
      %get3A_147 = vector.shape_cast %get3A_146 : vector<1x16xi32> to vector<16xi32>
      %add3A_148 = vector.broadcast %mul3A_5 : i32 to vector<16xi32>
      %add3A_149 = arith.addi %get3A_147, %add3A_148 : vector<16xi32>
      %swap3A_150 = arith.constant 1 : i32
      %swap3A_151 = arith.index_cast %swap3A_150 : i32 to index
      %swap3A_152 = arith.constant 48 : index
      %swap3A_153 = tpu.vector_load %arg7[%swap3A_151, %swap3A_152] {strides = array<i32>} : memref<8x80xi32, #tpu.memory_space<vmem>>, vector<1x16xi32>,
      %swap3A_154 = vector.shape_cast %swap3A_153 : vector<1x16xi32> to vector<16xi32>
      %swap3A_155 = vector.shape_cast %add3A_149 : vector<16xi32> to vector<1x16xi32>
      tpu.vector_store %arg7[%swap3A_151, %swap3A_152], %swap3A_155 {strides = array<i32>} : memref<8x80xi32, #tpu.memory_space<vmem>>, vector<1x16xi32>,
      %get3A_156 = arith.constant 1 : i32
      %get3A_157 = arith.index_cast %get3A_156 : i32 to index
      %get3A_158 = arith.constant 64 : index
      %get3A_159 = tpu.vector_load %arg7[%get3A_157, %get3A_158] {strides = array<i32>} : memref<8x80xi32, #tpu.memory_space<vmem>>, vector<1x16xi32>,
      %get3A_160 = vector.shape_cast %get3A_159 : vector<1x16xi32> to vector<16xi32>
      %add3A_161 = vector.broadcast %mul3A_5 : i32 to vector<16xi32>
      %add3A_162 = arith.addi %get3A_160, %add3A_161 : vector<16xi32>
      %swap3A_163 = arith.constant 1 : i32
      %swap3A_164 = arith.index_cast %swap3A_163 : i32 to index
      %swap3A_165 = arith.constant 64 : index
      %swap3A_166 = tpu.vector_load %arg7[%swap3A_164, %swap3A_165] {strides = array<i32>} : memref<8x80xi32, #tpu.memory_space<vmem>>, vector<1x16xi32>,
      %swap3A_167 = vector.shape_cast %swap3A_166 : vector<1x16xi32> to vector<16xi32>
      %swap3A_168 = vector.shape_cast %add3A_162 : vector<16xi32> to vector<1x16xi32>
      tpu.vector_store %arg7[%swap3A_164, %swap3A_165], %swap3A_168 {strides = array<i32>} : memref<8x80xi32, #tpu.memory_space<vmem>>, vector<1x16xi32>,
      %get3A_169 = arith.constant 2 : i32
      %get3A_170 = arith.index_cast %get3A_169 : i32 to index
      %get3A_171 = arith.constant 0 : index
      %get3A_172 = tpu.vector_load %arg7[%get3A_170, %get3A_171] {strides = array<i32>} : memref<8x80xi32, #tpu.memory_space<vmem>>, vector<1x16xi32>,
      %get3A_173 = vector.shape_cast %get3A_172 : vector<1x16xi32> to vector<16xi32>
      %add3A_174 = vector.broadcast %mul3A_5 : i32 to vector<16xi32>
      %add3A_175 = arith.addi %get3A_173, %add3A_174 : vector<16xi32>
      %swap3A_176 = arith.constant 2 : i32
      %swap3A_177 = arith.index_cast %swap3A_176 : i32 to index
      %swap3A_178 = arith.constant 0 : index
      %swap3A_179 = tpu.vector_load %arg7[%swap3A_177, %swap3A_178] {strides = array<i32>} : memref<8x80xi32, #tpu.memory_space<vmem>>, vector<1x16xi32>,
      %swap3A_180 = vector.shape_cast %swap3A_179 : vector<1x16xi32> to vector<16xi32>
      %swap3A_181 = vector.shape_cast %add3A_175 : vector<16xi32> to vector<1x16xi32>
      tpu.vector_store %arg7[%swap3A_177, %swap3A_178], %swap3A_181 {strides = array<i32>} : memref<8x80xi32, #tpu.memory_space<vmem>>, vector<1x16xi32>,
      %get3A_182 = arith.constant 2 : i32
      %get3A_183 = arith.index_cast %get3A_182 : i32 to index
      %get3A_184 = arith.constant 16 : index
      %get3A_185 = tpu.vector_load %arg7[%get3A_183, %get3A_184] {strides = array<i32>} : memref<8x80xi32, #tpu.memory_space<vmem>>, vector<1x16xi32>,
      %get3A_186 = vector.shape_cast %get3A_185 : vector<1x16xi32> to vector<16xi32>
      %add3A_187 = vector.broadcast %mul3A_5 : i32 to vector<16xi32>
      %add3A_188 = arith.addi %get3A_186, %add3A_187 : vector<16xi32>
      %swap3A_189 = arith.constant 2 : i32
      %swap3A_190 = arith.index_cast %swap3A_189 : i32 to index
      %swap3A_191 = arith.constant 16 : index
      %swap3A_192 = tpu.vector_load %arg7[%swap3A_190, %swap3A_191] {strides = array<i32>} : memref<8x80xi32, #tpu.memory_space<vmem>>, vector<1x16xi32>,
      %swap3A_193 = vector.shape_cast %swap3A_192 : vector<1x16xi32> to vector<16xi32>
      %swap3A_194 = vector.shape_cast %add3A_188 : vector<16xi32> to vector<1x16xi32>
      tpu.vector_store %arg7[%swap3A_190, %swap3A_191], %swap3A_194 {strides = array<i32>} : memref<8x80xi32, #tpu.memory_space<vmem>>, vector<1x16xi32>,
      %get3A_195 = arith.constant 2 : i32
      %get3A_196 = arith.index_cast %get3A_195 : i32 to index
      %get3A_197 = arith.constant 32 : index
      %get3A_198 = tpu.vector_load %arg7[%get3A_196, %get3A_197] {strides = array<i32>} : memref<8x80xi32, #tpu.memory_space<vmem>>, vector<1x16xi32>,
      %get3A_199 = vector.shape_cast %get3A_198 : vector<1x16xi32> to vector<16xi32>
      %add3A_200 = vector.broadcast %mul3A_5 : i32 to vector<16xi32>
      %add3A_201 = arith.addi %get3A_199, %add3A_200 : vector<16xi32>
      %swap3A_202 = arith.constant 2 : i32
      %swap3A_203 = arith.index_cast %swap3A_202 : i32 to index
      %swap3A_204 = arith.constant 32 : index
      %swap3A_205 = tpu.vector_load %arg7[%swap3A_203, %swap3A_204] {strides = array<i32>} : memref<8x80xi32, #tpu.memory_space<vmem>>, vector<1x16xi32>,
      %swap3A_206 = vector.shape_cast %swap3A_205 : vector<1x16xi32> to vector<16xi32>
      %swap3A_207 = vector.shape_cast %add3A_201 : vector<16xi32> to vector<1x16xi32>
      tpu.vector_store %arg7[%swap3A_203, %swap3A_204], %swap3A_207 {strides = array<i32>} : memref<8x80xi32, #tpu.memory_space<vmem>>, vector<1x16xi32>,
      %get3A_208 = arith.constant 2 : i32
      %get3A_209 = arith.index_cast %get3A_208 : i32 to index
      %get3A_210 = arith.constant 48 : index
      %get3A_211 = tpu.vector_load %arg7[%get3A_209, %get3A_210] {strides = array<i32>} : memref<8x80xi32, #tpu.memory_space<vmem>>, vector<1x16xi32>,
      %get3A_212 = vector.shape_cast %get3A_211 : vector<1x16xi32> to vector<16xi32>
      %add3A_213 = vector.broadcast %mul3A_5 : i32 to vector<16xi32>
      %add3A_214 = arith.addi %get3A_212, %add3A_213 : vector<16xi32>
      %swap3A_215 = arith.constant 2 : i32
      %swap3A_216 = arith.index_cast %swap3A_215 : i32 to index
      %swap3A_217 = arith.constant 48 : index
      %swap3A_218 = tpu.vector_load %arg7[%swap3A_216, %swap3A_217] {strides = array<i32>} : memref<8x80xi32, #tpu.memory_space<vmem>>, vector<1x16xi32>,
      %swap3A_219 = vector.shape_cast %swap3A_218 : vector<1x16xi32> to vector<16xi32>
      %swap3A_220 = vector.shape_cast %add3A_214 : vector<16xi32> to vector<1x16xi32>
      tpu.vector_store %arg7[%swap3A_216, %swap3A_217], %swap3A_220 {strides = array<i32>} : memref<8x80xi32, #tpu.memory_space<vmem>>, vector<1x16xi32>,
      %get3A_221 = arith.constant 2 : i32
      %get3A_222 = arith.index_cast %get3A_221 : i32 to index
      %get3A_223 = arith.constant 64 : index
      %get3A_224 = tpu.vector_load %arg7[%get3A_222, %get3A_223] {strides = array<i32>} : memref<8x80xi32, #tpu.memory_space<vmem>>, vector<1x16xi32>,
      %get3A_225 = vector.shape_cast %get3A_224 : vector<1x16xi32> to vector<16xi32>
      %add3A_226 = vector.broadcast %mul3A_5 : i32 to vector<16xi32>
      %add3A_227 = arith.addi %get3A_225, %add3A_226 : vector<16xi32>
      %swap3A_228 = arith.constant 2 : i32
      %swap3A_229 = arith.index_cast %swap3A_228 : i32 to index
      %swap3A_230 = arith.constant 64 : index
      %swap3A_231 = tpu.vector_load %arg7[%swap3A_229, %swap3A_230] {strides = array<i32>} : memref<8x80xi32, #tpu.memory_space<vmem>>, vector<1x16xi32>,
      %swap3A_232 = vector.shape_cast %swap3A_231 : vector<1x16xi32> to vector<16xi32>
      %swap3A_233 = vector.shape_cast %add3A_227 : vector<16xi32> to vector<1x16xi32>
      tpu.vector_store %arg7[%swap3A_229, %swap3A_230], %swap3A_233 {strides = array<i32>} : memref<8x80xi32, #tpu.memory_space<vmem>>, vector<1x16xi32>,
      %get3A_234 = arith.constant 3 : i32
      %get3A_235 = arith.index_cast %get3A_234 : i32 to index
      %get3A_236 = arith.constant 0 : index
      %get3A_237 = tpu.vector_load %arg7[%get3A_235, %get3A_236] {strides = array<i32>} : memref<8x80xi32, #tpu.memory_space<vmem>>, vector<1x16xi32>,
      %get3A_238 = vector.shape_cast %get3A_237 : vector<1x16xi32> to vector<16xi32>
      %add3A_239 = vector.broadcast %mul3A_5 : i32 to vector<16xi32>
      %add3A_240 = arith.addi %get3A_238, %add3A_239 : vector<16xi32>
      %swap3A_241 = arith.constant 3 : i32
      %swap3A_242 = arith.index_cast %swap3A_241 : i32 to index
      %swap3A_243 = arith.constant 0 : index
      %swap3A_244 = tpu.vector_load %arg7[%swap3A_242, %swap3A_243] {strides = array<i32>} : memref<8x80xi32, #tpu.memory_space<vmem>>, vector<1x16xi32>,
      %swap3A_245 = vector.shape_cast %swap3A_244 : vector<1x16xi32> to vector<16xi32>
      %swap3A_246 = vector.shape_cast %add3A_240 : vector<16xi32> to vector<1x16xi32>
      tpu.vector_store %arg7[%swap3A_242, %swap3A_243], %swap3A_246 {strides = array<i32>} : memref<8x80xi32, #tpu.memory_space<vmem>>, vector<1x16xi32>,
      %get3A_247 = arith.constant 3 : i32
      %get3A_248 = arith.index_cast %get3A_247 : i32 to index
      %get3A_249 = arith.constant 16 : index
      %get3A_250 = tpu.vector_load %arg7[%get3A_248, %get3A_249] {strides = array<i32>} : memref<8x80xi32, #tpu.memory_space<vmem>>, vector<1x16xi32>,
      %get3A_251 = vector.shape_cast %get3A_250 : vector<1x16xi32> to vector<16xi32>
      %add3A_252 = vector.broadcast %mul3A_5 : i32 to vector<16xi32>
      %add3A_253 = arith.addi %get3A_251, %add3A_252 : vector<16xi32>
      %swap3A_254 = arith.constant 3 : i32
      %swap3A_255 = arith.index_cast %swap3A_254 : i32 to index
      %swap3A_256 = arith.constant 16 : index
      %swap3A_257 = tpu.vector_load %arg7[%swap3A_255, %swap3A_256] {strides = array<i32>} : memref<8x80xi32, #tpu.memory_space<vmem>>, vector<1x16xi32>,
      %swap3A_258 = vector.shape_cast %swap3A_257 : vector<1x16xi32> to vector<16xi32>
      %swap3A_259 = vector.shape_cast %add3A_253 : vector<16xi32> to vector<1x16xi32>
      tpu.vector_store %arg7[%swap3A_255, %swap3A_256], %swap3A_259 {strides = array<i32>} : memref<8x80xi32, #tpu.memory_space<vmem>>, vector<1x16xi32>,
      %get3A_260 = arith.constant 3 : i32
      %get3A_261 = arith.index_cast %get3A_260 : i32 to index
      %get3A_262 = arith.constant 32 : index
      %get3A_263 = tpu.vector_load %arg7[%get3A_261, %get3A_262] {strides = array<i32>} : memref<8x80xi32, #tpu.memory_space<vmem>>, vector<1x16xi32>,
      %get3A_264 = vector.shape_cast %get3A_263 : vector<1x16xi32> to vector<16xi32>
      %add3A_265 = vector.broadcast %mul3A_5 : i32 to vector<16xi32>
      %add3A_266 = arith.addi %get3A_264, %add3A_265 : vector<16xi32>
      %swap3A_267 = arith.constant 3 : i32
      %swap3A_268 = arith.index_cast %swap3A_267 : i32 to index
      %swap3A_269 = arith.constant 32 : index
      %swap3A_270 = tpu.vector_load %arg7[%swap3A_268, %swap3A_269] {strides = array<i32>} : memref<8x80xi32, #tpu.memory_space<vmem>>, vector<1x16xi32>,
      %swap3A_271 = vector.shape_cast %swap3A_270 : vector<1x16xi32> to vector<16xi32>
      %swap3A_272 = vector.shape_cast %add3A_266 : vector<16xi32> to vector<1x16xi32>
      tpu.vector_store %arg7[%swap3A_268, %swap3A_269], %swap3A_272 {strides = array<i32>} : memref<8x80xi32, #tpu.memory_space<vmem>>, vector<1x16xi32>,
      %get3A_273 = arith.constant 3 : i32
      %get3A_274 = arith.index_cast %get3A_273 : i32 to index
      %get3A_275 = arith.constant 48 : index
      %get3A_276 = tpu.vector_load %arg7[%get3A_274, %get3A_275] {strides = array<i32>} : memref<8x80xi32, #tpu.memory_space<vmem>>, vector<1x16xi32>,
      %get3A_277 = vector.shape_cast %get3A_276 : vector<1x16xi32> to vector<16xi32>
      %add3A_278 = vector.broadcast %mul3A_5 : i32 to vector<16xi32>
      %add3A_279 = arith.addi %get3A_277, %add3A_278 : vector<16xi32>
      %swap3A_280 = arith.constant 3 : i32
      %swap3A_281 = arith.index_cast %swap3A_280 : i32 to index
      %swap3A_282 = arith.constant 48 : index
      %swap3A_283 = tpu.vector_load %arg7[%swap3A_281, %swap3A_282] {strides = array<i32>} : memref<8x80xi32, #tpu.memory_space<vmem>>, vector<1x16xi32>,
      %swap3A_284 = vector.shape_cast %swap3A_283 : vector<1x16xi32> to vector<16xi32>
      %swap3A_285 = vector.shape_cast %add3A_279 : vector<16xi32> to vector<1x16xi32>
      tpu.vector_store %arg7[%swap3A_281, %swap3A_282], %swap3A_285 {strides = array<i32>} : memref<8x80xi32, #tpu.memory_space<vmem>>, vector<1x16xi32>,
      %get3A_286 = arith.constant 3 : i32
      %get3A_287 = arith.index_cast %get3A_286 : i32 to index
      %get3A_288 = arith.constant 64 : index
      %get3A_289 = tpu.vector_load %arg7[%get3A_287, %get3A_288] {strides = array<i32>} : memref<8x80xi32, #tpu.memory_space<vmem>>, vector<1x16xi32>,
      %get3A_290 = vector.shape_cast %get3A_289 : vector<1x16xi32> to vector<16xi32>
      %add3A_291 = vector.broadcast %mul3A_5 : i32 to vector<16xi32>
      %add3A_292 = arith.addi %get3A_290, %add3A_291 : vector<16xi32>
      %swap3A_293 = arith.constant 3 : i32
      %swap3A_294 = arith.index_cast %swap3A_293 : i32 to index
      %swap3A_295 = arith.constant 64 : index
      %swap3A_296 = tpu.vector_load %arg7[%swap3A_294, %swap3A_295] {strides = array<i32>} : memref<8x80xi32, #tpu.memory_space<vmem>>, vector<1x16xi32>,
      %swap3A_297 = vector.shape_cast %swap3A_296 : vector<1x16xi32> to vector<16xi32>
      %swap3A_298 = vector.shape_cast %add3A_292 : vector<16xi32> to vector<1x16xi32>
      tpu.vector_store %arg7[%swap3A_294, %swap3A_295], %swap3A_298 {strides = array<i32>} : memref<8x80xi32, #tpu.memory_space<vmem>>, vector<1x16xi32>,
      %get3A_299 = arith.constant 4 : i32
      %get3A_300 = arith.index_cast %get3A_299 : i32 to index
      %get3A_301 = arith.constant 0 : index
      %get3A_302 = tpu.vector_load %arg7[%get3A_300, %get3A_301] {strides = array<i32>} : memref<8x80xi32, #tpu.memory_space<vmem>>, vector<1x16xi32>,
      %get3A_303 = vector.shape_cast %get3A_302 : vector<1x16xi32> to vector<16xi32>
      %add3A_304 = vector.broadcast %mul3A_5 : i32 to vector<16xi32>
      %add3A_305 = arith.addi %get3A_303, %add3A_304 : vector<16xi32>
      %swap3A_306 = arith.constant 4 : i32
      %swap3A_307 = arith.index_cast %swap3A_306 : i32 to index
      %swap3A_308 = arith.constant 0 : index
      %swap3A_309 = tpu.vector_load %arg7[%swap3A_307, %swap3A_308] {strides = array<i32>} : memref<8x80xi32, #tpu.memory_space<vmem>>, vector<1x16xi32>,
      %swap3A_310 = vector.shape_cast %swap3A_309 : vector<1x16xi32> to vector<16xi32>
      %swap3A_311 = vector.shape_cast %add3A_305 : vector<16xi32> to vector<1x16xi32>
      tpu.vector_store %arg7[%swap3A_307, %swap3A_308], %swap3A_311 {strides = array<i32>} : memref<8x80xi32, #tpu.memory_space<vmem>>, vector<1x16xi32>,
      %get3A_312 = arith.constant 4 : i32
      %get3A_313 = arith.index_cast %get3A_312 : i32 to index
      %get3A_314 = arith.constant 16 : index
      %get3A_315 = tpu.vector_load %arg7[%get3A_313, %get3A_314] {strides = array<i32>} : memref<8x80xi32, #tpu.memory_space<vmem>>, vector<1x16xi32>,
      %get3A_316 = vector.shape_cast %get3A_315 : vector<1x16xi32> to vector<16xi32>
      %add3A_317 = vector.broadcast %mul3A_5 : i32 to vector<16xi32>
      %add3A_318 = arith.addi %get3A_316, %add3A_317 : vector<16xi32>
      %swap3A_319 = arith.constant 4 : i32
      %swap3A_320 = arith.index_cast %swap3A_319 : i32 to index
      %swap3A_321 = arith.constant 16 : index
      %swap3A_322 = tpu.vector_load %arg7[%swap3A_320, %swap3A_321] {strides = array<i32>} : memref<8x80xi32, #tpu.memory_space<vmem>>, vector<1x16xi32>,
      %swap3A_323 = vector.shape_cast %swap3A_322 : vector<1x16xi32> to vector<16xi32>
      %swap3A_324 = vector.shape_cast %add3A_318 : vector<16xi32> to vector<1x16xi32>
      tpu.vector_store %arg7[%swap3A_320, %swap3A_321], %swap3A_324 {strides = array<i32>} : memref<8x80xi32, #tpu.memory_space<vmem>>, vector<1x16xi32>,
      %get3A_325 = arith.constant 4 : i32
      %get3A_326 = arith.index_cast %get3A_325 : i32 to index
      %get3A_327 = arith.constant 32 : index
      %get3A_328 = tpu.vector_load %arg7[%get3A_326, %get3A_327] {strides = array<i32>} : memref<8x80xi32, #tpu.memory_space<vmem>>, vector<1x16xi32>,
      %get3A_329 = vector.shape_cast %get3A_328 : vector<1x16xi32> to vector<16xi32>
      %add3A_330 = vector.broadcast %mul3A_5 : i32 to vector<16xi32>
      %add3A_331 = arith.addi %get3A_329, %add3A_330 : vector<16xi32>
      %swap3A_332 = arith.constant 4 : i32
      %swap3A_333 = arith.index_cast %swap3A_332 : i32 to index
      %swap3A_334 = arith.constant 32 : index
      %swap3A_335 = tpu.vector_load %arg7[%swap3A_333, %swap3A_334] {strides = array<i32>} : memref<8x80xi32, #tpu.memory_space<vmem>>, vector<1x16xi32>,
      %swap3A_336 = vector.shape_cast %swap3A_335 : vector<1x16xi32> to vector<16xi32>
      %swap3A_337 = vector.shape_cast %add3A_331 : vector<16xi32> to vector<1x16xi32>
      tpu.vector_store %arg7[%swap3A_333, %swap3A_334], %swap3A_337 {strides = array<i32>} : memref<8x80xi32, #tpu.memory_space<vmem>>, vector<1x16xi32>,
      %get3A_338 = arith.constant 4 : i32
      %get3A_339 = arith.index_cast %get3A_338 : i32 to index
      %get3A_340 = arith.constant 48 : index
      %get3A_341 = tpu.vector_load %arg7[%get3A_339, %get3A_340] {strides = array<i32>} : memref<8x80xi32, #tpu.memory_space<vmem>>, vector<1x16xi32>,
      %get3A_342 = vector.shape_cast %get3A_341 : vector<1x16xi32> to vector<16xi32>
      %add3A_343 = vector.broadcast %mul3A_5 : i32 to vector<16xi32>
      %add3A_344 = arith.addi %get3A_342, %add3A_343 : vector<16xi32>
      %swap3A_345 = arith.constant 4 : i32
      %swap3A_346 = arith.index_cast %swap3A_345 : i32 to index
      %swap3A_347 = arith.constant 48 : index
      %swap3A_348 = tpu.vector_load %arg7[%swap3A_346, %swap3A_347] {strides = array<i32>} : memref<8x80xi32, #tpu.memory_space<vmem>>, vector<1x16xi32>,
      %swap3A_349 = vector.shape_cast %swap3A_348 : vector<1x16xi32> to vector<16xi32>
      %swap3A_350 = vector.shape_cast %add3A_344 : vector<16xi32> to vector<1x16xi32>
      tpu.vector_store %arg7[%swap3A_346, %swap3A_347], %swap3A_350 {strides = array<i32>} : memref<8x80xi32, #tpu.memory_space<vmem>>, vector<1x16xi32>,
      %get3A_351 = arith.constant 4 : i32
      %get3A_352 = arith.index_cast %get3A_351 : i32 to index
      %get3A_353 = arith.constant 64 : index
      %get3A_354 = tpu.vector_load %arg7[%get3A_352, %get3A_353] {strides = array<i32>} : memref<8x80xi32, #tpu.memory_space<vmem>>, vector<1x16xi32>,
      %get3A_355 = vector.shape_cast %get3A_354 : vector<1x16xi32> to vector<16xi32>
      %add3A_356 = vector.broadcast %mul3A_5 : i32 to vector<16xi32>
      %add3A_357 = arith.addi %get3A_355, %add3A_356 : vector<16xi32>
      %swap3A_358 = arith.constant 4 : i32
      %swap3A_359 = arith.index_cast %swap3A_358 : i32 to index
      %swap3A_360 = arith.constant 64 : index
      %swap3A_361 = tpu.vector_load %arg7[%swap3A_359, %swap3A_360] {strides = array<i32>} : memref<8x80xi32, #tpu.memory_space<vmem>>, vector<1x16xi32>,
      %swap3A_362 = vector.shape_cast %swap3A_361 : vector<1x16xi32> to vector<16xi32>
      %swap3A_363 = vector.shape_cast %add3A_357 : vector<16xi32> to vector<1x16xi32>
      tpu.vector_store %arg7[%swap3A_359, %swap3A_360], %swap3A_363 {strides = array<i32>} : memref<8x80xi32, #tpu.memory_space<vmem>>, vector<1x16xi32>,
      %get3A_364 = arith.constant 5 : i32
      %get3A_365 = arith.index_cast %get3A_364 : i32 to index
      %get3A_366 = arith.constant 0 : index
      %get3A_367 = tpu.vector_load %arg7[%get3A_365, %get3A_366] {strides = array<i32>} : memref<8x80xi32, #tpu.memory_space<vmem>>, vector<1x16xi32>,
      %get3A_368 = vector.shape_cast %get3A_367 : vector<1x16xi32> to vector<16xi32>
      %add3A_369 = vector.broadcast %mul3A_5 : i32 to vector<16xi32>
      %add3A_370 = arith.addi %get3A_368, %add3A_369 : vector<16xi32>
      %swap3A_371 = arith.constant 5 : i32
      %swap3A_372 = arith.index_cast %swap3A_371 : i32 to index
      %swap3A_373 = arith.constant 0 : index
      %swap3A_374 = tpu.vector_load %arg7[%swap3A_372, %swap3A_373] {strides = array<i32>} : memref<8x80xi32, #tpu.memory_space<vmem>>, vector<1x16xi32>,
      %swap3A_375 = vector.shape_cast %swap3A_374 : vector<1x16xi32> to vector<16xi32>
      %swap3A_376 = vector.shape_cast %add3A_370 : vector<16xi32> to vector<1x16xi32>
      tpu.vector_store %arg7[%swap3A_372, %swap3A_373], %swap3A_376 {strides = array<i32>} : memref<8x80xi32, #tpu.memory_space<vmem>>, vector<1x16xi32>,
      %get3A_377 = arith.constant 5 : i32
      %get3A_378 = arith.index_cast %get3A_377 : i32 to index
      %get3A_379 = arith.constant 16 : index
      %get3A_380 = tpu.vector_load %arg7[%get3A_378, %get3A_379] {strides = array<i32>} : memref<8x80xi32, #tpu.memory_space<vmem>>, vector<1x16xi32>,
      %get3A_381 = vector.shape_cast %get3A_380 : vector<1x16xi32> to vector<16xi32>
      %add3A_382 = vector.broadcast %mul3A_5 : i32 to vector<16xi32>
      %add3A_383 = arith.addi %get3A_381, %add3A_382 : vector<16xi32>
      %swap3A_384 = arith.constant 5 : i32
      %swap3A_385 = arith.index_cast %swap3A_384 : i32 to index
      %swap3A_386 = arith.constant 16 : index
      %swap3A_387 = tpu.vector_load %arg7[%swap3A_385, %swap3A_386] {strides = array<i32>} : memref<8x80xi32, #tpu.memory_space<vmem>>, vector<1x16xi32>,
      %swap3A_388 = vector.shape_cast %swap3A_387 : vector<1x16xi32> to vector<16xi32>
      %swap3A_389 = vector.shape_cast %add3A_383 : vector<16xi32> to vector<1x16xi32>
      tpu.vector_store %arg7[%swap3A_385, %swap3A_386], %swap3A_389 {strides = array<i32>} : memref<8x80xi32, #tpu.memory_space<vmem>>, vector<1x16xi32>,
      %get3A_390 = arith.constant 5 : i32
      %get3A_391 = arith.index_cast %get3A_390 : i32 to index
      %get3A_392 = arith.constant 32 : index
      %get3A_393 = tpu.vector_load %arg7[%get3A_391, %get3A_392] {strides = array<i32>} : memref<8x80xi32, #tpu.memory_space<vmem>>, vector<1x16xi32>,
      %get3A_394 = vector.shape_cast %get3A_393 : vector<1x16xi32> to vector<16xi32>
      %add3A_395 = vector.broadcast %mul3A_5 : i32 to vector<16xi32>
      %add3A_396 = arith.addi %get3A_394, %add3A_395 : vector<16xi32>
      %swap3A_397 = arith.constant 5 : i32
      %swap3A_398 = arith.index_cast %swap3A_397 : i32 to index
      %swap3A_399 = arith.constant 32 : index
      %swap3A_400 = tpu.vector_load %arg7[%swap3A_398, %swap3A_399] {strides = array<i32>} : memref<8x80xi32, #tpu.memory_space<vmem>>, vector<1x16xi32>,
      %swap3A_401 = vector.shape_cast %swap3A_400 : vector<1x16xi32> to vector<16xi32>
      %swap3A_402 = vector.shape_cast %add3A_396 : vector<16xi32> to vector<1x16xi32>
      tpu.vector_store %arg7[%swap3A_398, %swap3A_399], %swap3A_402 {strides = array<i32>} : memref<8x80xi32, #tpu.memory_space<vmem>>, vector<1x16xi32>,
      %get3A_403 = arith.constant 5 : i32
      %get3A_404 = arith.index_cast %get3A_403 : i32 to index
      %get3A_405 = arith.constant 48 : index
      %get3A_406 = tpu.vector_load %arg7[%get3A_404, %get3A_405] {strides = array<i32>} : memref<8x80xi32, #tpu.memory_space<vmem>>, vector<1x16xi32>,
      %get3A_407 = vector.shape_cast %get3A_406 : vector<1x16xi32> to vector<16xi32>
      %add3A_408 = vector.broadcast %mul3A_5 : i32 to vector<16xi32>
      %add3A_409 = arith.addi %get3A_407, %add3A_408 : vector<16xi32>
      %swap3A_410 = arith.constant 5 : i32
      %swap3A_411 = arith.index_cast %swap3A_410 : i32 to index
      %swap3A_412 = arith.constant 48 : index
      %swap3A_413 = tpu.vector_load %arg7[%swap3A_411, %swap3A_412] {strides = array<i32>} : memref<8x80xi32, #tpu.memory_space<vmem>>, vector<1x16xi32>,
      %swap3A_414 = vector.shape_cast %swap3A_413 : vector<1x16xi32> to vector<16xi32>
      %swap3A_415 = vector.shape_cast %add3A_409 : vector<16xi32> to vector<1x16xi32>
      tpu.vector_store %arg7[%swap3A_411, %swap3A_412], %swap3A_415 {strides = array<i32>} : memref<8x80xi32, #tpu.memory_space<vmem>>, vector<1x16xi32>,
      %get3A_416 = arith.constant 5 : i32
      %get3A_417 = arith.index_cast %get3A_416 : i32 to index
      %get3A_418 = arith.constant 64 : index
      %get3A_419 = tpu.vector_load %arg7[%get3A_417, %get3A_418] {strides = array<i32>} : memref<8x80xi32, #tpu.memory_space<vmem>>, vector<1x16xi32>,
      %get3A_420 = vector.shape_cast %get3A_419 : vector<1x16xi32> to vector<16xi32>
      %add3A_421 = vector.broadcast %mul3A_5 : i32 to vector<16xi32>
      %add3A_422 = arith.addi %get3A_420, %add3A_421 : vector<16xi32>
      %swap3A_423 = arith.constant 5 : i32
      %swap3A_424 = arith.index_cast %swap3A_423 : i32 to index
      %swap3A_425 = arith.constant 64 : index
      %swap3A_426 = tpu.vector_load %arg7[%swap3A_424, %swap3A_425] {strides = array<i32>} : memref<8x80xi32, #tpu.memory_space<vmem>>, vector<1x16xi32>,
      %swap3A_427 = vector.shape_cast %swap3A_426 : vector<1x16xi32> to vector<16xi32>
      %swap3A_428 = vector.shape_cast %add3A_422 : vector<16xi32> to vector<1x16xi32>
      tpu.vector_store %arg7[%swap3A_424, %swap3A_425], %swap3A_428 {strides = array<i32>} : memref<8x80xi32, #tpu.memory_space<vmem>>, vector<1x16xi32>,
      %get3A_429 = arith.constant 6 : i32
      %get3A_430 = arith.index_cast %get3A_429 : i32 to index
      %get3A_431 = arith.constant 0 : index
      %get3A_432 = tpu.vector_load %arg7[%get3A_430, %get3A_431] {strides = array<i32>} : memref<8x80xi32, #tpu.memory_space<vmem>>, vector<1x16xi32>,
      %get3A_433 = vector.shape_cast %get3A_432 : vector<1x16xi32> to vector<16xi32>
      %add3A_434 = vector.broadcast %mul3A_5 : i32 to vector<16xi32>
      %add3A_435 = arith.addi %get3A_433, %add3A_434 : vector<16xi32>
      %swap3A_436 = arith.constant 6 : i32
      %swap3A_437 = arith.index_cast %swap3A_436 : i32 to index
      %swap3A_438 = arith.constant 0 : index
      %swap3A_439 = tpu.vector_load %arg7[%swap3A_437, %swap3A_438] {strides = array<i32>} : memref<8x80xi32, #tpu.memory_space<vmem>>, vector<1x16xi32>,
      %swap3A_440 = vector.shape_cast %swap3A_439 : vector<1x16xi32> to vector<16xi32>
      %swap3A_441 = vector.shape_cast %add3A_435 : vector<16xi32> to vector<1x16xi32>
      tpu.vector_store %arg7[%swap3A_437, %swap3A_438], %swap3A_441 {strides = array<i32>} : memref<8x80xi32, #tpu.memory_space<vmem>>, vector<1x16xi32>,
      %get3A_442 = arith.constant 6 : i32
      %get3A_443 = arith.index_cast %get3A_442 : i32 to index
      %get3A_444 = arith.constant 16 : index
      %get3A_445 = tpu.vector_load %arg7[%get3A_443, %get3A_444] {strides = array<i32>} : memref<8x80xi32, #tpu.memory_space<vmem>>, vector<1x16xi32>,
      %get3A_446 = vector.shape_cast %get3A_445 : vector<1x16xi32> to vector<16xi32>
      %add3A_447 = vector.broadcast %mul3A_5 : i32 to vector<16xi32>
      %add3A_448 = arith.addi %get3A_446, %add3A_447 : vector<16xi32>
      %swap3A_449 = arith.constant 6 : i32
      %swap3A_450 = arith.index_cast %swap3A_449 : i32 to index
      %swap3A_451 = arith.constant 16 : index
      %swap3A_452 = tpu.vector_load %arg7[%swap3A_450, %swap3A_451] {strides = array<i32>} : memref<8x80xi32, #tpu.memory_space<vmem>>, vector<1x16xi32>,
      %swap3A_453 = vector.shape_cast %swap3A_452 : vector<1x16xi32> to vector<16xi32>
      %swap3A_454 = vector.shape_cast %add3A_448 : vector<16xi32> to vector<1x16xi32>
      tpu.vector_store %arg7[%swap3A_450, %swap3A_451], %swap3A_454 {strides = array<i32>} : memref<8x80xi32, #tpu.memory_space<vmem>>, vector<1x16xi32>,
      %get3A_455 = arith.constant 6 : i32
      %get3A_456 = arith.index_cast %get3A_455 : i32 to index
      %get3A_457 = arith.constant 32 : index
      %get3A_458 = tpu.vector_load %arg7[%get3A_456, %get3A_457] {strides = array<i32>} : memref<8x80xi32, #tpu.memory_space<vmem>>, vector<1x16xi32>,
      %get3A_459 = vector.shape_cast %get3A_458 : vector<1x16xi32> to vector<16xi32>
      %add3A_460 = vector.broadcast %mul3A_5 : i32 to vector<16xi32>
      %add3A_461 = arith.addi %get3A_459, %add3A_460 : vector<16xi32>
      %swap3A_462 = arith.constant 6 : i32
      %swap3A_463 = arith.index_cast %swap3A_462 : i32 to index
      %swap3A_464 = arith.constant 32 : index
      %swap3A_465 = tpu.vector_load %arg7[%swap3A_463, %swap3A_464] {strides = array<i32>} : memref<8x80xi32, #tpu.memory_space<vmem>>, vector<1x16xi32>,
      %swap3A_466 = vector.shape_cast %swap3A_465 : vector<1x16xi32> to vector<16xi32>
      %swap3A_467 = vector.shape_cast %add3A_461 : vector<16xi32> to vector<1x16xi32>
      tpu.vector_store %arg7[%swap3A_463, %swap3A_464], %swap3A_467 {strides = array<i32>} : memref<8x80xi32, #tpu.memory_space<vmem>>, vector<1x16xi32>,
      %get3A_468 = arith.constant 6 : i32
      %get3A_469 = arith.index_cast %get3A_468 : i32 to index
      %get3A_470 = arith.constant 48 : index
      %get3A_471 = tpu.vector_load %arg7[%get3A_469, %get3A_470] {strides = array<i32>} : memref<8x80xi32, #tpu.memory_space<vmem>>, vector<1x16xi32>,
      %get3A_472 = vector.shape_cast %get3A_471 : vector<1x16xi32> to vector<16xi32>
      %add3A_473 = vector.broadcast %mul3A_5 : i32 to vector<16xi32>
      %add3A_474 = arith.addi %get3A_472, %add3A_473 : vector<16xi32>
      %swap3A_475 = arith.constant 6 : i32
      %swap3A_476 = arith.index_cast %swap3A_475 : i32 to index
      %swap3A_477 = arith.constant 48 : index
      %swap3A_478 = tpu.vector_load %arg7[%swap3A_476, %swap3A_477] {strides = array<i32>} : memref<8x80xi32, #tpu.memory_space<vmem>>, vector<1x16xi32>,
      %swap3A_479 = vector.shape_cast %swap3A_478 : vector<1x16xi32> to vector<16xi32>
      %swap3A_480 = vector.shape_cast %add3A_474 : vector<16xi32> to vector<1x16xi32>
      tpu.vector_store %arg7[%swap3A_476, %swap3A_477], %swap3A_480 {strides = array<i32>} : memref<8x80xi32, #tpu.memory_space<vmem>>, vector<1x16xi32>,
      %get3A_481 = arith.constant 6 : i32
      %get3A_482 = arith.index_cast %get3A_481 : i32 to index
      %get3A_483 = arith.constant 64 : index
      %get3A_484 = tpu.vector_load %arg7[%get3A_482, %get3A_483] {strides = array<i32>} : memref<8x80xi32, #tpu.memory_space<vmem>>, vector<1x16xi32>,
      %get3A_485 = vector.shape_cast %get3A_484 : vector<1x16xi32> to vector<16xi32>
      %add3A_486 = vector.broadcast %mul3A_5 : i32 to vector<16xi32>
      %add3A_487 = arith.addi %get3A_485, %add3A_486 : vector<16xi32>
      %swap3A_488 = arith.constant 6 : i32
      %swap3A_489 = arith.index_cast %swap3A_488 : i32 to index
      %swap3A_490 = arith.constant 64 : index
      %swap3A_491 = tpu.vector_load %arg7[%swap3A_489, %swap3A_490] {strides = array<i32>} : memref<8x80xi32, #tpu.memory_space<vmem>>, vector<1x16xi32>,
      %swap3A_492 = vector.shape_cast %swap3A_491 : vector<1x16xi32> to vector<16xi32>
      %swap3A_493 = vector.shape_cast %add3A_487 : vector<16xi32> to vector<1x16xi32>
      tpu.vector_store %arg7[%swap3A_489, %swap3A_490], %swap3A_493 {strides = array<i32>} : memref<8x80xi32, #tpu.memory_space<vmem>>, vector<1x16xi32>,
      %get3A_494 = arith.constant 7 : i32
      %get3A_495 = arith.index_cast %get3A_494 : i32 to index
      %get3A_496 = arith.constant 0 : index
      %get3A_497 = tpu.vector_load %arg7[%get3A_495, %get3A_496] {strides = array<i32>} : memref<8x80xi32, #tpu.memory_space<vmem>>, vector<1x16xi32>,
      %get3A_498 = vector.shape_cast %get3A_497 : vector<1x16xi32> to vector<16xi32>
      %add3A_499 = vector.broadcast %mul3A_5 : i32 to vector<16xi32>
      %add3A_500 = arith.addi %get3A_498, %add3A_499 : vector<16xi32>
      %swap3A_501 = arith.constant 7 : i32
      %swap3A_502 = arith.index_cast %swap3A_501 : i32 to index
      %swap3A_503 = arith.constant 0 : index
      %swap3A_504 = tpu.vector_load %arg7[%swap3A_502, %swap3A_503] {strides = array<i32>} : memref<8x80xi32, #tpu.memory_space<vmem>>, vector<1x16xi32>,
      %swap3A_505 = vector.shape_cast %swap3A_504 : vector<1x16xi32> to vector<16xi32>
      %swap3A_506 = vector.shape_cast %add3A_500 : vector<16xi32> to vector<1x16xi32>
      tpu.vector_store %arg7[%swap3A_502, %swap3A_503], %swap3A_506 {strides = array<i32>} : memref<8x80xi32, #tpu.memory_space<vmem>>, vector<1x16xi32>,
      %get3A_507 = arith.constant 7 : i32
      %get3A_508 = arith.index_cast %get3A_507 : i32 to index
      %get3A_509 = arith.constant 16 : index
      %get3A_510 = tpu.vector_load %arg7[%get3A_508, %get3A_509] {strides = array<i32>} : memref<8x80xi32, #tpu.memory_space<vmem>>, vector<1x16xi32>,
      %get3A_511 = vector.shape_cast %get3A_510 : vector<1x16xi32> to vector<16xi32>
      %add3A_512 = vector.broadcast %mul3A_5 : i32 to vector<16xi32>
      %add3A_513 = arith.addi %get3A_511, %add3A_512 : vector<16xi32>
      %swap3A_514 = arith.constant 7 : i32
      %swap3A_515 = arith.index_cast %swap3A_514 : i32 to index
      %swap3A_516 = arith.constant 16 : index
      %swap3A_517 = tpu.vector_load %arg7[%swap3A_515, %swap3A_516] {strides = array<i32>} : memref<8x80xi32, #tpu.memory_space<vmem>>, vector<1x16xi32>,
      %swap3A_518 = vector.shape_cast %swap3A_517 : vector<1x16xi32> to vector<16xi32>
      %swap3A_519 = vector.shape_cast %add3A_513 : vector<16xi32> to vector<1x16xi32>
      tpu.vector_store %arg7[%swap3A_515, %swap3A_516], %swap3A_519 {strides = array<i32>} : memref<8x80xi32, #tpu.memory_space<vmem>>, vector<1x16xi32>,
      %get3A_520 = arith.constant 7 : i32
      %get3A_521 = arith.index_cast %get3A_520 : i32 to index
      %get3A_522 = arith.constant 32 : index
      %get3A_523 = tpu.vector_load %arg7[%get3A_521, %get3A_522] {strides = array<i32>} : memref<8x80xi32, #tpu.memory_space<vmem>>, vector<1x16xi32>,
      %get3A_524 = vector.shape_cast %get3A_523 : vector<1x16xi32> to vector<16xi32>
      %add3A_525 = vector.broadcast %mul3A_5 : i32 to vector<16xi32>
      %add3A_526 = arith.addi %get3A_524, %add3A_525 : vector<16xi32>
      %swap3A_527 = arith.constant 7 : i32
      %swap3A_528 = arith.index_cast %swap3A_527 : i32 to index
      %swap3A_529 = arith.constant 32 : index
      %swap3A_530 = tpu.vector_load %arg7[%swap3A_528, %swap3A_529] {strides = array<i32>} : memref<8x80xi32, #tpu.memory_space<vmem>>, vector<1x16xi32>,
      %swap3A_531 = vector.shape_cast %swap3A_530 : vector<1x16xi32> to vector<16xi32>
      %swap3A_532 = vector.shape_cast %add3A_526 : vector<16xi32> to vector<1x16xi32>
      tpu.vector_store %arg7[%swap3A_528, %swap3A_529], %swap3A_532 {strides = array<i32>} : memref<8x80xi32, #tpu.memory_space<vmem>>, vector<1x16xi32>,
      %get3A_533 = arith.constant 7 : i32
      %get3A_534 = arith.index_cast %get3A_533 : i32 to index
      %get3A_535 = arith.constant 48 : index
      %get3A_536 = tpu.vector_load %arg7[%get3A_534, %get3A_535] {strides = array<i32>} : memref<8x80xi32, #tpu.memory_space<vmem>>, vector<1x16xi32>,
      %get3A_537 = vector.shape_cast %get3A_536 : vector<1x16xi32> to vector<16xi32>
      %add3A_538 = vector.broadcast %mul3A_5 : i32 to vector<16xi32>
      %add3A_539 = arith.addi %get3A_537, %add3A_538 : vector<16xi32>
      %swap3A_540 = arith.constant 7 : i32
      %swap3A_541 = arith.index_cast %swap3A_540 : i32 to index
      %swap3A_542 = arith.constant 48 : index
      %swap3A_543 = tpu.vector_load %arg7[%swap3A_541, %swap3A_542] {strides = array<i32>} : memref<8x80xi32, #tpu.memory_space<vmem>>, vector<1x16xi32>,
      %swap3A_544 = vector.shape_cast %swap3A_543 : vector<1x16xi32> to vector<16xi32>
      %swap3A_545 = vector.shape_cast %add3A_539 : vector<16xi32> to vector<1x16xi32>
      tpu.vector_store %arg7[%swap3A_541, %swap3A_542], %swap3A_545 {strides = array<i32>} : memref<8x80xi32, #tpu.memory_space<vmem>>, vector<1x16xi32>,
      %get3A_546 = arith.constant 7 : i32
      %get3A_547 = arith.index_cast %get3A_546 : i32 to index
      %get3A_548 = arith.constant 64 : index
      %get3A_549 = tpu.vector_load %arg7[%get3A_547, %get3A_548] {strides = array<i32>} : memref<8x80xi32, #tpu.memory_space<vmem>>, vector<1x16xi32>,
      %get3A_550 = vector.shape_cast %get3A_549 : vector<1x16xi32> to vector<16xi32>
      %add3A_551 = vector.broadcast %mul3A_5 : i32 to vector<16xi32>
      %add3A_552 = arith.addi %get3A_550, %add3A_551 : vector<16xi32>
      %swap3A_553 = arith.constant 7 : i32
      %swap3A_554 = arith.index_cast %swap3A_553 : i32 to index
      %swap3A_555 = arith.constant 64 : index
      %swap3A_556 = tpu.vector_load %arg7[%swap3A_554, %swap3A_555] {strides = array<i32>} : memref<8x80xi32, #tpu.memory_space<vmem>>, vector<1x16xi32>,
      %swap3A_557 = vector.shape_cast %swap3A_556 : vector<1x16xi32> to vector<16xi32>
      %swap3A_558 = vector.shape_cast %add3A_552 : vector<16xi32> to vector<1x16xi32>
      tpu.vector_store %arg7[%swap3A_554, %swap3A_555], %swap3A_558 {strides = array<i32>} : memref<8x80xi32, #tpu.memory_space<vmem>>, vector<1x16xi32>,
      %dma_start3A = arith.constant 0 : i32
      %dma_start3A_559 = arith.constant 0 : i32
      %dma_start3A_560 = arith.constant 0 : i32
      %dma_start3A_561 = arith.constant 0 : i32
      %dma_start3A_562 = arith.constant 0 : i32
      %dma_start3A_563 = tpu.memref_slice %arg9[%dma_start3A_559, %dma_start3A_561, %dma_start3A_562] : memref<4x80x128xf32, #tpu.memory_space<vmem>> -> memref<1x80x128xf32, #tpu.memory_space<vmem>>
      %dma_start3A_564 = tpu.memref_squeeze %dma_start3A_563 : memref<1x80x128xf32, #tpu.memory_space<vmem>> -> memref<80x128xf32, #tpu.memory_space<vmem>>
      %dma_start3A_565 = arith.constant 0 : i32
      %dma_start3A_566 = tpu.memref_slice %arg7[%dma_start3A, %dma_start3A_565] : memref<8x80xi32, #tpu.memory_space<vmem>> -> memref<1x80xi32, #tpu.memory_space<vmem>>
      %dma_start3A_567 = tpu.memref_squeeze %dma_start3A_566 : memref<1x80xi32, #tpu.memory_space<vmem>> -> memref<80xi32, #tpu.memory_space<vmem>>
      %dma_start3A_568 = arith.constant 0 : i32
      %dma_start3A_569 = arith.constant 0 : i32
      %dma_start3A_570 = tpu.memref_slice %arg2[%dma_start3A_568, %dma_start3A_569] : memref<40000x128xf32, #tpu.memory_space<hbm>> -> memref<40000x128xf32, #tpu.memory_space<hbm>>
      %dma_start3A_571 = tpu.memref_slice %arg11[%dma_start3A_560] : memref<4x!tpu.dma_semaphore, #tpu.memory_space<semaphore_mem>> -> memref<1x!tpu.dma_semaphore, #tpu.memory_space<semaphore_mem>>
      %dma_start3A_572 = tpu.memref_squeeze %dma_start3A_571 : memref<1x!tpu.dma_semaphore, #tpu.memory_space<semaphore_mem>> -> memref<!tpu.dma_semaphore, #tpu.memory_space<semaphore_mem>>
      tpu.enqueue_indirect_dma source(%dma_start3A_570 : memref<40000x128xf32, #tpu.memory_space<hbm>>) target(%dma_start3A_564 : memref<80x128xf32, #tpu.memory_space<vmem>>) offsets(%dma_start3A_567 : memref<80xi32, #tpu.memory_space<vmem>>) semaphore(%dma_start3A_572 : memref<!tpu.dma_semaphore, #tpu.memory_space<semaphore_mem>>)
      %dma_start3A_573 = arith.constant 1 : i32
      %dma_start3A_574 = arith.constant 1 : i32
      %dma_start3A_575 = arith.constant 1 : i32
      %dma_start3A_576 = arith.constant 0 : i32
      %dma_start3A_577 = arith.constant 0 : i32
      %dma_start3A_578 = tpu.memref_slice %arg9[%dma_start3A_574, %dma_start3A_576, %dma_start3A_577] : memref<4x80x128xf32, #tpu.memory_space<vmem>> -> memref<1x80x128xf32, #tpu.memory_space<vmem>>
      %dma_start3A_579 = tpu.memref_squeeze %dma_start3A_578 : memref<1x80x128xf32, #tpu.memory_space<vmem>> -> memref<80x128xf32, #tpu.memory_space<vmem>>
      %dma_start3A_580 = arith.constant 0 : i32
      %dma_start3A_581 = tpu.memref_slice %arg7[%dma_start3A_573, %dma_start3A_580] : memref<8x80xi32, #tpu.memory_space<vmem>> -> memref<1x80xi32, #tpu.memory_space<vmem>>
      %dma_start3A_582 = tpu.memref_squeeze %dma_start3A_581 : memref<1x80xi32, #tpu.memory_space<vmem>> -> memref<80xi32, #tpu.memory_space<vmem>>
      %dma_start3A_583 = arith.constant 0 : i32
      %dma_start3A_584 = arith.constant 0 : i32
      %dma_start3A_585 = tpu.memref_slice %arg2[%dma_start3A_583, %dma_start3A_584] : memref<40000x128xf32, #tpu.memory_space<hbm>> -> memref<40000x128xf32, #tpu.memory_space<hbm>>
      %dma_start3A_586 = tpu.memref_slice %arg11[%dma_start3A_575] : memref<4x!tpu.dma_semaphore, #tpu.memory_space<semaphore_mem>> -> memref<1x!tpu.dma_semaphore, #tpu.memory_space<semaphore_mem>>
      %dma_start3A_587 = tpu.memref_squeeze %dma_start3A_586 : memref<1x!tpu.dma_semaphore, #tpu.memory_space<semaphore_mem>> -> memref<!tpu.dma_semaphore, #tpu.memory_space<semaphore_mem>>
      tpu.enqueue_indirect_dma source(%dma_start3A_585 : memref<40000x128xf32, #tpu.memory_space<hbm>>) target(%dma_start3A_579 : memref<80x128xf32, #tpu.memory_space<vmem>>) offsets(%dma_start3A_582 : memref<80xi32, #tpu.memory_space<vmem>>) semaphore(%dma_start3A_587 : memref<!tpu.dma_semaphore, #tpu.memory_space<semaphore_mem>>)
      %dma_start3A_588 = arith.constant 2 : i32
      %dma_start3A_589 = arith.constant 2 : i32
      %dma_start3A_590 = arith.constant 2 : i32
      %dma_start3A_591 = arith.constant 0 : i32
      %dma_start3A_592 = arith.constant 0 : i32
      %dma_start3A_593 = tpu.memref_slice %arg9[%dma_start3A_589, %dma_start3A_591, %dma_start3A_592] : memref<4x80x128xf32, #tpu.memory_space<vmem>> -> memref<1x80x128xf32, #tpu.memory_space<vmem>>
      %dma_start3A_594 = tpu.memref_squeeze %dma_start3A_593 : memref<1x80x128xf32, #tpu.memory_space<vmem>> -> memref<80x128xf32, #tpu.memory_space<vmem>>
      %dma_start3A_595 = arith.constant 0 : i32
      %dma_start3A_596 = tpu.memref_slice %arg7[%dma_start3A_588, %dma_start3A_595] : memref<8x80xi32, #tpu.memory_space<vmem>> -> memref<1x80xi32, #tpu.memory_space<vmem>>
      %dma_start3A_597 = tpu.memref_squeeze %dma_start3A_596 : memref<1x80xi32, #tpu.memory_space<vmem>> -> memref<80xi32, #tpu.memory_space<vmem>>
      %dma_start3A_598 = arith.constant 0 : i32
      %dma_start3A_599 = arith.constant 0 : i32
      %dma_start3A_600 = tpu.memref_slice %arg2[%dma_start3A_598, %dma_start3A_599] : memref<40000x128xf32, #tpu.memory_space<hbm>> -> memref<40000x128xf32, #tpu.memory_space<hbm>>
      %dma_start3A_601 = tpu.memref_slice %arg11[%dma_start3A_590] : memref<4x!tpu.dma_semaphore, #tpu.memory_space<semaphore_mem>> -> memref<1x!tpu.dma_semaphore, #tpu.memory_space<semaphore_mem>>
      %dma_start3A_602 = tpu.memref_squeeze %dma_start3A_601 : memref<1x!tpu.dma_semaphore, #tpu.memory_space<semaphore_mem>> -> memref<!tpu.dma_semaphore, #tpu.memory_space<semaphore_mem>>
      tpu.enqueue_indirect_dma source(%dma_start3A_600 : memref<40000x128xf32, #tpu.memory_space<hbm>>) target(%dma_start3A_594 : memref<80x128xf32, #tpu.memory_space<vmem>>) offsets(%dma_start3A_597 : memref<80xi32, #tpu.memory_space<vmem>>) semaphore(%dma_start3A_602 : memref<!tpu.dma_semaphore, #tpu.memory_space<semaphore_mem>>)
      %dma_wait3A = arith.constant 0 : i32
      %dma_wait3A_603 = arith.constant 0 : i32
      %dma_wait3A_604 = arith.constant 0 : i32
      %dma_wait3A_605 = arith.constant 0 : i32
      %dma_wait3A_606 = arith.constant 0 : i32
      %dma_wait3A_607 = tpu.memref_slice %arg9[%dma_wait3A_603, %dma_wait3A_605, %dma_wait3A_606] : memref<4x80x128xf32, #tpu.memory_space<vmem>> -> memref<1x80x128xf32, #tpu.memory_space<vmem>>
      %dma_wait3A_608 = tpu.memref_squeeze %dma_wait3A_607 : memref<1x80x128xf32, #tpu.memory_space<vmem>> -> memref<80x128xf32, #tpu.memory_space<vmem>>
      %dma_wait3A_609 = arith.constant 0 : i32
      %dma_wait3A_610 = tpu.memref_slice %arg7[%dma_wait3A, %dma_wait3A_609] : memref<8x80xi32, #tpu.memory_space<vmem>> -> memref<1x80xi32, #tpu.memory_space<vmem>>
      %dma_wait3A_611 = tpu.memref_squeeze %dma_wait3A_610 : memref<1x80xi32, #tpu.memory_space<vmem>> -> memref<80xi32, #tpu.memory_space<vmem>>
      %dma_wait3A_612 = arith.constant 0 : i32
      %dma_wait3A_613 = arith.constant 0 : i32
      %dma_wait3A_614 = tpu.memref_slice %arg2[%dma_wait3A_612, %dma_wait3A_613] : memref<40000x128xf32, #tpu.memory_space<hbm>> -> memref<40000x128xf32, #tpu.memory_space<hbm>>
      %dma_wait3A_615 = tpu.memref_slice %arg11[%dma_wait3A_604] : memref<4x!tpu.dma_semaphore, #tpu.memory_space<semaphore_mem>> -> memref<1x!tpu.dma_semaphore, #tpu.memory_space<semaphore_mem>>
      %dma_wait3A_616 = tpu.memref_squeeze %dma_wait3A_615 : memref<1x!tpu.dma_semaphore, #tpu.memory_space<semaphore_mem>> -> memref<!tpu.dma_semaphore, #tpu.memory_space<semaphore_mem>>
      tpu.wait_indirect_dma semaphore(%dma_wait3A_616 : memref<!tpu.dma_semaphore, #tpu.memory_space<semaphore_mem>>) src(%dma_wait3A_614 : memref<40000x128xf32, #tpu.memory_space<hbm>>) dst(%dma_wait3A_608 : memref<80x128xf32, #tpu.memory_space<vmem>>)
      %dma_start3A_617 = arith.constant 0 : i32
      %dma_start3A_618 = arith.constant 0 : i32
      %dma_start3A_619 = arith.constant 0 : i32
      %dma_start3A_620 = arith.constant 0 : i32
      %dma_start3A_621 = arith.constant 0 : i32
      %dma_start3A_622 = tpu.memref_slice %arg9[%dma_start3A_617, %dma_start3A_620, %dma_start3A_621] : memref<4x80x128xf32, #tpu.memory_space<vmem>> -> memref<1x80x128xf32, #tpu.memory_space<vmem>>
      %dma_start3A_623 = tpu.memref_squeeze %dma_start3A_622 : memref<1x80x128xf32, #tpu.memory_space<vmem>> -> memref<80x128xf32, #tpu.memory_space<vmem>>
      %dma_start3A_624 = arith.constant 0 : i32
      %dma_start3A_625 = tpu.memref_slice %arg8[%dma_start3A_618, %dma_start3A_624] : memref<8x80xi32, #tpu.memory_space<vmem>> -> memref<1x80xi32, #tpu.memory_space<vmem>>
      %dma_start3A_626 = tpu.memref_squeeze %dma_start3A_625 : memref<1x80xi32, #tpu.memory_space<vmem>> -> memref<80xi32, #tpu.memory_space<vmem>>
      %dma_start3A_627 = arith.constant 0 : i32
      %dma_start3A_628 = arith.constant 0 : i32
      %dma_start3A_629 = tpu.memref_slice %arg10[%dma_start3A_627, %dma_start3A_628] : memref<10240x128xf32, #tpu.memory_space<vmem_shared>> -> memref<10240x128xf32, #tpu.memory_space<vmem_shared>>
      %dma_start3A_630 = tpu.memref_slice %arg12[%dma_start3A_619] : memref<4x!tpu.dma_semaphore, #tpu.memory_space<semaphore_mem>> -> memref<1x!tpu.dma_semaphore, #tpu.memory_space<semaphore_mem>>
      %dma_start3A_631 = tpu.memref_squeeze %dma_start3A_630 : memref<1x!tpu.dma_semaphore, #tpu.memory_space<semaphore_mem>> -> memref<!tpu.dma_semaphore, #tpu.memory_space<semaphore_mem>>
      tpu.enqueue_indirect_dma source(%dma_start3A_623 : memref<80x128xf32, #tpu.memory_space<vmem>>) target(%dma_start3A_629 : memref<10240x128xf32, #tpu.memory_space<vmem_shared>>) offsets(%dma_start3A_626 : memref<80xi32, #tpu.memory_space<vmem>>) semaphore(%dma_start3A_631 : memref<!tpu.dma_semaphore, #tpu.memory_space<semaphore_mem>>) {add = true}
      %dma_start3A_632 = arith.constant 3 : i32
      %dma_start3A_633 = arith.constant 3 : i32
      %dma_start3A_634 = arith.constant 3 : i32
      %dma_start3A_635 = arith.constant 0 : i32
      %dma_start3A_636 = arith.constant 0 : i32
      %dma_start3A_637 = tpu.memref_slice %arg9[%dma_start3A_633, %dma_start3A_635, %dma_start3A_636] : memref<4x80x128xf32, #tpu.memory_space<vmem>> -> memref<1x80x128xf32, #tpu.memory_space<vmem>>
      %dma_start3A_638 = tpu.memref_squeeze %dma_start3A_637 : memref<1x80x128xf32, #tpu.memory_space<vmem>> -> memref<80x128xf32, #tpu.memory_space<vmem>>
      %dma_start3A_639 = arith.constant 0 : i32
      %dma_start3A_640 = tpu.memref_slice %arg7[%dma_start3A_632, %dma_start3A_639] : memref<8x80xi32, #tpu.memory_space<vmem>> -> memref<1x80xi32, #tpu.memory_space<vmem>>
      %dma_start3A_641 = tpu.memref_squeeze %dma_start3A_640 : memref<1x80xi32, #tpu.memory_space<vmem>> -> memref<80xi32, #tpu.memory_space<vmem>>
      %dma_start3A_642 = arith.constant 0 : i32
      %dma_start3A_643 = arith.constant 0 : i32
      %dma_start3A_644 = tpu.memref_slice %arg2[%dma_start3A_642, %dma_start3A_643] : memref<40000x128xf32, #tpu.memory_space<hbm>> -> memref<40000x128xf32, #tpu.memory_space<hbm>>
      %dma_start3A_645 = tpu.memref_slice %arg11[%dma_start3A_634] : memref<4x!tpu.dma_semaphore, #tpu.memory_space<semaphore_mem>> -> memref<1x!tpu.dma_semaphore, #tpu.memory_space<semaphore_mem>>
      %dma_start3A_646 = tpu.memref_squeeze %dma_start3A_645 : memref<1x!tpu.dma_semaphore, #tpu.memory_space<semaphore_mem>> -> memref<!tpu.dma_semaphore, #tpu.memory_space<semaphore_mem>>
      tpu.enqueue_indirect_dma source(%dma_start3A_644 : memref<40000x128xf32, #tpu.memory_space<hbm>>) target(%dma_start3A_638 : memref<80x128xf32, #tpu.memory_space<vmem>>) offsets(%dma_start3A_641 : memref<80xi32, #tpu.memory_space<vmem>>) semaphore(%dma_start3A_646 : memref<!tpu.dma_semaphore, #tpu.memory_space<semaphore_mem>>)
      %dma_wait3A_647 = arith.constant 1 : i32
      %dma_wait3A_648 = arith.constant 1 : i32
      %dma_wait3A_649 = arith.constant 1 : i32
      %dma_wait3A_650 = arith.constant 0 : i32
      %dma_wait3A_651 = arith.constant 0 : i32
      %dma_wait3A_652 = tpu.memref_slice %arg9[%dma_wait3A_648, %dma_wait3A_650, %dma_wait3A_651] : memref<4x80x128xf32, #tpu.memory_space<vmem>> -> memref<1x80x128xf32, #tpu.memory_space<vmem>>
      %dma_wait3A_653 = tpu.memref_squeeze %dma_wait3A_652 : memref<1x80x128xf32, #tpu.memory_space<vmem>> -> memref<80x128xf32, #tpu.memory_space<vmem>>
      %dma_wait3A_654 = arith.constant 0 : i32
      %dma_wait3A_655 = tpu.memref_slice %arg7[%dma_wait3A_647, %dma_wait3A_654] : memref<8x80xi32, #tpu.memory_space<vmem>> -> memref<1x80xi32, #tpu.memory_space<vmem>>
      %dma_wait3A_656 = tpu.memref_squeeze %dma_wait3A_655 : memref<1x80xi32, #tpu.memory_space<vmem>> -> memref<80xi32, #tpu.memory_space<vmem>>
      %dma_wait3A_657 = arith.constant 0 : i32
      %dma_wait3A_658 = arith.constant 0 : i32
      %dma_wait3A_659 = tpu.memref_slice %arg2[%dma_wait3A_657, %dma_wait3A_658] : memref<40000x128xf32, #tpu.memory_space<hbm>> -> memref<40000x128xf32, #tpu.memory_space<hbm>>
      %dma_wait3A_660 = tpu.memref_slice %arg11[%dma_wait3A_649] : memref<4x!tpu.dma_semaphore, #tpu.memory_space<semaphore_mem>> -> memref<1x!tpu.dma_semaphore, #tpu.memory_space<semaphore_mem>>
      %dma_wait3A_661 = tpu.memref_squeeze %dma_wait3A_660 : memref<1x!tpu.dma_semaphore, #tpu.memory_space<semaphore_mem>> -> memref<!tpu.dma_semaphore, #tpu.memory_space<semaphore_mem>>
      tpu.wait_indirect_dma semaphore(%dma_wait3A_661 : memref<!tpu.dma_semaphore, #tpu.memory_space<semaphore_mem>>) src(%dma_wait3A_659 : memref<40000x128xf32, #tpu.memory_space<hbm>>) dst(%dma_wait3A_653 : memref<80x128xf32, #tpu.memory_space<vmem>>)
      %dma_start3A_662 = arith.constant 1 : i32
      %dma_start3A_663 = arith.constant 1 : i32
      %dma_start3A_664 = arith.constant 1 : i32
      %dma_start3A_665 = arith.constant 0 : i32
      %dma_start3A_666 = arith.constant 0 : i32
      %dma_start3A_667 = tpu.memref_slice %arg9[%dma_start3A_662, %dma_start3A_665, %dma_start3A_666] : memref<4x80x128xf32, #tpu.memory_space<vmem>> -> memref<1x80x128xf32, #tpu.memory_space<vmem>>
      %dma_start3A_668 = tpu.memref_squeeze %dma_start3A_667 : memref<1x80x128xf32, #tpu.memory_space<vmem>> -> memref<80x128xf32, #tpu.memory_space<vmem>>
      %dma_start3A_669 = arith.constant 0 : i32
      %dma_start3A_670 = tpu.memref_slice %arg8[%dma_start3A_663, %dma_start3A_669] : memref<8x80xi32, #tpu.memory_space<vmem>> -> memref<1x80xi32, #tpu.memory_space<vmem>>
      %dma_start3A_671 = tpu.memref_squeeze %dma_start3A_670 : memref<1x80xi32, #tpu.memory_space<vmem>> -> memref<80xi32, #tpu.memory_space<vmem>>
      %dma_start3A_672 = arith.constant 0 : i32
      %dma_start3A_673 = arith.constant 0 : i32
      %dma_start3A_674 = tpu.memref_slice %arg10[%dma_start3A_672, %dma_start3A_673] : memref<10240x128xf32, #tpu.memory_space<vmem_shared>> -> memref<10240x128xf32, #tpu.memory_space<vmem_shared>>
      %dma_start3A_675 = tpu.memref_slice %arg12[%dma_start3A_664] : memref<4x!tpu.dma_semaphore, #tpu.memory_space<semaphore_mem>> -> memref<1x!tpu.dma_semaphore, #tpu.memory_space<semaphore_mem>>
      %dma_start3A_676 = tpu.memref_squeeze %dma_start3A_675 : memref<1x!tpu.dma_semaphore, #tpu.memory_space<semaphore_mem>> -> memref<!tpu.dma_semaphore, #tpu.memory_space<semaphore_mem>>
      tpu.enqueue_indirect_dma source(%dma_start3A_668 : memref<80x128xf32, #tpu.memory_space<vmem>>) target(%dma_start3A_674 : memref<10240x128xf32, #tpu.memory_space<vmem_shared>>) offsets(%dma_start3A_671 : memref<80xi32, #tpu.memory_space<vmem>>) semaphore(%dma_start3A_676 : memref<!tpu.dma_semaphore, #tpu.memory_space<semaphore_mem>>) {add = true}
      %dma_wait3A_677 = arith.constant 0 : i32
      %dma_wait3A_678 = arith.constant 0 : i32
      %dma_wait3A_679 = arith.constant 0 : i32
      %dma_wait3A_680 = arith.constant 0 : i32
      %dma_wait3A_681 = arith.constant 0 : i32
      %dma_wait3A_682 = tpu.memref_slice %arg9[%dma_wait3A_677, %dma_wait3A_680, %dma_wait3A_681] : memref<4x80x128xf32, #tpu.memory_space<vmem>> -> memref<1x80x128xf32, #tpu.memory_space<vmem>>
      %dma_wait3A_683 = tpu.memref_squeeze %dma_wait3A_682 : memref<1x80x128xf32, #tpu.memory_space<vmem>> -> memref<80x128xf32, #tpu.memory_space<vmem>>
      %dma_wait3A_684 = arith.constant 0 : i32
      %dma_wait3A_685 = tpu.memref_slice %arg8[%dma_wait3A_678, %dma_wait3A_684] : memref<8x80xi32, #tpu.memory_space<vmem>> -> memref<1x80xi32, #tpu.memory_space<vmem>>
      %dma_wait3A_686 = tpu.memref_squeeze %dma_wait3A_685 : memref<1x80xi32, #tpu.memory_space<vmem>> -> memref<80xi32, #tpu.memory_space<vmem>>
      %dma_wait3A_687 = arith.constant 0 : i32
      %dma_wait3A_688 = arith.constant 0 : i32
      %dma_wait3A_689 = tpu.memref_slice %arg10[%dma_wait3A_687, %dma_wait3A_688] : memref<10240x128xf32, #tpu.memory_space<vmem_shared>> -> memref<10240x128xf32, #tpu.memory_space<vmem_shared>>
      %dma_wait3A_690 = tpu.memref_slice %arg12[%dma_wait3A_679] : memref<4x!tpu.dma_semaphore, #tpu.memory_space<semaphore_mem>> -> memref<1x!tpu.dma_semaphore, #tpu.memory_space<semaphore_mem>>
      %dma_wait3A_691 = tpu.memref_squeeze %dma_wait3A_690 : memref<1x!tpu.dma_semaphore, #tpu.memory_space<semaphore_mem>> -> memref<!tpu.dma_semaphore, #tpu.memory_space<semaphore_mem>>
      tpu.wait_indirect_dma semaphore(%dma_wait3A_691 : memref<!tpu.dma_semaphore, #tpu.memory_space<semaphore_mem>>) src(%dma_wait3A_683 : memref<80x128xf32, #tpu.memory_space<vmem>>) dst(%dma_wait3A_689 : memref<10240x128xf32, #tpu.memory_space<vmem_shared>>)
      %dma_start3A_692 = arith.constant 4 : i32
      %dma_start3A_693 = arith.constant 0 : i32
      %dma_start3A_694 = arith.constant 0 : i32
      %dma_start3A_695 = arith.constant 0 : i32
      %dma_start3A_696 = arith.constant 0 : i32
      %dma_start3A_697 = tpu.memref_slice %arg9[%dma_start3A_693, %dma_start3A_695, %dma_start3A_696] : memref<4x80x128xf32, #tpu.memory_space<vmem>> -> memref<1x80x128xf32, #tpu.memory_space<vmem>>
      %dma_start3A_698 = tpu.memref_squeeze %dma_start3A_697 : memref<1x80x128xf32, #tpu.memory_space<vmem>> -> memref<80x128xf32, #tpu.memory_space<vmem>>
      %dma_start3A_699 = arith.constant 0 : i32
      %dma_start3A_700 = tpu.memref_slice %arg7[%dma_start3A_692, %dma_start3A_699] : memref<8x80xi32, #tpu.memory_space<vmem>> -> memref<1x80xi32, #tpu.memory_space<vmem>>
      %dma_start3A_701 = tpu.memref_squeeze %dma_start3A_700 : memref<1x80xi32, #tpu.memory_space<vmem>> -> memref<80xi32, #tpu.memory_space<vmem>>
      %dma_start3A_702 = arith.constant 0 : i32
      %dma_start3A_703 = arith.constant 0 : i32
      %dma_start3A_704 = tpu.memref_slice %arg2[%dma_start3A_702, %dma_start3A_703] : memref<40000x128xf32, #tpu.memory_space<hbm>> -> memref<40000x128xf32, #tpu.memory_space<hbm>>
      %dma_start3A_705 = tpu.memref_slice %arg11[%dma_start3A_694] : memref<4x!tpu.dma_semaphore, #tpu.memory_space<semaphore_mem>> -> memref<1x!tpu.dma_semaphore, #tpu.memory_space<semaphore_mem>>
      %dma_start3A_706 = tpu.memref_squeeze %dma_start3A_705 : memref<1x!tpu.dma_semaphore, #tpu.memory_space<semaphore_mem>> -> memref<!tpu.dma_semaphore, #tpu.memory_space<semaphore_mem>>
      tpu.enqueue_indirect_dma source(%dma_start3A_704 : memref<40000x128xf32, #tpu.memory_space<hbm>>) target(%dma_start3A_698 : memref<80x128xf32, #tpu.memory_space<vmem>>) offsets(%dma_start3A_701 : memref<80xi32, #tpu.memory_space<vmem>>) semaphore(%dma_start3A_706 : memref<!tpu.dma_semaphore, #tpu.memory_space<semaphore_mem>>)
      %dma_wait3A_707 = arith.constant 2 : i32
      %dma_wait3A_708 = arith.constant 2 : i32
      %dma_wait3A_709 = arith.constant 2 : i32
      %dma_wait3A_710 = arith.constant 0 : i32
      %dma_wait3A_711 = arith.constant 0 : i32
      %dma_wait3A_712 = tpu.memref_slice %arg9[%dma_wait3A_708, %dma_wait3A_710, %dma_wait3A_711] : memref<4x80x128xf32, #tpu.memory_space<vmem>> -> memref<1x80x128xf32, #tpu.memory_space<vmem>>
      %dma_wait3A_713 = tpu.memref_squeeze %dma_wait3A_712 : memref<1x80x128xf32, #tpu.memory_space<vmem>> -> memref<80x128xf32, #tpu.memory_space<vmem>>
      %dma_wait3A_714 = arith.constant 0 : i32
      %dma_wait3A_715 = tpu.memref_slice %arg7[%dma_wait3A_707, %dma_wait3A_714] : memref<8x80xi32, #tpu.memory_space<vmem>> -> memref<1x80xi32, #tpu.memory_space<vmem>>
      %dma_wait3A_716 = tpu.memref_squeeze %dma_wait3A_715 : memref<1x80xi32, #tpu.memory_space<vmem>> -> memref<80xi32, #tpu.memory_space<vmem>>
      %dma_wait3A_717 = arith.constant 0 : i32
      %dma_wait3A_718 = arith.constant 0 : i32
      %dma_wait3A_719 = tpu.memref_slice %arg2[%dma_wait3A_717, %dma_wait3A_718] : memref<40000x128xf32, #tpu.memory_space<hbm>> -> memref<40000x128xf32, #tpu.memory_space<hbm>>
      %dma_wait3A_720 = tpu.memref_slice %arg11[%dma_wait3A_709] : memref<4x!tpu.dma_semaphore, #tpu.memory_space<semaphore_mem>> -> memref<1x!tpu.dma_semaphore, #tpu.memory_space<semaphore_mem>>
      %dma_wait3A_721 = tpu.memref_squeeze %dma_wait3A_720 : memref<1x!tpu.dma_semaphore, #tpu.memory_space<semaphore_mem>> -> memref<!tpu.dma_semaphore, #tpu.memory_space<semaphore_mem>>
      tpu.wait_indirect_dma semaphore(%dma_wait3A_721 : memref<!tpu.dma_semaphore, #tpu.memory_space<semaphore_mem>>) src(%dma_wait3A_719 : memref<40000x128xf32, #tpu.memory_space<hbm>>) dst(%dma_wait3A_713 : memref<80x128xf32, #tpu.memory_space<vmem>>)
      %dma_start3A_722 = arith.constant 2 : i32
      %dma_start3A_723 = arith.constant 2 : i32
      %dma_start3A_724 = arith.constant 2 : i32
      %dma_start3A_725 = arith.constant 0 : i32
      %dma_start3A_726 = arith.constant 0 : i32
      %dma_start3A_727 = tpu.memref_slice %arg9[%dma_start3A_722, %dma_start3A_725, %dma_start3A_726] : memref<4x80x128xf32, #tpu.memory_space<vmem>> -> memref<1x80x128xf32, #tpu.memory_space<vmem>>
      %dma_start3A_728 = tpu.memref_squeeze %dma_start3A_727 : memref<1x80x128xf32, #tpu.memory_space<vmem>> -> memref<80x128xf32, #tpu.memory_space<vmem>>
      %dma_start3A_729 = arith.constant 0 : i32
      %dma_start3A_730 = tpu.memref_slice %arg8[%dma_start3A_723, %dma_start3A_729] : memref<8x80xi32, #tpu.memory_space<vmem>> -> memref<1x80xi32, #tpu.memory_space<vmem>>
      %dma_start3A_731 = tpu.memref_squeeze %dma_start3A_730 : memref<1x80xi32, #tpu.memory_space<vmem>> -> memref<80xi32, #tpu.memory_space<vmem>>
      %dma_start3A_732 = arith.constant 0 : i32
      %dma_start3A_733 = arith.constant 0 : i32
      %dma_start3A_734 = tpu.memref_slice %arg10[%dma_start3A_732, %dma_start3A_733] : memref<10240x128xf32, #tpu.memory_space<vmem_shared>> -> memref<10240x128xf32, #tpu.memory_space<vmem_shared>>
      %dma_start3A_735 = tpu.memref_slice %arg12[%dma_start3A_724] : memref<4x!tpu.dma_semaphore, #tpu.memory_space<semaphore_mem>> -> memref<1x!tpu.dma_semaphore, #tpu.memory_space<semaphore_mem>>
      %dma_start3A_736 = tpu.memref_squeeze %dma_start3A_735 : memref<1x!tpu.dma_semaphore, #tpu.memory_space<semaphore_mem>> -> memref<!tpu.dma_semaphore, #tpu.memory_space<semaphore_mem>>
      tpu.enqueue_indirect_dma source(%dma_start3A_728 : memref<80x128xf32, #tpu.memory_space<vmem>>) target(%dma_start3A_734 : memref<10240x128xf32, #tpu.memory_space<vmem_shared>>) offsets(%dma_start3A_731 : memref<80xi32, #tpu.memory_space<vmem>>) semaphore(%dma_start3A_736 : memref<!tpu.dma_semaphore, #tpu.memory_space<semaphore_mem>>) {add = true}
      %dma_wait3A_737 = arith.constant 1 : i32
      %dma_wait3A_738 = arith.constant 1 : i32
      %dma_wait3A_739 = arith.constant 1 : i32
      %dma_wait3A_740 = arith.constant 0 : i32
      %dma_wait3A_741 = arith.constant 0 : i32
      %dma_wait3A_742 = tpu.memref_slice %arg9[%dma_wait3A_737, %dma_wait3A_740, %dma_wait3A_741] : memref<4x80x128xf32, #tpu.memory_space<vmem>> -> memref<1x80x128xf32, #tpu.memory_space<vmem>>
      %dma_wait3A_743 = tpu.memref_squeeze %dma_wait3A_742 : memref<1x80x128xf32, #tpu.memory_space<vmem>> -> memref<80x128xf32, #tpu.memory_space<vmem>>
      %dma_wait3A_744 = arith.constant 0 : i32
      %dma_wait3A_745 = tpu.memref_slice %arg8[%dma_wait3A_738, %dma_wait3A_744] : memref<8x80xi32, #tpu.memory_space<vmem>> -> memref<1x80xi32, #tpu.memory_space<vmem>>
      %dma_wait3A_746 = tpu.memref_squeeze %dma_wait3A_745 : memref<1x80xi32, #tpu.memory_space<vmem>> -> memref<80xi32, #tpu.memory_space<vmem>>
      %dma_wait3A_747 = arith.constant 0 : i32
      %dma_wait3A_748 = arith.constant 0 : i32
      %dma_wait3A_749 = tpu.memref_slice %arg10[%dma_wait3A_747, %dma_wait3A_748] : memref<10240x128xf32, #tpu.memory_space<vmem_shared>> -> memref<10240x128xf32, #tpu.memory_space<vmem_shared>>
      %dma_wait3A_750 = tpu.memref_slice %arg12[%dma_wait3A_739] : memref<4x!tpu.dma_semaphore, #tpu.memory_space<semaphore_mem>> -> memref<1x!tpu.dma_semaphore, #tpu.memory_space<semaphore_mem>>
      %dma_wait3A_751 = tpu.memref_squeeze %dma_wait3A_750 : memref<1x!tpu.dma_semaphore, #tpu.memory_space<semaphore_mem>> -> memref<!tpu.dma_semaphore, #tpu.memory_space<semaphore_mem>>
      tpu.wait_indirect_dma semaphore(%dma_wait3A_751 : memref<!tpu.dma_semaphore, #tpu.memory_space<semaphore_mem>>) src(%dma_wait3A_743 : memref<80x128xf32, #tpu.memory_space<vmem>>) dst(%dma_wait3A_749 : memref<10240x128xf32, #tpu.memory_space<vmem_shared>>)
      %dma_start3A_752 = arith.constant 5 : i32
      %dma_start3A_753 = arith.constant 1 : i32
      %dma_start3A_754 = arith.constant 1 : i32
      %dma_start3A_755 = arith.constant 0 : i32
      %dma_start3A_756 = arith.constant 0 : i32
      %dma_start3A_757 = tpu.memref_slice %arg9[%dma_start3A_753, %dma_start3A_755, %dma_start3A_756] : memref<4x80x128xf32, #tpu.memory_space<vmem>> -> memref<1x80x128xf32, #tpu.memory_space<vmem>>
      %dma_start3A_758 = tpu.memref_squeeze %dma_start3A_757 : memref<1x80x128xf32, #tpu.memory_space<vmem>> -> memref<80x128xf32, #tpu.memory_space<vmem>>
      %dma_start3A_759 = arith.constant 0 : i32
      %dma_start3A_760 = tpu.memref_slice %arg7[%dma_start3A_752, %dma_start3A_759] : memref<8x80xi32, #tpu.memory_space<vmem>> -> memref<1x80xi32, #tpu.memory_space<vmem>>
      %dma_start3A_761 = tpu.memref_squeeze %dma_start3A_760 : memref<1x80xi32, #tpu.memory_space<vmem>> -> memref<80xi32, #tpu.memory_space<vmem>>
      %dma_start3A_762 = arith.constant 0 : i32
      %dma_start3A_763 = arith.constant 0 : i32
      %dma_start3A_764 = tpu.memref_slice %arg2[%dma_start3A_762, %dma_start3A_763] : memref<40000x128xf32, #tpu.memory_space<hbm>> -> memref<40000x128xf32, #tpu.memory_space<hbm>>
      %dma_start3A_765 = tpu.memref_slice %arg11[%dma_start3A_754] : memref<4x!tpu.dma_semaphore, #tpu.memory_space<semaphore_mem>> -> memref<1x!tpu.dma_semaphore, #tpu.memory_space<semaphore_mem>>
      %dma_start3A_766 = tpu.memref_squeeze %dma_start3A_765 : memref<1x!tpu.dma_semaphore, #tpu.memory_space<semaphore_mem>> -> memref<!tpu.dma_semaphore, #tpu.memory_space<semaphore_mem>>
      tpu.enqueue_indirect_dma source(%dma_start3A_764 : memref<40000x128xf32, #tpu.memory_space<hbm>>) target(%dma_start3A_758 : memref<80x128xf32, #tpu.memory_space<vmem>>) offsets(%dma_start3A_761 : memref<80xi32, #tpu.memory_space<vmem>>) semaphore(%dma_start3A_766 : memref<!tpu.dma_semaphore, #tpu.memory_space<semaphore_mem>>)
      %dma_wait3A_767 = arith.constant 3 : i32
      %dma_wait3A_768 = arith.constant 3 : i32
      %dma_wait3A_769 = arith.constant 3 : i32
      %dma_wait3A_770 = arith.constant 0 : i32
      %dma_wait3A_771 = arith.constant 0 : i32
      %dma_wait3A_772 = tpu.memref_slice %arg9[%dma_wait3A_768, %dma_wait3A_770, %dma_wait3A_771] : memref<4x80x128xf32, #tpu.memory_space<vmem>> -> memref<1x80x128xf32, #tpu.memory_space<vmem>>
      %dma_wait3A_773 = tpu.memref_squeeze %dma_wait3A_772 : memref<1x80x128xf32, #tpu.memory_space<vmem>> -> memref<80x128xf32, #tpu.memory_space<vmem>>
      %dma_wait3A_774 = arith.constant 0 : i32
      %dma_wait3A_775 = tpu.memref_slice %arg7[%dma_wait3A_767, %dma_wait3A_774] : memref<8x80xi32, #tpu.memory_space<vmem>> -> memref<1x80xi32, #tpu.memory_space<vmem>>
      %dma_wait3A_776 = tpu.memref_squeeze %dma_wait3A_775 : memref<1x80xi32, #tpu.memory_space<vmem>> -> memref<80xi32, #tpu.memory_space<vmem>>
      %dma_wait3A_777 = arith.constant 0 : i32
      %dma_wait3A_778 = arith.constant 0 : i32
      %dma_wait3A_779 = tpu.memref_slice %arg2[%dma_wait3A_777, %dma_wait3A_778] : memref<40000x128xf32, #tpu.memory_space<hbm>> -> memref<40000x128xf32, #tpu.memory_space<hbm>>
      %dma_wait3A_780 = tpu.memref_slice %arg11[%dma_wait3A_769] : memref<4x!tpu.dma_semaphore, #tpu.memory_space<semaphore_mem>> -> memref<1x!tpu.dma_semaphore, #tpu.memory_space<semaphore_mem>>
      %dma_wait3A_781 = tpu.memref_squeeze %dma_wait3A_780 : memref<1x!tpu.dma_semaphore, #tpu.memory_space<semaphore_mem>> -> memref<!tpu.dma_semaphore, #tpu.memory_space<semaphore_mem>>
      tpu.wait_indirect_dma semaphore(%dma_wait3A_781 : memref<!tpu.dma_semaphore, #tpu.memory_space<semaphore_mem>>) src(%dma_wait3A_779 : memref<40000x128xf32, #tpu.memory_space<hbm>>) dst(%dma_wait3A_773 : memref<80x128xf32, #tpu.memory_space<vmem>>)
      %dma_start3A_782 = arith.constant 3 : i32
      %dma_start3A_783 = arith.constant 3 : i32
      %dma_start3A_784 = arith.constant 3 : i32
      %dma_start3A_785 = arith.constant 0 : i32
      %dma_start3A_786 = arith.constant 0 : i32
      %dma_start3A_787 = tpu.memref_slice %arg9[%dma_start3A_782, %dma_start3A_785, %dma_start3A_786] : memref<4x80x128xf32, #tpu.memory_space<vmem>> -> memref<1x80x128xf32, #tpu.memory_space<vmem>>
      %dma_start3A_788 = tpu.memref_squeeze %dma_start3A_787 : memref<1x80x128xf32, #tpu.memory_space<vmem>> -> memref<80x128xf32, #tpu.memory_space<vmem>>
      %dma_start3A_789 = arith.constant 0 : i32
      %dma_start3A_790 = tpu.memref_slice %arg8[%dma_start3A_783, %dma_start3A_789] : memref<8x80xi32, #tpu.memory_space<vmem>> -> memref<1x80xi32, #tpu.memory_space<vmem>>
      %dma_start3A_791 = tpu.memref_squeeze %dma_start3A_790 : memref<1x80xi32, #tpu.memory_space<vmem>> -> memref<80xi32, #tpu.memory_space<vmem>>
      %dma_start3A_792 = arith.constant 0 : i32
      %dma_start3A_793 = arith.constant 0 : i32
      %dma_start3A_794 = tpu.memref_slice %arg10[%dma_start3A_792, %dma_start3A_793] : memref<10240x128xf32, #tpu.memory_space<vmem_shared>> -> memref<10240x128xf32, #tpu.memory_space<vmem_shared>>
      %dma_start3A_795 = tpu.memref_slice %arg12[%dma_start3A_784] : memref<4x!tpu.dma_semaphore, #tpu.memory_space<semaphore_mem>> -> memref<1x!tpu.dma_semaphore, #tpu.memory_space<semaphore_mem>>
      %dma_start3A_796 = tpu.memref_squeeze %dma_start3A_795 : memref<1x!tpu.dma_semaphore, #tpu.memory_space<semaphore_mem>> -> memref<!tpu.dma_semaphore, #tpu.memory_space<semaphore_mem>>
      tpu.enqueue_indirect_dma source(%dma_start3A_788 : memref<80x128xf32, #tpu.memory_space<vmem>>) target(%dma_start3A_794 : memref<10240x128xf32, #tpu.memory_space<vmem_shared>>) offsets(%dma_start3A_791 : memref<80xi32, #tpu.memory_space<vmem>>) semaphore(%dma_start3A_796 : memref<!tpu.dma_semaphore, #tpu.memory_space<semaphore_mem>>) {add = true}
      %dma_wait3A_797 = arith.constant 2 : i32
      %dma_wait3A_798 = arith.constant 2 : i32
      %dma_wait3A_799 = arith.constant 2 : i32
      %dma_wait3A_800 = arith.constant 0 : i32
      %dma_wait3A_801 = arith.constant 0 : i32
      %dma_wait3A_802 = tpu.memref_slice %arg9[%dma_wait3A_797, %dma_wait3A_800, %dma_wait3A_801] : memref<4x80x128xf32, #tpu.memory_space<vmem>> -> memref<1x80x128xf32, #tpu.memory_space<vmem>>
      %dma_wait3A_803 = tpu.memref_squeeze %dma_wait3A_802 : memref<1x80x128xf32, #tpu.memory_space<vmem>> -> memref<80x128xf32, #tpu.memory_space<vmem>>
      %dma_wait3A_804 = arith.constant 0 : i32
      %dma_wait3A_805 = tpu.memref_slice %arg8[%dma_wait3A_798, %dma_wait3A_804] : memref<8x80xi32, #tpu.memory_space<vmem>> -> memref<1x80xi32, #tpu.memory_space<vmem>>
      %dma_wait3A_806 = tpu.memref_squeeze %dma_wait3A_805 : memref<1x80xi32, #tpu.memory_space<vmem>> -> memref<80xi32, #tpu.memory_space<vmem>>
      %dma_wait3A_807 = arith.constant 0 : i32
      %dma_wait3A_808 = arith.constant 0 : i32
      %dma_wait3A_809 = tpu.memref_slice %arg10[%dma_wait3A_807, %dma_wait3A_808] : memref<10240x128xf32, #tpu.memory_space<vmem_shared>> -> memref<10240x128xf32, #tpu.memory_space<vmem_shared>>
      %dma_wait3A_810 = tpu.memref_slice %arg12[%dma_wait3A_799] : memref<4x!tpu.dma_semaphore, #tpu.memory_space<semaphore_mem>> -> memref<1x!tpu.dma_semaphore, #tpu.memory_space<semaphore_mem>>
      %dma_wait3A_811 = tpu.memref_squeeze %dma_wait3A_810 : memref<1x!tpu.dma_semaphore, #tpu.memory_space<semaphore_mem>> -> memref<!tpu.dma_semaphore, #tpu.memory_space<semaphore_mem>>
      tpu.wait_indirect_dma semaphore(%dma_wait3A_811 : memref<!tpu.dma_semaphore, #tpu.memory_space<semaphore_mem>>) src(%dma_wait3A_803 : memref<80x128xf32, #tpu.memory_space<vmem>>) dst(%dma_wait3A_809 : memref<10240x128xf32, #tpu.memory_space<vmem_shared>>)
      %dma_start3A_812 = arith.constant 6 : i32
      %dma_start3A_813 = arith.constant 2 : i32
      %dma_start3A_814 = arith.constant 2 : i32
      %dma_start3A_815 = arith.constant 0 : i32
      %dma_start3A_816 = arith.constant 0 : i32
      %dma_start3A_817 = tpu.memref_slice %arg9[%dma_start3A_813, %dma_start3A_815, %dma_start3A_816] : memref<4x80x128xf32, #tpu.memory_space<vmem>> -> memref<1x80x128xf32, #tpu.memory_space<vmem>>
      %dma_start3A_818 = tpu.memref_squeeze %dma_start3A_817 : memref<1x80x128xf32, #tpu.memory_space<vmem>> -> memref<80x128xf32, #tpu.memory_space<vmem>>
      %dma_start3A_819 = arith.constant 0 : i32
      %dma_start3A_820 = tpu.memref_slice %arg7[%dma_start3A_812, %dma_start3A_819] : memref<8x80xi32, #tpu.memory_space<vmem>> -> memref<1x80xi32, #tpu.memory_space<vmem>>
      %dma_start3A_821 = tpu.memref_squeeze %dma_start3A_820 : memref<1x80xi32, #tpu.memory_space<vmem>> -> memref<80xi32, #tpu.memory_space<vmem>>
      %dma_start3A_822 = arith.constant 0 : i32
      %dma_start3A_823 = arith.constant 0 : i32
      %dma_start3A_824 = tpu.memref_slice %arg2[%dma_start3A_822, %dma_start3A_823] : memref<40000x128xf32, #tpu.memory_space<hbm>> -> memref<40000x128xf32, #tpu.memory_space<hbm>>
      %dma_start3A_825 = tpu.memref_slice %arg11[%dma_start3A_814] : memref<4x!tpu.dma_semaphore, #tpu.memory_space<semaphore_mem>> -> memref<1x!tpu.dma_semaphore, #tpu.memory_space<semaphore_mem>>
      %dma_start3A_826 = tpu.memref_squeeze %dma_start3A_825 : memref<1x!tpu.dma_semaphore, #tpu.memory_space<semaphore_mem>> -> memref<!tpu.dma_semaphore, #tpu.memory_space<semaphore_mem>>
      tpu.enqueue_indirect_dma source(%dma_start3A_824 : memref<40000x128xf32, #tpu.memory_space<hbm>>) target(%dma_start3A_818 : memref<80x128xf32, #tpu.memory_space<vmem>>) offsets(%dma_start3A_821 : memref<80xi32, #tpu.memory_space<vmem>>) semaphore(%dma_start3A_826 : memref<!tpu.dma_semaphore, #tpu.memory_space<semaphore_mem>>)
      %dma_wait3A_827 = arith.constant 4 : i32
      %dma_wait3A_828 = arith.constant 0 : i32
      %dma_wait3A_829 = arith.constant 0 : i32
      %dma_wait3A_830 = arith.constant 0 : i32
      %dma_wait3A_831 = arith.constant 0 : i32
      %dma_wait3A_832 = tpu.memref_slice %arg9[%dma_wait3A_828, %dma_wait3A_830, %dma_wait3A_831] : memref<4x80x128xf32, #tpu.memory_space<vmem>> -> memref<1x80x128xf32, #tpu.memory_space<vmem>>
      %dma_wait3A_833 = tpu.memref_squeeze %dma_wait3A_832 : memref<1x80x128xf32, #tpu.memory_space<vmem>> -> memref<80x128xf32, #tpu.memory_space<vmem>>
      %dma_wait3A_834 = arith.constant 0 : i32
      %dma_wait3A_835 = tpu.memref_slice %arg7[%dma_wait3A_827, %dma_wait3A_834] : memref<8x80xi32, #tpu.memory_space<vmem>> -> memref<1x80xi32, #tpu.memory_space<vmem>>
      %dma_wait3A_836 = tpu.memref_squeeze %dma_wait3A_835 : memref<1x80xi32, #tpu.memory_space<vmem>> -> memref<80xi32, #tpu.memory_space<vmem>>
      %dma_wait3A_837 = arith.constant 0 : i32
      %dma_wait3A_838 = arith.constant 0 : i32
      %dma_wait3A_839 = tpu.memref_slice %arg2[%dma_wait3A_837, %dma_wait3A_838] : memref<40000x128xf32, #tpu.memory_space<hbm>> -> memref<40000x128xf32, #tpu.memory_space<hbm>>
      %dma_wait3A_840 = tpu.memref_slice %arg11[%dma_wait3A_829] : memref<4x!tpu.dma_semaphore, #tpu.memory_space<semaphore_mem>> -> memref<1x!tpu.dma_semaphore, #tpu.memory_space<semaphore_mem>>
      %dma_wait3A_841 = tpu.memref_squeeze %dma_wait3A_840 : memref<1x!tpu.dma_semaphore, #tpu.memory_space<semaphore_mem>> -> memref<!tpu.dma_semaphore, #tpu.memory_space<semaphore_mem>>
      tpu.wait_indirect_dma semaphore(%dma_wait3A_841 : memref<!tpu.dma_semaphore, #tpu.memory_space<semaphore_mem>>) src(%dma_wait3A_839 : memref<40000x128xf32, #tpu.memory_space<hbm>>) dst(%dma_wait3A_833 : memref<80x128xf32, #tpu.memory_space<vmem>>)
      %dma_start3A_842 = arith.constant 0 : i32
      %dma_start3A_843 = arith.constant 4 : i32
      %dma_start3A_844 = arith.constant 0 : i32
      %dma_start3A_845 = arith.constant 0 : i32
      %dma_start3A_846 = arith.constant 0 : i32
      %dma_start3A_847 = tpu.memref_slice %arg9[%dma_start3A_842, %dma_start3A_845, %dma_start3A_846] : memref<4x80x128xf32, #tpu.memory_space<vmem>> -> memref<1x80x128xf32, #tpu.memory_space<vmem>>
      %dma_start3A_848 = tpu.memref_squeeze %dma_start3A_847 : memref<1x80x128xf32, #tpu.memory_space<vmem>> -> memref<80x128xf32, #tpu.memory_space<vmem>>
      %dma_start3A_849 = arith.constant 0 : i32
      %dma_start3A_850 = tpu.memref_slice %arg8[%dma_start3A_843, %dma_start3A_849] : memref<8x80xi32, #tpu.memory_space<vmem>> -> memref<1x80xi32, #tpu.memory_space<vmem>>
      %dma_start3A_851 = tpu.memref_squeeze %dma_start3A_850 : memref<1x80xi32, #tpu.memory_space<vmem>> -> memref<80xi32, #tpu.memory_space<vmem>>
      %dma_start3A_852 = arith.constant 0 : i32
      %dma_start3A_853 = arith.constant 0 : i32
      %dma_start3A_854 = tpu.memref_slice %arg10[%dma_start3A_852, %dma_start3A_853] : memref<10240x128xf32, #tpu.memory_space<vmem_shared>> -> memref<10240x128xf32, #tpu.memory_space<vmem_shared>>
      %dma_start3A_855 = tpu.memref_slice %arg12[%dma_start3A_844] : memref<4x!tpu.dma_semaphore, #tpu.memory_space<semaphore_mem>> -> memref<1x!tpu.dma_semaphore, #tpu.memory_space<semaphore_mem>>
      %dma_start3A_856 = tpu.memref_squeeze %dma_start3A_855 : memref<1x!tpu.dma_semaphore, #tpu.memory_space<semaphore_mem>> -> memref<!tpu.dma_semaphore, #tpu.memory_space<semaphore_mem>>
      tpu.enqueue_indirect_dma source(%dma_start3A_848 : memref<80x128xf32, #tpu.memory_space<vmem>>) target(%dma_start3A_854 : memref<10240x128xf32, #tpu.memory_space<vmem_shared>>) offsets(%dma_start3A_851 : memref<80xi32, #tpu.memory_space<vmem>>) semaphore(%dma_start3A_856 : memref<!tpu.dma_semaphore, #tpu.memory_space<semaphore_mem>>) {add = true}
      %dma_wait3A_857 = arith.constant 3 : i32
      %dma_wait3A_858 = arith.constant 3 : i32
      %dma_wait3A_859 = arith.constant 3 : i32
      %dma_wait3A_860 = arith.constant 0 : i32
      %dma_wait3A_861 = arith.constant 0 : i32
      %dma_wait3A_862 = tpu.memref_slice %arg9[%dma_wait3A_857, %dma_wait3A_860, %dma_wait3A_861] : memref<4x80x128xf32, #tpu.memory_space<vmem>> -> memref<1x80x128xf32, #tpu.memory_space<vmem>>
      %dma_wait3A_863 = tpu.memref_squeeze %dma_wait3A_862 : memref<1x80x128xf32, #tpu.memory_space<vmem>> -> memref<80x128xf32, #tpu.memory_space<vmem>>
      %dma_wait3A_864 = arith.constant 0 : i32
      %dma_wait3A_865 = tpu.memref_slice %arg8[%dma_wait3A_858, %dma_wait3A_864] : memref<8x80xi32, #tpu.memory_space<vmem>> -> memref<1x80xi32, #tpu.memory_space<vmem>>
      %dma_wait3A_866 = tpu.memref_squeeze %dma_wait3A_865 : memref<1x80xi32, #tpu.memory_space<vmem>> -> memref<80xi32, #tpu.memory_space<vmem>>
      %dma_wait3A_867 = arith.constant 0 : i32
      %dma_wait3A_868 = arith.constant 0 : i32
      %dma_wait3A_869 = tpu.memref_slice %arg10[%dma_wait3A_867, %dma_wait3A_868] : memref<10240x128xf32, #tpu.memory_space<vmem_shared>> -> memref<10240x128xf32, #tpu.memory_space<vmem_shared>>
      %dma_wait3A_870 = tpu.memref_slice %arg12[%dma_wait3A_859] : memref<4x!tpu.dma_semaphore, #tpu.memory_space<semaphore_mem>> -> memref<1x!tpu.dma_semaphore, #tpu.memory_space<semaphore_mem>>
      %dma_wait3A_871 = tpu.memref_squeeze %dma_wait3A_870 : memref<1x!tpu.dma_semaphore, #tpu.memory_space<semaphore_mem>> -> memref<!tpu.dma_semaphore, #tpu.memory_space<semaphore_mem>>
      tpu.wait_indirect_dma semaphore(%dma_wait3A_871 : memref<!tpu.dma_semaphore, #tpu.memory_space<semaphore_mem>>) src(%dma_wait3A_863 : memref<80x128xf32, #tpu.memory_space<vmem>>) dst(%dma_wait3A_869 : memref<10240x128xf32, #tpu.memory_space<vmem_shared>>)
      %dma_start3A_872 = arith.constant 7 : i32
      %dma_start3A_873 = arith.constant 3 : i32
      %dma_start3A_874 = arith.constant 3 : i32
      %dma_start3A_875 = arith.constant 0 : i32
      %dma_start3A_876 = arith.constant 0 : i32
      %dma_start3A_877 = tpu.memref_slice %arg9[%dma_start3A_873, %dma_start3A_875, %dma_start3A_876] : memref<4x80x128xf32, #tpu.memory_space<vmem>> -> memref<1x80x128xf32, #tpu.memory_space<vmem>>
      %dma_start3A_878 = tpu.memref_squeeze %dma_start3A_877 : memref<1x80x128xf32, #tpu.memory_space<vmem>> -> memref<80x128xf32, #tpu.memory_space<vmem>>
      %dma_start3A_879 = arith.constant 0 : i32
      %dma_start3A_880 = tpu.memref_slice %arg7[%dma_start3A_872, %dma_start3A_879] : memref<8x80xi32, #tpu.memory_space<vmem>> -> memref<1x80xi32, #tpu.memory_space<vmem>>
      %dma_start3A_881 = tpu.memref_squeeze %dma_start3A_880 : memref<1x80xi32, #tpu.memory_space<vmem>> -> memref<80xi32, #tpu.memory_space<vmem>>
      %dma_start3A_882 = arith.constant 0 : i32
      %dma_start3A_883 = arith.constant 0 : i32
      %dma_start3A_884 = tpu.memref_slice %arg2[%dma_start3A_882, %dma_start3A_883] : memref<40000x128xf32, #tpu.memory_space<hbm>> -> memref<40000x128xf32, #tpu.memory_space<hbm>>
      %dma_start3A_885 = tpu.memref_slice %arg11[%dma_start3A_874] : memref<4x!tpu.dma_semaphore, #tpu.memory_space<semaphore_mem>> -> memref<1x!tpu.dma_semaphore, #tpu.memory_space<semaphore_mem>>
      %dma_start3A_886 = tpu.memref_squeeze %dma_start3A_885 : memref<1x!tpu.dma_semaphore, #tpu.memory_space<semaphore_mem>> -> memref<!tpu.dma_semaphore, #tpu.memory_space<semaphore_mem>>
      tpu.enqueue_indirect_dma source(%dma_start3A_884 : memref<40000x128xf32, #tpu.memory_space<hbm>>) target(%dma_start3A_878 : memref<80x128xf32, #tpu.memory_space<vmem>>) offsets(%dma_start3A_881 : memref<80xi32, #tpu.memory_space<vmem>>) semaphore(%dma_start3A_886 : memref<!tpu.dma_semaphore, #tpu.memory_space<semaphore_mem>>)
      %dma_wait3A_887 = arith.constant 5 : i32
      %dma_wait3A_888 = arith.constant 1 : i32
      %dma_wait3A_889 = arith.constant 1 : i32
      %dma_wait3A_890 = arith.constant 0 : i32
      %dma_wait3A_891 = arith.constant 0 : i32
      %dma_wait3A_892 = tpu.memref_slice %arg9[%dma_wait3A_888, %dma_wait3A_890, %dma_wait3A_891] : memref<4x80x128xf32, #tpu.memory_space<vmem>> -> memref<1x80x128xf32, #tpu.memory_space<vmem>>
      %dma_wait3A_893 = tpu.memref_squeeze %dma_wait3A_892 : memref<1x80x128xf32, #tpu.memory_space<vmem>> -> memref<80x128xf32, #tpu.memory_space<vmem>>
      %dma_wait3A_894 = arith.constant 0 : i32
      %dma_wait3A_895 = tpu.memref_slice %arg7[%dma_wait3A_887, %dma_wait3A_894] : memref<8x80xi32, #tpu.memory_space<vmem>> -> memref<1x80xi32, #tpu.memory_space<vmem>>
      %dma_wait3A_896 = tpu.memref_squeeze %dma_wait3A_895 : memref<1x80xi32, #tpu.memory_space<vmem>> -> memref<80xi32, #tpu.memory_space<vmem>>
      %dma_wait3A_897 = arith.constant 0 : i32
      %dma_wait3A_898 = arith.constant 0 : i32
      %dma_wait3A_899 = tpu.memref_slice %arg2[%dma_wait3A_897, %dma_wait3A_898] : memref<40000x128xf32, #tpu.memory_space<hbm>> -> memref<40000x128xf32, #tpu.memory_space<hbm>>
      %dma_wait3A_900 = tpu.memref_slice %arg11[%dma_wait3A_889] : memref<4x!tpu.dma_semaphore, #tpu.memory_space<semaphore_mem>> -> memref<1x!tpu.dma_semaphore, #tpu.memory_space<semaphore_mem>>
      %dma_wait3A_901 = tpu.memref_squeeze %dma_wait3A_900 : memref<1x!tpu.dma_semaphore, #tpu.memory_space<semaphore_mem>> -> memref<!tpu.dma_semaphore, #tpu.memory_space<semaphore_mem>>
      tpu.wait_indirect_dma semaphore(%dma_wait3A_901 : memref<!tpu.dma_semaphore, #tpu.memory_space<semaphore_mem>>) src(%dma_wait3A_899 : memref<40000x128xf32, #tpu.memory_space<hbm>>) dst(%dma_wait3A_893 : memref<80x128xf32, #tpu.memory_space<vmem>>)
      %dma_start3A_902 = arith.constant 1 : i32
      %dma_start3A_903 = arith.constant 5 : i32
      %dma_start3A_904 = arith.constant 1 : i32
      %dma_start3A_905 = arith.constant 0 : i32
      %dma_start3A_906 = arith.constant 0 : i32
      %dma_start3A_907 = tpu.memref_slice %arg9[%dma_start3A_902, %dma_start3A_905, %dma_start3A_906] : memref<4x80x128xf32, #tpu.memory_space<vmem>> -> memref<1x80x128xf32, #tpu.memory_space<vmem>>
      %dma_start3A_908 = tpu.memref_squeeze %dma_start3A_907 : memref<1x80x128xf32, #tpu.memory_space<vmem>> -> memref<80x128xf32, #tpu.memory_space<vmem>>
      %dma_start3A_909 = arith.constant 0 : i32
      %dma_start3A_910 = tpu.memref_slice %arg8[%dma_start3A_903, %dma_start3A_909] : memref<8x80xi32, #tpu.memory_space<vmem>> -> memref<1x80xi32, #tpu.memory_space<vmem>>
      %dma_start3A_911 = tpu.memref_squeeze %dma_start3A_910 : memref<1x80xi32, #tpu.memory_space<vmem>> -> memref<80xi32, #tpu.memory_space<vmem>>
      %dma_start3A_912 = arith.constant 0 : i32
      %dma_start3A_913 = arith.constant 0 : i32
      %dma_start3A_914 = tpu.memref_slice %arg10[%dma_start3A_912, %dma_start3A_913] : memref<10240x128xf32, #tpu.memory_space<vmem_shared>> -> memref<10240x128xf32, #tpu.memory_space<vmem_shared>>
      %dma_start3A_915 = tpu.memref_slice %arg12[%dma_start3A_904] : memref<4x!tpu.dma_semaphore, #tpu.memory_space<semaphore_mem>> -> memref<1x!tpu.dma_semaphore, #tpu.memory_space<semaphore_mem>>
      %dma_start3A_916 = tpu.memref_squeeze %dma_start3A_915 : memref<1x!tpu.dma_semaphore, #tpu.memory_space<semaphore_mem>> -> memref<!tpu.dma_semaphore, #tpu.memory_space<semaphore_mem>>
      tpu.enqueue_indirect_dma source(%dma_start3A_908 : memref<80x128xf32, #tpu.memory_space<vmem>>) target(%dma_start3A_914 : memref<10240x128xf32, #tpu.memory_space<vmem_shared>>) offsets(%dma_start3A_911 : memref<80xi32, #tpu.memory_space<vmem>>) semaphore(%dma_start3A_916 : memref<!tpu.dma_semaphore, #tpu.memory_space<semaphore_mem>>) {add = true}
      %dma_wait3A_917 = arith.constant 6 : i32
      %dma_wait3A_918 = arith.constant 2 : i32
      %dma_wait3A_919 = arith.constant 2 : i32
      %dma_wait3A_920 = arith.constant 0 : i32
      %dma_wait3A_921 = arith.constant 0 : i32
      %dma_wait3A_922 = tpu.memref_slice %arg9[%dma_wait3A_918, %dma_wait3A_920, %dma_wait3A_921] : memref<4x80x128xf32, #tpu.memory_space<vmem>> -> memref<1x80x128xf32, #tpu.memory_space<vmem>>
      %dma_wait3A_923 = tpu.memref_squeeze %dma_wait3A_922 : memref<1x80x128xf32, #tpu.memory_space<vmem>> -> memref<80x128xf32, #tpu.memory_space<vmem>>
      %dma_wait3A_924 = arith.constant 0 : i32
      %dma_wait3A_925 = tpu.memref_slice %arg7[%dma_wait3A_917, %dma_wait3A_924] : memref<8x80xi32, #tpu.memory_space<vmem>> -> memref<1x80xi32, #tpu.memory_space<vmem>>
      %dma_wait3A_926 = tpu.memref_squeeze %dma_wait3A_925 : memref<1x80xi32, #tpu.memory_space<vmem>> -> memref<80xi32, #tpu.memory_space<vmem>>
      %dma_wait3A_927 = arith.constant 0 : i32
      %dma_wait3A_928 = arith.constant 0 : i32
      %dma_wait3A_929 = tpu.memref_slice %arg2[%dma_wait3A_927, %dma_wait3A_928] : memref<40000x128xf32, #tpu.memory_space<hbm>> -> memref<40000x128xf32, #tpu.memory_space<hbm>>
      %dma_wait3A_930 = tpu.memref_slice %arg11[%dma_wait3A_919] : memref<4x!tpu.dma_semaphore, #tpu.memory_space<semaphore_mem>> -> memref<1x!tpu.dma_semaphore, #tpu.memory_space<semaphore_mem>>
      %dma_wait3A_931 = tpu.memref_squeeze %dma_wait3A_930 : memref<1x!tpu.dma_semaphore, #tpu.memory_space<semaphore_mem>> -> memref<!tpu.dma_semaphore, #tpu.memory_space<semaphore_mem>>
      tpu.wait_indirect_dma semaphore(%dma_wait3A_931 : memref<!tpu.dma_semaphore, #tpu.memory_space<semaphore_mem>>) src(%dma_wait3A_929 : memref<40000x128xf32, #tpu.memory_space<hbm>>) dst(%dma_wait3A_923 : memref<80x128xf32, #tpu.memory_space<vmem>>)
      %dma_start3A_932 = arith.constant 2 : i32
      %dma_start3A_933 = arith.constant 6 : i32
      %dma_start3A_934 = arith.constant 2 : i32
      %dma_start3A_935 = arith.constant 0 : i32
      %dma_start3A_936 = arith.constant 0 : i32
      %dma_start3A_937 = tpu.memref_slice %arg9[%dma_start3A_932, %dma_start3A_935, %dma_start3A_936] : memref<4x80x128xf32, #tpu.memory_space<vmem>> -> memref<1x80x128xf32, #tpu.memory_space<vmem>>
      %dma_start3A_938 = tpu.memref_squeeze %dma_start3A_937 : memref<1x80x128xf32, #tpu.memory_space<vmem>> -> memref<80x128xf32, #tpu.memory_space<vmem>>
      %dma_start3A_939 = arith.constant 0 : i32
      %dma_start3A_940 = tpu.memref_slice %arg8[%dma_start3A_933, %dma_start3A_939] : memref<8x80xi32, #tpu.memory_space<vmem>> -> memref<1x80xi32, #tpu.memory_space<vmem>>
      %dma_start3A_941 = tpu.memref_squeeze %dma_start3A_940 : memref<1x80xi32, #tpu.memory_space<vmem>> -> memref<80xi32, #tpu.memory_space<vmem>>
      %dma_start3A_942 = arith.constant 0 : i32
      %dma_start3A_943 = arith.constant 0 : i32
      %dma_start3A_944 = tpu.memref_slice %arg10[%dma_start3A_942, %dma_start3A_943] : memref<10240x128xf32, #tpu.memory_space<vmem_shared>> -> memref<10240x128xf32, #tpu.memory_space<vmem_shared>>
      %dma_start3A_945 = tpu.memref_slice %arg12[%dma_start3A_934] : memref<4x!tpu.dma_semaphore, #tpu.memory_space<semaphore_mem>> -> memref<1x!tpu.dma_semaphore, #tpu.memory_space<semaphore_mem>>
      %dma_start3A_946 = tpu.memref_squeeze %dma_start3A_945 : memref<1x!tpu.dma_semaphore, #tpu.memory_space<semaphore_mem>> -> memref<!tpu.dma_semaphore, #tpu.memory_space<semaphore_mem>>
      tpu.enqueue_indirect_dma source(%dma_start3A_938 : memref<80x128xf32, #tpu.memory_space<vmem>>) target(%dma_start3A_944 : memref<10240x128xf32, #tpu.memory_space<vmem_shared>>) offsets(%dma_start3A_941 : memref<80xi32, #tpu.memory_space<vmem>>) semaphore(%dma_start3A_946 : memref<!tpu.dma_semaphore, #tpu.memory_space<semaphore_mem>>) {add = true}
      %dma_wait3A_947 = arith.constant 7 : i32
      %dma_wait3A_948 = arith.constant 3 : i32
      %dma_wait3A_949 = arith.constant 3 : i32
      %dma_wait3A_950 = arith.constant 0 : i32
      %dma_wait3A_951 = arith.constant 0 : i32
      %dma_wait3A_952 = tpu.memref_slice %arg9[%dma_wait3A_948, %dma_wait3A_950, %dma_wait3A_951] : memref<4x80x128xf32, #tpu.memory_space<vmem>> -> memref<1x80x128xf32, #tpu.memory_space<vmem>>
      %dma_wait3A_953 = tpu.memref_squeeze %dma_wait3A_952 : memref<1x80x128xf32, #tpu.memory_space<vmem>> -> memref<80x128xf32, #tpu.memory_space<vmem>>
      %dma_wait3A_954 = arith.constant 0 : i32
      %dma_wait3A_955 = tpu.memref_slice %arg7[%dma_wait3A_947, %dma_wait3A_954] : memref<8x80xi32, #tpu.memory_space<vmem>> -> memref<1x80xi32, #tpu.memory_space<vmem>>
      %dma_wait3A_956 = tpu.memref_squeeze %dma_wait3A_955 : memref<1x80xi32, #tpu.memory_space<vmem>> -> memref<80xi32, #tpu.memory_space<vmem>>
      %dma_wait3A_957 = arith.constant 0 : i32
      %dma_wait3A_958 = arith.constant 0 : i32
      %dma_wait3A_959 = tpu.memref_slice %arg2[%dma_wait3A_957, %dma_wait3A_958] : memref<40000x128xf32, #tpu.memory_space<hbm>> -> memref<40000x128xf32, #tpu.memory_space<hbm>>
      %dma_wait3A_960 = tpu.memref_slice %arg11[%dma_wait3A_949] : memref<4x!tpu.dma_semaphore, #tpu.memory_space<semaphore_mem>> -> memref<1x!tpu.dma_semaphore, #tpu.memory_space<semaphore_mem>>
      %dma_wait3A_961 = tpu.memref_squeeze %dma_wait3A_960 : memref<1x!tpu.dma_semaphore, #tpu.memory_space<semaphore_mem>> -> memref<!tpu.dma_semaphore, #tpu.memory_space<semaphore_mem>>
      tpu.wait_indirect_dma semaphore(%dma_wait3A_961 : memref<!tpu.dma_semaphore, #tpu.memory_space<semaphore_mem>>) src(%dma_wait3A_959 : memref<40000x128xf32, #tpu.memory_space<hbm>>) dst(%dma_wait3A_953 : memref<80x128xf32, #tpu.memory_space<vmem>>)
      %dma_start3A_962 = arith.constant 3 : i32
      %dma_start3A_963 = arith.constant 7 : i32
      %dma_start3A_964 = arith.constant 3 : i32
      %dma_start3A_965 = arith.constant 0 : i32
      %dma_start3A_966 = arith.constant 0 : i32
      %dma_start3A_967 = tpu.memref_slice %arg9[%dma_start3A_962, %dma_start3A_965, %dma_start3A_966] : memref<4x80x128xf32, #tpu.memory_space<vmem>> -> memref<1x80x128xf32, #tpu.memory_space<vmem>>
      %dma_start3A_968 = tpu.memref_squeeze %dma_start3A_967 : memref<1x80x128xf32, #tpu.memory_space<vmem>> -> memref<80x128xf32, #tpu.memory_space<vmem>>
      %dma_start3A_969 = arith.constant 0 : i32
      %dma_start3A_970 = tpu.memref_slice %arg8[%dma_start3A_963, %dma_start3A_969] : memref<8x80xi32, #tpu.memory_space<vmem>> -> memref<1x80xi32, #tpu.memory_space<vmem>>
      %dma_start3A_971 = tpu.memref_squeeze %dma_start3A_970 : memref<1x80xi32, #tpu.memory_space<vmem>> -> memref<80xi32, #tpu.memory_space<vmem>>
      %dma_start3A_972 = arith.constant 0 : i32
      %dma_start3A_973 = arith.constant 0 : i32
      %dma_start3A_974 = tpu.memref_slice %arg10[%dma_start3A_972, %dma_start3A_973] : memref<10240x128xf32, #tpu.memory_space<vmem_shared>> -> memref<10240x128xf32, #tpu.memory_space<vmem_shared>>
      %dma_start3A_975 = tpu.memref_slice %arg12[%dma_start3A_964] : memref<4x!tpu.dma_semaphore, #tpu.memory_space<semaphore_mem>> -> memref<1x!tpu.dma_semaphore, #tpu.memory_space<semaphore_mem>>
      %dma_start3A_976 = tpu.memref_squeeze %dma_start3A_975 : memref<1x!tpu.dma_semaphore, #tpu.memory_space<semaphore_mem>> -> memref<!tpu.dma_semaphore, #tpu.memory_space<semaphore_mem>>
      tpu.enqueue_indirect_dma source(%dma_start3A_968 : memref<80x128xf32, #tpu.memory_space<vmem>>) target(%dma_start3A_974 : memref<10240x128xf32, #tpu.memory_space<vmem_shared>>) offsets(%dma_start3A_971 : memref<80xi32, #tpu.memory_space<vmem>>) semaphore(%dma_start3A_976 : memref<!tpu.dma_semaphore, #tpu.memory_space<semaphore_mem>>) {add = true}
      %dma_wait3A_977 = arith.constant 0 : i32
      %dma_wait3A_978 = arith.constant 4 : i32
      %dma_wait3A_979 = arith.constant 0 : i32
      %dma_wait3A_980 = arith.constant 0 : i32
      %dma_wait3A_981 = arith.constant 0 : i32
      %dma_wait3A_982 = tpu.memref_slice %arg9[%dma_wait3A_977, %dma_wait3A_980, %dma_wait3A_981] : memref<4x80x128xf32, #tpu.memory_space<vmem>> -> memref<1x80x128xf32, #tpu.memory_space<vmem>>
      %dma_wait3A_983 = tpu.memref_squeeze %dma_wait3A_982 : memref<1x80x128xf32, #tpu.memory_space<vmem>> -> memref<80x128xf32, #tpu.memory_space<vmem>>
      %dma_wait3A_984 = arith.constant 0 : i32
      %dma_wait3A_985 = tpu.memref_slice %arg8[%dma_wait3A_978, %dma_wait3A_984] : memref<8x80xi32, #tpu.memory_space<vmem>> -> memref<1x80xi32, #tpu.memory_space<vmem>>
      %dma_wait3A_986 = tpu.memref_squeeze %dma_wait3A_985 : memref<1x80xi32, #tpu.memory_space<vmem>> -> memref<80xi32, #tpu.memory_space<vmem>>
      %dma_wait3A_987 = arith.constant 0 : i32
      %dma_wait3A_988 = arith.constant 0 : i32
      %dma_wait3A_989 = tpu.memref_slice %arg10[%dma_wait3A_987, %dma_wait3A_988] : memref<10240x128xf32, #tpu.memory_space<vmem_shared>> -> memref<10240x128xf32, #tpu.memory_space<vmem_shared>>
      %dma_wait3A_990 = tpu.memref_slice %arg12[%dma_wait3A_979] : memref<4x!tpu.dma_semaphore, #tpu.memory_space<semaphore_mem>> -> memref<1x!tpu.dma_semaphore, #tpu.memory_space<semaphore_mem>>
      %dma_wait3A_991 = tpu.memref_squeeze %dma_wait3A_990 : memref<1x!tpu.dma_semaphore, #tpu.memory_space<semaphore_mem>> -> memref<!tpu.dma_semaphore, #tpu.memory_space<semaphore_mem>>
      tpu.wait_indirect_dma semaphore(%dma_wait3A_991 : memref<!tpu.dma_semaphore, #tpu.memory_space<semaphore_mem>>) src(%dma_wait3A_983 : memref<80x128xf32, #tpu.memory_space<vmem>>) dst(%dma_wait3A_989 : memref<10240x128xf32, #tpu.memory_space<vmem_shared>>)
      %dma_wait3A_992 = arith.constant 1 : i32
      %dma_wait3A_993 = arith.constant 5 : i32
      %dma_wait3A_994 = arith.constant 1 : i32
      %dma_wait3A_995 = arith.constant 0 : i32
      %dma_wait3A_996 = arith.constant 0 : i32
      %dma_wait3A_997 = tpu.memref_slice %arg9[%dma_wait3A_992, %dma_wait3A_995, %dma_wait3A_996] : memref<4x80x128xf32, #tpu.memory_space<vmem>> -> memref<1x80x128xf32, #tpu.memory_space<vmem>>
      %dma_wait3A_998 = tpu.memref_squeeze %dma_wait3A_997 : memref<1x80x128xf32, #tpu.memory_space<vmem>> -> memref<80x128xf32, #tpu.memory_space<vmem>>
      %dma_wait3A_999 = arith.constant 0 : i32
      %dma_wait3A_1000 = tpu.memref_slice %arg8[%dma_wait3A_993, %dma_wait3A_999] : memref<8x80xi32, #tpu.memory_space<vmem>> -> memref<1x80xi32, #tpu.memory_space<vmem>>
      %dma_wait3A_1001 = tpu.memref_squeeze %dma_wait3A_1000 : memref<1x80xi32, #tpu.memory_space<vmem>> -> memref<80xi32, #tpu.memory_space<vmem>>
      %dma_wait3A_1002 = arith.constant 0 : i32
      %dma_wait3A_1003 = arith.constant 0 : i32
      %dma_wait3A_1004 = tpu.memref_slice %arg10[%dma_wait3A_1002, %dma_wait3A_1003] : memref<10240x128xf32, #tpu.memory_space<vmem_shared>> -> memref<10240x128xf32, #tpu.memory_space<vmem_shared>>
      %dma_wait3A_1005 = tpu.memref_slice %arg12[%dma_wait3A_994] : memref<4x!tpu.dma_semaphore, #tpu.memory_space<semaphore_mem>> -> memref<1x!tpu.dma_semaphore, #tpu.memory_space<semaphore_mem>>
      %dma_wait3A_1006 = tpu.memref_squeeze %dma_wait3A_1005 : memref<1x!tpu.dma_semaphore, #tpu.memory_space<semaphore_mem>> -> memref<!tpu.dma_semaphore, #tpu.memory_space<semaphore_mem>>
      tpu.wait_indirect_dma semaphore(%dma_wait3A_1006 : memref<!tpu.dma_semaphore, #tpu.memory_space<semaphore_mem>>) src(%dma_wait3A_998 : memref<80x128xf32, #tpu.memory_space<vmem>>) dst(%dma_wait3A_1004 : memref<10240x128xf32, #tpu.memory_space<vmem_shared>>)
      %dma_wait3A_1007 = arith.constant 2 : i32
      %dma_wait3A_1008 = arith.constant 6 : i32
      %dma_wait3A_1009 = arith.constant 2 : i32
      %dma_wait3A_1010 = arith.constant 0 : i32
      %dma_wait3A_1011 = arith.constant 0 : i32
      %dma_wait3A_1012 = tpu.memref_slice %arg9[%dma_wait3A_1007, %dma_wait3A_1010, %dma_wait3A_1011] : memref<4x80x128xf32, #tpu.memory_space<vmem>> -> memref<1x80x128xf32, #tpu.memory_space<vmem>>
      %dma_wait3A_1013 = tpu.memref_squeeze %dma_wait3A_1012 : memref<1x80x128xf32, #tpu.memory_space<vmem>> -> memref<80x128xf32, #tpu.memory_space<vmem>>
      %dma_wait3A_1014 = arith.constant 0 : i32
      %dma_wait3A_1015 = tpu.memref_slice %arg8[%dma_wait3A_1008, %dma_wait3A_1014] : memref<8x80xi32, #tpu.memory_space<vmem>> -> memref<1x80xi32, #tpu.memory_space<vmem>>
      %dma_wait3A_1016 = tpu.memref_squeeze %dma_wait3A_1015 : memref<1x80xi32, #tpu.memory_space<vmem>> -> memref<80xi32, #tpu.memory_space<vmem>>
      %dma_wait3A_1017 = arith.constant 0 : i32
      %dma_wait3A_1018 = arith.constant 0 : i32
      %dma_wait3A_1019 = tpu.memref_slice %arg10[%dma_wait3A_1017, %dma_wait3A_1018] : memref<10240x128xf32, #tpu.memory_space<vmem_shared>> -> memref<10240x128xf32, #tpu.memory_space<vmem_shared>>
      %dma_wait3A_1020 = tpu.memref_slice %arg12[%dma_wait3A_1009] : memref<4x!tpu.dma_semaphore, #tpu.memory_space<semaphore_mem>> -> memref<1x!tpu.dma_semaphore, #tpu.memory_space<semaphore_mem>>
      %dma_wait3A_1021 = tpu.memref_squeeze %dma_wait3A_1020 : memref<1x!tpu.dma_semaphore, #tpu.memory_space<semaphore_mem>> -> memref<!tpu.dma_semaphore, #tpu.memory_space<semaphore_mem>>
      tpu.wait_indirect_dma semaphore(%dma_wait3A_1021 : memref<!tpu.dma_semaphore, #tpu.memory_space<semaphore_mem>>) src(%dma_wait3A_1013 : memref<80x128xf32, #tpu.memory_space<vmem>>) dst(%dma_wait3A_1019 : memref<10240x128xf32, #tpu.memory_space<vmem_shared>>)
      %dma_wait3A_1022 = arith.constant 3 : i32
      %dma_wait3A_1023 = arith.constant 7 : i32
      %dma_wait3A_1024 = arith.constant 3 : i32
      %dma_wait3A_1025 = arith.constant 0 : i32
      %dma_wait3A_1026 = arith.constant 0 : i32
      %dma_wait3A_1027 = tpu.memref_slice %arg9[%dma_wait3A_1022, %dma_wait3A_1025, %dma_wait3A_1026] : memref<4x80x128xf32, #tpu.memory_space<vmem>> -> memref<1x80x128xf32, #tpu.memory_space<vmem>>
      %dma_wait3A_1028 = tpu.memref_squeeze %dma_wait3A_1027 : memref<1x80x128xf32, #tpu.memory_space<vmem>> -> memref<80x128xf32, #tpu.memory_space<vmem>>
      %dma_wait3A_1029 = arith.constant 0 : i32
      %dma_wait3A_1030 = tpu.memref_slice %arg8[%dma_wait3A_1023, %dma_wait3A_1029] : memref<8x80xi32, #tpu.memory_space<vmem>> -> memref<1x80xi32, #tpu.memory_space<vmem>>
      %dma_wait3A_1031 = tpu.memref_squeeze %dma_wait3A_1030 : memref<1x80xi32, #tpu.memory_space<vmem>> -> memref<80xi32, #tpu.memory_space<vmem>>
      %dma_wait3A_1032 = arith.constant 0 : i32
      %dma_wait3A_1033 = arith.constant 0 : i32
      %dma_wait3A_1034 = tpu.memref_slice %arg10[%dma_wait3A_1032, %dma_wait3A_1033] : memref<10240x128xf32, #tpu.memory_space<vmem_shared>> -> memref<10240x128xf32, #tpu.memory_space<vmem_shared>>
      %dma_wait3A_1035 = tpu.memref_slice %arg12[%dma_wait3A_1024] : memref<4x!tpu.dma_semaphore, #tpu.memory_space<semaphore_mem>> -> memref<1x!tpu.dma_semaphore, #tpu.memory_space<semaphore_mem>>
      %dma_wait3A_1036 = tpu.memref_squeeze %dma_wait3A_1035 : memref<1x!tpu.dma_semaphore, #tpu.memory_space<semaphore_mem>> -> memref<!tpu.dma_semaphore, #tpu.memory_space<semaphore_mem>>
      tpu.wait_indirect_dma semaphore(%dma_wait3A_1036 : memref<!tpu.dma_semaphore, #tpu.memory_space<semaphore_mem>>) src(%dma_wait3A_1028 : memref<80x128xf32, #tpu.memory_space<vmem>>) dst(%dma_wait3A_1034 : memref<10240x128xf32, #tpu.memory_space<vmem_shared>>)
    }
    %scan3A_10 = arith.constant 32 : i32
    %barrier3A_11 = arith.constant 0 : index
    tpu.barrier barrier_id(%barrier3A_11)
    %mul3A_12 = arith.constant 640 : i32
    %mul3A_13 = arith.muli %arg1, %mul3A_12 : i32
    %mul3A_14 = arith.constant 640 : i32
    %mul3A_15 = arith.muli %arg1, %mul3A_14 : i32
    "tpu.region"() ({
      %run_scoped3A = tpu.sem_alloc : memref<!tpu.dma_semaphore, #tpu.memory_space<semaphore_mem>>
      %dma_start3A = arith.constant 0 : i32
      %dma_start3A_36 = tpu.memref_slice %arg6[%add3A_1, %mul3A_15, %dma_start3A] : memref<4x10240x128xf32, #tpu.memory_space<hbm>> -> memref<1x640x128xf32, #tpu.memory_space<hbm>>
      %dma_start3A_37 = tpu.memref_squeeze %dma_start3A_36 : memref<1x640x128xf32, #tpu.memory_space<hbm>> -> memref<640x128xf32, #tpu.memory_space<hbm>>
      %dma_start3A_38 = arith.constant 0 : i32
      %dma_start3A_39 = tpu.memref_slice %arg10[%mul3A_13, %dma_start3A_38] : memref<10240x128xf32, #tpu.memory_space<vmem_shared>> -> memref<640x128xf32, #tpu.memory_space<vmem_shared>>
      tpu.enqueue_dma source(%dma_start3A_39 : memref<640x128xf32, #tpu.memory_space<vmem_shared>>) target(%dma_start3A_37 : memref<640x128xf32, #tpu.memory_space<hbm>>) target_semaphore(%run_scoped3A : memref<!tpu.dma_semaphore, #tpu.memory_space<semaphore_mem>>)
      %dma_wait3A = arith.constant 0 : i32
      %dma_wait3A_40 = tpu.memref_slice %arg6[%add3A_1, %mul3A_15, %dma_wait3A] : memref<4x10240x128xf32, #tpu.memory_space<hbm>> -> memref<1x640x128xf32, #tpu.memory_space<hbm>>
      %dma_wait3A_41 = tpu.memref_squeeze %dma_wait3A_40 : memref<1x640x128xf32, #tpu.memory_space<hbm>> -> memref<640x128xf32, #tpu.memory_space<hbm>>
      %dma_wait3A_42 = arith.constant 0 : i32
      %dma_wait3A_43 = tpu.memref_slice %arg10[%mul3A_13, %dma_wait3A_42] : memref<10240x128xf32, #tpu.memory_space<vmem_shared>> -> memref<640x128xf32, #tpu.memory_space<vmem_shared>>
      tpu.wait_dma2 semaphore(%run_scoped3A : memref<!tpu.dma_semaphore, #tpu.memory_space<semaphore_mem>>) src(%dma_wait3A_43 : memref<640x128xf32, #tpu.memory_space<vmem_shared>>) dst(%dma_wait3A_41 : memref<640x128xf32, #tpu.memory_space<hbm>>)
      tpu.yield
    }) : () -> ()
    %mul3A_16 = arith.constant 2 : i32
    %mul3A_17 = arith.muli %arg0, %mul3A_16 : i32
    %add3A_18 = arith.constant 1 : i32
    %add3A_19 = arith.addi %mul3A_17, %add3A_18 : i32
    %mul3A_20 = arith.constant 640 : i32
    %mul3A_21 = arith.muli %arg1, %mul3A_20 : i32
    "tpu.region"() ({
      %run_scoped3A = tpu.sem_alloc : memref<!tpu.dma_semaphore, #tpu.memory_space<semaphore_mem>>
      %dma_start3A = arith.constant 0 : i32
      %dma_start3A_36 = tpu.memref_slice %arg10[%mul3A_21, %dma_start3A] : memref<10240x128xf32, #tpu.memory_space<vmem_shared>> -> memref<640x128xf32, #tpu.memory_space<vmem_shared>>
      tpu.enqueue_dma source(%arg5 : memref<640x128xf32, #tpu.memory_space<hbm>>) target(%dma_start3A_36 : memref<640x128xf32, #tpu.memory_space<vmem_shared>>) target_semaphore(%run_scoped3A : memref<!tpu.dma_semaphore, #tpu.memory_space<semaphore_mem>>)
      %dma_wait3A = arith.constant 0 : i32
      %dma_wait3A_37 = tpu.memref_slice %arg10[%mul3A_21, %dma_wait3A] : memref<10240x128xf32, #tpu.memory_space<vmem_shared>> -> memref<640x128xf32, #tpu.memory_space<vmem_shared>>
      tpu.wait_dma2 semaphore(%run_scoped3A : memref<!tpu.dma_semaphore, #tpu.memory_space<semaphore_mem>>) src(%arg5 : memref<640x128xf32, #tpu.memory_space<hbm>>) dst(%dma_wait3A_37 : memref<640x128xf32, #tpu.memory_space<vmem_shared>>)
      tpu.yield
    }) : () -> ()
    %barrier3A_22 = arith.constant 0 : index
    tpu.barrier barrier_id(%barrier3A_22)
    %mul3A_23 = arith.constant 10000 : i32
    %mul3A_24 = arith.muli %add3A_19, %mul3A_23 : i32
    %scan3A_25 = arith.constant 0 : i32
    %scan3A_26 = arith.constant 0 : i32
    %scan3A_27 = arith.constant 32 : i32
    %scan3A_28 = arith.addi %scan3A_26, %scan3A_27 : i32
    %scan3A_29 = arith.constant 1 : i32
    scf.for %scan3A_36 = %scan3A_26 to %scan3A_28 step %scan3A_29  : i32 {
      %mul3A_37 = arith.constant 8 : i32
      %mul3A_38 = arith.muli %scan3A_36, %mul3A_37 : i32
      "tpu.region"() ({
        %run_scoped3A = tpu.sem_alloc : memref<!tpu.dma_semaphore, #tpu.memory_space<semaphore_mem>>
        %dma_start3A_1037 = arith.constant 0 : i32
        %dma_start3A_1038 = tpu.memref_slice %arg3[%arg1, %mul3A_38, %dma_start3A_1037] : memref<16x256x80xi32, #tpu.memory_space<hbm>> -> memref<1x8x80xi32, #tpu.memory_space<hbm>>
        %dma_start3A_1039 = tpu.memref_squeeze %dma_start3A_1038 : memref<1x8x80xi32, #tpu.memory_space<hbm>> -> memref<8x80xi32, #tpu.memory_space<hbm>>
        %dma_start3A_1040 = arith.constant 0 : i32
        %dma_start3A_1041 = tpu.memref_slice %arg3[%arg1, %mul3A_38, %dma_start3A_1040] : memref<16x256x80xi32, #tpu.memory_space<hbm>> -> memref<1x8x80xi32, #tpu.memory_space<hbm>>
        %dma_start3A_1042 = tpu.memref_squeeze %dma_start3A_1041 : memref<1x8x80xi32, #tpu.memory_space<hbm>> -> memref<8x80xi32, #tpu.memory_space<hbm>>
        tpu.enqueue_dma source(%dma_start3A_1042 : memref<8x80xi32, #tpu.memory_space<hbm>>) target(%arg7 : memref<8x80xi32, #tpu.memory_space<vmem>>) target_semaphore(%run_scoped3A : memref<!tpu.dma_semaphore, #tpu.memory_space<semaphore_mem>>)
        %dma_wait3A_1043 = arith.constant 0 : i32
        %dma_wait3A_1044 = tpu.memref_slice %arg3[%arg1, %mul3A_38, %dma_wait3A_1043] : memref<16x256x80xi32, #tpu.memory_space<hbm>> -> memref<1x8x80xi32, #tpu.memory_space<hbm>>
        %dma_wait3A_1045 = tpu.memref_squeeze %dma_wait3A_1044 : memref<1x8x80xi32, #tpu.memory_space<hbm>> -> memref<8x80xi32, #tpu.memory_space<hbm>>
        %dma_wait3A_1046 = arith.constant 0 : i32
        %dma_wait3A_1047 = tpu.memref_slice %arg3[%arg1, %mul3A_38, %dma_wait3A_1046] : memref<16x256x80xi32, #tpu.memory_space<hbm>> -> memref<1x8x80xi32, #tpu.memory_space<hbm>>
        %dma_wait3A_1048 = tpu.memref_squeeze %dma_wait3A_1047 : memref<1x8x80xi32, #tpu.memory_space<hbm>> -> memref<8x80xi32, #tpu.memory_space<hbm>>
        tpu.wait_dma2 semaphore(%run_scoped3A : memref<!tpu.dma_semaphore, #tpu.memory_space<semaphore_mem>>) src(%dma_wait3A_1048 : memref<8x80xi32, #tpu.memory_space<hbm>>) dst(%arg7 : memref<8x80xi32, #tpu.memory_space<vmem>>)
        tpu.yield
      }) : () -> ()
      %mul3A_39 = arith.constant 8 : i32
      %mul3A_40 = arith.muli %scan3A_36, %mul3A_39 : i32
      "tpu.region"() ({
        %run_scoped3A = tpu.sem_alloc : memref<!tpu.dma_semaphore, #tpu.memory_space<semaphore_mem>>
        %dma_start3A_1037 = arith.constant 0 : i32
        %dma_start3A_1038 = tpu.memref_slice %arg4[%arg1, %mul3A_40, %dma_start3A_1037] : memref<16x256x80xi32, #tpu.memory_space<hbm>> -> memref<1x8x80xi32, #tpu.memory_space<hbm>>
        %dma_start3A_1039 = tpu.memref_squeeze %dma_start3A_1038 : memref<1x8x80xi32, #tpu.memory_space<hbm>> -> memref<8x80xi32, #tpu.memory_space<hbm>>
        %dma_start3A_1040 = arith.constant 0 : i32
        %dma_start3A_1041 = tpu.memref_slice %arg4[%arg1, %mul3A_40, %dma_start3A_1040] : memref<16x256x80xi32, #tpu.memory_space<hbm>> -> memref<1x8x80xi32, #tpu.memory_space<hbm>>
        %dma_start3A_1042 = tpu.memref_squeeze %dma_start3A_1041 : memref<1x8x80xi32, #tpu.memory_space<hbm>> -> memref<8x80xi32, #tpu.memory_space<hbm>>
        tpu.enqueue_dma source(%dma_start3A_1042 : memref<8x80xi32, #tpu.memory_space<hbm>>) target(%arg8 : memref<8x80xi32, #tpu.memory_space<vmem>>) target_semaphore(%run_scoped3A : memref<!tpu.dma_semaphore, #tpu.memory_space<semaphore_mem>>)
        %dma_wait3A_1043 = arith.constant 0 : i32
        %dma_wait3A_1044 = tpu.memref_slice %arg4[%arg1, %mul3A_40, %dma_wait3A_1043] : memref<16x256x80xi32, #tpu.memory_space<hbm>> -> memref<1x8x80xi32, #tpu.memory_space<hbm>>
        %dma_wait3A_1045 = tpu.memref_squeeze %dma_wait3A_1044 : memref<1x8x80xi32, #tpu.memory_space<hbm>> -> memref<8x80xi32, #tpu.memory_space<hbm>>
        %dma_wait3A_1046 = arith.constant 0 : i32
        %dma_wait3A_1047 = tpu.memref_slice %arg4[%arg1, %mul3A_40, %dma_wait3A_1046] : memref<16x256x80xi32, #tpu.memory_space<hbm>> -> memref<1x8x80xi32, #tpu.memory_space<hbm>>
        %dma_wait3A_1048 = tpu.memref_squeeze %dma_wait3A_1047 : memref<1x8x80xi32, #tpu.memory_space<hbm>> -> memref<8x80xi32, #tpu.memory_space<hbm>>
        tpu.wait_dma2 semaphore(%run_scoped3A : memref<!tpu.dma_semaphore, #tpu.memory_space<semaphore_mem>>) src(%dma_wait3A_1048 : memref<8x80xi32, #tpu.memory_space<hbm>>) dst(%arg8 : memref<8x80xi32, #tpu.memory_space<vmem>>)
        tpu.yield
      }) : () -> ()
      %get3A = arith.constant 0 : i32
      %get3A_41 = arith.index_cast %get3A : i32 to index
      %get3A_42 = arith.constant 0 : index
      %get3A_43 = tpu.vector_load %arg7[%get3A_41, %get3A_42] {strides = array<i32>} : memref<8x80xi32, #tpu.memory_space<vmem>>, vector<1x16xi32>,
      %get3A_44 = vector.shape_cast %get3A_43 : vector<1x16xi32> to vector<16xi32>
      %add3A_45 = vector.broadcast %mul3A_24 : i32 to vector<16xi32>
      %add3A_46 = arith.addi %get3A_44, %add3A_45 : vector<16xi32>
      %swap3A = arith.constant 0 : i32
      %swap3A_47 = arith.index_cast %swap3A : i32 to index
      %swap3A_48 = arith.constant 0 : index
      %swap3A_49 = tpu.vector_load %arg7[%swap3A_47, %swap3A_48] {strides = array<i32>} : memref<8x80xi32, #tpu.memory_space<vmem>>, vector<1x16xi32>,
      %swap3A_50 = vector.shape_cast %swap3A_49 : vector<1x16xi32> to vector<16xi32>
      %swap3A_51 = vector.shape_cast %add3A_46 : vector<16xi32> to vector<1x16xi32>
      tpu.vector_store %arg7[%swap3A_47, %swap3A_48], %swap3A_51 {strides = array<i32>} : memref<8x80xi32, #tpu.memory_space<vmem>>, vector<1x16xi32>,
      %get3A_52 = arith.constant 0 : i32
      %get3A_53 = arith.index_cast %get3A_52 : i32 to index
      %get3A_54 = arith.constant 16 : index
      %get3A_55 = tpu.vector_load %arg7[%get3A_53, %get3A_54] {strides = array<i32>} : memref<8x80xi32, #tpu.memory_space<vmem>>, vector<1x16xi32>,
      %get3A_56 = vector.shape_cast %get3A_55 : vector<1x16xi32> to vector<16xi32>
      %add3A_57 = vector.broadcast %mul3A_24 : i32 to vector<16xi32>
      %add3A_58 = arith.addi %get3A_56, %add3A_57 : vector<16xi32>
      %swap3A_59 = arith.constant 0 : i32
      %swap3A_60 = arith.index_cast %swap3A_59 : i32 to index
      %swap3A_61 = arith.constant 16 : index
      %swap3A_62 = tpu.vector_load %arg7[%swap3A_60, %swap3A_61] {strides = array<i32>} : memref<8x80xi32, #tpu.memory_space<vmem>>, vector<1x16xi32>,
      %swap3A_63 = vector.shape_cast %swap3A_62 : vector<1x16xi32> to vector<16xi32>
      %swap3A_64 = vector.shape_cast %add3A_58 : vector<16xi32> to vector<1x16xi32>
      tpu.vector_store %arg7[%swap3A_60, %swap3A_61], %swap3A_64 {strides = array<i32>} : memref<8x80xi32, #tpu.memory_space<vmem>>, vector<1x16xi32>,
      %get3A_65 = arith.constant 0 : i32
      %get3A_66 = arith.index_cast %get3A_65 : i32 to index
      %get3A_67 = arith.constant 32 : index
      %get3A_68 = tpu.vector_load %arg7[%get3A_66, %get3A_67] {strides = array<i32>} : memref<8x80xi32, #tpu.memory_space<vmem>>, vector<1x16xi32>,
      %get3A_69 = vector.shape_cast %get3A_68 : vector<1x16xi32> to vector<16xi32>
      %add3A_70 = vector.broadcast %mul3A_24 : i32 to vector<16xi32>
      %add3A_71 = arith.addi %get3A_69, %add3A_70 : vector<16xi32>
      %swap3A_72 = arith.constant 0 : i32
      %swap3A_73 = arith.index_cast %swap3A_72 : i32 to index
      %swap3A_74 = arith.constant 32 : index
      %swap3A_75 = tpu.vector_load %arg7[%swap3A_73, %swap3A_74] {strides = array<i32>} : memref<8x80xi32, #tpu.memory_space<vmem>>, vector<1x16xi32>,
      %swap3A_76 = vector.shape_cast %swap3A_75 : vector<1x16xi32> to vector<16xi32>
      %swap3A_77 = vector.shape_cast %add3A_71 : vector<16xi32> to vector<1x16xi32>
      tpu.vector_store %arg7[%swap3A_73, %swap3A_74], %swap3A_77 {strides = array<i32>} : memref<8x80xi32, #tpu.memory_space<vmem>>, vector<1x16xi32>,
      %get3A_78 = arith.constant 0 : i32
      %get3A_79 = arith.index_cast %get3A_78 : i32 to index
      %get3A_80 = arith.constant 48 : index
      %get3A_81 = tpu.vector_load %arg7[%get3A_79, %get3A_80] {strides = array<i32>} : memref<8x80xi32, #tpu.memory_space<vmem>>, vector<1x16xi32>,
      %get3A_82 = vector.shape_cast %get3A_81 : vector<1x16xi32> to vector<16xi32>
      %add3A_83 = vector.broadcast %mul3A_24 : i32 to vector<16xi32>
      %add3A_84 = arith.addi %get3A_82, %add3A_83 : vector<16xi32>
      %swap3A_85 = arith.constant 0 : i32
      %swap3A_86 = arith.index_cast %swap3A_85 : i32 to index
      %swap3A_87 = arith.constant 48 : index
      %swap3A_88 = tpu.vector_load %arg7[%swap3A_86, %swap3A_87] {strides = array<i32>} : memref<8x80xi32, #tpu.memory_space<vmem>>, vector<1x16xi32>,
      %swap3A_89 = vector.shape_cast %swap3A_88 : vector<1x16xi32> to vector<16xi32>
      %swap3A_90 = vector.shape_cast %add3A_84 : vector<16xi32> to vector<1x16xi32>
      tpu.vector_store %arg7[%swap3A_86, %swap3A_87], %swap3A_90 {strides = array<i32>} : memref<8x80xi32, #tpu.memory_space<vmem>>, vector<1x16xi32>,
      %get3A_91 = arith.constant 0 : i32
      %get3A_92 = arith.index_cast %get3A_91 : i32 to index
      %get3A_93 = arith.constant 64 : index
      %get3A_94 = tpu.vector_load %arg7[%get3A_92, %get3A_93] {strides = array<i32>} : memref<8x80xi32, #tpu.memory_space<vmem>>, vector<1x16xi32>,
      %get3A_95 = vector.shape_cast %get3A_94 : vector<1x16xi32> to vector<16xi32>
      %add3A_96 = vector.broadcast %mul3A_24 : i32 to vector<16xi32>
      %add3A_97 = arith.addi %get3A_95, %add3A_96 : vector<16xi32>
      %swap3A_98 = arith.constant 0 : i32
      %swap3A_99 = arith.index_cast %swap3A_98 : i32 to index
      %swap3A_100 = arith.constant 64 : index
      %swap3A_101 = tpu.vector_load %arg7[%swap3A_99, %swap3A_100] {strides = array<i32>} : memref<8x80xi32, #tpu.memory_space<vmem>>, vector<1x16xi32>,
      %swap3A_102 = vector.shape_cast %swap3A_101 : vector<1x16xi32> to vector<16xi32>
      %swap3A_103 = vector.shape_cast %add3A_97 : vector<16xi32> to vector<1x16xi32>
      tpu.vector_store %arg7[%swap3A_99, %swap3A_100], %swap3A_103 {strides = array<i32>} : memref<8x80xi32, #tpu.memory_space<vmem>>, vector<1x16xi32>,
      %get3A_104 = arith.constant 1 : i32
      %get3A_105 = arith.index_cast %get3A_104 : i32 to index
      %get3A_106 = arith.constant 0 : index
      %get3A_107 = tpu.vector_load %arg7[%get3A_105, %get3A_106] {strides = array<i32>} : memref<8x80xi32, #tpu.memory_space<vmem>>, vector<1x16xi32>,
      %get3A_108 = vector.shape_cast %get3A_107 : vector<1x16xi32> to vector<16xi32>
      %add3A_109 = vector.broadcast %mul3A_24 : i32 to vector<16xi32>
      %add3A_110 = arith.addi %get3A_108, %add3A_109 : vector<16xi32>
      %swap3A_111 = arith.constant 1 : i32
      %swap3A_112 = arith.index_cast %swap3A_111 : i32 to index
      %swap3A_113 = arith.constant 0 : index
      %swap3A_114 = tpu.vector_load %arg7[%swap3A_112, %swap3A_113] {strides = array<i32>} : memref<8x80xi32, #tpu.memory_space<vmem>>, vector<1x16xi32>,
      %swap3A_115 = vector.shape_cast %swap3A_114 : vector<1x16xi32> to vector<16xi32>
      %swap3A_116 = vector.shape_cast %add3A_110 : vector<16xi32> to vector<1x16xi32>
      tpu.vector_store %arg7[%swap3A_112, %swap3A_113], %swap3A_116 {strides = array<i32>} : memref<8x80xi32, #tpu.memory_space<vmem>>, vector<1x16xi32>,
      %get3A_117 = arith.constant 1 : i32
      %get3A_118 = arith.index_cast %get3A_117 : i32 to index
      %get3A_119 = arith.constant 16 : index
      %get3A_120 = tpu.vector_load %arg7[%get3A_118, %get3A_119] {strides = array<i32>} : memref<8x80xi32, #tpu.memory_space<vmem>>, vector<1x16xi32>,
      %get3A_121 = vector.shape_cast %get3A_120 : vector<1x16xi32> to vector<16xi32>
      %add3A_122 = vector.broadcast %mul3A_24 : i32 to vector<16xi32>
      %add3A_123 = arith.addi %get3A_121, %add3A_122 : vector<16xi32>
      %swap3A_124 = arith.constant 1 : i32
      %swap3A_125 = arith.index_cast %swap3A_124 : i32 to index
      %swap3A_126 = arith.constant 16 : index
      %swap3A_127 = tpu.vector_load %arg7[%swap3A_125, %swap3A_126] {strides = array<i32>} : memref<8x80xi32, #tpu.memory_space<vmem>>, vector<1x16xi32>,
      %swap3A_128 = vector.shape_cast %swap3A_127 : vector<1x16xi32> to vector<16xi32>
      %swap3A_129 = vector.shape_cast %add3A_123 : vector<16xi32> to vector<1x16xi32>
      tpu.vector_store %arg7[%swap3A_125, %swap3A_126], %swap3A_129 {strides = array<i32>} : memref<8x80xi32, #tpu.memory_space<vmem>>, vector<1x16xi32>,
      %get3A_130 = arith.constant 1 : i32
      %get3A_131 = arith.index_cast %get3A_130 : i32 to index
      %get3A_132 = arith.constant 32 : index
      %get3A_133 = tpu.vector_load %arg7[%get3A_131, %get3A_132] {strides = array<i32>} : memref<8x80xi32, #tpu.memory_space<vmem>>, vector<1x16xi32>,
      %get3A_134 = vector.shape_cast %get3A_133 : vector<1x16xi32> to vector<16xi32>
      %add3A_135 = vector.broadcast %mul3A_24 : i32 to vector<16xi32>
      %add3A_136 = arith.addi %get3A_134, %add3A_135 : vector<16xi32>
      %swap3A_137 = arith.constant 1 : i32
      %swap3A_138 = arith.index_cast %swap3A_137 : i32 to index
      %swap3A_139 = arith.constant 32 : index
      %swap3A_140 = tpu.vector_load %arg7[%swap3A_138, %swap3A_139] {strides = array<i32>} : memref<8x80xi32, #tpu.memory_space<vmem>>, vector<1x16xi32>,
      %swap3A_141 = vector.shape_cast %swap3A_140 : vector<1x16xi32> to vector<16xi32>
      %swap3A_142 = vector.shape_cast %add3A_136 : vector<16xi32> to vector<1x16xi32>
      tpu.vector_store %arg7[%swap3A_138, %swap3A_139], %swap3A_142 {strides = array<i32>} : memref<8x80xi32, #tpu.memory_space<vmem>>, vector<1x16xi32>,
      %get3A_143 = arith.constant 1 : i32
      %get3A_144 = arith.index_cast %get3A_143 : i32 to index
      %get3A_145 = arith.constant 48 : index
      %get3A_146 = tpu.vector_load %arg7[%get3A_144, %get3A_145] {strides = array<i32>} : memref<8x80xi32, #tpu.memory_space<vmem>>, vector<1x16xi32>,
      %get3A_147 = vector.shape_cast %get3A_146 : vector<1x16xi32> to vector<16xi32>
      %add3A_148 = vector.broadcast %mul3A_24 : i32 to vector<16xi32>
      %add3A_149 = arith.addi %get3A_147, %add3A_148 : vector<16xi32>
      %swap3A_150 = arith.constant 1 : i32
      %swap3A_151 = arith.index_cast %swap3A_150 : i32 to index
      %swap3A_152 = arith.constant 48 : index
      %swap3A_153 = tpu.vector_load %arg7[%swap3A_151, %swap3A_152] {strides = array<i32>} : memref<8x80xi32, #tpu.memory_space<vmem>>, vector<1x16xi32>,
      %swap3A_154 = vector.shape_cast %swap3A_153 : vector<1x16xi32> to vector<16xi32>
      %swap3A_155 = vector.shape_cast %add3A_149 : vector<16xi32> to vector<1x16xi32>
      tpu.vector_store %arg7[%swap3A_151, %swap3A_152], %swap3A_155 {strides = array<i32>} : memref<8x80xi32, #tpu.memory_space<vmem>>, vector<1x16xi32>,
      %get3A_156 = arith.constant 1 : i32
      %get3A_157 = arith.index_cast %get3A_156 : i32 to index
      %get3A_158 = arith.constant 64 : index
      %get3A_159 = tpu.vector_load %arg7[%get3A_157, %get3A_158] {strides = array<i32>} : memref<8x80xi32, #tpu.memory_space<vmem>>, vector<1x16xi32>,
      %get3A_160 = vector.shape_cast %get3A_159 : vector<1x16xi32> to vector<16xi32>
      %add3A_161 = vector.broadcast %mul3A_24 : i32 to vector<16xi32>
      %add3A_162 = arith.addi %get3A_160, %add3A_161 : vector<16xi32>
      %swap3A_163 = arith.constant 1 : i32
      %swap3A_164 = arith.index_cast %swap3A_163 : i32 to index
      %swap3A_165 = arith.constant 64 : index
      %swap3A_166 = tpu.vector_load %arg7[%swap3A_164, %swap3A_165] {strides = array<i32>} : memref<8x80xi32, #tpu.memory_space<vmem>>, vector<1x16xi32>,
      %swap3A_167 = vector.shape_cast %swap3A_166 : vector<1x16xi32> to vector<16xi32>
      %swap3A_168 = vector.shape_cast %add3A_162 : vector<16xi32> to vector<1x16xi32>
      tpu.vector_store %arg7[%swap3A_164, %swap3A_165], %swap3A_168 {strides = array<i32>} : memref<8x80xi32, #tpu.memory_space<vmem>>, vector<1x16xi32>,
      %get3A_169 = arith.constant 2 : i32
      %get3A_170 = arith.index_cast %get3A_169 : i32 to index
      %get3A_171 = arith.constant 0 : index
      %get3A_172 = tpu.vector_load %arg7[%get3A_170, %get3A_171] {strides = array<i32>} : memref<8x80xi32, #tpu.memory_space<vmem>>, vector<1x16xi32>,
      %get3A_173 = vector.shape_cast %get3A_172 : vector<1x16xi32> to vector<16xi32>
      %add3A_174 = vector.broadcast %mul3A_24 : i32 to vector<16xi32>
      %add3A_175 = arith.addi %get3A_173, %add3A_174 : vector<16xi32>
      %swap3A_176 = arith.constant 2 : i32
      %swap3A_177 = arith.index_cast %swap3A_176 : i32 to index
      %swap3A_178 = arith.constant 0 : index
      %swap3A_179 = tpu.vector_load %arg7[%swap3A_177, %swap3A_178] {strides = array<i32>} : memref<8x80xi32, #tpu.memory_space<vmem>>, vector<1x16xi32>,
      %swap3A_180 = vector.shape_cast %swap3A_179 : vector<1x16xi32> to vector<16xi32>
      %swap3A_181 = vector.shape_cast %add3A_175 : vector<16xi32> to vector<1x16xi32>
      tpu.vector_store %arg7[%swap3A_177, %swap3A_178], %swap3A_181 {strides = array<i32>} : memref<8x80xi32, #tpu.memory_space<vmem>>, vector<1x16xi32>,
      %get3A_182 = arith.constant 2 : i32
      %get3A_183 = arith.index_cast %get3A_182 : i32 to index
      %get3A_184 = arith.constant 16 : index
      %get3A_185 = tpu.vector_load %arg7[%get3A_183, %get3A_184] {strides = array<i32>} : memref<8x80xi32, #tpu.memory_space<vmem>>, vector<1x16xi32>,
      %get3A_186 = vector.shape_cast %get3A_185 : vector<1x16xi32> to vector<16xi32>
      %add3A_187 = vector.broadcast %mul3A_24 : i32 to vector<16xi32>
      %add3A_188 = arith.addi %get3A_186, %add3A_187 : vector<16xi32>
      %swap3A_189 = arith.constant 2 : i32
      %swap3A_190 = arith.index_cast %swap3A_189 : i32 to index
      %swap3A_191 = arith.constant 16 : index
      %swap3A_192 = tpu.vector_load %arg7[%swap3A_190, %swap3A_191] {strides = array<i32>} : memref<8x80xi32, #tpu.memory_space<vmem>>, vector<1x16xi32>,
      %swap3A_193 = vector.shape_cast %swap3A_192 : vector<1x16xi32> to vector<16xi32>
      %swap3A_194 = vector.shape_cast %add3A_188 : vector<16xi32> to vector<1x16xi32>
      tpu.vector_store %arg7[%swap3A_190, %swap3A_191], %swap3A_194 {strides = array<i32>} : memref<8x80xi32, #tpu.memory_space<vmem>>, vector<1x16xi32>,
      %get3A_195 = arith.constant 2 : i32
      %get3A_196 = arith.index_cast %get3A_195 : i32 to index
      %get3A_197 = arith.constant 32 : index
      %get3A_198 = tpu.vector_load %arg7[%get3A_196, %get3A_197] {strides = array<i32>} : memref<8x80xi32, #tpu.memory_space<vmem>>, vector<1x16xi32>,
      %get3A_199 = vector.shape_cast %get3A_198 : vector<1x16xi32> to vector<16xi32>
      %add3A_200 = vector.broadcast %mul3A_24 : i32 to vector<16xi32>
      %add3A_201 = arith.addi %get3A_199, %add3A_200 : vector<16xi32>
      %swap3A_202 = arith.constant 2 : i32
      %swap3A_203 = arith.index_cast %swap3A_202 : i32 to index
      %swap3A_204 = arith.constant 32 : index
      %swap3A_205 = tpu.vector_load %arg7[%swap3A_203, %swap3A_204] {strides = array<i32>} : memref<8x80xi32, #tpu.memory_space<vmem>>, vector<1x16xi32>,
      %swap3A_206 = vector.shape_cast %swap3A_205 : vector<1x16xi32> to vector<16xi32>
      %swap3A_207 = vector.shape_cast %add3A_201 : vector<16xi32> to vector<1x16xi32>
      tpu.vector_store %arg7[%swap3A_203, %swap3A_204], %swap3A_207 {strides = array<i32>} : memref<8x80xi32, #tpu.memory_space<vmem>>, vector<1x16xi32>,
      %get3A_208 = arith.constant 2 : i32
      %get3A_209 = arith.index_cast %get3A_208 : i32 to index
      %get3A_210 = arith.constant 48 : index
      %get3A_211 = tpu.vector_load %arg7[%get3A_209, %get3A_210] {strides = array<i32>} : memref<8x80xi32, #tpu.memory_space<vmem>>, vector<1x16xi32>,
      %get3A_212 = vector.shape_cast %get3A_211 : vector<1x16xi32> to vector<16xi32>
      %add3A_213 = vector.broadcast %mul3A_24 : i32 to vector<16xi32>
      %add3A_214 = arith.addi %get3A_212, %add3A_213 : vector<16xi32>
      %swap3A_215 = arith.constant 2 : i32
      %swap3A_216 = arith.index_cast %swap3A_215 : i32 to index
      %swap3A_217 = arith.constant 48 : index
      %swap3A_218 = tpu.vector_load %arg7[%swap3A_216, %swap3A_217] {strides = array<i32>} : memref<8x80xi32, #tpu.memory_space<vmem>>, vector<1x16xi32>,
      %swap3A_219 = vector.shape_cast %swap3A_218 : vector<1x16xi32> to vector<16xi32>
      %swap3A_220 = vector.shape_cast %add3A_214 : vector<16xi32> to vector<1x16xi32>
      tpu.vector_store %arg7[%swap3A_216, %swap3A_217], %swap3A_220 {strides = array<i32>} : memref<8x80xi32, #tpu.memory_space<vmem>>, vector<1x16xi32>,
      %get3A_221 = arith.constant 2 : i32
      %get3A_222 = arith.index_cast %get3A_221 : i32 to index
      %get3A_223 = arith.constant 64 : index
      %get3A_224 = tpu.vector_load %arg7[%get3A_222, %get3A_223] {strides = array<i32>} : memref<8x80xi32, #tpu.memory_space<vmem>>, vector<1x16xi32>,
      %get3A_225 = vector.shape_cast %get3A_224 : vector<1x16xi32> to vector<16xi32>
      %add3A_226 = vector.broadcast %mul3A_24 : i32 to vector<16xi32>
      %add3A_227 = arith.addi %get3A_225, %add3A_226 : vector<16xi32>
      %swap3A_228 = arith.constant 2 : i32
      %swap3A_229 = arith.index_cast %swap3A_228 : i32 to index
      %swap3A_230 = arith.constant 64 : index
      %swap3A_231 = tpu.vector_load %arg7[%swap3A_229, %swap3A_230] {strides = array<i32>} : memref<8x80xi32, #tpu.memory_space<vmem>>, vector<1x16xi32>,
      %swap3A_232 = vector.shape_cast %swap3A_231 : vector<1x16xi32> to vector<16xi32>
      %swap3A_233 = vector.shape_cast %add3A_227 : vector<16xi32> to vector<1x16xi32>
      tpu.vector_store %arg7[%swap3A_229, %swap3A_230], %swap3A_233 {strides = array<i32>} : memref<8x80xi32, #tpu.memory_space<vmem>>, vector<1x16xi32>,
      %get3A_234 = arith.constant 3 : i32
      %get3A_235 = arith.index_cast %get3A_234 : i32 to index
      %get3A_236 = arith.constant 0 : index
      %get3A_237 = tpu.vector_load %arg7[%get3A_235, %get3A_236] {strides = array<i32>} : memref<8x80xi32, #tpu.memory_space<vmem>>, vector<1x16xi32>,
      %get3A_238 = vector.shape_cast %get3A_237 : vector<1x16xi32> to vector<16xi32>
      %add3A_239 = vector.broadcast %mul3A_24 : i32 to vector<16xi32>
      %add3A_240 = arith.addi %get3A_238, %add3A_239 : vector<16xi32>
      %swap3A_241 = arith.constant 3 : i32
      %swap3A_242 = arith.index_cast %swap3A_241 : i32 to index
      %swap3A_243 = arith.constant 0 : index
      %swap3A_244 = tpu.vector_load %arg7[%swap3A_242, %swap3A_243] {strides = array<i32>} : memref<8x80xi32, #tpu.memory_space<vmem>>, vector<1x16xi32>,
      %swap3A_245 = vector.shape_cast %swap3A_244 : vector<1x16xi32> to vector<16xi32>
      %swap3A_246 = vector.shape_cast %add3A_240 : vector<16xi32> to vector<1x16xi32>
      tpu.vector_store %arg7[%swap3A_242, %swap3A_243], %swap3A_246 {strides = array<i32>} : memref<8x80xi32, #tpu.memory_space<vmem>>, vector<1x16xi32>,
      %get3A_247 = arith.constant 3 : i32
      %get3A_248 = arith.index_cast %get3A_247 : i32 to index
      %get3A_249 = arith.constant 16 : index
      %get3A_250 = tpu.vector_load %arg7[%get3A_248, %get3A_249] {strides = array<i32>} : memref<8x80xi32, #tpu.memory_space<vmem>>, vector<1x16xi32>,
      %get3A_251 = vector.shape_cast %get3A_250 : vector<1x16xi32> to vector<16xi32>
      %add3A_252 = vector.broadcast %mul3A_24 : i32 to vector<16xi32>
      %add3A_253 = arith.addi %get3A_251, %add3A_252 : vector<16xi32>
      %swap3A_254 = arith.constant 3 : i32
      %swap3A_255 = arith.index_cast %swap3A_254 : i32 to index
      %swap3A_256 = arith.constant 16 : index
      %swap3A_257 = tpu.vector_load %arg7[%swap3A_255, %swap3A_256] {strides = array<i32>} : memref<8x80xi32, #tpu.memory_space<vmem>>, vector<1x16xi32>,
      %swap3A_258 = vector.shape_cast %swap3A_257 : vector<1x16xi32> to vector<16xi32>
      %swap3A_259 = vector.shape_cast %add3A_253 : vector<16xi32> to vector<1x16xi32>
      tpu.vector_store %arg7[%swap3A_255, %swap3A_256], %swap3A_259 {strides = array<i32>} : memref<8x80xi32, #tpu.memory_space<vmem>>, vector<1x16xi32>,
      %get3A_260 = arith.constant 3 : i32
      %get3A_261 = arith.index_cast %get3A_260 : i32 to index
      %get3A_262 = arith.constant 32 : index
      %get3A_263 = tpu.vector_load %arg7[%get3A_261, %get3A_262] {strides = array<i32>} : memref<8x80xi32, #tpu.memory_space<vmem>>, vector<1x16xi32>,
      %get3A_264 = vector.shape_cast %get3A_263 : vector<1x16xi32> to vector<16xi32>
      %add3A_265 = vector.broadcast %mul3A_24 : i32 to vector<16xi32>
      %add3A_266 = arith.addi %get3A_264, %add3A_265 : vector<16xi32>
      %swap3A_267 = arith.constant 3 : i32
      %swap3A_268 = arith.index_cast %swap3A_267 : i32 to index
      %swap3A_269 = arith.constant 32 : index
      %swap3A_270 = tpu.vector_load %arg7[%swap3A_268, %swap3A_269] {strides = array<i32>} : memref<8x80xi32, #tpu.memory_space<vmem>>, vector<1x16xi32>,
      %swap3A_271 = vector.shape_cast %swap3A_270 : vector<1x16xi32> to vector<16xi32>
      %swap3A_272 = vector.shape_cast %add3A_266 : vector<16xi32> to vector<1x16xi32>
      tpu.vector_store %arg7[%swap3A_268, %swap3A_269], %swap3A_272 {strides = array<i32>} : memref<8x80xi32, #tpu.memory_space<vmem>>, vector<1x16xi32>,
      %get3A_273 = arith.constant 3 : i32
      %get3A_274 = arith.index_cast %get3A_273 : i32 to index
      %get3A_275 = arith.constant 48 : index
      %get3A_276 = tpu.vector_load %arg7[%get3A_274, %get3A_275] {strides = array<i32>} : memref<8x80xi32, #tpu.memory_space<vmem>>, vector<1x16xi32>,
      %get3A_277 = vector.shape_cast %get3A_276 : vector<1x16xi32> to vector<16xi32>
      %add3A_278 = vector.broadcast %mul3A_24 : i32 to vector<16xi32>
      %add3A_279 = arith.addi %get3A_277, %add3A_278 : vector<16xi32>
      %swap3A_280 = arith.constant 3 : i32
      %swap3A_281 = arith.index_cast %swap3A_280 : i32 to index
      %swap3A_282 = arith.constant 48 : index
      %swap3A_283 = tpu.vector_load %arg7[%swap3A_281, %swap3A_282] {strides = array<i32>} : memref<8x80xi32, #tpu.memory_space<vmem>>, vector<1x16xi32>,
      %swap3A_284 = vector.shape_cast %swap3A_283 : vector<1x16xi32> to vector<16xi32>
      %swap3A_285 = vector.shape_cast %add3A_279 : vector<16xi32> to vector<1x16xi32>
      tpu.vector_store %arg7[%swap3A_281, %swap3A_282], %swap3A_285 {strides = array<i32>} : memref<8x80xi32, #tpu.memory_space<vmem>>, vector<1x16xi32>,
      %get3A_286 = arith.constant 3 : i32
      %get3A_287 = arith.index_cast %get3A_286 : i32 to index
      %get3A_288 = arith.constant 64 : index
      %get3A_289 = tpu.vector_load %arg7[%get3A_287, %get3A_288] {strides = array<i32>} : memref<8x80xi32, #tpu.memory_space<vmem>>, vector<1x16xi32>,
      %get3A_290 = vector.shape_cast %get3A_289 : vector<1x16xi32> to vector<16xi32>
      %add3A_291 = vector.broadcast %mul3A_24 : i32 to vector<16xi32>
      %add3A_292 = arith.addi %get3A_290, %add3A_291 : vector<16xi32>
      %swap3A_293 = arith.constant 3 : i32
      %swap3A_294 = arith.index_cast %swap3A_293 : i32 to index
      %swap3A_295 = arith.constant 64 : index
      %swap3A_296 = tpu.vector_load %arg7[%swap3A_294, %swap3A_295] {strides = array<i32>} : memref<8x80xi32, #tpu.memory_space<vmem>>, vector<1x16xi32>,
      %swap3A_297 = vector.shape_cast %swap3A_296 : vector<1x16xi32> to vector<16xi32>
      %swap3A_298 = vector.shape_cast %add3A_292 : vector<16xi32> to vector<1x16xi32>
      tpu.vector_store %arg7[%swap3A_294, %swap3A_295], %swap3A_298 {strides = array<i32>} : memref<8x80xi32, #tpu.memory_space<vmem>>, vector<1x16xi32>,
      %get3A_299 = arith.constant 4 : i32
      %get3A_300 = arith.index_cast %get3A_299 : i32 to index
      %get3A_301 = arith.constant 0 : index
      %get3A_302 = tpu.vector_load %arg7[%get3A_300, %get3A_301] {strides = array<i32>} : memref<8x80xi32, #tpu.memory_space<vmem>>, vector<1x16xi32>,
      %get3A_303 = vector.shape_cast %get3A_302 : vector<1x16xi32> to vector<16xi32>
      %add3A_304 = vector.broadcast %mul3A_24 : i32 to vector<16xi32>
      %add3A_305 = arith.addi %get3A_303, %add3A_304 : vector<16xi32>
      %swap3A_306 = arith.constant 4 : i32
      %swap3A_307 = arith.index_cast %swap3A_306 : i32 to index
      %swap3A_308 = arith.constant 0 : index
      %swap3A_309 = tpu.vector_load %arg7[%swap3A_307, %swap3A_308] {strides = array<i32>} : memref<8x80xi32, #tpu.memory_space<vmem>>, vector<1x16xi32>,
      %swap3A_310 = vector.shape_cast %swap3A_309 : vector<1x16xi32> to vector<16xi32>
      %swap3A_311 = vector.shape_cast %add3A_305 : vector<16xi32> to vector<1x16xi32>
      tpu.vector_store %arg7[%swap3A_307, %swap3A_308], %swap3A_311 {strides = array<i32>} : memref<8x80xi32, #tpu.memory_space<vmem>>, vector<1x16xi32>,
      %get3A_312 = arith.constant 4 : i32
      %get3A_313 = arith.index_cast %get3A_312 : i32 to index
      %get3A_314 = arith.constant 16 : index
      %get3A_315 = tpu.vector_load %arg7[%get3A_313, %get3A_314] {strides = array<i32>} : memref<8x80xi32, #tpu.memory_space<vmem>>, vector<1x16xi32>,
      %get3A_316 = vector.shape_cast %get3A_315 : vector<1x16xi32> to vector<16xi32>
      %add3A_317 = vector.broadcast %mul3A_24 : i32 to vector<16xi32>
      %add3A_318 = arith.addi %get3A_316, %add3A_317 : vector<16xi32>
      %swap3A_319 = arith.constant 4 : i32
      %swap3A_320 = arith.index_cast %swap3A_319 : i32 to index
      %swap3A_321 = arith.constant 16 : index
      %swap3A_322 = tpu.vector_load %arg7[%swap3A_320, %swap3A_321] {strides = array<i32>} : memref<8x80xi32, #tpu.memory_space<vmem>>, vector<1x16xi32>,
      %swap3A_323 = vector.shape_cast %swap3A_322 : vector<1x16xi32> to vector<16xi32>
      %swap3A_324 = vector.shape_cast %add3A_318 : vector<16xi32> to vector<1x16xi32>
      tpu.vector_store %arg7[%swap3A_320, %swap3A_321], %swap3A_324 {strides = array<i32>} : memref<8x80xi32, #tpu.memory_space<vmem>>, vector<1x16xi32>,
      %get3A_325 = arith.constant 4 : i32
      %get3A_326 = arith.index_cast %get3A_325 : i32 to index
      %get3A_327 = arith.constant 32 : index
      %get3A_328 = tpu.vector_load %arg7[%get3A_326, %get3A_327] {strides = array<i32>} : memref<8x80xi32, #tpu.memory_space<vmem>>, vector<1x16xi32>,
      %get3A_329 = vector.shape_cast %get3A_328 : vector<1x16xi32> to vector<16xi32>
      %add3A_330 = vector.broadcast %mul3A_24 : i32 to vector<16xi32>
      %add3A_331 = arith.addi %get3A_329, %add3A_330 : vector<16xi32>
      %swap3A_332 = arith.constant 4 : i32
      %swap3A_333 = arith.index_cast %swap3A_332 : i32 to index
      %swap3A_334 = arith.constant 32 : index
      %swap3A_335 = tpu.vector_load %arg7[%swap3A_333, %swap3A_334] {strides = array<i32>} : memref<8x80xi32, #tpu.memory_space<vmem>>, vector<1x16xi32>,
      %swap3A_336 = vector.shape_cast %swap3A_335 : vector<1x16xi32> to vector<16xi32>
      %swap3A_337 = vector.shape_cast %add3A_331 : vector<16xi32> to vector<1x16xi32>
      tpu.vector_store %arg7[%swap3A_333, %swap3A_334], %swap3A_337 {strides = array<i32>} : memref<8x80xi32, #tpu.memory_space<vmem>>, vector<1x16xi32>,
      %get3A_338 = arith.constant 4 : i32
      %get3A_339 = arith.index_cast %get3A_338 : i32 to index
      %get3A_340 = arith.constant 48 : index
      %get3A_341 = tpu.vector_load %arg7[%get3A_339, %get3A_340] {strides = array<i32>} : memref<8x80xi32, #tpu.memory_space<vmem>>, vector<1x16xi32>,
      %get3A_342 = vector.shape_cast %get3A_341 : vector<1x16xi32> to vector<16xi32>
      %add3A_343 = vector.broadcast %mul3A_24 : i32 to vector<16xi32>
      %add3A_344 = arith.addi %get3A_342, %add3A_343 : vector<16xi32>
      %swap3A_345 = arith.constant 4 : i32
      %swap3A_346 = arith.index_cast %swap3A_345 : i32 to index
      %swap3A_347 = arith.constant 48 : index
      %swap3A_348 = tpu.vector_load %arg7[%swap3A_346, %swap3A_347] {strides = array<i32>} : memref<8x80xi32, #tpu.memory_space<vmem>>, vector<1x16xi32>,
      %swap3A_349 = vector.shape_cast %swap3A_348 : vector<1x16xi32> to vector<16xi32>
      %swap3A_350 = vector.shape_cast %add3A_344 : vector<16xi32> to vector<1x16xi32>
      tpu.vector_store %arg7[%swap3A_346, %swap3A_347], %swap3A_350 {strides = array<i32>} : memref<8x80xi32, #tpu.memory_space<vmem>>, vector<1x16xi32>,
      %get3A_351 = arith.constant 4 : i32
      %get3A_352 = arith.index_cast %get3A_351 : i32 to index
      %get3A_353 = arith.constant 64 : index
      %get3A_354 = tpu.vector_load %arg7[%get3A_352, %get3A_353] {strides = array<i32>} : memref<8x80xi32, #tpu.memory_space<vmem>>, vector<1x16xi32>,
      %get3A_355 = vector.shape_cast %get3A_354 : vector<1x16xi32> to vector<16xi32>
      %add3A_356 = vector.broadcast %mul3A_24 : i32 to vector<16xi32>
      %add3A_357 = arith.addi %get3A_355, %add3A_356 : vector<16xi32>
      %swap3A_358 = arith.constant 4 : i32
      %swap3A_359 = arith.index_cast %swap3A_358 : i32 to index
      %swap3A_360 = arith.constant 64 : index
      %swap3A_361 = tpu.vector_load %arg7[%swap3A_359, %swap3A_360] {strides = array<i32>} : memref<8x80xi32, #tpu.memory_space<vmem>>, vector<1x16xi32>,
      %swap3A_362 = vector.shape_cast %swap3A_361 : vector<1x16xi32> to vector<16xi32>
      %swap3A_363 = vector.shape_cast %add3A_357 : vector<16xi32> to vector<1x16xi32>
      tpu.vector_store %arg7[%swap3A_359, %swap3A_360], %swap3A_363 {strides = array<i32>} : memref<8x80xi32, #tpu.memory_space<vmem>>, vector<1x16xi32>,
      %get3A_364 = arith.constant 5 : i32
      %get3A_365 = arith.index_cast %get3A_364 : i32 to index
      %get3A_366 = arith.constant 0 : index
      %get3A_367 = tpu.vector_load %arg7[%get3A_365, %get3A_366] {strides = array<i32>} : memref<8x80xi32, #tpu.memory_space<vmem>>, vector<1x16xi32>,
      %get3A_368 = vector.shape_cast %get3A_367 : vector<1x16xi32> to vector<16xi32>
      %add3A_369 = vector.broadcast %mul3A_24 : i32 to vector<16xi32>
      %add3A_370 = arith.addi %get3A_368, %add3A_369 : vector<16xi32>
      %swap3A_371 = arith.constant 5 : i32
      %swap3A_372 = arith.index_cast %swap3A_371 : i32 to index
      %swap3A_373 = arith.constant 0 : index
      %swap3A_374 = tpu.vector_load %arg7[%swap3A_372, %swap3A_373] {strides = array<i32>} : memref<8x80xi32, #tpu.memory_space<vmem>>, vector<1x16xi32>,
      %swap3A_375 = vector.shape_cast %swap3A_374 : vector<1x16xi32> to vector<16xi32>
      %swap3A_376 = vector.shape_cast %add3A_370 : vector<16xi32> to vector<1x16xi32>
      tpu.vector_store %arg7[%swap3A_372, %swap3A_373], %swap3A_376 {strides = array<i32>} : memref<8x80xi32, #tpu.memory_space<vmem>>, vector<1x16xi32>,
      %get3A_377 = arith.constant 5 : i32
      %get3A_378 = arith.index_cast %get3A_377 : i32 to index
      %get3A_379 = arith.constant 16 : index
      %get3A_380 = tpu.vector_load %arg7[%get3A_378, %get3A_379] {strides = array<i32>} : memref<8x80xi32, #tpu.memory_space<vmem>>, vector<1x16xi32>,
      %get3A_381 = vector.shape_cast %get3A_380 : vector<1x16xi32> to vector<16xi32>
      %add3A_382 = vector.broadcast %mul3A_24 : i32 to vector<16xi32>
      %add3A_383 = arith.addi %get3A_381, %add3A_382 : vector<16xi32>
      %swap3A_384 = arith.constant 5 : i32
      %swap3A_385 = arith.index_cast %swap3A_384 : i32 to index
      %swap3A_386 = arith.constant 16 : index
      %swap3A_387 = tpu.vector_load %arg7[%swap3A_385, %swap3A_386] {strides = array<i32>} : memref<8x80xi32, #tpu.memory_space<vmem>>, vector<1x16xi32>,
      %swap3A_388 = vector.shape_cast %swap3A_387 : vector<1x16xi32> to vector<16xi32>
      %swap3A_389 = vector.shape_cast %add3A_383 : vector<16xi32> to vector<1x16xi32>
      tpu.vector_store %arg7[%swap3A_385, %swap3A_386], %swap3A_389 {strides = array<i32>} : memref<8x80xi32, #tpu.memory_space<vmem>>, vector<1x16xi32>,
      %get3A_390 = arith.constant 5 : i32
      %get3A_391 = arith.index_cast %get3A_390 : i32 to index
      %get3A_392 = arith.constant 32 : index
      %get3A_393 = tpu.vector_load %arg7[%get3A_391, %get3A_392] {strides = array<i32>} : memref<8x80xi32, #tpu.memory_space<vmem>>, vector<1x16xi32>,
      %get3A_394 = vector.shape_cast %get3A_393 : vector<1x16xi32> to vector<16xi32>
      %add3A_395 = vector.broadcast %mul3A_24 : i32 to vector<16xi32>
      %add3A_396 = arith.addi %get3A_394, %add3A_395 : vector<16xi32>
      %swap3A_397 = arith.constant 5 : i32
      %swap3A_398 = arith.index_cast %swap3A_397 : i32 to index
      %swap3A_399 = arith.constant 32 : index
      %swap3A_400 = tpu.vector_load %arg7[%swap3A_398, %swap3A_399] {strides = array<i32>} : memref<8x80xi32, #tpu.memory_space<vmem>>, vector<1x16xi32>,
      %swap3A_401 = vector.shape_cast %swap3A_400 : vector<1x16xi32> to vector<16xi32>
      %swap3A_402 = vector.shape_cast %add3A_396 : vector<16xi32> to vector<1x16xi32>
      tpu.vector_store %arg7[%swap3A_398, %swap3A_399], %swap3A_402 {strides = array<i32>} : memref<8x80xi32, #tpu.memory_space<vmem>>, vector<1x16xi32>,
      %get3A_403 = arith.constant 5 : i32
      %get3A_404 = arith.index_cast %get3A_403 : i32 to index
      %get3A_405 = arith.constant 48 : index
      %get3A_406 = tpu.vector_load %arg7[%get3A_404, %get3A_405] {strides = array<i32>} : memref<8x80xi32, #tpu.memory_space<vmem>>, vector<1x16xi32>,
      %get3A_407 = vector.shape_cast %get3A_406 : vector<1x16xi32> to vector<16xi32>
      %add3A_408 = vector.broadcast %mul3A_24 : i32 to vector<16xi32>
      %add3A_409 = arith.addi %get3A_407, %add3A_408 : vector<16xi32>
      %swap3A_410 = arith.constant 5 : i32
      %swap3A_411 = arith.index_cast %swap3A_410 : i32 to index
      %swap3A_412 = arith.constant 48 : index
      %swap3A_413 = tpu.vector_load %arg7[%swap3A_411, %swap3A_412] {strides = array<i32>} : memref<8x80xi32, #tpu.memory_space<vmem>>, vector<1x16xi32>,
      %swap3A_414 = vector.shape_cast %swap3A_413 : vector<1x16xi32> to vector<16xi32>
      %swap3A_415 = vector.shape_cast %add3A_409 : vector<16xi32> to vector<1x16xi32>
      tpu.vector_store %arg7[%swap3A_411, %swap3A_412], %swap3A_415 {strides = array<i32>} : memref<8x80xi32, #tpu.memory_space<vmem>>, vector<1x16xi32>,
      %get3A_416 = arith.constant 5 : i32
      %get3A_417 = arith.index_cast %get3A_416 : i32 to index
      %get3A_418 = arith.constant 64 : index
      %get3A_419 = tpu.vector_load %arg7[%get3A_417, %get3A_418] {strides = array<i32>} : memref<8x80xi32, #tpu.memory_space<vmem>>, vector<1x16xi32>,
      %get3A_420 = vector.shape_cast %get3A_419 : vector<1x16xi32> to vector<16xi32>
      %add3A_421 = vector.broadcast %mul3A_24 : i32 to vector<16xi32>
      %add3A_422 = arith.addi %get3A_420, %add3A_421 : vector<16xi32>
      %swap3A_423 = arith.constant 5 : i32
      %swap3A_424 = arith.index_cast %swap3A_423 : i32 to index
      %swap3A_425 = arith.constant 64 : index
      %swap3A_426 = tpu.vector_load %arg7[%swap3A_424, %swap3A_425] {strides = array<i32>} : memref<8x80xi32, #tpu.memory_space<vmem>>, vector<1x16xi32>,
      %swap3A_427 = vector.shape_cast %swap3A_426 : vector<1x16xi32> to vector<16xi32>
      %swap3A_428 = vector.shape_cast %add3A_422 : vector<16xi32> to vector<1x16xi32>
      tpu.vector_store %arg7[%swap3A_424, %swap3A_425], %swap3A_428 {strides = array<i32>} : memref<8x80xi32, #tpu.memory_space<vmem>>, vector<1x16xi32>,
      %get3A_429 = arith.constant 6 : i32
      %get3A_430 = arith.index_cast %get3A_429 : i32 to index
      %get3A_431 = arith.constant 0 : index
      %get3A_432 = tpu.vector_load %arg7[%get3A_430, %get3A_431] {strides = array<i32>} : memref<8x80xi32, #tpu.memory_space<vmem>>, vector<1x16xi32>,
      %get3A_433 = vector.shape_cast %get3A_432 : vector<1x16xi32> to vector<16xi32>
      %add3A_434 = vector.broadcast %mul3A_24 : i32 to vector<16xi32>
      %add3A_435 = arith.addi %get3A_433, %add3A_434 : vector<16xi32>
      %swap3A_436 = arith.constant 6 : i32
      %swap3A_437 = arith.index_cast %swap3A_436 : i32 to index
      %swap3A_438 = arith.constant 0 : index
      %swap3A_439 = tpu.vector_load %arg7[%swap3A_437, %swap3A_438] {strides = array<i32>} : memref<8x80xi32, #tpu.memory_space<vmem>>, vector<1x16xi32>,
      %swap3A_440 = vector.shape_cast %swap3A_439 : vector<1x16xi32> to vector<16xi32>
      %swap3A_441 = vector.shape_cast %add3A_435 : vector<16xi32> to vector<1x16xi32>
      tpu.vector_store %arg7[%swap3A_437, %swap3A_438], %swap3A_441 {strides = array<i32>} : memref<8x80xi32, #tpu.memory_space<vmem>>, vector<1x16xi32>,
      %get3A_442 = arith.constant 6 : i32
      %get3A_443 = arith.index_cast %get3A_442 : i32 to index
      %get3A_444 = arith.constant 16 : index
      %get3A_445 = tpu.vector_load %arg7[%get3A_443, %get3A_444] {strides = array<i32>} : memref<8x80xi32, #tpu.memory_space<vmem>>, vector<1x16xi32>,
      %get3A_446 = vector.shape_cast %get3A_445 : vector<1x16xi32> to vector<16xi32>
      %add3A_447 = vector.broadcast %mul3A_24 : i32 to vector<16xi32>
      %add3A_448 = arith.addi %get3A_446, %add3A_447 : vector<16xi32>
      %swap3A_449 = arith.constant 6 : i32
      %swap3A_450 = arith.index_cast %swap3A_449 : i32 to index
      %swap3A_451 = arith.constant 16 : index
      %swap3A_452 = tpu.vector_load %arg7[%swap3A_450, %swap3A_451] {strides = array<i32>} : memref<8x80xi32, #tpu.memory_space<vmem>>, vector<1x16xi32>,
      %swap3A_453 = vector.shape_cast %swap3A_452 : vector<1x16xi32> to vector<16xi32>
      %swap3A_454 = vector.shape_cast %add3A_448 : vector<16xi32> to vector<1x16xi32>
      tpu.vector_store %arg7[%swap3A_450, %swap3A_451], %swap3A_454 {strides = array<i32>} : memref<8x80xi32, #tpu.memory_space<vmem>>, vector<1x16xi32>,
      %get3A_455 = arith.constant 6 : i32
      %get3A_456 = arith.index_cast %get3A_455 : i32 to index
      %get3A_457 = arith.constant 32 : index
      %get3A_458 = tpu.vector_load %arg7[%get3A_456, %get3A_457] {strides = array<i32>} : memref<8x80xi32, #tpu.memory_space<vmem>>, vector<1x16xi32>,
      %get3A_459 = vector.shape_cast %get3A_458 : vector<1x16xi32> to vector<16xi32>
      %add3A_460 = vector.broadcast %mul3A_24 : i32 to vector<16xi32>
      %add3A_461 = arith.addi %get3A_459, %add3A_460 : vector<16xi32>
      %swap3A_462 = arith.constant 6 : i32
      %swap3A_463 = arith.index_cast %swap3A_462 : i32 to index
      %swap3A_464 = arith.constant 32 : index
      %swap3A_465 = tpu.vector_load %arg7[%swap3A_463, %swap3A_464] {strides = array<i32>} : memref<8x80xi32, #tpu.memory_space<vmem>>, vector<1x16xi32>,
      %swap3A_466 = vector.shape_cast %swap3A_465 : vector<1x16xi32> to vector<16xi32>
      %swap3A_467 = vector.shape_cast %add3A_461 : vector<16xi32> to vector<1x16xi32>
      tpu.vector_store %arg7[%swap3A_463, %swap3A_464], %swap3A_467 {strides = array<i32>} : memref<8x80xi32, #tpu.memory_space<vmem>>, vector<1x16xi32>,
      %get3A_468 = arith.constant 6 : i32
      %get3A_469 = arith.index_cast %get3A_468 : i32 to index
      %get3A_470 = arith.constant 48 : index
      %get3A_471 = tpu.vector_load %arg7[%get3A_469, %get3A_470] {strides = array<i32>} : memref<8x80xi32, #tpu.memory_space<vmem>>, vector<1x16xi32>,
      %get3A_472 = vector.shape_cast %get3A_471 : vector<1x16xi32> to vector<16xi32>
      %add3A_473 = vector.broadcast %mul3A_24 : i32 to vector<16xi32>
      %add3A_474 = arith.addi %get3A_472, %add3A_473 : vector<16xi32>
      %swap3A_475 = arith.constant 6 : i32
      %swap3A_476 = arith.index_cast %swap3A_475 : i32 to index
      %swap3A_477 = arith.constant 48 : index
      %swap3A_478 = tpu.vector_load %arg7[%swap3A_476, %swap3A_477] {strides = array<i32>} : memref<8x80xi32, #tpu.memory_space<vmem>>, vector<1x16xi32>,
      %swap3A_479 = vector.shape_cast %swap3A_478 : vector<1x16xi32> to vector<16xi32>
      %swap3A_480 = vector.shape_cast %add3A_474 : vector<16xi32> to vector<1x16xi32>
      tpu.vector_store %arg7[%swap3A_476, %swap3A_477], %swap3A_480 {strides = array<i32>} : memref<8x80xi32, #tpu.memory_space<vmem>>, vector<1x16xi32>,
      %get3A_481 = arith.constant 6 : i32
      %get3A_482 = arith.index_cast %get3A_481 : i32 to index
      %get3A_483 = arith.constant 64 : index
      %get3A_484 = tpu.vector_load %arg7[%get3A_482, %get3A_483] {strides = array<i32>} : memref<8x80xi32, #tpu.memory_space<vmem>>, vector<1x16xi32>,
      %get3A_485 = vector.shape_cast %get3A_484 : vector<1x16xi32> to vector<16xi32>
      %add3A_486 = vector.broadcast %mul3A_24 : i32 to vector<16xi32>
      %add3A_487 = arith.addi %get3A_485, %add3A_486 : vector<16xi32>
      %swap3A_488 = arith.constant 6 : i32
      %swap3A_489 = arith.index_cast %swap3A_488 : i32 to index
      %swap3A_490 = arith.constant 64 : index
      %swap3A_491 = tpu.vector_load %arg7[%swap3A_489, %swap3A_490] {strides = array<i32>} : memref<8x80xi32, #tpu.memory_space<vmem>>, vector<1x16xi32>,
      %swap3A_492 = vector.shape_cast %swap3A_491 : vector<1x16xi32> to vector<16xi32>
      %swap3A_493 = vector.shape_cast %add3A_487 : vector<16xi32> to vector<1x16xi32>
      tpu.vector_store %arg7[%swap3A_489, %swap3A_490], %swap3A_493 {strides = array<i32>} : memref<8x80xi32, #tpu.memory_space<vmem>>, vector<1x16xi32>,
      %get3A_494 = arith.constant 7 : i32
      %get3A_495 = arith.index_cast %get3A_494 : i32 to index
      %get3A_496 = arith.constant 0 : index
      %get3A_497 = tpu.vector_load %arg7[%get3A_495, %get3A_496] {strides = array<i32>} : memref<8x80xi32, #tpu.memory_space<vmem>>, vector<1x16xi32>,
      %get3A_498 = vector.shape_cast %get3A_497 : vector<1x16xi32> to vector<16xi32>
      %add3A_499 = vector.broadcast %mul3A_24 : i32 to vector<16xi32>
      %add3A_500 = arith.addi %get3A_498, %add3A_499 : vector<16xi32>
      %swap3A_501 = arith.constant 7 : i32
      %swap3A_502 = arith.index_cast %swap3A_501 : i32 to index
      %swap3A_503 = arith.constant 0 : index
      %swap3A_504 = tpu.vector_load %arg7[%swap3A_502, %swap3A_503] {strides = array<i32>} : memref<8x80xi32, #tpu.memory_space<vmem>>, vector<1x16xi32>,
      %swap3A_505 = vector.shape_cast %swap3A_504 : vector<1x16xi32> to vector<16xi32>
      %swap3A_506 = vector.shape_cast %add3A_500 : vector<16xi32> to vector<1x16xi32>
      tpu.vector_store %arg7[%swap3A_502, %swap3A_503], %swap3A_506 {strides = array<i32>} : memref<8x80xi32, #tpu.memory_space<vmem>>, vector<1x16xi32>,
      %get3A_507 = arith.constant 7 : i32
      %get3A_508 = arith.index_cast %get3A_507 : i32 to index
      %get3A_509 = arith.constant 16 : index
      %get3A_510 = tpu.vector_load %arg7[%get3A_508, %get3A_509] {strides = array<i32>} : memref<8x80xi32, #tpu.memory_space<vmem>>, vector<1x16xi32>,
      %get3A_511 = vector.shape_cast %get3A_510 : vector<1x16xi32> to vector<16xi32>
      %add3A_512 = vector.broadcast %mul3A_24 : i32 to vector<16xi32>
      %add3A_513 = arith.addi %get3A_511, %add3A_512 : vector<16xi32>
      %swap3A_514 = arith.constant 7 : i32
      %swap3A_515 = arith.index_cast %swap3A_514 : i32 to index
      %swap3A_516 = arith.constant 16 : index
      %swap3A_517 = tpu.vector_load %arg7[%swap3A_515, %swap3A_516] {strides = array<i32>} : memref<8x80xi32, #tpu.memory_space<vmem>>, vector<1x16xi32>,
      %swap3A_518 = vector.shape_cast %swap3A_517 : vector<1x16xi32> to vector<16xi32>
      %swap3A_519 = vector.shape_cast %add3A_513 : vector<16xi32> to vector<1x16xi32>
      tpu.vector_store %arg7[%swap3A_515, %swap3A_516], %swap3A_519 {strides = array<i32>} : memref<8x80xi32, #tpu.memory_space<vmem>>, vector<1x16xi32>,
      %get3A_520 = arith.constant 7 : i32
      %get3A_521 = arith.index_cast %get3A_520 : i32 to index
      %get3A_522 = arith.constant 32 : index
      %get3A_523 = tpu.vector_load %arg7[%get3A_521, %get3A_522] {strides = array<i32>} : memref<8x80xi32, #tpu.memory_space<vmem>>, vector<1x16xi32>,
      %get3A_524 = vector.shape_cast %get3A_523 : vector<1x16xi32> to vector<16xi32>
      %add3A_525 = vector.broadcast %mul3A_24 : i32 to vector<16xi32>
      %add3A_526 = arith.addi %get3A_524, %add3A_525 : vector<16xi32>
      %swap3A_527 = arith.constant 7 : i32
      %swap3A_528 = arith.index_cast %swap3A_527 : i32 to index
      %swap3A_529 = arith.constant 32 : index
      %swap3A_530 = tpu.vector_load %arg7[%swap3A_528, %swap3A_529] {strides = array<i32>} : memref<8x80xi32, #tpu.memory_space<vmem>>, vector<1x16xi32>,
      %swap3A_531 = vector.shape_cast %swap3A_530 : vector<1x16xi32> to vector<16xi32>
      %swap3A_532 = vector.shape_cast %add3A_526 : vector<16xi32> to vector<1x16xi32>
      tpu.vector_store %arg7[%swap3A_528, %swap3A_529], %swap3A_532 {strides = array<i32>} : memref<8x80xi32, #tpu.memory_space<vmem>>, vector<1x16xi32>,
      %get3A_533 = arith.constant 7 : i32
      %get3A_534 = arith.index_cast %get3A_533 : i32 to index
      %get3A_535 = arith.constant 48 : index
      %get3A_536 = tpu.vector_load %arg7[%get3A_534, %get3A_535] {strides = array<i32>} : memref<8x80xi32, #tpu.memory_space<vmem>>, vector<1x16xi32>,
      %get3A_537 = vector.shape_cast %get3A_536 : vector<1x16xi32> to vector<16xi32>
      %add3A_538 = vector.broadcast %mul3A_24 : i32 to vector<16xi32>
      %add3A_539 = arith.addi %get3A_537, %add3A_538 : vector<16xi32>
      %swap3A_540 = arith.constant 7 : i32
      %swap3A_541 = arith.index_cast %swap3A_540 : i32 to index
      %swap3A_542 = arith.constant 48 : index
      %swap3A_543 = tpu.vector_load %arg7[%swap3A_541, %swap3A_542] {strides = array<i32>} : memref<8x80xi32, #tpu.memory_space<vmem>>, vector<1x16xi32>,
      %swap3A_544 = vector.shape_cast %swap3A_543 : vector<1x16xi32> to vector<16xi32>
      %swap3A_545 = vector.shape_cast %add3A_539 : vector<16xi32> to vector<1x16xi32>
      tpu.vector_store %arg7[%swap3A_541, %swap3A_542], %swap3A_545 {strides = array<i32>} : memref<8x80xi32, #tpu.memory_space<vmem>>, vector<1x16xi32>,
      %get3A_546 = arith.constant 7 : i32
      %get3A_547 = arith.index_cast %get3A_546 : i32 to index
      %get3A_548 = arith.constant 64 : index
      %get3A_549 = tpu.vector_load %arg7[%get3A_547, %get3A_548] {strides = array<i32>} : memref<8x80xi32, #tpu.memory_space<vmem>>, vector<1x16xi32>,
      %get3A_550 = vector.shape_cast %get3A_549 : vector<1x16xi32> to vector<16xi32>
      %add3A_551 = vector.broadcast %mul3A_24 : i32 to vector<16xi32>
      %add3A_552 = arith.addi %get3A_550, %add3A_551 : vector<16xi32>
      %swap3A_553 = arith.constant 7 : i32
      %swap3A_554 = arith.index_cast %swap3A_553 : i32 to index
      %swap3A_555 = arith.constant 64 : index
      %swap3A_556 = tpu.vector_load %arg7[%swap3A_554, %swap3A_555] {strides = array<i32>} : memref<8x80xi32, #tpu.memory_space<vmem>>, vector<1x16xi32>,
      %swap3A_557 = vector.shape_cast %swap3A_556 : vector<1x16xi32> to vector<16xi32>
      %swap3A_558 = vector.shape_cast %add3A_552 : vector<16xi32> to vector<1x16xi32>
      tpu.vector_store %arg7[%swap3A_554, %swap3A_555], %swap3A_558 {strides = array<i32>} : memref<8x80xi32, #tpu.memory_space<vmem>>, vector<1x16xi32>,
      %dma_start3A = arith.constant 0 : i32
      %dma_start3A_559 = arith.constant 0 : i32
      %dma_start3A_560 = arith.constant 0 : i32
      %dma_start3A_561 = arith.constant 0 : i32
      %dma_start3A_562 = arith.constant 0 : i32
      %dma_start3A_563 = tpu.memref_slice %arg9[%dma_start3A_559, %dma_start3A_561, %dma_start3A_562] : memref<4x80x128xf32, #tpu.memory_space<vmem>> -> memref<1x80x128xf32, #tpu.memory_space<vmem>>
      %dma_start3A_564 = tpu.memref_squeeze %dma_start3A_563 : memref<1x80x128xf32, #tpu.memory_space<vmem>> -> memref<80x128xf32, #tpu.memory_space<vmem>>
      %dma_start3A_565 = arith.constant 0 : i32
      %dma_start3A_566 = tpu.memref_slice %arg7[%dma_start3A, %dma_start3A_565] : memref<8x80xi32, #tpu.memory_space<vmem>> -> memref<1x80xi32, #tpu.memory_space<vmem>>
      %dma_start3A_567 = tpu.memref_squeeze %dma_start3A_566 : memref<1x80xi32, #tpu.memory_space<vmem>> -> memref<80xi32, #tpu.memory_space<vmem>>
      %dma_start3A_568 = arith.constant 0 : i32
      %dma_start3A_569 = arith.constant 0 : i32
      %dma_start3A_570 = tpu.memref_slice %arg2[%dma_start3A_568, %dma_start3A_569] : memref<40000x128xf32, #tpu.memory_space<hbm>> -> memref<40000x128xf32, #tpu.memory_space<hbm>>
      %dma_start3A_571 = tpu.memref_slice %arg11[%dma_start3A_560] : memref<4x!tpu.dma_semaphore, #tpu.memory_space<semaphore_mem>> -> memref<1x!tpu.dma_semaphore, #tpu.memory_space<semaphore_mem>>
      %dma_start3A_572 = tpu.memref_squeeze %dma_start3A_571 : memref<1x!tpu.dma_semaphore, #tpu.memory_space<semaphore_mem>> -> memref<!tpu.dma_semaphore, #tpu.memory_space<semaphore_mem>>
      tpu.enqueue_indirect_dma source(%dma_start3A_570 : memref<40000x128xf32, #tpu.memory_space<hbm>>) target(%dma_start3A_564 : memref<80x128xf32, #tpu.memory_space<vmem>>) offsets(%dma_start3A_567 : memref<80xi32, #tpu.memory_space<vmem>>) semaphore(%dma_start3A_572 : memref<!tpu.dma_semaphore, #tpu.memory_space<semaphore_mem>>)
      %dma_start3A_573 = arith.constant 1 : i32
      %dma_start3A_574 = arith.constant 1 : i32
      %dma_start3A_575 = arith.constant 1 : i32
      %dma_start3A_576 = arith.constant 0 : i32
      %dma_start3A_577 = arith.constant 0 : i32
      %dma_start3A_578 = tpu.memref_slice %arg9[%dma_start3A_574, %dma_start3A_576, %dma_start3A_577] : memref<4x80x128xf32, #tpu.memory_space<vmem>> -> memref<1x80x128xf32, #tpu.memory_space<vmem>>
      %dma_start3A_579 = tpu.memref_squeeze %dma_start3A_578 : memref<1x80x128xf32, #tpu.memory_space<vmem>> -> memref<80x128xf32, #tpu.memory_space<vmem>>
      %dma_start3A_580 = arith.constant 0 : i32
      %dma_start3A_581 = tpu.memref_slice %arg7[%dma_start3A_573, %dma_start3A_580] : memref<8x80xi32, #tpu.memory_space<vmem>> -> memref<1x80xi32, #tpu.memory_space<vmem>>
      %dma_start3A_582 = tpu.memref_squeeze %dma_start3A_581 : memref<1x80xi32, #tpu.memory_space<vmem>> -> memref<80xi32, #tpu.memory_space<vmem>>
      %dma_start3A_583 = arith.constant 0 : i32
      %dma_start3A_584 = arith.constant 0 : i32
      %dma_start3A_585 = tpu.memref_slice %arg2[%dma_start3A_583, %dma_start3A_584] : memref<40000x128xf32, #tpu.memory_space<hbm>> -> memref<40000x128xf32, #tpu.memory_space<hbm>>
      %dma_start3A_586 = tpu.memref_slice %arg11[%dma_start3A_575] : memref<4x!tpu.dma_semaphore, #tpu.memory_space<semaphore_mem>> -> memref<1x!tpu.dma_semaphore, #tpu.memory_space<semaphore_mem>>
      %dma_start3A_587 = tpu.memref_squeeze %dma_start3A_586 : memref<1x!tpu.dma_semaphore, #tpu.memory_space<semaphore_mem>> -> memref<!tpu.dma_semaphore, #tpu.memory_space<semaphore_mem>>
      tpu.enqueue_indirect_dma source(%dma_start3A_585 : memref<40000x128xf32, #tpu.memory_space<hbm>>) target(%dma_start3A_579 : memref<80x128xf32, #tpu.memory_space<vmem>>) offsets(%dma_start3A_582 : memref<80xi32, #tpu.memory_space<vmem>>) semaphore(%dma_start3A_587 : memref<!tpu.dma_semaphore, #tpu.memory_space<semaphore_mem>>)
      %dma_start3A_588 = arith.constant 2 : i32
      %dma_start3A_589 = arith.constant 2 : i32
      %dma_start3A_590 = arith.constant 2 : i32
      %dma_start3A_591 = arith.constant 0 : i32
      %dma_start3A_592 = arith.constant 0 : i32
      %dma_start3A_593 = tpu.memref_slice %arg9[%dma_start3A_589, %dma_start3A_591, %dma_start3A_592] : memref<4x80x128xf32, #tpu.memory_space<vmem>> -> memref<1x80x128xf32, #tpu.memory_space<vmem>>
      %dma_start3A_594 = tpu.memref_squeeze %dma_start3A_593 : memref<1x80x128xf32, #tpu.memory_space<vmem>> -> memref<80x128xf32, #tpu.memory_space<vmem>>
      %dma_start3A_595 = arith.constant 0 : i32
      %dma_start3A_596 = tpu.memref_slice %arg7[%dma_start3A_588, %dma_start3A_595] : memref<8x80xi32, #tpu.memory_space<vmem>> -> memref<1x80xi32, #tpu.memory_space<vmem>>
      %dma_start3A_597 = tpu.memref_squeeze %dma_start3A_596 : memref<1x80xi32, #tpu.memory_space<vmem>> -> memref<80xi32, #tpu.memory_space<vmem>>
      %dma_start3A_598 = arith.constant 0 : i32
      %dma_start3A_599 = arith.constant 0 : i32
      %dma_start3A_600 = tpu.memref_slice %arg2[%dma_start3A_598, %dma_start3A_599] : memref<40000x128xf32, #tpu.memory_space<hbm>> -> memref<40000x128xf32, #tpu.memory_space<hbm>>
      %dma_start3A_601 = tpu.memref_slice %arg11[%dma_start3A_590] : memref<4x!tpu.dma_semaphore, #tpu.memory_space<semaphore_mem>> -> memref<1x!tpu.dma_semaphore, #tpu.memory_space<semaphore_mem>>
      %dma_start3A_602 = tpu.memref_squeeze %dma_start3A_601 : memref<1x!tpu.dma_semaphore, #tpu.memory_space<semaphore_mem>> -> memref<!tpu.dma_semaphore, #tpu.memory_space<semaphore_mem>>
      tpu.enqueue_indirect_dma source(%dma_start3A_600 : memref<40000x128xf32, #tpu.memory_space<hbm>>) target(%dma_start3A_594 : memref<80x128xf32, #tpu.memory_space<vmem>>) offsets(%dma_start3A_597 : memref<80xi32, #tpu.memory_space<vmem>>) semaphore(%dma_start3A_602 : memref<!tpu.dma_semaphore, #tpu.memory_space<semaphore_mem>>)
      %dma_wait3A = arith.constant 0 : i32
      %dma_wait3A_603 = arith.constant 0 : i32
      %dma_wait3A_604 = arith.constant 0 : i32
      %dma_wait3A_605 = arith.constant 0 : i32
      %dma_wait3A_606 = arith.constant 0 : i32
      %dma_wait3A_607 = tpu.memref_slice %arg9[%dma_wait3A_603, %dma_wait3A_605, %dma_wait3A_606] : memref<4x80x128xf32, #tpu.memory_space<vmem>> -> memref<1x80x128xf32, #tpu.memory_space<vmem>>
      %dma_wait3A_608 = tpu.memref_squeeze %dma_wait3A_607 : memref<1x80x128xf32, #tpu.memory_space<vmem>> -> memref<80x128xf32, #tpu.memory_space<vmem>>
      %dma_wait3A_609 = arith.constant 0 : i32
      %dma_wait3A_610 = tpu.memref_slice %arg7[%dma_wait3A, %dma_wait3A_609] : memref<8x80xi32, #tpu.memory_space<vmem>> -> memref<1x80xi32, #tpu.memory_space<vmem>>
      %dma_wait3A_611 = tpu.memref_squeeze %dma_wait3A_610 : memref<1x80xi32, #tpu.memory_space<vmem>> -> memref<80xi32, #tpu.memory_space<vmem>>
      %dma_wait3A_612 = arith.constant 0 : i32
      %dma_wait3A_613 = arith.constant 0 : i32
      %dma_wait3A_614 = tpu.memref_slice %arg2[%dma_wait3A_612, %dma_wait3A_613] : memref<40000x128xf32, #tpu.memory_space<hbm>> -> memref<40000x128xf32, #tpu.memory_space<hbm>>
      %dma_wait3A_615 = tpu.memref_slice %arg11[%dma_wait3A_604] : memref<4x!tpu.dma_semaphore, #tpu.memory_space<semaphore_mem>> -> memref<1x!tpu.dma_semaphore, #tpu.memory_space<semaphore_mem>>
      %dma_wait3A_616 = tpu.memref_squeeze %dma_wait3A_615 : memref<1x!tpu.dma_semaphore, #tpu.memory_space<semaphore_mem>> -> memref<!tpu.dma_semaphore, #tpu.memory_space<semaphore_mem>>
      tpu.wait_indirect_dma semaphore(%dma_wait3A_616 : memref<!tpu.dma_semaphore, #tpu.memory_space<semaphore_mem>>) src(%dma_wait3A_614 : memref<40000x128xf32, #tpu.memory_space<hbm>>) dst(%dma_wait3A_608 : memref<80x128xf32, #tpu.memory_space<vmem>>)
      %dma_start3A_617 = arith.constant 0 : i32
      %dma_start3A_618 = arith.constant 0 : i32
      %dma_start3A_619 = arith.constant 0 : i32
      %dma_start3A_620 = arith.constant 0 : i32
      %dma_start3A_621 = arith.constant 0 : i32
      %dma_start3A_622 = tpu.memref_slice %arg9[%dma_start3A_617, %dma_start3A_620, %dma_start3A_621] : memref<4x80x128xf32, #tpu.memory_space<vmem>> -> memref<1x80x128xf32, #tpu.memory_space<vmem>>
      %dma_start3A_623 = tpu.memref_squeeze %dma_start3A_622 : memref<1x80x128xf32, #tpu.memory_space<vmem>> -> memref<80x128xf32, #tpu.memory_space<vmem>>
      %dma_start3A_624 = arith.constant 0 : i32
      %dma_start3A_625 = tpu.memref_slice %arg8[%dma_start3A_618, %dma_start3A_624] : memref<8x80xi32, #tpu.memory_space<vmem>> -> memref<1x80xi32, #tpu.memory_space<vmem>>
      %dma_start3A_626 = tpu.memref_squeeze %dma_start3A_625 : memref<1x80xi32, #tpu.memory_space<vmem>> -> memref<80xi32, #tpu.memory_space<vmem>>
      %dma_start3A_627 = arith.constant 0 : i32
      %dma_start3A_628 = arith.constant 0 : i32
      %dma_start3A_629 = tpu.memref_slice %arg10[%dma_start3A_627, %dma_start3A_628] : memref<10240x128xf32, #tpu.memory_space<vmem_shared>> -> memref<10240x128xf32, #tpu.memory_space<vmem_shared>>
      %dma_start3A_630 = tpu.memref_slice %arg12[%dma_start3A_619] : memref<4x!tpu.dma_semaphore, #tpu.memory_space<semaphore_mem>> -> memref<1x!tpu.dma_semaphore, #tpu.memory_space<semaphore_mem>>
      %dma_start3A_631 = tpu.memref_squeeze %dma_start3A_630 : memref<1x!tpu.dma_semaphore, #tpu.memory_space<semaphore_mem>> -> memref<!tpu.dma_semaphore, #tpu.memory_space<semaphore_mem>>
      tpu.enqueue_indirect_dma source(%dma_start3A_623 : memref<80x128xf32, #tpu.memory_space<vmem>>) target(%dma_start3A_629 : memref<10240x128xf32, #tpu.memory_space<vmem_shared>>) offsets(%dma_start3A_626 : memref<80xi32, #tpu.memory_space<vmem>>) semaphore(%dma_start3A_631 : memref<!tpu.dma_semaphore, #tpu.memory_space<semaphore_mem>>) {add = true}
      %dma_start3A_632 = arith.constant 3 : i32
      %dma_start3A_633 = arith.constant 3 : i32
      %dma_start3A_634 = arith.constant 3 : i32
      %dma_start3A_635 = arith.constant 0 : i32
      %dma_start3A_636 = arith.constant 0 : i32
      %dma_start3A_637 = tpu.memref_slice %arg9[%dma_start3A_633, %dma_start3A_635, %dma_start3A_636] : memref<4x80x128xf32, #tpu.memory_space<vmem>> -> memref<1x80x128xf32, #tpu.memory_space<vmem>>
      %dma_start3A_638 = tpu.memref_squeeze %dma_start3A_637 : memref<1x80x128xf32, #tpu.memory_space<vmem>> -> memref<80x128xf32, #tpu.memory_space<vmem>>
      %dma_start3A_639 = arith.constant 0 : i32
      %dma_start3A_640 = tpu.memref_slice %arg7[%dma_start3A_632, %dma_start3A_639] : memref<8x80xi32, #tpu.memory_space<vmem>> -> memref<1x80xi32, #tpu.memory_space<vmem>>
      %dma_start3A_641 = tpu.memref_squeeze %dma_start3A_640 : memref<1x80xi32, #tpu.memory_space<vmem>> -> memref<80xi32, #tpu.memory_space<vmem>>
      %dma_start3A_642 = arith.constant 0 : i32
      %dma_start3A_643 = arith.constant 0 : i32
      %dma_start3A_644 = tpu.memref_slice %arg2[%dma_start3A_642, %dma_start3A_643] : memref<40000x128xf32, #tpu.memory_space<hbm>> -> memref<40000x128xf32, #tpu.memory_space<hbm>>
      %dma_start3A_645 = tpu.memref_slice %arg11[%dma_start3A_634] : memref<4x!tpu.dma_semaphore, #tpu.memory_space<semaphore_mem>> -> memref<1x!tpu.dma_semaphore, #tpu.memory_space<semaphore_mem>>
      %dma_start3A_646 = tpu.memref_squeeze %dma_start3A_645 : memref<1x!tpu.dma_semaphore, #tpu.memory_space<semaphore_mem>> -> memref<!tpu.dma_semaphore, #tpu.memory_space<semaphore_mem>>
      tpu.enqueue_indirect_dma source(%dma_start3A_644 : memref<40000x128xf32, #tpu.memory_space<hbm>>) target(%dma_start3A_638 : memref<80x128xf32, #tpu.memory_space<vmem>>) offsets(%dma_start3A_641 : memref<80xi32, #tpu.memory_space<vmem>>) semaphore(%dma_start3A_646 : memref<!tpu.dma_semaphore, #tpu.memory_space<semaphore_mem>>)
      %dma_wait3A_647 = arith.constant 1 : i32
      %dma_wait3A_648 = arith.constant 1 : i32
      %dma_wait3A_649 = arith.constant 1 : i32
      %dma_wait3A_650 = arith.constant 0 : i32
      %dma_wait3A_651 = arith.constant 0 : i32
      %dma_wait3A_652 = tpu.memref_slice %arg9[%dma_wait3A_648, %dma_wait3A_650, %dma_wait3A_651] : memref<4x80x128xf32, #tpu.memory_space<vmem>> -> memref<1x80x128xf32, #tpu.memory_space<vmem>>
      %dma_wait3A_653 = tpu.memref_squeeze %dma_wait3A_652 : memref<1x80x128xf32, #tpu.memory_space<vmem>> -> memref<80x128xf32, #tpu.memory_space<vmem>>
      %dma_wait3A_654 = arith.constant 0 : i32
      %dma_wait3A_655 = tpu.memref_slice %arg7[%dma_wait3A_647, %dma_wait3A_654] : memref<8x80xi32, #tpu.memory_space<vmem>> -> memref<1x80xi32, #tpu.memory_space<vmem>>
      %dma_wait3A_656 = tpu.memref_squeeze %dma_wait3A_655 : memref<1x80xi32, #tpu.memory_space<vmem>> -> memref<80xi32, #tpu.memory_space<vmem>>
      %dma_wait3A_657 = arith.constant 0 : i32
      %dma_wait3A_658 = arith.constant 0 : i32
      %dma_wait3A_659 = tpu.memref_slice %arg2[%dma_wait3A_657, %dma_wait3A_658] : memref<40000x128xf32, #tpu.memory_space<hbm>> -> memref<40000x128xf32, #tpu.memory_space<hbm>>
      %dma_wait3A_660 = tpu.memref_slice %arg11[%dma_wait3A_649] : memref<4x!tpu.dma_semaphore, #tpu.memory_space<semaphore_mem>> -> memref<1x!tpu.dma_semaphore, #tpu.memory_space<semaphore_mem>>
      %dma_wait3A_661 = tpu.memref_squeeze %dma_wait3A_660 : memref<1x!tpu.dma_semaphore, #tpu.memory_space<semaphore_mem>> -> memref<!tpu.dma_semaphore, #tpu.memory_space<semaphore_mem>>
      tpu.wait_indirect_dma semaphore(%dma_wait3A_661 : memref<!tpu.dma_semaphore, #tpu.memory_space<semaphore_mem>>) src(%dma_wait3A_659 : memref<40000x128xf32, #tpu.memory_space<hbm>>) dst(%dma_wait3A_653 : memref<80x128xf32, #tpu.memory_space<vmem>>)
      %dma_start3A_662 = arith.constant 1 : i32
      %dma_start3A_663 = arith.constant 1 : i32
      %dma_start3A_664 = arith.constant 1 : i32
      %dma_start3A_665 = arith.constant 0 : i32
      %dma_start3A_666 = arith.constant 0 : i32
      %dma_start3A_667 = tpu.memref_slice %arg9[%dma_start3A_662, %dma_start3A_665, %dma_start3A_666] : memref<4x80x128xf32, #tpu.memory_space<vmem>> -> memref<1x80x128xf32, #tpu.memory_space<vmem>>
      %dma_start3A_668 = tpu.memref_squeeze %dma_start3A_667 : memref<1x80x128xf32, #tpu.memory_space<vmem>> -> memref<80x128xf32, #tpu.memory_space<vmem>>
      %dma_start3A_669 = arith.constant 0 : i32
      %dma_start3A_670 = tpu.memref_slice %arg8[%dma_start3A_663, %dma_start3A_669] : memref<8x80xi32, #tpu.memory_space<vmem>> -> memref<1x80xi32, #tpu.memory_space<vmem>>
      %dma_start3A_671 = tpu.memref_squeeze %dma_start3A_670 : memref<1x80xi32, #tpu.memory_space<vmem>> -> memref<80xi32, #tpu.memory_space<vmem>>
      %dma_start3A_672 = arith.constant 0 : i32
      %dma_start3A_673 = arith.constant 0 : i32
      %dma_start3A_674 = tpu.memref_slice %arg10[%dma_start3A_672, %dma_start3A_673] : memref<10240x128xf32, #tpu.memory_space<vmem_shared>> -> memref<10240x128xf32, #tpu.memory_space<vmem_shared>>
      %dma_start3A_675 = tpu.memref_slice %arg12[%dma_start3A_664] : memref<4x!tpu.dma_semaphore, #tpu.memory_space<semaphore_mem>> -> memref<1x!tpu.dma_semaphore, #tpu.memory_space<semaphore_mem>>
      %dma_start3A_676 = tpu.memref_squeeze %dma_start3A_675 : memref<1x!tpu.dma_semaphore, #tpu.memory_space<semaphore_mem>> -> memref<!tpu.dma_semaphore, #tpu.memory_space<semaphore_mem>>
      tpu.enqueue_indirect_dma source(%dma_start3A_668 : memref<80x128xf32, #tpu.memory_space<vmem>>) target(%dma_start3A_674 : memref<10240x128xf32, #tpu.memory_space<vmem_shared>>) offsets(%dma_start3A_671 : memref<80xi32, #tpu.memory_space<vmem>>) semaphore(%dma_start3A_676 : memref<!tpu.dma_semaphore, #tpu.memory_space<semaphore_mem>>) {add = true}
      %dma_wait3A_677 = arith.constant 0 : i32
      %dma_wait3A_678 = arith.constant 0 : i32
      %dma_wait3A_679 = arith.constant 0 : i32
      %dma_wait3A_680 = arith.constant 0 : i32
      %dma_wait3A_681 = arith.constant 0 : i32
      %dma_wait3A_682 = tpu.memref_slice %arg9[%dma_wait3A_677, %dma_wait3A_680, %dma_wait3A_681] : memref<4x80x128xf32, #tpu.memory_space<vmem>> -> memref<1x80x128xf32, #tpu.memory_space<vmem>>
      %dma_wait3A_683 = tpu.memref_squeeze %dma_wait3A_682 : memref<1x80x128xf32, #tpu.memory_space<vmem>> -> memref<80x128xf32, #tpu.memory_space<vmem>>
      %dma_wait3A_684 = arith.constant 0 : i32
      %dma_wait3A_685 = tpu.memref_slice %arg8[%dma_wait3A_678, %dma_wait3A_684] : memref<8x80xi32, #tpu.memory_space<vmem>> -> memref<1x80xi32, #tpu.memory_space<vmem>>
      %dma_wait3A_686 = tpu.memref_squeeze %dma_wait3A_685 : memref<1x80xi32, #tpu.memory_space<vmem>> -> memref<80xi32, #tpu.memory_space<vmem>>
      %dma_wait3A_687 = arith.constant 0 : i32
      %dma_wait3A_688 = arith.constant 0 : i32
      %dma_wait3A_689 = tpu.memref_slice %arg10[%dma_wait3A_687, %dma_wait3A_688] : memref<10240x128xf32, #tpu.memory_space<vmem_shared>> -> memref<10240x128xf32, #tpu.memory_space<vmem_shared>>
      %dma_wait3A_690 = tpu.memref_slice %arg12[%dma_wait3A_679] : memref<4x!tpu.dma_semaphore, #tpu.memory_space<semaphore_mem>> -> memref<1x!tpu.dma_semaphore, #tpu.memory_space<semaphore_mem>>
      %dma_wait3A_691 = tpu.memref_squeeze %dma_wait3A_690 : memref<1x!tpu.dma_semaphore, #tpu.memory_space<semaphore_mem>> -> memref<!tpu.dma_semaphore, #tpu.memory_space<semaphore_mem>>
      tpu.wait_indirect_dma semaphore(%dma_wait3A_691 : memref<!tpu.dma_semaphore, #tpu.memory_space<semaphore_mem>>) src(%dma_wait3A_683 : memref<80x128xf32, #tpu.memory_space<vmem>>) dst(%dma_wait3A_689 : memref<10240x128xf32, #tpu.memory_space<vmem_shared>>)
      %dma_start3A_692 = arith.constant 4 : i32
      %dma_start3A_693 = arith.constant 0 : i32
      %dma_start3A_694 = arith.constant 0 : i32
      %dma_start3A_695 = arith.constant 0 : i32
      %dma_start3A_696 = arith.constant 0 : i32
      %dma_start3A_697 = tpu.memref_slice %arg9[%dma_start3A_693, %dma_start3A_695, %dma_start3A_696] : memref<4x80x128xf32, #tpu.memory_space<vmem>> -> memref<1x80x128xf32, #tpu.memory_space<vmem>>
      %dma_start3A_698 = tpu.memref_squeeze %dma_start3A_697 : memref<1x80x128xf32, #tpu.memory_space<vmem>> -> memref<80x128xf32, #tpu.memory_space<vmem>>
      %dma_start3A_699 = arith.constant 0 : i32
      %dma_start3A_700 = tpu.memref_slice %arg7[%dma_start3A_692, %dma_start3A_699] : memref<8x80xi32, #tpu.memory_space<vmem>> -> memref<1x80xi32, #tpu.memory_space<vmem>>
      %dma_start3A_701 = tpu.memref_squeeze %dma_start3A_700 : memref<1x80xi32, #tpu.memory_space<vmem>> -> memref<80xi32, #tpu.memory_space<vmem>>
      %dma_start3A_702 = arith.constant 0 : i32
      %dma_start3A_703 = arith.constant 0 : i32
      %dma_start3A_704 = tpu.memref_slice %arg2[%dma_start3A_702, %dma_start3A_703] : memref<40000x128xf32, #tpu.memory_space<hbm>> -> memref<40000x128xf32, #tpu.memory_space<hbm>>
      %dma_start3A_705 = tpu.memref_slice %arg11[%dma_start3A_694] : memref<4x!tpu.dma_semaphore, #tpu.memory_space<semaphore_mem>> -> memref<1x!tpu.dma_semaphore, #tpu.memory_space<semaphore_mem>>
      %dma_start3A_706 = tpu.memref_squeeze %dma_start3A_705 : memref<1x!tpu.dma_semaphore, #tpu.memory_space<semaphore_mem>> -> memref<!tpu.dma_semaphore, #tpu.memory_space<semaphore_mem>>
      tpu.enqueue_indirect_dma source(%dma_start3A_704 : memref<40000x128xf32, #tpu.memory_space<hbm>>) target(%dma_start3A_698 : memref<80x128xf32, #tpu.memory_space<vmem>>) offsets(%dma_start3A_701 : memref<80xi32, #tpu.memory_space<vmem>>) semaphore(%dma_start3A_706 : memref<!tpu.dma_semaphore, #tpu.memory_space<semaphore_mem>>)
      %dma_wait3A_707 = arith.constant 2 : i32
      %dma_wait3A_708 = arith.constant 2 : i32
      %dma_wait3A_709 = arith.constant 2 : i32
      %dma_wait3A_710 = arith.constant 0 : i32
      %dma_wait3A_711 = arith.constant 0 : i32
      %dma_wait3A_712 = tpu.memref_slice %arg9[%dma_wait3A_708, %dma_wait3A_710, %dma_wait3A_711] : memref<4x80x128xf32, #tpu.memory_space<vmem>> -> memref<1x80x128xf32, #tpu.memory_space<vmem>>
      %dma_wait3A_713 = tpu.memref_squeeze %dma_wait3A_712 : memref<1x80x128xf32, #tpu.memory_space<vmem>> -> memref<80x128xf32, #tpu.memory_space<vmem>>
      %dma_wait3A_714 = arith.constant 0 : i32
      %dma_wait3A_715 = tpu.memref_slice %arg7[%dma_wait3A_707, %dma_wait3A_714] : memref<8x80xi32, #tpu.memory_space<vmem>> -> memref<1x80xi32, #tpu.memory_space<vmem>>
      %dma_wait3A_716 = tpu.memref_squeeze %dma_wait3A_715 : memref<1x80xi32, #tpu.memory_space<vmem>> -> memref<80xi32, #tpu.memory_space<vmem>>
      %dma_wait3A_717 = arith.constant 0 : i32
      %dma_wait3A_718 = arith.constant 0 : i32
      %dma_wait3A_719 = tpu.memref_slice %arg2[%dma_wait3A_717, %dma_wait3A_718] : memref<40000x128xf32, #tpu.memory_space<hbm>> -> memref<40000x128xf32, #tpu.memory_space<hbm>>
      %dma_wait3A_720 = tpu.memref_slice %arg11[%dma_wait3A_709] : memref<4x!tpu.dma_semaphore, #tpu.memory_space<semaphore_mem>> -> memref<1x!tpu.dma_semaphore, #tpu.memory_space<semaphore_mem>>
      %dma_wait3A_721 = tpu.memref_squeeze %dma_wait3A_720 : memref<1x!tpu.dma_semaphore, #tpu.memory_space<semaphore_mem>> -> memref<!tpu.dma_semaphore, #tpu.memory_space<semaphore_mem>>
      tpu.wait_indirect_dma semaphore(%dma_wait3A_721 : memref<!tpu.dma_semaphore, #tpu.memory_space<semaphore_mem>>) src(%dma_wait3A_719 : memref<40000x128xf32, #tpu.memory_space<hbm>>) dst(%dma_wait3A_713 : memref<80x128xf32, #tpu.memory_space<vmem>>)
      %dma_start3A_722 = arith.constant 2 : i32
      %dma_start3A_723 = arith.constant 2 : i32
      %dma_start3A_724 = arith.constant 2 : i32
      %dma_start3A_725 = arith.constant 0 : i32
      %dma_start3A_726 = arith.constant 0 : i32
      %dma_start3A_727 = tpu.memref_slice %arg9[%dma_start3A_722, %dma_start3A_725, %dma_start3A_726] : memref<4x80x128xf32, #tpu.memory_space<vmem>> -> memref<1x80x128xf32, #tpu.memory_space<vmem>>
      %dma_start3A_728 = tpu.memref_squeeze %dma_start3A_727 : memref<1x80x128xf32, #tpu.memory_space<vmem>> -> memref<80x128xf32, #tpu.memory_space<vmem>>
      %dma_start3A_729 = arith.constant 0 : i32
      %dma_start3A_730 = tpu.memref_slice %arg8[%dma_start3A_723, %dma_start3A_729] : memref<8x80xi32, #tpu.memory_space<vmem>> -> memref<1x80xi32, #tpu.memory_space<vmem>>
      %dma_start3A_731 = tpu.memref_squeeze %dma_start3A_730 : memref<1x80xi32, #tpu.memory_space<vmem>> -> memref<80xi32, #tpu.memory_space<vmem>>
      %dma_start3A_732 = arith.constant 0 : i32
      %dma_start3A_733 = arith.constant 0 : i32
      %dma_start3A_734 = tpu.memref_slice %arg10[%dma_start3A_732, %dma_start3A_733] : memref<10240x128xf32, #tpu.memory_space<vmem_shared>> -> memref<10240x128xf32, #tpu.memory_space<vmem_shared>>
      %dma_start3A_735 = tpu.memref_slice %arg12[%dma_start3A_724] : memref<4x!tpu.dma_semaphore, #tpu.memory_space<semaphore_mem>> -> memref<1x!tpu.dma_semaphore, #tpu.memory_space<semaphore_mem>>
      %dma_start3A_736 = tpu.memref_squeeze %dma_start3A_735 : memref<1x!tpu.dma_semaphore, #tpu.memory_space<semaphore_mem>> -> memref<!tpu.dma_semaphore, #tpu.memory_space<semaphore_mem>>
      tpu.enqueue_indirect_dma source(%dma_start3A_728 : memref<80x128xf32, #tpu.memory_space<vmem>>) target(%dma_start3A_734 : memref<10240x128xf32, #tpu.memory_space<vmem_shared>>) offsets(%dma_start3A_731 : memref<80xi32, #tpu.memory_space<vmem>>) semaphore(%dma_start3A_736 : memref<!tpu.dma_semaphore, #tpu.memory_space<semaphore_mem>>) {add = true}
      %dma_wait3A_737 = arith.constant 1 : i32
      %dma_wait3A_738 = arith.constant 1 : i32
      %dma_wait3A_739 = arith.constant 1 : i32
      %dma_wait3A_740 = arith.constant 0 : i32
      %dma_wait3A_741 = arith.constant 0 : i32
      %dma_wait3A_742 = tpu.memref_slice %arg9[%dma_wait3A_737, %dma_wait3A_740, %dma_wait3A_741] : memref<4x80x128xf32, #tpu.memory_space<vmem>> -> memref<1x80x128xf32, #tpu.memory_space<vmem>>
      %dma_wait3A_743 = tpu.memref_squeeze %dma_wait3A_742 : memref<1x80x128xf32, #tpu.memory_space<vmem>> -> memref<80x128xf32, #tpu.memory_space<vmem>>
      %dma_wait3A_744 = arith.constant 0 : i32
      %dma_wait3A_745 = tpu.memref_slice %arg8[%dma_wait3A_738, %dma_wait3A_744] : memref<8x80xi32, #tpu.memory_space<vmem>> -> memref<1x80xi32, #tpu.memory_space<vmem>>
      %dma_wait3A_746 = tpu.memref_squeeze %dma_wait3A_745 : memref<1x80xi32, #tpu.memory_space<vmem>> -> memref<80xi32, #tpu.memory_space<vmem>>
      %dma_wait3A_747 = arith.constant 0 : i32
      %dma_wait3A_748 = arith.constant 0 : i32
      %dma_wait3A_749 = tpu.memref_slice %arg10[%dma_wait3A_747, %dma_wait3A_748] : memref<10240x128xf32, #tpu.memory_space<vmem_shared>> -> memref<10240x128xf32, #tpu.memory_space<vmem_shared>>
      %dma_wait3A_750 = tpu.memref_slice %arg12[%dma_wait3A_739] : memref<4x!tpu.dma_semaphore, #tpu.memory_space<semaphore_mem>> -> memref<1x!tpu.dma_semaphore, #tpu.memory_space<semaphore_mem>>
      %dma_wait3A_751 = tpu.memref_squeeze %dma_wait3A_750 : memref<1x!tpu.dma_semaphore, #tpu.memory_space<semaphore_mem>> -> memref<!tpu.dma_semaphore, #tpu.memory_space<semaphore_mem>>
      tpu.wait_indirect_dma semaphore(%dma_wait3A_751 : memref<!tpu.dma_semaphore, #tpu.memory_space<semaphore_mem>>) src(%dma_wait3A_743 : memref<80x128xf32, #tpu.memory_space<vmem>>) dst(%dma_wait3A_749 : memref<10240x128xf32, #tpu.memory_space<vmem_shared>>)
      %dma_start3A_752 = arith.constant 5 : i32
      %dma_start3A_753 = arith.constant 1 : i32
      %dma_start3A_754 = arith.constant 1 : i32
      %dma_start3A_755 = arith.constant 0 : i32
      %dma_start3A_756 = arith.constant 0 : i32
      %dma_start3A_757 = tpu.memref_slice %arg9[%dma_start3A_753, %dma_start3A_755, %dma_start3A_756] : memref<4x80x128xf32, #tpu.memory_space<vmem>> -> memref<1x80x128xf32, #tpu.memory_space<vmem>>
      %dma_start3A_758 = tpu.memref_squeeze %dma_start3A_757 : memref<1x80x128xf32, #tpu.memory_space<vmem>> -> memref<80x128xf32, #tpu.memory_space<vmem>>
      %dma_start3A_759 = arith.constant 0 : i32
      %dma_start3A_760 = tpu.memref_slice %arg7[%dma_start3A_752, %dma_start3A_759] : memref<8x80xi32, #tpu.memory_space<vmem>> -> memref<1x80xi32, #tpu.memory_space<vmem>>
      %dma_start3A_761 = tpu.memref_squeeze %dma_start3A_760 : memref<1x80xi32, #tpu.memory_space<vmem>> -> memref<80xi32, #tpu.memory_space<vmem>>
      %dma_start3A_762 = arith.constant 0 : i32
      %dma_start3A_763 = arith.constant 0 : i32
      %dma_start3A_764 = tpu.memref_slice %arg2[%dma_start3A_762, %dma_start3A_763] : memref<40000x128xf32, #tpu.memory_space<hbm>> -> memref<40000x128xf32, #tpu.memory_space<hbm>>
      %dma_start3A_765 = tpu.memref_slice %arg11[%dma_start3A_754] : memref<4x!tpu.dma_semaphore, #tpu.memory_space<semaphore_mem>> -> memref<1x!tpu.dma_semaphore, #tpu.memory_space<semaphore_mem>>
      %dma_start3A_766 = tpu.memref_squeeze %dma_start3A_765 : memref<1x!tpu.dma_semaphore, #tpu.memory_space<semaphore_mem>> -> memref<!tpu.dma_semaphore, #tpu.memory_space<semaphore_mem>>
      tpu.enqueue_indirect_dma source(%dma_start3A_764 : memref<40000x128xf32, #tpu.memory_space<hbm>>) target(%dma_start3A_758 : memref<80x128xf32, #tpu.memory_space<vmem>>) offsets(%dma_start3A_761 : memref<80xi32, #tpu.memory_space<vmem>>) semaphore(%dma_start3A_766 : memref<!tpu.dma_semaphore, #tpu.memory_space<semaphore_mem>>)
      %dma_wait3A_767 = arith.constant 3 : i32
      %dma_wait3A_768 = arith.constant 3 : i32
      %dma_wait3A_769 = arith.constant 3 : i32
      %dma_wait3A_770 = arith.constant 0 : i32
      %dma_wait3A_771 = arith.constant 0 : i32
      %dma_wait3A_772 = tpu.memref_slice %arg9[%dma_wait3A_768, %dma_wait3A_770, %dma_wait3A_771] : memref<4x80x128xf32, #tpu.memory_space<vmem>> -> memref<1x80x128xf32, #tpu.memory_space<vmem>>
      %dma_wait3A_773 = tpu.memref_squeeze %dma_wait3A_772 : memref<1x80x128xf32, #tpu.memory_space<vmem>> -> memref<80x128xf32, #tpu.memory_space<vmem>>
      %dma_wait3A_774 = arith.constant 0 : i32
      %dma_wait3A_775 = tpu.memref_slice %arg7[%dma_wait3A_767, %dma_wait3A_774] : memref<8x80xi32, #tpu.memory_space<vmem>> -> memref<1x80xi32, #tpu.memory_space<vmem>>
      %dma_wait3A_776 = tpu.memref_squeeze %dma_wait3A_775 : memref<1x80xi32, #tpu.memory_space<vmem>> -> memref<80xi32, #tpu.memory_space<vmem>>
      %dma_wait3A_777 = arith.constant 0 : i32
      %dma_wait3A_778 = arith.constant 0 : i32
      %dma_wait3A_779 = tpu.memref_slice %arg2[%dma_wait3A_777, %dma_wait3A_778] : memref<40000x128xf32, #tpu.memory_space<hbm>> -> memref<40000x128xf32, #tpu.memory_space<hbm>>
      %dma_wait3A_780 = tpu.memref_slice %arg11[%dma_wait3A_769] : memref<4x!tpu.dma_semaphore, #tpu.memory_space<semaphore_mem>> -> memref<1x!tpu.dma_semaphore, #tpu.memory_space<semaphore_mem>>
      %dma_wait3A_781 = tpu.memref_squeeze %dma_wait3A_780 : memref<1x!tpu.dma_semaphore, #tpu.memory_space<semaphore_mem>> -> memref<!tpu.dma_semaphore, #tpu.memory_space<semaphore_mem>>
      tpu.wait_indirect_dma semaphore(%dma_wait3A_781 : memref<!tpu.dma_semaphore, #tpu.memory_space<semaphore_mem>>) src(%dma_wait3A_779 : memref<40000x128xf32, #tpu.memory_space<hbm>>) dst(%dma_wait3A_773 : memref<80x128xf32, #tpu.memory_space<vmem>>)
      %dma_start3A_782 = arith.constant 3 : i32
      %dma_start3A_783 = arith.constant 3 : i32
      %dma_start3A_784 = arith.constant 3 : i32
      %dma_start3A_785 = arith.constant 0 : i32
      %dma_start3A_786 = arith.constant 0 : i32
      %dma_start3A_787 = tpu.memref_slice %arg9[%dma_start3A_782, %dma_start3A_785, %dma_start3A_786] : memref<4x80x128xf32, #tpu.memory_space<vmem>> -> memref<1x80x128xf32, #tpu.memory_space<vmem>>
      %dma_start3A_788 = tpu.memref_squeeze %dma_start3A_787 : memref<1x80x128xf32, #tpu.memory_space<vmem>> -> memref<80x128xf32, #tpu.memory_space<vmem>>
      %dma_start3A_789 = arith.constant 0 : i32
      %dma_start3A_790 = tpu.memref_slice %arg8[%dma_start3A_783, %dma_start3A_789] : memref<8x80xi32, #tpu.memory_space<vmem>> -> memref<1x80xi32, #tpu.memory_space<vmem>>
      %dma_start3A_791 = tpu.memref_squeeze %dma_start3A_790 : memref<1x80xi32, #tpu.memory_space<vmem>> -> memref<80xi32, #tpu.memory_space<vmem>>
      %dma_start3A_792 = arith.constant 0 : i32
      %dma_start3A_793 = arith.constant 0 : i32
      %dma_start3A_794 = tpu.memref_slice %arg10[%dma_start3A_792, %dma_start3A_793] : memref<10240x128xf32, #tpu.memory_space<vmem_shared>> -> memref<10240x128xf32, #tpu.memory_space<vmem_shared>>
      %dma_start3A_795 = tpu.memref_slice %arg12[%dma_start3A_784] : memref<4x!tpu.dma_semaphore, #tpu.memory_space<semaphore_mem>> -> memref<1x!tpu.dma_semaphore, #tpu.memory_space<semaphore_mem>>
      %dma_start3A_796 = tpu.memref_squeeze %dma_start3A_795 : memref<1x!tpu.dma_semaphore, #tpu.memory_space<semaphore_mem>> -> memref<!tpu.dma_semaphore, #tpu.memory_space<semaphore_mem>>
      tpu.enqueue_indirect_dma source(%dma_start3A_788 : memref<80x128xf32, #tpu.memory_space<vmem>>) target(%dma_start3A_794 : memref<10240x128xf32, #tpu.memory_space<vmem_shared>>) offsets(%dma_start3A_791 : memref<80xi32, #tpu.memory_space<vmem>>) semaphore(%dma_start3A_796 : memref<!tpu.dma_semaphore, #tpu.memory_space<semaphore_mem>>) {add = true}
      %dma_wait3A_797 = arith.constant 2 : i32
      %dma_wait3A_798 = arith.constant 2 : i32
      %dma_wait3A_799 = arith.constant 2 : i32
      %dma_wait3A_800 = arith.constant 0 : i32
      %dma_wait3A_801 = arith.constant 0 : i32
      %dma_wait3A_802 = tpu.memref_slice %arg9[%dma_wait3A_797, %dma_wait3A_800, %dma_wait3A_801] : memref<4x80x128xf32, #tpu.memory_space<vmem>> -> memref<1x80x128xf32, #tpu.memory_space<vmem>>
      %dma_wait3A_803 = tpu.memref_squeeze %dma_wait3A_802 : memref<1x80x128xf32, #tpu.memory_space<vmem>> -> memref<80x128xf32, #tpu.memory_space<vmem>>
      %dma_wait3A_804 = arith.constant 0 : i32
      %dma_wait3A_805 = tpu.memref_slice %arg8[%dma_wait3A_798, %dma_wait3A_804] : memref<8x80xi32, #tpu.memory_space<vmem>> -> memref<1x80xi32, #tpu.memory_space<vmem>>
      %dma_wait3A_806 = tpu.memref_squeeze %dma_wait3A_805 : memref<1x80xi32, #tpu.memory_space<vmem>> -> memref<80xi32, #tpu.memory_space<vmem>>
      %dma_wait3A_807 = arith.constant 0 : i32
      %dma_wait3A_808 = arith.constant 0 : i32
      %dma_wait3A_809 = tpu.memref_slice %arg10[%dma_wait3A_807, %dma_wait3A_808] : memref<10240x128xf32, #tpu.memory_space<vmem_shared>> -> memref<10240x128xf32, #tpu.memory_space<vmem_shared>>
      %dma_wait3A_810 = tpu.memref_slice %arg12[%dma_wait3A_799] : memref<4x!tpu.dma_semaphore, #tpu.memory_space<semaphore_mem>> -> memref<1x!tpu.dma_semaphore, #tpu.memory_space<semaphore_mem>>
      %dma_wait3A_811 = tpu.memref_squeeze %dma_wait3A_810 : memref<1x!tpu.dma_semaphore, #tpu.memory_space<semaphore_mem>> -> memref<!tpu.dma_semaphore, #tpu.memory_space<semaphore_mem>>
      tpu.wait_indirect_dma semaphore(%dma_wait3A_811 : memref<!tpu.dma_semaphore, #tpu.memory_space<semaphore_mem>>) src(%dma_wait3A_803 : memref<80x128xf32, #tpu.memory_space<vmem>>) dst(%dma_wait3A_809 : memref<10240x128xf32, #tpu.memory_space<vmem_shared>>)
      %dma_start3A_812 = arith.constant 6 : i32
      %dma_start3A_813 = arith.constant 2 : i32
      %dma_start3A_814 = arith.constant 2 : i32
      %dma_start3A_815 = arith.constant 0 : i32
      %dma_start3A_816 = arith.constant 0 : i32
      %dma_start3A_817 = tpu.memref_slice %arg9[%dma_start3A_813, %dma_start3A_815, %dma_start3A_816] : memref<4x80x128xf32, #tpu.memory_space<vmem>> -> memref<1x80x128xf32, #tpu.memory_space<vmem>>
      %dma_start3A_818 = tpu.memref_squeeze %dma_start3A_817 : memref<1x80x128xf32, #tpu.memory_space<vmem>> -> memref<80x128xf32, #tpu.memory_space<vmem>>
      %dma_start3A_819 = arith.constant 0 : i32
      %dma_start3A_820 = tpu.memref_slice %arg7[%dma_start3A_812, %dma_start3A_819] : memref<8x80xi32, #tpu.memory_space<vmem>> -> memref<1x80xi32, #tpu.memory_space<vmem>>
      %dma_start3A_821 = tpu.memref_squeeze %dma_start3A_820 : memref<1x80xi32, #tpu.memory_space<vmem>> -> memref<80xi32, #tpu.memory_space<vmem>>
      %dma_start3A_822 = arith.constant 0 : i32
      %dma_start3A_823 = arith.constant 0 : i32
      %dma_start3A_824 = tpu.memref_slice %arg2[%dma_start3A_822, %dma_start3A_823] : memref<40000x128xf32, #tpu.memory_space<hbm>> -> memref<40000x128xf32, #tpu.memory_space<hbm>>
      %dma_start3A_825 = tpu.memref_slice %arg11[%dma_start3A_814] : memref<4x!tpu.dma_semaphore, #tpu.memory_space<semaphore_mem>> -> memref<1x!tpu.dma_semaphore, #tpu.memory_space<semaphore_mem>>
      %dma_start3A_826 = tpu.memref_squeeze %dma_start3A_825 : memref<1x!tpu.dma_semaphore, #tpu.memory_space<semaphore_mem>> -> memref<!tpu.dma_semaphore, #tpu.memory_space<semaphore_mem>>
      tpu.enqueue_indirect_dma source(%dma_start3A_824 : memref<40000x128xf32, #tpu.memory_space<hbm>>) target(%dma_start3A_818 : memref<80x128xf32, #tpu.memory_space<vmem>>) offsets(%dma_start3A_821 : memref<80xi32, #tpu.memory_space<vmem>>) semaphore(%dma_start3A_826 : memref<!tpu.dma_semaphore, #tpu.memory_space<semaphore_mem>>)
      %dma_wait3A_827 = arith.constant 4 : i32
      %dma_wait3A_828 = arith.constant 0 : i32
      %dma_wait3A_829 = arith.constant 0 : i32
      %dma_wait3A_830 = arith.constant 0 : i32
      %dma_wait3A_831 = arith.constant 0 : i32
      %dma_wait3A_832 = tpu.memref_slice %arg9[%dma_wait3A_828, %dma_wait3A_830, %dma_wait3A_831] : memref<4x80x128xf32, #tpu.memory_space<vmem>> -> memref<1x80x128xf32, #tpu.memory_space<vmem>>
      %dma_wait3A_833 = tpu.memref_squeeze %dma_wait3A_832 : memref<1x80x128xf32, #tpu.memory_space<vmem>> -> memref<80x128xf32, #tpu.memory_space<vmem>>
      %dma_wait3A_834 = arith.constant 0 : i32
      %dma_wait3A_835 = tpu.memref_slice %arg7[%dma_wait3A_827, %dma_wait3A_834] : memref<8x80xi32, #tpu.memory_space<vmem>> -> memref<1x80xi32, #tpu.memory_space<vmem>>
      %dma_wait3A_836 = tpu.memref_squeeze %dma_wait3A_835 : memref<1x80xi32, #tpu.memory_space<vmem>> -> memref<80xi32, #tpu.memory_space<vmem>>
      %dma_wait3A_837 = arith.constant 0 : i32
      %dma_wait3A_838 = arith.constant 0 : i32
      %dma_wait3A_839 = tpu.memref_slice %arg2[%dma_wait3A_837, %dma_wait3A_838] : memref<40000x128xf32, #tpu.memory_space<hbm>> -> memref<40000x128xf32, #tpu.memory_space<hbm>>
      %dma_wait3A_840 = tpu.memref_slice %arg11[%dma_wait3A_829] : memref<4x!tpu.dma_semaphore, #tpu.memory_space<semaphore_mem>> -> memref<1x!tpu.dma_semaphore, #tpu.memory_space<semaphore_mem>>
      %dma_wait3A_841 = tpu.memref_squeeze %dma_wait3A_840 : memref<1x!tpu.dma_semaphore, #tpu.memory_space<semaphore_mem>> -> memref<!tpu.dma_semaphore, #tpu.memory_space<semaphore_mem>>
      tpu.wait_indirect_dma semaphore(%dma_wait3A_841 : memref<!tpu.dma_semaphore, #tpu.memory_space<semaphore_mem>>) src(%dma_wait3A_839 : memref<40000x128xf32, #tpu.memory_space<hbm>>) dst(%dma_wait3A_833 : memref<80x128xf32, #tpu.memory_space<vmem>>)
      %dma_start3A_842 = arith.constant 0 : i32
      %dma_start3A_843 = arith.constant 4 : i32
      %dma_start3A_844 = arith.constant 0 : i32
      %dma_start3A_845 = arith.constant 0 : i32
      %dma_start3A_846 = arith.constant 0 : i32
      %dma_start3A_847 = tpu.memref_slice %arg9[%dma_start3A_842, %dma_start3A_845, %dma_start3A_846] : memref<4x80x128xf32, #tpu.memory_space<vmem>> -> memref<1x80x128xf32, #tpu.memory_space<vmem>>
      %dma_start3A_848 = tpu.memref_squeeze %dma_start3A_847 : memref<1x80x128xf32, #tpu.memory_space<vmem>> -> memref<80x128xf32, #tpu.memory_space<vmem>>
      %dma_start3A_849 = arith.constant 0 : i32
      %dma_start3A_850 = tpu.memref_slice %arg8[%dma_start3A_843, %dma_start3A_849] : memref<8x80xi32, #tpu.memory_space<vmem>> -> memref<1x80xi32, #tpu.memory_space<vmem>>
      %dma_start3A_851 = tpu.memref_squeeze %dma_start3A_850 : memref<1x80xi32, #tpu.memory_space<vmem>> -> memref<80xi32, #tpu.memory_space<vmem>>
      %dma_start3A_852 = arith.constant 0 : i32
      %dma_start3A_853 = arith.constant 0 : i32
      %dma_start3A_854 = tpu.memref_slice %arg10[%dma_start3A_852, %dma_start3A_853] : memref<10240x128xf32, #tpu.memory_space<vmem_shared>> -> memref<10240x128xf32, #tpu.memory_space<vmem_shared>>
      %dma_start3A_855 = tpu.memref_slice %arg12[%dma_start3A_844] : memref<4x!tpu.dma_semaphore, #tpu.memory_space<semaphore_mem>> -> memref<1x!tpu.dma_semaphore, #tpu.memory_space<semaphore_mem>>
      %dma_start3A_856 = tpu.memref_squeeze %dma_start3A_855 : memref<1x!tpu.dma_semaphore, #tpu.memory_space<semaphore_mem>> -> memref<!tpu.dma_semaphore, #tpu.memory_space<semaphore_mem>>
      tpu.enqueue_indirect_dma source(%dma_start3A_848 : memref<80x128xf32, #tpu.memory_space<vmem>>) target(%dma_start3A_854 : memref<10240x128xf32, #tpu.memory_space<vmem_shared>>) offsets(%dma_start3A_851 : memref<80xi32, #tpu.memory_space<vmem>>) semaphore(%dma_start3A_856 : memref<!tpu.dma_semaphore, #tpu.memory_space<semaphore_mem>>) {add = true}
      %dma_wait3A_857 = arith.constant 3 : i32
      %dma_wait3A_858 = arith.constant 3 : i32
      %dma_wait3A_859 = arith.constant 3 : i32
      %dma_wait3A_860 = arith.constant 0 : i32
      %dma_wait3A_861 = arith.constant 0 : i32
      %dma_wait3A_862 = tpu.memref_slice %arg9[%dma_wait3A_857, %dma_wait3A_860, %dma_wait3A_861] : memref<4x80x128xf32, #tpu.memory_space<vmem>> -> memref<1x80x128xf32, #tpu.memory_space<vmem>>
      %dma_wait3A_863 = tpu.memref_squeeze %dma_wait3A_862 : memref<1x80x128xf32, #tpu.memory_space<vmem>> -> memref<80x128xf32, #tpu.memory_space<vmem>>
      %dma_wait3A_864 = arith.constant 0 : i32
      %dma_wait3A_865 = tpu.memref_slice %arg8[%dma_wait3A_858, %dma_wait3A_864] : memref<8x80xi32, #tpu.memory_space<vmem>> -> memref<1x80xi32, #tpu.memory_space<vmem>>
      %dma_wait3A_866 = tpu.memref_squeeze %dma_wait3A_865 : memref<1x80xi32, #tpu.memory_space<vmem>> -> memref<80xi32, #tpu.memory_space<vmem>>
      %dma_wait3A_867 = arith.constant 0 : i32
      %dma_wait3A_868 = arith.constant 0 : i32
      %dma_wait3A_869 = tpu.memref_slice %arg10[%dma_wait3A_867, %dma_wait3A_868] : memref<10240x128xf32, #tpu.memory_space<vmem_shared>> -> memref<10240x128xf32, #tpu.memory_space<vmem_shared>>
      %dma_wait3A_870 = tpu.memref_slice %arg12[%dma_wait3A_859] : memref<4x!tpu.dma_semaphore, #tpu.memory_space<semaphore_mem>> -> memref<1x!tpu.dma_semaphore, #tpu.memory_space<semaphore_mem>>
      %dma_wait3A_871 = tpu.memref_squeeze %dma_wait3A_870 : memref<1x!tpu.dma_semaphore, #tpu.memory_space<semaphore_mem>> -> memref<!tpu.dma_semaphore, #tpu.memory_space<semaphore_mem>>
      tpu.wait_indirect_dma semaphore(%dma_wait3A_871 : memref<!tpu.dma_semaphore, #tpu.memory_space<semaphore_mem>>) src(%dma_wait3A_863 : memref<80x128xf32, #tpu.memory_space<vmem>>) dst(%dma_wait3A_869 : memref<10240x128xf32, #tpu.memory_space<vmem_shared>>)
      %dma_start3A_872 = arith.constant 7 : i32
      %dma_start3A_873 = arith.constant 3 : i32
      %dma_start3A_874 = arith.constant 3 : i32
      %dma_start3A_875 = arith.constant 0 : i32
      %dma_start3A_876 = arith.constant 0 : i32
      %dma_start3A_877 = tpu.memref_slice %arg9[%dma_start3A_873, %dma_start3A_875, %dma_start3A_876] : memref<4x80x128xf32, #tpu.memory_space<vmem>> -> memref<1x80x128xf32, #tpu.memory_space<vmem>>
      %dma_start3A_878 = tpu.memref_squeeze %dma_start3A_877 : memref<1x80x128xf32, #tpu.memory_space<vmem>> -> memref<80x128xf32, #tpu.memory_space<vmem>>
      %dma_start3A_879 = arith.constant 0 : i32
      %dma_start3A_880 = tpu.memref_slice %arg7[%dma_start3A_872, %dma_start3A_879] : memref<8x80xi32, #tpu.memory_space<vmem>> -> memref<1x80xi32, #tpu.memory_space<vmem>>
      %dma_start3A_881 = tpu.memref_squeeze %dma_start3A_880 : memref<1x80xi32, #tpu.memory_space<vmem>> -> memref<80xi32, #tpu.memory_space<vmem>>
      %dma_start3A_882 = arith.constant 0 : i32
      %dma_start3A_883 = arith.constant 0 : i32
      %dma_start3A_884 = tpu.memref_slice %arg2[%dma_start3A_882, %dma_start3A_883] : memref<40000x128xf32, #tpu.memory_space<hbm>> -> memref<40000x128xf32, #tpu.memory_space<hbm>>
      %dma_start3A_885 = tpu.memref_slice %arg11[%dma_start3A_874] : memref<4x!tpu.dma_semaphore, #tpu.memory_space<semaphore_mem>> -> memref<1x!tpu.dma_semaphore, #tpu.memory_space<semaphore_mem>>
      %dma_start3A_886 = tpu.memref_squeeze %dma_start3A_885 : memref<1x!tpu.dma_semaphore, #tpu.memory_space<semaphore_mem>> -> memref<!tpu.dma_semaphore, #tpu.memory_space<semaphore_mem>>
      tpu.enqueue_indirect_dma source(%dma_start3A_884 : memref<40000x128xf32, #tpu.memory_space<hbm>>) target(%dma_start3A_878 : memref<80x128xf32, #tpu.memory_space<vmem>>) offsets(%dma_start3A_881 : memref<80xi32, #tpu.memory_space<vmem>>) semaphore(%dma_start3A_886 : memref<!tpu.dma_semaphore, #tpu.memory_space<semaphore_mem>>)
      %dma_wait3A_887 = arith.constant 5 : i32
      %dma_wait3A_888 = arith.constant 1 : i32
      %dma_wait3A_889 = arith.constant 1 : i32
      %dma_wait3A_890 = arith.constant 0 : i32
      %dma_wait3A_891 = arith.constant 0 : i32
      %dma_wait3A_892 = tpu.memref_slice %arg9[%dma_wait3A_888, %dma_wait3A_890, %dma_wait3A_891] : memref<4x80x128xf32, #tpu.memory_space<vmem>> -> memref<1x80x128xf32, #tpu.memory_space<vmem>>
      %dma_wait3A_893 = tpu.memref_squeeze %dma_wait3A_892 : memref<1x80x128xf32, #tpu.memory_space<vmem>> -> memref<80x128xf32, #tpu.memory_space<vmem>>
      %dma_wait3A_894 = arith.constant 0 : i32
      %dma_wait3A_895 = tpu.memref_slice %arg7[%dma_wait3A_887, %dma_wait3A_894] : memref<8x80xi32, #tpu.memory_space<vmem>> -> memref<1x80xi32, #tpu.memory_space<vmem>>
      %dma_wait3A_896 = tpu.memref_squeeze %dma_wait3A_895 : memref<1x80xi32, #tpu.memory_space<vmem>> -> memref<80xi32, #tpu.memory_space<vmem>>
      %dma_wait3A_897 = arith.constant 0 : i32
      %dma_wait3A_898 = arith.constant 0 : i32
      %dma_wait3A_899 = tpu.memref_slice %arg2[%dma_wait3A_897, %dma_wait3A_898] : memref<40000x128xf32, #tpu.memory_space<hbm>> -> memref<40000x128xf32, #tpu.memory_space<hbm>>
      %dma_wait3A_900 = tpu.memref_slice %arg11[%dma_wait3A_889] : memref<4x!tpu.dma_semaphore, #tpu.memory_space<semaphore_mem>> -> memref<1x!tpu.dma_semaphore, #tpu.memory_space<semaphore_mem>>
      %dma_wait3A_901 = tpu.memref_squeeze %dma_wait3A_900 : memref<1x!tpu.dma_semaphore, #tpu.memory_space<semaphore_mem>> -> memref<!tpu.dma_semaphore, #tpu.memory_space<semaphore_mem>>
      tpu.wait_indirect_dma semaphore(%dma_wait3A_901 : memref<!tpu.dma_semaphore, #tpu.memory_space<semaphore_mem>>) src(%dma_wait3A_899 : memref<40000x128xf32, #tpu.memory_space<hbm>>) dst(%dma_wait3A_893 : memref<80x128xf32, #tpu.memory_space<vmem>>)
      %dma_start3A_902 = arith.constant 1 : i32
      %dma_start3A_903 = arith.constant 5 : i32
      %dma_start3A_904 = arith.constant 1 : i32
      %dma_start3A_905 = arith.constant 0 : i32
      %dma_start3A_906 = arith.constant 0 : i32
      %dma_start3A_907 = tpu.memref_slice %arg9[%dma_start3A_902, %dma_start3A_905, %dma_start3A_906] : memref<4x80x128xf32, #tpu.memory_space<vmem>> -> memref<1x80x128xf32, #tpu.memory_space<vmem>>
      %dma_start3A_908 = tpu.memref_squeeze %dma_start3A_907 : memref<1x80x128xf32, #tpu.memory_space<vmem>> -> memref<80x128xf32, #tpu.memory_space<vmem>>
      %dma_start3A_909 = arith.constant 0 : i32
      %dma_start3A_910 = tpu.memref_slice %arg8[%dma_start3A_903, %dma_start3A_909] : memref<8x80xi32, #tpu.memory_space<vmem>> -> memref<1x80xi32, #tpu.memory_space<vmem>>
      %dma_start3A_911 = tpu.memref_squeeze %dma_start3A_910 : memref<1x80xi32, #tpu.memory_space<vmem>> -> memref<80xi32, #tpu.memory_space<vmem>>
      %dma_start3A_912 = arith.constant 0 : i32
      %dma_start3A_913 = arith.constant 0 : i32
      %dma_start3A_914 = tpu.memref_slice %arg10[%dma_start3A_912, %dma_start3A_913] : memref<10240x128xf32, #tpu.memory_space<vmem_shared>> -> memref<10240x128xf32, #tpu.memory_space<vmem_shared>>
      %dma_start3A_915 = tpu.memref_slice %arg12[%dma_start3A_904] : memref<4x!tpu.dma_semaphore, #tpu.memory_space<semaphore_mem>> -> memref<1x!tpu.dma_semaphore, #tpu.memory_space<semaphore_mem>>
      %dma_start3A_916 = tpu.memref_squeeze %dma_start3A_915 : memref<1x!tpu.dma_semaphore, #tpu.memory_space<semaphore_mem>> -> memref<!tpu.dma_semaphore, #tpu.memory_space<semaphore_mem>>
      tpu.enqueue_indirect_dma source(%dma_start3A_908 : memref<80x128xf32, #tpu.memory_space<vmem>>) target(%dma_start3A_914 : memref<10240x128xf32, #tpu.memory_space<vmem_shared>>) offsets(%dma_start3A_911 : memref<80xi32, #tpu.memory_space<vmem>>) semaphore(%dma_start3A_916 : memref<!tpu.dma_semaphore, #tpu.memory_space<semaphore_mem>>) {add = true}
      %dma_wait3A_917 = arith.constant 6 : i32
      %dma_wait3A_918 = arith.constant 2 : i32
      %dma_wait3A_919 = arith.constant 2 : i32
      %dma_wait3A_920 = arith.constant 0 : i32
      %dma_wait3A_921 = arith.constant 0 : i32
      %dma_wait3A_922 = tpu.memref_slice %arg9[%dma_wait3A_918, %dma_wait3A_920, %dma_wait3A_921] : memref<4x80x128xf32, #tpu.memory_space<vmem>> -> memref<1x80x128xf32, #tpu.memory_space<vmem>>
      %dma_wait3A_923 = tpu.memref_squeeze %dma_wait3A_922 : memref<1x80x128xf32, #tpu.memory_space<vmem>> -> memref<80x128xf32, #tpu.memory_space<vmem>>
      %dma_wait3A_924 = arith.constant 0 : i32
      %dma_wait3A_925 = tpu.memref_slice %arg7[%dma_wait3A_917, %dma_wait3A_924] : memref<8x80xi32, #tpu.memory_space<vmem>> -> memref<1x80xi32, #tpu.memory_space<vmem>>
      %dma_wait3A_926 = tpu.memref_squeeze %dma_wait3A_925 : memref<1x80xi32, #tpu.memory_space<vmem>> -> memref<80xi32, #tpu.memory_space<vmem>>
      %dma_wait3A_927 = arith.constant 0 : i32
      %dma_wait3A_928 = arith.constant 0 : i32
      %dma_wait3A_929 = tpu.memref_slice %arg2[%dma_wait3A_927, %dma_wait3A_928] : memref<40000x128xf32, #tpu.memory_space<hbm>> -> memref<40000x128xf32, #tpu.memory_space<hbm>>
      %dma_wait3A_930 = tpu.memref_slice %arg11[%dma_wait3A_919] : memref<4x!tpu.dma_semaphore, #tpu.memory_space<semaphore_mem>> -> memref<1x!tpu.dma_semaphore, #tpu.memory_space<semaphore_mem>>
      %dma_wait3A_931 = tpu.memref_squeeze %dma_wait3A_930 : memref<1x!tpu.dma_semaphore, #tpu.memory_space<semaphore_mem>> -> memref<!tpu.dma_semaphore, #tpu.memory_space<semaphore_mem>>
      tpu.wait_indirect_dma semaphore(%dma_wait3A_931 : memref<!tpu.dma_semaphore, #tpu.memory_space<semaphore_mem>>) src(%dma_wait3A_929 : memref<40000x128xf32, #tpu.memory_space<hbm>>) dst(%dma_wait3A_923 : memref<80x128xf32, #tpu.memory_space<vmem>>)
      %dma_start3A_932 = arith.constant 2 : i32
      %dma_start3A_933 = arith.constant 6 : i32
      %dma_start3A_934 = arith.constant 2 : i32
      %dma_start3A_935 = arith.constant 0 : i32
      %dma_start3A_936 = arith.constant 0 : i32
      %dma_start3A_937 = tpu.memref_slice %arg9[%dma_start3A_932, %dma_start3A_935, %dma_start3A_936] : memref<4x80x128xf32, #tpu.memory_space<vmem>> -> memref<1x80x128xf32, #tpu.memory_space<vmem>>
      %dma_start3A_938 = tpu.memref_squeeze %dma_start3A_937 : memref<1x80x128xf32, #tpu.memory_space<vmem>> -> memref<80x128xf32, #tpu.memory_space<vmem>>
      %dma_start3A_939 = arith.constant 0 : i32
      %dma_start3A_940 = tpu.memref_slice %arg8[%dma_start3A_933, %dma_start3A_939] : memref<8x80xi32, #tpu.memory_space<vmem>> -> memref<1x80xi32, #tpu.memory_space<vmem>>
      %dma_start3A_941 = tpu.memref_squeeze %dma_start3A_940 : memref<1x80xi32, #tpu.memory_space<vmem>> -> memref<80xi32, #tpu.memory_space<vmem>>
      %dma_start3A_942 = arith.constant 0 : i32
      %dma_start3A_943 = arith.constant 0 : i32
      %dma_start3A_944 = tpu.memref_slice %arg10[%dma_start3A_942, %dma_start3A_943] : memref<10240x128xf32, #tpu.memory_space<vmem_shared>> -> memref<10240x128xf32, #tpu.memory_space<vmem_shared>>
      %dma_start3A_945 = tpu.memref_slice %arg12[%dma_start3A_934] : memref<4x!tpu.dma_semaphore, #tpu.memory_space<semaphore_mem>> -> memref<1x!tpu.dma_semaphore, #tpu.memory_space<semaphore_mem>>
      %dma_start3A_946 = tpu.memref_squeeze %dma_start3A_945 : memref<1x!tpu.dma_semaphore, #tpu.memory_space<semaphore_mem>> -> memref<!tpu.dma_semaphore, #tpu.memory_space<semaphore_mem>>
      tpu.enqueue_indirect_dma source(%dma_start3A_938 : memref<80x128xf32, #tpu.memory_space<vmem>>) target(%dma_start3A_944 : memref<10240x128xf32, #tpu.memory_space<vmem_shared>>) offsets(%dma_start3A_941 : memref<80xi32, #tpu.memory_space<vmem>>) semaphore(%dma_start3A_946 : memref<!tpu.dma_semaphore, #tpu.memory_space<semaphore_mem>>) {add = true}
      %dma_wait3A_947 = arith.constant 7 : i32
      %dma_wait3A_948 = arith.constant 3 : i32
      %dma_wait3A_949 = arith.constant 3 : i32
      %dma_wait3A_950 = arith.constant 0 : i32
      %dma_wait3A_951 = arith.constant 0 : i32
      %dma_wait3A_952 = tpu.memref_slice %arg9[%dma_wait3A_948, %dma_wait3A_950, %dma_wait3A_951] : memref<4x80x128xf32, #tpu.memory_space<vmem>> -> memref<1x80x128xf32, #tpu.memory_space<vmem>>
      %dma_wait3A_953 = tpu.memref_squeeze %dma_wait3A_952 : memref<1x80x128xf32, #tpu.memory_space<vmem>> -> memref<80x128xf32, #tpu.memory_space<vmem>>
      %dma_wait3A_954 = arith.constant 0 : i32
      %dma_wait3A_955 = tpu.memref_slice %arg7[%dma_wait3A_947, %dma_wait3A_954] : memref<8x80xi32, #tpu.memory_space<vmem>> -> memref<1x80xi32, #tpu.memory_space<vmem>>
      %dma_wait3A_956 = tpu.memref_squeeze %dma_wait3A_955 : memref<1x80xi32, #tpu.memory_space<vmem>> -> memref<80xi32, #tpu.memory_space<vmem>>
      %dma_wait3A_957 = arith.constant 0 : i32
      %dma_wait3A_958 = arith.constant 0 : i32
      %dma_wait3A_959 = tpu.memref_slice %arg2[%dma_wait3A_957, %dma_wait3A_958] : memref<40000x128xf32, #tpu.memory_space<hbm>> -> memref<40000x128xf32, #tpu.memory_space<hbm>>
      %dma_wait3A_960 = tpu.memref_slice %arg11[%dma_wait3A_949] : memref<4x!tpu.dma_semaphore, #tpu.memory_space<semaphore_mem>> -> memref<1x!tpu.dma_semaphore, #tpu.memory_space<semaphore_mem>>
      %dma_wait3A_961 = tpu.memref_squeeze %dma_wait3A_960 : memref<1x!tpu.dma_semaphore, #tpu.memory_space<semaphore_mem>> -> memref<!tpu.dma_semaphore, #tpu.memory_space<semaphore_mem>>
      tpu.wait_indirect_dma semaphore(%dma_wait3A_961 : memref<!tpu.dma_semaphore, #tpu.memory_space<semaphore_mem>>) src(%dma_wait3A_959 : memref<40000x128xf32, #tpu.memory_space<hbm>>) dst(%dma_wait3A_953 : memref<80x128xf32, #tpu.memory_space<vmem>>)
      %dma_start3A_962 = arith.constant 3 : i32
      %dma_start3A_963 = arith.constant 7 : i32
      %dma_start3A_964 = arith.constant 3 : i32
      %dma_start3A_965 = arith.constant 0 : i32
      %dma_start3A_966 = arith.constant 0 : i32
      %dma_start3A_967 = tpu.memref_slice %arg9[%dma_start3A_962, %dma_start3A_965, %dma_start3A_966] : memref<4x80x128xf32, #tpu.memory_space<vmem>> -> memref<1x80x128xf32, #tpu.memory_space<vmem>>
      %dma_start3A_968 = tpu.memref_squeeze %dma_start3A_967 : memref<1x80x128xf32, #tpu.memory_space<vmem>> -> memref<80x128xf32, #tpu.memory_space<vmem>>
      %dma_start3A_969 = arith.constant 0 : i32
      %dma_start3A_970 = tpu.memref_slice %arg8[%dma_start3A_963, %dma_start3A_969] : memref<8x80xi32, #tpu.memory_space<vmem>> -> memref<1x80xi32, #tpu.memory_space<vmem>>
      %dma_start3A_971 = tpu.memref_squeeze %dma_start3A_970 : memref<1x80xi32, #tpu.memory_space<vmem>> -> memref<80xi32, #tpu.memory_space<vmem>>
      %dma_start3A_972 = arith.constant 0 : i32
      %dma_start3A_973 = arith.constant 0 : i32
      %dma_start3A_974 = tpu.memref_slice %arg10[%dma_start3A_972, %dma_start3A_973] : memref<10240x128xf32, #tpu.memory_space<vmem_shared>> -> memref<10240x128xf32, #tpu.memory_space<vmem_shared>>
      %dma_start3A_975 = tpu.memref_slice %arg12[%dma_start3A_964] : memref<4x!tpu.dma_semaphore, #tpu.memory_space<semaphore_mem>> -> memref<1x!tpu.dma_semaphore, #tpu.memory_space<semaphore_mem>>
      %dma_start3A_976 = tpu.memref_squeeze %dma_start3A_975 : memref<1x!tpu.dma_semaphore, #tpu.memory_space<semaphore_mem>> -> memref<!tpu.dma_semaphore, #tpu.memory_space<semaphore_mem>>
      tpu.enqueue_indirect_dma source(%dma_start3A_968 : memref<80x128xf32, #tpu.memory_space<vmem>>) target(%dma_start3A_974 : memref<10240x128xf32, #tpu.memory_space<vmem_shared>>) offsets(%dma_start3A_971 : memref<80xi32, #tpu.memory_space<vmem>>) semaphore(%dma_start3A_976 : memref<!tpu.dma_semaphore, #tpu.memory_space<semaphore_mem>>) {add = true}
      %dma_wait3A_977 = arith.constant 0 : i32
      %dma_wait3A_978 = arith.constant 4 : i32
      %dma_wait3A_979 = arith.constant 0 : i32
      %dma_wait3A_980 = arith.constant 0 : i32
      %dma_wait3A_981 = arith.constant 0 : i32
      %dma_wait3A_982 = tpu.memref_slice %arg9[%dma_wait3A_977, %dma_wait3A_980, %dma_wait3A_981] : memref<4x80x128xf32, #tpu.memory_space<vmem>> -> memref<1x80x128xf32, #tpu.memory_space<vmem>>
      %dma_wait3A_983 = tpu.memref_squeeze %dma_wait3A_982 : memref<1x80x128xf32, #tpu.memory_space<vmem>> -> memref<80x128xf32, #tpu.memory_space<vmem>>
      %dma_wait3A_984 = arith.constant 0 : i32
      %dma_wait3A_985 = tpu.memref_slice %arg8[%dma_wait3A_978, %dma_wait3A_984] : memref<8x80xi32, #tpu.memory_space<vmem>> -> memref<1x80xi32, #tpu.memory_space<vmem>>
      %dma_wait3A_986 = tpu.memref_squeeze %dma_wait3A_985 : memref<1x80xi32, #tpu.memory_space<vmem>> -> memref<80xi32, #tpu.memory_space<vmem>>
      %dma_wait3A_987 = arith.constant 0 : i32
      %dma_wait3A_988 = arith.constant 0 : i32
      %dma_wait3A_989 = tpu.memref_slice %arg10[%dma_wait3A_987, %dma_wait3A_988] : memref<10240x128xf32, #tpu.memory_space<vmem_shared>> -> memref<10240x128xf32, #tpu.memory_space<vmem_shared>>
      %dma_wait3A_990 = tpu.memref_slice %arg12[%dma_wait3A_979] : memref<4x!tpu.dma_semaphore, #tpu.memory_space<semaphore_mem>> -> memref<1x!tpu.dma_semaphore, #tpu.memory_space<semaphore_mem>>
      %dma_wait3A_991 = tpu.memref_squeeze %dma_wait3A_990 : memref<1x!tpu.dma_semaphore, #tpu.memory_space<semaphore_mem>> -> memref<!tpu.dma_semaphore, #tpu.memory_space<semaphore_mem>>
      tpu.wait_indirect_dma semaphore(%dma_wait3A_991 : memref<!tpu.dma_semaphore, #tpu.memory_space<semaphore_mem>>) src(%dma_wait3A_983 : memref<80x128xf32, #tpu.memory_space<vmem>>) dst(%dma_wait3A_989 : memref<10240x128xf32, #tpu.memory_space<vmem_shared>>)
      %dma_wait3A_992 = arith.constant 1 : i32
      %dma_wait3A_993 = arith.constant 5 : i32
      %dma_wait3A_994 = arith.constant 1 : i32
      %dma_wait3A_995 = arith.constant 0 : i32
      %dma_wait3A_996 = arith.constant 0 : i32
      %dma_wait3A_997 = tpu.memref_slice %arg9[%dma_wait3A_992, %dma_wait3A_995, %dma_wait3A_996] : memref<4x80x128xf32, #tpu.memory_space<vmem>> -> memref<1x80x128xf32, #tpu.memory_space<vmem>>
      %dma_wait3A_998 = tpu.memref_squeeze %dma_wait3A_997 : memref<1x80x128xf32, #tpu.memory_space<vmem>> -> memref<80x128xf32, #tpu.memory_space<vmem>>
      %dma_wait3A_999 = arith.constant 0 : i32
      %dma_wait3A_1000 = tpu.memref_slice %arg8[%dma_wait3A_993, %dma_wait3A_999] : memref<8x80xi32, #tpu.memory_space<vmem>> -> memref<1x80xi32, #tpu.memory_space<vmem>>
      %dma_wait3A_1001 = tpu.memref_squeeze %dma_wait3A_1000 : memref<1x80xi32, #tpu.memory_space<vmem>> -> memref<80xi32, #tpu.memory_space<vmem>>
      %dma_wait3A_1002 = arith.constant 0 : i32
      %dma_wait3A_1003 = arith.constant 0 : i32
      %dma_wait3A_1004 = tpu.memref_slice %arg10[%dma_wait3A_1002, %dma_wait3A_1003] : memref<10240x128xf32, #tpu.memory_space<vmem_shared>> -> memref<10240x128xf32, #tpu.memory_space<vmem_shared>>
      %dma_wait3A_1005 = tpu.memref_slice %arg12[%dma_wait3A_994] : memref<4x!tpu.dma_semaphore, #tpu.memory_space<semaphore_mem>> -> memref<1x!tpu.dma_semaphore, #tpu.memory_space<semaphore_mem>>
      %dma_wait3A_1006 = tpu.memref_squeeze %dma_wait3A_1005 : memref<1x!tpu.dma_semaphore, #tpu.memory_space<semaphore_mem>> -> memref<!tpu.dma_semaphore, #tpu.memory_space<semaphore_mem>>
      tpu.wait_indirect_dma semaphore(%dma_wait3A_1006 : memref<!tpu.dma_semaphore, #tpu.memory_space<semaphore_mem>>) src(%dma_wait3A_998 : memref<80x128xf32, #tpu.memory_space<vmem>>) dst(%dma_wait3A_1004 : memref<10240x128xf32, #tpu.memory_space<vmem_shared>>)
      %dma_wait3A_1007 = arith.constant 2 : i32
      %dma_wait3A_1008 = arith.constant 6 : i32
      %dma_wait3A_1009 = arith.constant 2 : i32
      %dma_wait3A_1010 = arith.constant 0 : i32
      %dma_wait3A_1011 = arith.constant 0 : i32
      %dma_wait3A_1012 = tpu.memref_slice %arg9[%dma_wait3A_1007, %dma_wait3A_1010, %dma_wait3A_1011] : memref<4x80x128xf32, #tpu.memory_space<vmem>> -> memref<1x80x128xf32, #tpu.memory_space<vmem>>
      %dma_wait3A_1013 = tpu.memref_squeeze %dma_wait3A_1012 : memref<1x80x128xf32, #tpu.memory_space<vmem>> -> memref<80x128xf32, #tpu.memory_space<vmem>>
      %dma_wait3A_1014 = arith.constant 0 : i32
      %dma_wait3A_1015 = tpu.memref_slice %arg8[%dma_wait3A_1008, %dma_wait3A_1014] : memref<8x80xi32, #tpu.memory_space<vmem>> -> memref<1x80xi32, #tpu.memory_space<vmem>>
      %dma_wait3A_1016 = tpu.memref_squeeze %dma_wait3A_1015 : memref<1x80xi32, #tpu.memory_space<vmem>> -> memref<80xi32, #tpu.memory_space<vmem>>
      %dma_wait3A_1017 = arith.constant 0 : i32
      %dma_wait3A_1018 = arith.constant 0 : i32
      %dma_wait3A_1019 = tpu.memref_slice %arg10[%dma_wait3A_1017, %dma_wait3A_1018] : memref<10240x128xf32, #tpu.memory_space<vmem_shared>> -> memref<10240x128xf32, #tpu.memory_space<vmem_shared>>
      %dma_wait3A_1020 = tpu.memref_slice %arg12[%dma_wait3A_1009] : memref<4x!tpu.dma_semaphore, #tpu.memory_space<semaphore_mem>> -> memref<1x!tpu.dma_semaphore, #tpu.memory_space<semaphore_mem>>
      %dma_wait3A_1021 = tpu.memref_squeeze %dma_wait3A_1020 : memref<1x!tpu.dma_semaphore, #tpu.memory_space<semaphore_mem>> -> memref<!tpu.dma_semaphore, #tpu.memory_space<semaphore_mem>>
      tpu.wait_indirect_dma semaphore(%dma_wait3A_1021 : memref<!tpu.dma_semaphore, #tpu.memory_space<semaphore_mem>>) src(%dma_wait3A_1013 : memref<80x128xf32, #tpu.memory_space<vmem>>) dst(%dma_wait3A_1019 : memref<10240x128xf32, #tpu.memory_space<vmem_shared>>)
      %dma_wait3A_1022 = arith.constant 3 : i32
      %dma_wait3A_1023 = arith.constant 7 : i32
      %dma_wait3A_1024 = arith.constant 3 : i32
      %dma_wait3A_1025 = arith.constant 0 : i32
      %dma_wait3A_1026 = arith.constant 0 : i32
      %dma_wait3A_1027 = tpu.memref_slice %arg9[%dma_wait3A_1022, %dma_wait3A_1025, %dma_wait3A_1026] : memref<4x80x128xf32, #tpu.memory_space<vmem>> -> memref<1x80x128xf32, #tpu.memory_space<vmem>>
      %dma_wait3A_1028 = tpu.memref_squeeze %dma_wait3A_1027 : memref<1x80x128xf32, #tpu.memory_space<vmem>> -> memref<80x128xf32, #tpu.memory_space<vmem>>
      %dma_wait3A_1029 = arith.constant 0 : i32
      %dma_wait3A_1030 = tpu.memref_slice %arg8[%dma_wait3A_1023, %dma_wait3A_1029] : memref<8x80xi32, #tpu.memory_space<vmem>> -> memref<1x80xi32, #tpu.memory_space<vmem>>
      %dma_wait3A_1031 = tpu.memref_squeeze %dma_wait3A_1030 : memref<1x80xi32, #tpu.memory_space<vmem>> -> memref<80xi32, #tpu.memory_space<vmem>>
      %dma_wait3A_1032 = arith.constant 0 : i32
      %dma_wait3A_1033 = arith.constant 0 : i32
      %dma_wait3A_1034 = tpu.memref_slice %arg10[%dma_wait3A_1032, %dma_wait3A_1033] : memref<10240x128xf32, #tpu.memory_space<vmem_shared>> -> memref<10240x128xf32, #tpu.memory_space<vmem_shared>>
      %dma_wait3A_1035 = tpu.memref_slice %arg12[%dma_wait3A_1024] : memref<4x!tpu.dma_semaphore, #tpu.memory_space<semaphore_mem>> -> memref<1x!tpu.dma_semaphore, #tpu.memory_space<semaphore_mem>>
      %dma_wait3A_1036 = tpu.memref_squeeze %dma_wait3A_1035 : memref<1x!tpu.dma_semaphore, #tpu.memory_space<semaphore_mem>> -> memref<!tpu.dma_semaphore, #tpu.memory_space<semaphore_mem>>
      tpu.wait_indirect_dma semaphore(%dma_wait3A_1036 : memref<!tpu.dma_semaphore, #tpu.memory_space<semaphore_mem>>) src(%dma_wait3A_1028 : memref<80x128xf32, #tpu.memory_space<vmem>>) dst(%dma_wait3A_1034 : memref<10240x128xf32, #tpu.memory_space<vmem_shared>>)
    }
    %scan3A_30 = arith.constant 32 : i32
    %barrier3A_31 = arith.constant 0 : index
    tpu.barrier barrier_id(%barrier3A_31)
    %mul3A_32 = arith.constant 640 : i32
    %mul3A_33 = arith.muli %arg1, %mul3A_32 : i32
    %mul3A_34 = arith.constant 640 : i32
    %mul3A_35 = arith.muli %arg1, %mul3A_34 : i32
    "tpu.region"() ({
      %run_scoped3A = tpu.sem_alloc : memref<!tpu.dma_semaphore, #tpu.memory_space<semaphore_mem>>
      %dma_start3A = arith.constant 0 : i32
      %dma_start3A_36 = tpu.memref_slice %arg6[%add3A_19, %mul3A_35, %dma_start3A] : memref<4x10240x128xf32, #tpu.memory_space<hbm>> -> memref<1x640x128xf32, #tpu.memory_space<hbm>>
      %dma_start3A_37 = tpu.memref_squeeze %dma_start3A_36 : memref<1x640x128xf32, #tpu.memory_space<hbm>> -> memref<640x128xf32, #tpu.memory_space<hbm>>
      %dma_start3A_38 = arith.constant 0 : i32
      %dma_start3A_39 = tpu.memref_slice %arg10[%mul3A_33, %dma_start3A_38] : memref<10240x128xf32, #tpu.memory_space<vmem_shared>> -> memref<640x128xf32, #tpu.memory_space<vmem_shared>>
      tpu.enqueue_dma source(%dma_start3A_39 : memref<640x128xf32, #tpu.memory_space<vmem_shared>>) target(%dma_start3A_37 : memref<640x128xf32, #tpu.memory_space<hbm>>) target_semaphore(%run_scoped3A : memref<!tpu.dma_semaphore, #tpu.memory_space<semaphore_mem>>)
      %dma_wait3A = arith.constant 0 : i32
      %dma_wait3A_40 = tpu.memref_slice %arg6[%add3A_19, %mul3A_35, %dma_wait3A] : memref<4x10240x128xf32, #tpu.memory_space<hbm>> -> memref<1x640x128xf32, #tpu.memory_space<hbm>>
      %dma_wait3A_41 = tpu.memref_squeeze %dma_wait3A_40 : memref<1x640x128xf32, #tpu.memory_space<hbm>> -> memref<640x128xf32, #tpu.memory_space<hbm>>
      %dma_wait3A_42 = arith.constant 0 : i32
      %dma_wait3A_43 = tpu.memref_slice %arg10[%mul3A_33, %dma_wait3A_42] : memref<10240x128xf32, #tpu.memory_space<vmem_shared>> -> memref<640x128xf32, #tpu.memory_space<vmem_shared>>
      tpu.wait_dma2 semaphore(%run_scoped3A : memref<!tpu.dma_semaphore, #tpu.memory_space<semaphore_mem>>) src(%dma_wait3A_43 : memref<640x128xf32, #tpu.memory_space<vmem_shared>>) dst(%dma_wait3A_41 : memref<640x128xf32, #tpu.memory_space<hbm>>)
      tpu.yield
    }) : () -> ()
    return
  }
}

module attributes {stable_mosaic.version = 14 : i64} {
  func.func @_dense_body(%arg0: i32, %arg1: memref<1000x128xf32, #tpu.memory_space<vmem>>, %arg2: memref<2x1000x128xf32, #tpu.memory_space<vmem>>, %arg3: memref<256x640xf32, #tpu.memory_space<vmem>>, %arg4: memref<1x640xf32, #tpu.memory_space<vmem>>, %arg5: memref<1000x128xf32, #tpu.memory_space<vmem>>, %arg6: memref<4x1000x128xf32, #tpu.memory_space<vmem>>) attributes {dimension_semantics = [#tpu.dimension_semantics<arbitrary>], iteration_bounds = array<i64: 10>, scalar_prefetch = 0 : i64, scratch_operands = 0 : i64, tpu.core_type = #tpu.core_type<tc>, window_params = [{transform_indices = @transform_0, window_bounds = array<i64: 1000, 128>}, {transform_indices = @transform_1, window_bounds = array<i64: 2, 1000, 128>}, {pipeline_mode = #tpu.pipeline_mode<synchronous>, transform_indices = @transform_2, window_bounds = array<i64: 256, 640>}, {pipeline_mode = #tpu.pipeline_mode<synchronous>, transform_indices = @transform_3, window_bounds = array<i64: 1, 640>}, {transform_indices = @transform_4, window_bounds = array<i64: 1000, 128>}, {transform_indices = @transform_5, window_bounds = array<i64: 4, 1000, 128>}]} {
    %get3A = arith.constant 1 : index
    %get3A_0 = arith.constant 0 : index
    %get3A_1 = arith.constant 0 : index
    %get3A_2 = vector.load %arg2[%get3A, %get3A_0, %get3A_1] : memref<2x1000x128xf32, #tpu.memory_space<vmem>>, vector<1x1000x128xf32>
    %get3A_3 = vector.shape_cast %get3A_2 : vector<1x1000x128xf32> to vector<1000x128xf32>
    %slice3A = vector.extract_strided_slice %get3A_3 {offsets = [0, 0], sizes = [1000, 1], strides = [1, 1]} : vector<1000x128xf32> to vector<1000x1xf32>
    %max3A = arith.constant 1.000000e+00 : f32
    %max3A_4 = vector.broadcast %max3A : f32 to vector<1000x1xf32>
    %max3A_5 = arith.maximumf %slice3A, %max3A_4 : vector<1000x1xf32>
    %get3A_6 = arith.constant 0 : index
    %get3A_7 = arith.constant 0 : index
    %get3A_8 = arith.constant 0 : index
    %get3A_9 = vector.load %arg2[%get3A_6, %get3A_7, %get3A_8] : memref<2x1000x128xf32, #tpu.memory_space<vmem>>, vector<1x1000x128xf32>
    %get3A_10 = vector.shape_cast %get3A_9 : vector<1x1000x128xf32> to vector<1000x128xf32>
    %div3A = vector.broadcast %max3A_5 : vector<1000x1xf32> to vector<1000x128xf32>
    %div3A_11 = arith.divf %get3A_10, %div3A : vector<1000x128xf32>
    %get3A_12 = arith.constant 0 : index
    %get3A_13 = arith.constant 0 : index
    %get3A_14 = vector.load %arg1[%get3A_12, %get3A_13] : memref<1000x128xf32, #tpu.memory_space<vmem>>, vector<1000x128xf32>
    %get3A_15 = arith.constant 0 : index
    %get3A_16 = arith.constant 0 : index
    %get3A_17 = vector.load %arg3[%get3A_15, %get3A_16] : memref<256x640xf32, #tpu.memory_space<vmem>>, vector<128x640xf32>
    %dot_general3A = arith.constant dense<0.000000e+00> : vector<1000x640xf32>
    %dot_general3A_18 = tpu.matmul %get3A_14, %get3A_17, %dot_general3A {dimension_numbers = #tpu.dot_dimension_numbers<[1], [0], [0], [1], [0, 0, 1, 1], [], []>, transpose_lhs_hint = false} : vector<1000x128xf32>, vector<128x640xf32>, vector<1000x640xf32> -> vector<1000x640xf32>
    %get3A_19 = arith.constant 128 : index
    %get3A_20 = arith.constant 0 : index
    %get3A_21 = vector.load %arg3[%get3A_19, %get3A_20] : memref<256x640xf32, #tpu.memory_space<vmem>>, vector<128x640xf32>
    %dot_general3A_22 = arith.constant dense<0.000000e+00> : vector<1000x640xf32>
    %dot_general3A_23 = tpu.matmul %div3A_11, %get3A_21, %dot_general3A_22 {dimension_numbers = #tpu.dot_dimension_numbers<[1], [0], [0], [1], [0, 0, 1, 1], [], []>, transpose_lhs_hint = false} : vector<1000x128xf32>, vector<128x640xf32>, vector<1000x640xf32> -> vector<1000x640xf32>
    %add3A = arith.addf %dot_general3A_18, %dot_general3A_23 : vector<1000x640xf32>
    %get3A_24 = arith.constant 0 : index
    %get3A_25 = arith.constant 0 : index
    %get3A_26 = vector.load %arg4[%get3A_24, %get3A_25] : memref<1x640xf32, #tpu.memory_space<vmem>>, vector<1x640xf32>
    %add3A_27 = vector.broadcast %get3A_26 : vector<1x640xf32> to vector<1000x640xf32>
    %add3A_28 = arith.addf %add3A, %add3A_27 : vector<1000x640xf32>
    %max3A_29 = arith.constant 0.000000e+00 : f32
    %max3A_30 = vector.broadcast %max3A_29 : f32 to vector<1000x640xf32>
    %max3A_31 = arith.maximumf %add3A_28, %max3A_30 : vector<1000x640xf32>
    %slice3A_32 = vector.extract_strided_slice %max3A_31 {offsets = [0, 0], sizes = [1000, 128], strides = [1, 1]} : vector<1000x640xf32> to vector<1000x128xf32>
    %swap3A = arith.constant 0 : index
    %swap3A_33 = arith.constant 0 : index
    %swap3A_34 = vector.load %arg5[%swap3A, %swap3A_33] : memref<1000x128xf32, #tpu.memory_space<vmem>>, vector<1000x128xf32>
    tpu.vector_store %arg5[%swap3A, %swap3A_33], %slice3A_32 {strides = array<i32>} : memref<1000x128xf32, #tpu.memory_space<vmem>>, vector<1000x128xf32>,
    %slice3A_35 = vector.extract_strided_slice %max3A_31 {offsets = [0, 128], sizes = [1000, 512], strides = [1, 1]} : vector<1000x640xf32> to vector<1000x512xf32>
    %iota3A = tpu.iota {dimensions = array<i32: 1>} : vector<1000x512xi32>
    %lt3A = arith.constant 500 : i32
    %lt3A_36 = vector.broadcast %lt3A : i32 to vector<1000x512xi32>
    %lt3A_37 = arith.cmpi slt, %iota3A, %lt3A_36 : vector<1000x512xi32>
    %jit3A = arith.constant -1.000000e+30 : f32
    %broadcast_in_dim3A = vector.broadcast %jit3A : f32 to vector<1000x512xf32>
    %select_n3A = arith.select %lt3A_37, %slice3A_35, %broadcast_in_dim3A : vector<1000x512xi1>, vector<1000x512xf32>
    %reduce_max3A = arith.constant dense<0xFF800000> : vector<1000xf32>
    %reduce_max3A_38 = vector.multi_reduction <maximumf>, %select_n3A, %reduce_max3A [1] : vector<1000x512xf32> to vector<1000xf32>
    %broadcast_in_dim3A_39 = vector.shape_cast %reduce_max3A_38 : vector<1000xf32> to vector<1000x1xf32>
    %sub3A = vector.broadcast %broadcast_in_dim3A_39 : vector<1000x1xf32> to vector<1000x512xf32>
    %sub3A_40 = arith.subf %select_n3A, %sub3A : vector<1000x512xf32>
    %exp3A = math.exp %sub3A_40 : vector<1000x512xf32>
    %reduce_sum3A = arith.constant dense<0.000000e+00> : vector<1000xf32>
    %reduce_sum3A_41 = vector.multi_reduction <add>, %exp3A, %reduce_sum3A [1] : vector<1000x512xf32> to vector<1000xf32>
    %broadcast_in_dim3A_42 = vector.shape_cast %reduce_sum3A_41 : vector<1000xf32> to vector<1000x1xf32>
    %div3A_43 = vector.broadcast %broadcast_in_dim3A_42 : vector<1000x1xf32> to vector<1000x512xf32>
    %div3A_44 = arith.divf %exp3A, %div3A_43 : vector<1000x512xf32>
    %slice3A_45 = vector.extract_strided_slice %div3A_44 {offsets = [0, 0], sizes = [1000, 128], strides = [1, 1]} : vector<1000x512xf32> to vector<1000x128xf32>
    %swap3A_46 = arith.constant 0 : index
    %swap3A_47 = arith.constant 0 : index
    %swap3A_48 = arith.constant 0 : index
    %swap3A_49 = vector.load %arg6[%swap3A_46, %swap3A_47, %swap3A_48] : memref<4x1000x128xf32, #tpu.memory_space<vmem>>, vector<1x1000x128xf32>
    %swap3A_50 = vector.shape_cast %swap3A_49 : vector<1x1000x128xf32> to vector<1000x128xf32>
    %swap3A_51 = vector.shape_cast %slice3A_45 : vector<1000x128xf32> to vector<1x1000x128xf32>
    tpu.vector_store %arg6[%swap3A_46, %swap3A_47, %swap3A_48], %swap3A_51 {strides = array<i32>} : memref<4x1000x128xf32, #tpu.memory_space<vmem>>, vector<1x1000x128xf32>,
    %slice3A_52 = vector.extract_strided_slice %div3A_44 {offsets = [0, 128], sizes = [1000, 128], strides = [1, 1]} : vector<1000x512xf32> to vector<1000x128xf32>
    %swap3A_53 = arith.constant 1 : index
    %swap3A_54 = arith.constant 0 : index
    %swap3A_55 = arith.constant 0 : index
    %swap3A_56 = vector.load %arg6[%swap3A_53, %swap3A_54, %swap3A_55] : memref<4x1000x128xf32, #tpu.memory_space<vmem>>, vector<1x1000x128xf32>
    %swap3A_57 = vector.shape_cast %swap3A_56 : vector<1x1000x128xf32> to vector<1000x128xf32>
    %swap3A_58 = vector.shape_cast %slice3A_52 : vector<1000x128xf32> to vector<1x1000x128xf32>
    tpu.vector_store %arg6[%swap3A_53, %swap3A_54, %swap3A_55], %swap3A_58 {strides = array<i32>} : memref<4x1000x128xf32, #tpu.memory_space<vmem>>, vector<1x1000x128xf32>,
    %slice3A_59 = vector.extract_strided_slice %div3A_44 {offsets = [0, 256], sizes = [1000, 128], strides = [1, 1]} : vector<1000x512xf32> to vector<1000x128xf32>
    %swap3A_60 = arith.constant 2 : index
    %swap3A_61 = arith.constant 0 : index
    %swap3A_62 = arith.constant 0 : index
    %swap3A_63 = vector.load %arg6[%swap3A_60, %swap3A_61, %swap3A_62] : memref<4x1000x128xf32, #tpu.memory_space<vmem>>, vector<1x1000x128xf32>
    %swap3A_64 = vector.shape_cast %swap3A_63 : vector<1x1000x128xf32> to vector<1000x128xf32>
    %swap3A_65 = vector.shape_cast %slice3A_59 : vector<1000x128xf32> to vector<1x1000x128xf32>
    tpu.vector_store %arg6[%swap3A_60, %swap3A_61, %swap3A_62], %swap3A_65 {strides = array<i32>} : memref<4x1000x128xf32, #tpu.memory_space<vmem>>, vector<1x1000x128xf32>,
    %slice3A_66 = vector.extract_strided_slice %div3A_44 {offsets = [0, 384], sizes = [1000, 128], strides = [1, 1]} : vector<1000x512xf32> to vector<1000x128xf32>
    %swap3A_67 = arith.constant 3 : index
    %swap3A_68 = arith.constant 0 : index
    %swap3A_69 = arith.constant 0 : index
    %swap3A_70 = vector.load %arg6[%swap3A_67, %swap3A_68, %swap3A_69] : memref<4x1000x128xf32, #tpu.memory_space<vmem>>, vector<1x1000x128xf32>
    %swap3A_71 = vector.shape_cast %swap3A_70 : vector<1x1000x128xf32> to vector<1000x128xf32>
    %swap3A_72 = vector.shape_cast %slice3A_66 : vector<1000x128xf32> to vector<1x1000x128xf32>
    tpu.vector_store %arg6[%swap3A_67, %swap3A_68, %swap3A_69], %swap3A_72 {strides = array<i32>} : memref<4x1000x128xf32, #tpu.memory_space<vmem>>, vector<1x1000x128xf32>,
    return
  }
  func.func @transform_0(%arg0: i32) -> (i32, i32) {
    %c0_i32 = arith.constant 0 : i32
    %c0_i32_0 = arith.constant 0 : i32
    return %arg0, %c0_i32 : i32, i32
  }
  func.func @transform_1(%arg0: i32) -> (i32, i32, i32) {
    %c0_i32 = arith.constant 0 : i32
    %c0_i32_0 = arith.constant 0 : i32
    %c0_i32_1 = arith.constant 0 : i32
    return %c0_i32, %arg0, %c0_i32_0 : i32, i32, i32
  }
  func.func @transform_2(%arg0: i32) -> (i32, i32) {
    %c0_i32 = arith.constant 0 : i32
    %c0_i32_0 = arith.constant 0 : i32
    %c0_i32_1 = arith.constant 0 : i32
    return %c0_i32, %c0_i32_0 : i32, i32
  }
  func.func @transform_3(%arg0: i32) -> (i32, i32) {
    %c0_i32 = arith.constant 0 : i32
    %c0_i32_0 = arith.constant 0 : i32
    %c0_i32_1 = arith.constant 0 : i32
    return %c0_i32, %c0_i32_0 : i32, i32
  }
  func.func @transform_4(%arg0: i32) -> (i32, i32) {
    %c0_i32 = arith.constant 0 : i32
    %c0_i32_0 = arith.constant 0 : i32
    return %arg0, %c0_i32 : i32, i32
  }
  func.func @transform_5(%arg0: i32) -> (i32, i32, i32) {
    %c0_i32 = arith.constant 0 : i32
    %c0_i32_0 = arith.constant 0 : i32
    %c0_i32_1 = arith.constant 0 : i32
    return %c0_i32, %arg0, %c0_i32_0 : i32, i32, i32
  }
}

module attributes {stable_mosaic.version = 14 : i64} {
  func.func @_contract_body(%arg0: i32, %arg1: memref<4x1000x128xf32, #tpu.memory_space<vmem>>, %arg2: memref<1000x128xf32, #tpu.memory_space<vmem>>, %arg3: memref<4x1000x128xf32, #tpu.memory_space<vmem>>, %arg4: memref<4x128x128xf32, #tpu.memory_space<vmem>>, %arg5: memref<4x4x128x128xf32, #tpu.memory_space<vmem>>) attributes {dimension_semantics = [#tpu.dimension_semantics<arbitrary>], iteration_bounds = array<i64: 10>, scalar_prefetch = 0 : i64, scratch_operands = 0 : i64, tpu.core_type = #tpu.core_type<tc>, window_params = [{transform_indices = @transform_0, window_bounds = array<i64: 4, 1000, 128>}, {transform_indices = @transform_1, window_bounds = array<i64: 1000, 128>}, {transform_indices = @transform_2, window_bounds = array<i64: 4, 1000, 128>}, {pipeline_mode = #tpu.pipeline_mode<synchronous>, transform_indices = @transform_3, window_bounds = array<i64: 4, 128, 128>}, {pipeline_mode = #tpu.pipeline_mode<synchronous>, transform_indices = @transform_4, window_bounds = array<i64: 4, 4, 128, 128>}]} {
    %eq3A = arith.constant 0 : i32
    %eq3A_0 = arith.cmpi eq, %arg0, %eq3A : i32
    %convert_element_type3A = arith.extui %eq3A_0 : i1 to i32
    %cond3A = arith.constant 0 : i32
    %cond3A_1 = arith.cmpi ne, %convert_element_type3A, %cond3A : i32
    scf.if %cond3A_1 {
      %broadcast_in_dim3A = arith.constant 0.000000e+00 : f32
      %broadcast_in_dim3A_413 = vector.broadcast %broadcast_in_dim3A : f32 to vector<4x128x128xf32>
      %swap3A_414 = arith.constant 0 : index
      %swap3A_415 = arith.constant 0 : index
      %swap3A_416 = arith.constant 0 : index
      %swap3A_417 = vector.load %arg4[%swap3A_414, %swap3A_415, %swap3A_416] : memref<4x128x128xf32, #tpu.memory_space<vmem>>, vector<4x128x128xf32>
      tpu.vector_store %arg4[%swap3A_414, %swap3A_415, %swap3A_416], %broadcast_in_dim3A_413 {strides = array<i32>} : memref<4x128x128xf32, #tpu.memory_space<vmem>>, vector<4x128x128xf32>,
      %broadcast_in_dim3A_418 = arith.constant 0.000000e+00 : f32
      %broadcast_in_dim3A_419 = vector.broadcast %broadcast_in_dim3A_418 : f32 to vector<4x4x128x128xf32>
      %swap3A_420 = arith.constant 0 : index
      %swap3A_421 = arith.constant 0 : index
      %swap3A_422 = arith.constant 0 : index
      %swap3A_423 = arith.constant 0 : index
      %swap3A_424 = vector.load %arg5[%swap3A_420, %swap3A_421, %swap3A_422, %swap3A_423] : memref<4x4x128x128xf32, #tpu.memory_space<vmem>>, vector<4x4x128x128xf32>
      tpu.vector_store %arg5[%swap3A_420, %swap3A_421, %swap3A_422, %swap3A_423], %broadcast_in_dim3A_419 {strides = array<i32>} : memref<4x4x128x128xf32, #tpu.memory_space<vmem>>, vector<4x4x128x128xf32>,
    } else {
    }
    %get3A = arith.constant 0 : index
    %get3A_2 = arith.constant 0 : index
    %get3A_3 = vector.load %arg2[%get3A, %get3A_2] : memref<1000x128xf32, #tpu.memory_space<vmem>>, vector<1000x128xf32>
    %get3A_4 = arith.constant 0 : index
    %get3A_5 = arith.constant 0 : index
    %get3A_6 = arith.constant 0 : index
    %get3A_7 = vector.load %arg1[%get3A_4, %get3A_5, %get3A_6] : memref<4x1000x128xf32, #tpu.memory_space<vmem>>, vector<1x1000x128xf32>
    %get3A_8 = vector.shape_cast %get3A_7 : vector<1x1000x128xf32> to vector<1000x128xf32>
    %get3A_9 = arith.constant 0 : index
    %get3A_10 = arith.constant 0 : index
    %get3A_11 = arith.constant 0 : index
    %get3A_12 = vector.load %arg4[%get3A_9, %get3A_10, %get3A_11] : memref<4x128x128xf32, #tpu.memory_space<vmem>>, vector<1x128x128xf32>
    %get3A_13 = vector.shape_cast %get3A_12 : vector<1x128x128xf32> to vector<128x128xf32>
    %dot_general3A = arith.constant dense<0.000000e+00> : vector<128x128xf32>
    %dot_general3A_14 = tpu.matmul %get3A_8, %get3A_3, %dot_general3A {dimension_numbers = #tpu.dot_dimension_numbers<[0], [0], [1], [1], [0, 1, 1, 1], [], []>, transpose_lhs_hint = false} : vector<1000x128xf32>, vector<1000x128xf32>, vector<128x128xf32> -> vector<128x128xf32>
    %add3A = arith.addf %get3A_13, %dot_general3A_14 : vector<128x128xf32>
    %swap3A = arith.constant 0 : index
    %swap3A_15 = arith.constant 0 : index
    %swap3A_16 = arith.constant 0 : index
    %swap3A_17 = vector.load %arg4[%swap3A, %swap3A_15, %swap3A_16] : memref<4x128x128xf32, #tpu.memory_space<vmem>>, vector<1x128x128xf32>
    %swap3A_18 = vector.shape_cast %swap3A_17 : vector<1x128x128xf32> to vector<128x128xf32>
    %swap3A_19 = vector.shape_cast %add3A : vector<128x128xf32> to vector<1x128x128xf32>
    tpu.vector_store %arg4[%swap3A, %swap3A_15, %swap3A_16], %swap3A_19 {strides = array<i32>} : memref<4x128x128xf32, #tpu.memory_space<vmem>>, vector<1x128x128xf32>,
    %get3A_20 = arith.constant 0 : index
    %get3A_21 = arith.constant 0 : index
    %get3A_22 = arith.constant 0 : index
    %get3A_23 = arith.constant 0 : index
    %get3A_24 = vector.load %arg5[%get3A_20, %get3A_21, %get3A_22, %get3A_23] : memref<4x4x128x128xf32, #tpu.memory_space<vmem>>, vector<1x1x128x128xf32>
    %get3A_25 = vector.shape_cast %get3A_24 : vector<1x1x128x128xf32> to vector<128x128xf32>
    %get3A_26 = arith.constant 0 : index
    %get3A_27 = arith.constant 0 : index
    %get3A_28 = arith.constant 0 : index
    %get3A_29 = vector.load %arg3[%get3A_26, %get3A_27, %get3A_28] : memref<4x1000x128xf32, #tpu.memory_space<vmem>>, vector<1x1000x128xf32>
    %get3A_30 = vector.shape_cast %get3A_29 : vector<1x1000x128xf32> to vector<1000x128xf32>
    %dot_general3A_31 = arith.constant dense<0.000000e+00> : vector<128x128xf32>
    %dot_general3A_32 = tpu.matmul %get3A_8, %get3A_30, %dot_general3A_31 {dimension_numbers = #tpu.dot_dimension_numbers<[0], [0], [1], [1], [0, 1, 1, 1], [], []>, transpose_lhs_hint = false} : vector<1000x128xf32>, vector<1000x128xf32>, vector<128x128xf32> -> vector<128x128xf32>
    %add3A_33 = arith.addf %get3A_25, %dot_general3A_32 : vector<128x128xf32>
    %swap3A_34 = arith.constant 0 : index
    %swap3A_35 = arith.constant 0 : index
    %swap3A_36 = arith.constant 0 : index
    %swap3A_37 = arith.constant 0 : index
    %swap3A_38 = vector.load %arg5[%swap3A_34, %swap3A_35, %swap3A_36, %swap3A_37] : memref<4x4x128x128xf32, #tpu.memory_space<vmem>>, vector<1x1x128x128xf32>
    %swap3A_39 = vector.shape_cast %swap3A_38 : vector<1x1x128x128xf32> to vector<128x128xf32>
    %swap3A_40 = vector.shape_cast %add3A_33 : vector<128x128xf32> to vector<1x1x128x128xf32>
    tpu.vector_store %arg5[%swap3A_34, %swap3A_35, %swap3A_36, %swap3A_37], %swap3A_40 {strides = array<i32>} : memref<4x4x128x128xf32, #tpu.memory_space<vmem>>, vector<1x1x128x128xf32>,
    %get3A_41 = arith.constant 0 : index
    %get3A_42 = arith.constant 1 : index
    %get3A_43 = arith.constant 0 : index
    %get3A_44 = arith.constant 0 : index
    %get3A_45 = vector.load %arg5[%get3A_41, %get3A_42, %get3A_43, %get3A_44] : memref<4x4x128x128xf32, #tpu.memory_space<vmem>>, vector<1x1x128x128xf32>
    %get3A_46 = vector.shape_cast %get3A_45 : vector<1x1x128x128xf32> to vector<128x128xf32>
    %get3A_47 = arith.constant 1 : index
    %get3A_48 = arith.constant 0 : index
    %get3A_49 = arith.constant 0 : index
    %get3A_50 = vector.load %arg3[%get3A_47, %get3A_48, %get3A_49] : memref<4x1000x128xf32, #tpu.memory_space<vmem>>, vector<1x1000x128xf32>
    %get3A_51 = vector.shape_cast %get3A_50 : vector<1x1000x128xf32> to vector<1000x128xf32>
    %dot_general3A_52 = arith.constant dense<0.000000e+00> : vector<128x128xf32>
    %dot_general3A_53 = tpu.matmul %get3A_8, %get3A_51, %dot_general3A_52 {dimension_numbers = #tpu.dot_dimension_numbers<[0], [0], [1], [1], [0, 1, 1, 1], [], []>, transpose_lhs_hint = false} : vector<1000x128xf32>, vector<1000x128xf32>, vector<128x128xf32> -> vector<128x128xf32>
    %add3A_54 = arith.addf %get3A_46, %dot_general3A_53 : vector<128x128xf32>
    %swap3A_55 = arith.constant 0 : index
    %swap3A_56 = arith.constant 1 : index
    %swap3A_57 = arith.constant 0 : index
    %swap3A_58 = arith.constant 0 : index
    %swap3A_59 = vector.load %arg5[%swap3A_55, %swap3A_56, %swap3A_57, %swap3A_58] : memref<4x4x128x128xf32, #tpu.memory_space<vmem>>, vector<1x1x128x128xf32>
    %swap3A_60 = vector.shape_cast %swap3A_59 : vector<1x1x128x128xf32> to vector<128x128xf32>
    %swap3A_61 = vector.shape_cast %add3A_54 : vector<128x128xf32> to vector<1x1x128x128xf32>
    tpu.vector_store %arg5[%swap3A_55, %swap3A_56, %swap3A_57, %swap3A_58], %swap3A_61 {strides = array<i32>} : memref<4x4x128x128xf32, #tpu.memory_space<vmem>>, vector<1x1x128x128xf32>,
    %get3A_62 = arith.constant 0 : index
    %get3A_63 = arith.constant 2 : index
    %get3A_64 = arith.constant 0 : index
    %get3A_65 = arith.constant 0 : index
    %get3A_66 = vector.load %arg5[%get3A_62, %get3A_63, %get3A_64, %get3A_65] : memref<4x4x128x128xf32, #tpu.memory_space<vmem>>, vector<1x1x128x128xf32>
    %get3A_67 = vector.shape_cast %get3A_66 : vector<1x1x128x128xf32> to vector<128x128xf32>
    %get3A_68 = arith.constant 2 : index
    %get3A_69 = arith.constant 0 : index
    %get3A_70 = arith.constant 0 : index
    %get3A_71 = vector.load %arg3[%get3A_68, %get3A_69, %get3A_70] : memref<4x1000x128xf32, #tpu.memory_space<vmem>>, vector<1x1000x128xf32>
    %get3A_72 = vector.shape_cast %get3A_71 : vector<1x1000x128xf32> to vector<1000x128xf32>
    %dot_general3A_73 = arith.constant dense<0.000000e+00> : vector<128x128xf32>
    %dot_general3A_74 = tpu.matmul %get3A_8, %get3A_72, %dot_general3A_73 {dimension_numbers = #tpu.dot_dimension_numbers<[0], [0], [1], [1], [0, 1, 1, 1], [], []>, transpose_lhs_hint = false} : vector<1000x128xf32>, vector<1000x128xf32>, vector<128x128xf32> -> vector<128x128xf32>
    %add3A_75 = arith.addf %get3A_67, %dot_general3A_74 : vector<128x128xf32>
    %swap3A_76 = arith.constant 0 : index
    %swap3A_77 = arith.constant 2 : index
    %swap3A_78 = arith.constant 0 : index
    %swap3A_79 = arith.constant 0 : index
    %swap3A_80 = vector.load %arg5[%swap3A_76, %swap3A_77, %swap3A_78, %swap3A_79] : memref<4x4x128x128xf32, #tpu.memory_space<vmem>>, vector<1x1x128x128xf32>
    %swap3A_81 = vector.shape_cast %swap3A_80 : vector<1x1x128x128xf32> to vector<128x128xf32>
    %swap3A_82 = vector.shape_cast %add3A_75 : vector<128x128xf32> to vector<1x1x128x128xf32>
    tpu.vector_store %arg5[%swap3A_76, %swap3A_77, %swap3A_78, %swap3A_79], %swap3A_82 {strides = array<i32>} : memref<4x4x128x128xf32, #tpu.memory_space<vmem>>, vector<1x1x128x128xf32>,
    %get3A_83 = arith.constant 0 : index
    %get3A_84 = arith.constant 3 : index
    %get3A_85 = arith.constant 0 : index
    %get3A_86 = arith.constant 0 : index
    %get3A_87 = vector.load %arg5[%get3A_83, %get3A_84, %get3A_85, %get3A_86] : memref<4x4x128x128xf32, #tpu.memory_space<vmem>>, vector<1x1x128x128xf32>
    %get3A_88 = vector.shape_cast %get3A_87 : vector<1x1x128x128xf32> to vector<128x128xf32>
    %get3A_89 = arith.constant 3 : index
    %get3A_90 = arith.constant 0 : index
    %get3A_91 = arith.constant 0 : index
    %get3A_92 = vector.load %arg3[%get3A_89, %get3A_90, %get3A_91] : memref<4x1000x128xf32, #tpu.memory_space<vmem>>, vector<1x1000x128xf32>
    %get3A_93 = vector.shape_cast %get3A_92 : vector<1x1000x128xf32> to vector<1000x128xf32>
    %dot_general3A_94 = arith.constant dense<0.000000e+00> : vector<128x128xf32>
    %dot_general3A_95 = tpu.matmul %get3A_8, %get3A_93, %dot_general3A_94 {dimension_numbers = #tpu.dot_dimension_numbers<[0], [0], [1], [1], [0, 1, 1, 1], [], []>, transpose_lhs_hint = false} : vector<1000x128xf32>, vector<1000x128xf32>, vector<128x128xf32> -> vector<128x128xf32>
    %add3A_96 = arith.addf %get3A_88, %dot_general3A_95 : vector<128x128xf32>
    %swap3A_97 = arith.constant 0 : index
    %swap3A_98 = arith.constant 3 : index
    %swap3A_99 = arith.constant 0 : index
    %swap3A_100 = arith.constant 0 : index
    %swap3A_101 = vector.load %arg5[%swap3A_97, %swap3A_98, %swap3A_99, %swap3A_100] : memref<4x4x128x128xf32, #tpu.memory_space<vmem>>, vector<1x1x128x128xf32>
    %swap3A_102 = vector.shape_cast %swap3A_101 : vector<1x1x128x128xf32> to vector<128x128xf32>
    %swap3A_103 = vector.shape_cast %add3A_96 : vector<128x128xf32> to vector<1x1x128x128xf32>
    tpu.vector_store %arg5[%swap3A_97, %swap3A_98, %swap3A_99, %swap3A_100], %swap3A_103 {strides = array<i32>} : memref<4x4x128x128xf32, #tpu.memory_space<vmem>>, vector<1x1x128x128xf32>,
    %get3A_104 = arith.constant 1 : index
    %get3A_105 = arith.constant 0 : index
    %get3A_106 = arith.constant 0 : index
    %get3A_107 = vector.load %arg1[%get3A_104, %get3A_105, %get3A_106] : memref<4x1000x128xf32, #tpu.memory_space<vmem>>, vector<1x1000x128xf32>
    %get3A_108 = vector.shape_cast %get3A_107 : vector<1x1000x128xf32> to vector<1000x128xf32>
    %get3A_109 = arith.constant 1 : index
    %get3A_110 = arith.constant 0 : index
    %get3A_111 = arith.constant 0 : index
    %get3A_112 = vector.load %arg4[%get3A_109, %get3A_110, %get3A_111] : memref<4x128x128xf32, #tpu.memory_space<vmem>>, vector<1x128x128xf32>
    %get3A_113 = vector.shape_cast %get3A_112 : vector<1x128x128xf32> to vector<128x128xf32>
    %dot_general3A_114 = arith.constant dense<0.000000e+00> : vector<128x128xf32>
    %dot_general3A_115 = tpu.matmul %get3A_108, %get3A_3, %dot_general3A_114 {dimension_numbers = #tpu.dot_dimension_numbers<[0], [0], [1], [1], [0, 1, 1, 1], [], []>, transpose_lhs_hint = false} : vector<1000x128xf32>, vector<1000x128xf32>, vector<128x128xf32> -> vector<128x128xf32>
    %add3A_116 = arith.addf %get3A_113, %dot_general3A_115 : vector<128x128xf32>
    %swap3A_117 = arith.constant 1 : index
    %swap3A_118 = arith.constant 0 : index
    %swap3A_119 = arith.constant 0 : index
    %swap3A_120 = vector.load %arg4[%swap3A_117, %swap3A_118, %swap3A_119] : memref<4x128x128xf32, #tpu.memory_space<vmem>>, vector<1x128x128xf32>
    %swap3A_121 = vector.shape_cast %swap3A_120 : vector<1x128x128xf32> to vector<128x128xf32>
    %swap3A_122 = vector.shape_cast %add3A_116 : vector<128x128xf32> to vector<1x128x128xf32>
    tpu.vector_store %arg4[%swap3A_117, %swap3A_118, %swap3A_119], %swap3A_122 {strides = array<i32>} : memref<4x128x128xf32, #tpu.memory_space<vmem>>, vector<1x128x128xf32>,
    %get3A_123 = arith.constant 1 : index
    %get3A_124 = arith.constant 0 : index
    %get3A_125 = arith.constant 0 : index
    %get3A_126 = arith.constant 0 : index
    %get3A_127 = vector.load %arg5[%get3A_123, %get3A_124, %get3A_125, %get3A_126] : memref<4x4x128x128xf32, #tpu.memory_space<vmem>>, vector<1x1x128x128xf32>
    %get3A_128 = vector.shape_cast %get3A_127 : vector<1x1x128x128xf32> to vector<128x128xf32>
    %get3A_129 = arith.constant 0 : index
    %get3A_130 = arith.constant 0 : index
    %get3A_131 = arith.constant 0 : index
    %get3A_132 = vector.load %arg3[%get3A_129, %get3A_130, %get3A_131] : memref<4x1000x128xf32, #tpu.memory_space<vmem>>, vector<1x1000x128xf32>
    %get3A_133 = vector.shape_cast %get3A_132 : vector<1x1000x128xf32> to vector<1000x128xf32>
    %dot_general3A_134 = arith.constant dense<0.000000e+00> : vector<128x128xf32>
    %dot_general3A_135 = tpu.matmul %get3A_108, %get3A_133, %dot_general3A_134 {dimension_numbers = #tpu.dot_dimension_numbers<[0], [0], [1], [1], [0, 1, 1, 1], [], []>, transpose_lhs_hint = false} : vector<1000x128xf32>, vector<1000x128xf32>, vector<128x128xf32> -> vector<128x128xf32>
    %add3A_136 = arith.addf %get3A_128, %dot_general3A_135 : vector<128x128xf32>
    %swap3A_137 = arith.constant 1 : index
    %swap3A_138 = arith.constant 0 : index
    %swap3A_139 = arith.constant 0 : index
    %swap3A_140 = arith.constant 0 : index
    %swap3A_141 = vector.load %arg5[%swap3A_137, %swap3A_138, %swap3A_139, %swap3A_140] : memref<4x4x128x128xf32, #tpu.memory_space<vmem>>, vector<1x1x128x128xf32>
    %swap3A_142 = vector.shape_cast %swap3A_141 : vector<1x1x128x128xf32> to vector<128x128xf32>
    %swap3A_143 = vector.shape_cast %add3A_136 : vector<128x128xf32> to vector<1x1x128x128xf32>
    tpu.vector_store %arg5[%swap3A_137, %swap3A_138, %swap3A_139, %swap3A_140], %swap3A_143 {strides = array<i32>} : memref<4x4x128x128xf32, #tpu.memory_space<vmem>>, vector<1x1x128x128xf32>,
    %get3A_144 = arith.constant 1 : index
    %get3A_145 = arith.constant 1 : index
    %get3A_146 = arith.constant 0 : index
    %get3A_147 = arith.constant 0 : index
    %get3A_148 = vector.load %arg5[%get3A_144, %get3A_145, %get3A_146, %get3A_147] : memref<4x4x128x128xf32, #tpu.memory_space<vmem>>, vector<1x1x128x128xf32>
    %get3A_149 = vector.shape_cast %get3A_148 : vector<1x1x128x128xf32> to vector<128x128xf32>
    %get3A_150 = arith.constant 1 : index
    %get3A_151 = arith.constant 0 : index
    %get3A_152 = arith.constant 0 : index
    %get3A_153 = vector.load %arg3[%get3A_150, %get3A_151, %get3A_152] : memref<4x1000x128xf32, #tpu.memory_space<vmem>>, vector<1x1000x128xf32>
    %get3A_154 = vector.shape_cast %get3A_153 : vector<1x1000x128xf32> to vector<1000x128xf32>
    %dot_general3A_155 = arith.constant dense<0.000000e+00> : vector<128x128xf32>
    %dot_general3A_156 = tpu.matmul %get3A_108, %get3A_154, %dot_general3A_155 {dimension_numbers = #tpu.dot_dimension_numbers<[0], [0], [1], [1], [0, 1, 1, 1], [], []>, transpose_lhs_hint = false} : vector<1000x128xf32>, vector<1000x128xf32>, vector<128x128xf32> -> vector<128x128xf32>
    %add3A_157 = arith.addf %get3A_149, %dot_general3A_156 : vector<128x128xf32>
    %swap3A_158 = arith.constant 1 : index
    %swap3A_159 = arith.constant 1 : index
    %swap3A_160 = arith.constant 0 : index
    %swap3A_161 = arith.constant 0 : index
    %swap3A_162 = vector.load %arg5[%swap3A_158, %swap3A_159, %swap3A_160, %swap3A_161] : memref<4x4x128x128xf32, #tpu.memory_space<vmem>>, vector<1x1x128x128xf32>
    %swap3A_163 = vector.shape_cast %swap3A_162 : vector<1x1x128x128xf32> to vector<128x128xf32>
    %swap3A_164 = vector.shape_cast %add3A_157 : vector<128x128xf32> to vector<1x1x128x128xf32>
    tpu.vector_store %arg5[%swap3A_158, %swap3A_159, %swap3A_160, %swap3A_161], %swap3A_164 {strides = array<i32>} : memref<4x4x128x128xf32, #tpu.memory_space<vmem>>, vector<1x1x128x128xf32>,
    %get3A_165 = arith.constant 1 : index
    %get3A_166 = arith.constant 2 : index
    %get3A_167 = arith.constant 0 : index
    %get3A_168 = arith.constant 0 : index
    %get3A_169 = vector.load %arg5[%get3A_165, %get3A_166, %get3A_167, %get3A_168] : memref<4x4x128x128xf32, #tpu.memory_space<vmem>>, vector<1x1x128x128xf32>
    %get3A_170 = vector.shape_cast %get3A_169 : vector<1x1x128x128xf32> to vector<128x128xf32>
    %get3A_171 = arith.constant 2 : index
    %get3A_172 = arith.constant 0 : index
    %get3A_173 = arith.constant 0 : index
    %get3A_174 = vector.load %arg3[%get3A_171, %get3A_172, %get3A_173] : memref<4x1000x128xf32, #tpu.memory_space<vmem>>, vector<1x1000x128xf32>
    %get3A_175 = vector.shape_cast %get3A_174 : vector<1x1000x128xf32> to vector<1000x128xf32>
    %dot_general3A_176 = arith.constant dense<0.000000e+00> : vector<128x128xf32>
    %dot_general3A_177 = tpu.matmul %get3A_108, %get3A_175, %dot_general3A_176 {dimension_numbers = #tpu.dot_dimension_numbers<[0], [0], [1], [1], [0, 1, 1, 1], [], []>, transpose_lhs_hint = false} : vector<1000x128xf32>, vector<1000x128xf32>, vector<128x128xf32> -> vector<128x128xf32>
    %add3A_178 = arith.addf %get3A_170, %dot_general3A_177 : vector<128x128xf32>
    %swap3A_179 = arith.constant 1 : index
    %swap3A_180 = arith.constant 2 : index
    %swap3A_181 = arith.constant 0 : index
    %swap3A_182 = arith.constant 0 : index
    %swap3A_183 = vector.load %arg5[%swap3A_179, %swap3A_180, %swap3A_181, %swap3A_182] : memref<4x4x128x128xf32, #tpu.memory_space<vmem>>, vector<1x1x128x128xf32>
    %swap3A_184 = vector.shape_cast %swap3A_183 : vector<1x1x128x128xf32> to vector<128x128xf32>
    %swap3A_185 = vector.shape_cast %add3A_178 : vector<128x128xf32> to vector<1x1x128x128xf32>
    tpu.vector_store %arg5[%swap3A_179, %swap3A_180, %swap3A_181, %swap3A_182], %swap3A_185 {strides = array<i32>} : memref<4x4x128x128xf32, #tpu.memory_space<vmem>>, vector<1x1x128x128xf32>,
    %get3A_186 = arith.constant 1 : index
    %get3A_187 = arith.constant 3 : index
    %get3A_188 = arith.constant 0 : index
    %get3A_189 = arith.constant 0 : index
    %get3A_190 = vector.load %arg5[%get3A_186, %get3A_187, %get3A_188, %get3A_189] : memref<4x4x128x128xf32, #tpu.memory_space<vmem>>, vector<1x1x128x128xf32>
    %get3A_191 = vector.shape_cast %get3A_190 : vector<1x1x128x128xf32> to vector<128x128xf32>
    %get3A_192 = arith.constant 3 : index
    %get3A_193 = arith.constant 0 : index
    %get3A_194 = arith.constant 0 : index
    %get3A_195 = vector.load %arg3[%get3A_192, %get3A_193, %get3A_194] : memref<4x1000x128xf32, #tpu.memory_space<vmem>>, vector<1x1000x128xf32>
    %get3A_196 = vector.shape_cast %get3A_195 : vector<1x1000x128xf32> to vector<1000x128xf32>
    %dot_general3A_197 = arith.constant dense<0.000000e+00> : vector<128x128xf32>
    %dot_general3A_198 = tpu.matmul %get3A_108, %get3A_196, %dot_general3A_197 {dimension_numbers = #tpu.dot_dimension_numbers<[0], [0], [1], [1], [0, 1, 1, 1], [], []>, transpose_lhs_hint = false} : vector<1000x128xf32>, vector<1000x128xf32>, vector<128x128xf32> -> vector<128x128xf32>
    %add3A_199 = arith.addf %get3A_191, %dot_general3A_198 : vector<128x128xf32>
    %swap3A_200 = arith.constant 1 : index
    %swap3A_201 = arith.constant 3 : index
    %swap3A_202 = arith.constant 0 : index
    %swap3A_203 = arith.constant 0 : index
    %swap3A_204 = vector.load %arg5[%swap3A_200, %swap3A_201, %swap3A_202, %swap3A_203] : memref<4x4x128x128xf32, #tpu.memory_space<vmem>>, vector<1x1x128x128xf32>
    %swap3A_205 = vector.shape_cast %swap3A_204 : vector<1x1x128x128xf32> to vector<128x128xf32>
    %swap3A_206 = vector.shape_cast %add3A_199 : vector<128x128xf32> to vector<1x1x128x128xf32>
    tpu.vector_store %arg5[%swap3A_200, %swap3A_201, %swap3A_202, %swap3A_203], %swap3A_206 {strides = array<i32>} : memref<4x4x128x128xf32, #tpu.memory_space<vmem>>, vector<1x1x128x128xf32>,
    %get3A_207 = arith.constant 2 : index
    %get3A_208 = arith.constant 0 : index
    %get3A_209 = arith.constant 0 : index
    %get3A_210 = vector.load %arg1[%get3A_207, %get3A_208, %get3A_209] : memref<4x1000x128xf32, #tpu.memory_space<vmem>>, vector<1x1000x128xf32>
    %get3A_211 = vector.shape_cast %get3A_210 : vector<1x1000x128xf32> to vector<1000x128xf32>
    %get3A_212 = arith.constant 2 : index
    %get3A_213 = arith.constant 0 : index
    %get3A_214 = arith.constant 0 : index
    %get3A_215 = vector.load %arg4[%get3A_212, %get3A_213, %get3A_214] : memref<4x128x128xf32, #tpu.memory_space<vmem>>, vector<1x128x128xf32>
    %get3A_216 = vector.shape_cast %get3A_215 : vector<1x128x128xf32> to vector<128x128xf32>
    %dot_general3A_217 = arith.constant dense<0.000000e+00> : vector<128x128xf32>
    %dot_general3A_218 = tpu.matmul %get3A_211, %get3A_3, %dot_general3A_217 {dimension_numbers = #tpu.dot_dimension_numbers<[0], [0], [1], [1], [0, 1, 1, 1], [], []>, transpose_lhs_hint = false} : vector<1000x128xf32>, vector<1000x128xf32>, vector<128x128xf32> -> vector<128x128xf32>
    %add3A_219 = arith.addf %get3A_216, %dot_general3A_218 : vector<128x128xf32>
    %swap3A_220 = arith.constant 2 : index
    %swap3A_221 = arith.constant 0 : index
    %swap3A_222 = arith.constant 0 : index
    %swap3A_223 = vector.load %arg4[%swap3A_220, %swap3A_221, %swap3A_222] : memref<4x128x128xf32, #tpu.memory_space<vmem>>, vector<1x128x128xf32>
    %swap3A_224 = vector.shape_cast %swap3A_223 : vector<1x128x128xf32> to vector<128x128xf32>
    %swap3A_225 = vector.shape_cast %add3A_219 : vector<128x128xf32> to vector<1x128x128xf32>
    tpu.vector_store %arg4[%swap3A_220, %swap3A_221, %swap3A_222], %swap3A_225 {strides = array<i32>} : memref<4x128x128xf32, #tpu.memory_space<vmem>>, vector<1x128x128xf32>,
    %get3A_226 = arith.constant 2 : index
    %get3A_227 = arith.constant 0 : index
    %get3A_228 = arith.constant 0 : index
    %get3A_229 = arith.constant 0 : index
    %get3A_230 = vector.load %arg5[%get3A_226, %get3A_227, %get3A_228, %get3A_229] : memref<4x4x128x128xf32, #tpu.memory_space<vmem>>, vector<1x1x128x128xf32>
    %get3A_231 = vector.shape_cast %get3A_230 : vector<1x1x128x128xf32> to vector<128x128xf32>
    %get3A_232 = arith.constant 0 : index
    %get3A_233 = arith.constant 0 : index
    %get3A_234 = arith.constant 0 : index
    %get3A_235 = vector.load %arg3[%get3A_232, %get3A_233, %get3A_234] : memref<4x1000x128xf32, #tpu.memory_space<vmem>>, vector<1x1000x128xf32>
    %get3A_236 = vector.shape_cast %get3A_235 : vector<1x1000x128xf32> to vector<1000x128xf32>
    %dot_general3A_237 = arith.constant dense<0.000000e+00> : vector<128x128xf32>
    %dot_general3A_238 = tpu.matmul %get3A_211, %get3A_236, %dot_general3A_237 {dimension_numbers = #tpu.dot_dimension_numbers<[0], [0], [1], [1], [0, 1, 1, 1], [], []>, transpose_lhs_hint = false} : vector<1000x128xf32>, vector<1000x128xf32>, vector<128x128xf32> -> vector<128x128xf32>
    %add3A_239 = arith.addf %get3A_231, %dot_general3A_238 : vector<128x128xf32>
    %swap3A_240 = arith.constant 2 : index
    %swap3A_241 = arith.constant 0 : index
    %swap3A_242 = arith.constant 0 : index
    %swap3A_243 = arith.constant 0 : index
    %swap3A_244 = vector.load %arg5[%swap3A_240, %swap3A_241, %swap3A_242, %swap3A_243] : memref<4x4x128x128xf32, #tpu.memory_space<vmem>>, vector<1x1x128x128xf32>
    %swap3A_245 = vector.shape_cast %swap3A_244 : vector<1x1x128x128xf32> to vector<128x128xf32>
    %swap3A_246 = vector.shape_cast %add3A_239 : vector<128x128xf32> to vector<1x1x128x128xf32>
    tpu.vector_store %arg5[%swap3A_240, %swap3A_241, %swap3A_242, %swap3A_243], %swap3A_246 {strides = array<i32>} : memref<4x4x128x128xf32, #tpu.memory_space<vmem>>, vector<1x1x128x128xf32>,
    %get3A_247 = arith.constant 2 : index
    %get3A_248 = arith.constant 1 : index
    %get3A_249 = arith.constant 0 : index
    %get3A_250 = arith.constant 0 : index
    %get3A_251 = vector.load %arg5[%get3A_247, %get3A_248, %get3A_249, %get3A_250] : memref<4x4x128x128xf32, #tpu.memory_space<vmem>>, vector<1x1x128x128xf32>
    %get3A_252 = vector.shape_cast %get3A_251 : vector<1x1x128x128xf32> to vector<128x128xf32>
    %get3A_253 = arith.constant 1 : index
    %get3A_254 = arith.constant 0 : index
    %get3A_255 = arith.constant 0 : index
    %get3A_256 = vector.load %arg3[%get3A_253, %get3A_254, %get3A_255] : memref<4x1000x128xf32, #tpu.memory_space<vmem>>, vector<1x1000x128xf32>
    %get3A_257 = vector.shape_cast %get3A_256 : vector<1x1000x128xf32> to vector<1000x128xf32>
    %dot_general3A_258 = arith.constant dense<0.000000e+00> : vector<128x128xf32>
    %dot_general3A_259 = tpu.matmul %get3A_211, %get3A_257, %dot_general3A_258 {dimension_numbers = #tpu.dot_dimension_numbers<[0], [0], [1], [1], [0, 1, 1, 1], [], []>, transpose_lhs_hint = false} : vector<1000x128xf32>, vector<1000x128xf32>, vector<128x128xf32> -> vector<128x128xf32>
    %add3A_260 = arith.addf %get3A_252, %dot_general3A_259 : vector<128x128xf32>
    %swap3A_261 = arith.constant 2 : index
    %swap3A_262 = arith.constant 1 : index
    %swap3A_263 = arith.constant 0 : index
    %swap3A_264 = arith.constant 0 : index
    %swap3A_265 = vector.load %arg5[%swap3A_261, %swap3A_262, %swap3A_263, %swap3A_264] : memref<4x4x128x128xf32, #tpu.memory_space<vmem>>, vector<1x1x128x128xf32>
    %swap3A_266 = vector.shape_cast %swap3A_265 : vector<1x1x128x128xf32> to vector<128x128xf32>
    %swap3A_267 = vector.shape_cast %add3A_260 : vector<128x128xf32> to vector<1x1x128x128xf32>
    tpu.vector_store %arg5[%swap3A_261, %swap3A_262, %swap3A_263, %swap3A_264], %swap3A_267 {strides = array<i32>} : memref<4x4x128x128xf32, #tpu.memory_space<vmem>>, vector<1x1x128x128xf32>,
    %get3A_268 = arith.constant 2 : index
    %get3A_269 = arith.constant 2 : index
    %get3A_270 = arith.constant 0 : index
    %get3A_271 = arith.constant 0 : index
    %get3A_272 = vector.load %arg5[%get3A_268, %get3A_269, %get3A_270, %get3A_271] : memref<4x4x128x128xf32, #tpu.memory_space<vmem>>, vector<1x1x128x128xf32>
    %get3A_273 = vector.shape_cast %get3A_272 : vector<1x1x128x128xf32> to vector<128x128xf32>
    %get3A_274 = arith.constant 2 : index
    %get3A_275 = arith.constant 0 : index
    %get3A_276 = arith.constant 0 : index
    %get3A_277 = vector.load %arg3[%get3A_274, %get3A_275, %get3A_276] : memref<4x1000x128xf32, #tpu.memory_space<vmem>>, vector<1x1000x128xf32>
    %get3A_278 = vector.shape_cast %get3A_277 : vector<1x1000x128xf32> to vector<1000x128xf32>
    %dot_general3A_279 = arith.constant dense<0.000000e+00> : vector<128x128xf32>
    %dot_general3A_280 = tpu.matmul %get3A_211, %get3A_278, %dot_general3A_279 {dimension_numbers = #tpu.dot_dimension_numbers<[0], [0], [1], [1], [0, 1, 1, 1], [], []>, transpose_lhs_hint = false} : vector<1000x128xf32>, vector<1000x128xf32>, vector<128x128xf32> -> vector<128x128xf32>
    %add3A_281 = arith.addf %get3A_273, %dot_general3A_280 : vector<128x128xf32>
    %swap3A_282 = arith.constant 2 : index
    %swap3A_283 = arith.constant 2 : index
    %swap3A_284 = arith.constant 0 : index
    %swap3A_285 = arith.constant 0 : index
    %swap3A_286 = vector.load %arg5[%swap3A_282, %swap3A_283, %swap3A_284, %swap3A_285] : memref<4x4x128x128xf32, #tpu.memory_space<vmem>>, vector<1x1x128x128xf32>
    %swap3A_287 = vector.shape_cast %swap3A_286 : vector<1x1x128x128xf32> to vector<128x128xf32>
    %swap3A_288 = vector.shape_cast %add3A_281 : vector<128x128xf32> to vector<1x1x128x128xf32>
    tpu.vector_store %arg5[%swap3A_282, %swap3A_283, %swap3A_284, %swap3A_285], %swap3A_288 {strides = array<i32>} : memref<4x4x128x128xf32, #tpu.memory_space<vmem>>, vector<1x1x128x128xf32>,
    %get3A_289 = arith.constant 2 : index
    %get3A_290 = arith.constant 3 : index
    %get3A_291 = arith.constant 0 : index
    %get3A_292 = arith.constant 0 : index
    %get3A_293 = vector.load %arg5[%get3A_289, %get3A_290, %get3A_291, %get3A_292] : memref<4x4x128x128xf32, #tpu.memory_space<vmem>>, vector<1x1x128x128xf32>
    %get3A_294 = vector.shape_cast %get3A_293 : vector<1x1x128x128xf32> to vector<128x128xf32>
    %get3A_295 = arith.constant 3 : index
    %get3A_296 = arith.constant 0 : index
    %get3A_297 = arith.constant 0 : index
    %get3A_298 = vector.load %arg3[%get3A_295, %get3A_296, %get3A_297] : memref<4x1000x128xf32, #tpu.memory_space<vmem>>, vector<1x1000x128xf32>
    %get3A_299 = vector.shape_cast %get3A_298 : vector<1x1000x128xf32> to vector<1000x128xf32>
    %dot_general3A_300 = arith.constant dense<0.000000e+00> : vector<128x128xf32>
    %dot_general3A_301 = tpu.matmul %get3A_211, %get3A_299, %dot_general3A_300 {dimension_numbers = #tpu.dot_dimension_numbers<[0], [0], [1], [1], [0, 1, 1, 1], [], []>, transpose_lhs_hint = false} : vector<1000x128xf32>, vector<1000x128xf32>, vector<128x128xf32> -> vector<128x128xf32>
    %add3A_302 = arith.addf %get3A_294, %dot_general3A_301 : vector<128x128xf32>
    %swap3A_303 = arith.constant 2 : index
    %swap3A_304 = arith.constant 3 : index
    %swap3A_305 = arith.constant 0 : index
    %swap3A_306 = arith.constant 0 : index
    %swap3A_307 = vector.load %arg5[%swap3A_303, %swap3A_304, %swap3A_305, %swap3A_306] : memref<4x4x128x128xf32, #tpu.memory_space<vmem>>, vector<1x1x128x128xf32>
    %swap3A_308 = vector.shape_cast %swap3A_307 : vector<1x1x128x128xf32> to vector<128x128xf32>
    %swap3A_309 = vector.shape_cast %add3A_302 : vector<128x128xf32> to vector<1x1x128x128xf32>
    tpu.vector_store %arg5[%swap3A_303, %swap3A_304, %swap3A_305, %swap3A_306], %swap3A_309 {strides = array<i32>} : memref<4x4x128x128xf32, #tpu.memory_space<vmem>>, vector<1x1x128x128xf32>,
    %get3A_310 = arith.constant 3 : index
    %get3A_311 = arith.constant 0 : index
    %get3A_312 = arith.constant 0 : index
    %get3A_313 = vector.load %arg1[%get3A_310, %get3A_311, %get3A_312] : memref<4x1000x128xf32, #tpu.memory_space<vmem>>, vector<1x1000x128xf32>
    %get3A_314 = vector.shape_cast %get3A_313 : vector<1x1000x128xf32> to vector<1000x128xf32>
    %get3A_315 = arith.constant 3 : index
    %get3A_316 = arith.constant 0 : index
    %get3A_317 = arith.constant 0 : index
    %get3A_318 = vector.load %arg4[%get3A_315, %get3A_316, %get3A_317] : memref<4x128x128xf32, #tpu.memory_space<vmem>>, vector<1x128x128xf32>
    %get3A_319 = vector.shape_cast %get3A_318 : vector<1x128x128xf32> to vector<128x128xf32>
    %dot_general3A_320 = arith.constant dense<0.000000e+00> : vector<128x128xf32>
    %dot_general3A_321 = tpu.matmul %get3A_314, %get3A_3, %dot_general3A_320 {dimension_numbers = #tpu.dot_dimension_numbers<[0], [0], [1], [1], [0, 1, 1, 1], [], []>, transpose_lhs_hint = false} : vector<1000x128xf32>, vector<1000x128xf32>, vector<128x128xf32> -> vector<128x128xf32>
    %add3A_322 = arith.addf %get3A_319, %dot_general3A_321 : vector<128x128xf32>
    %swap3A_323 = arith.constant 3 : index
    %swap3A_324 = arith.constant 0 : index
    %swap3A_325 = arith.constant 0 : index
    %swap3A_326 = vector.load %arg4[%swap3A_323, %swap3A_324, %swap3A_325] : memref<4x128x128xf32, #tpu.memory_space<vmem>>, vector<1x128x128xf32>
    %swap3A_327 = vector.shape_cast %swap3A_326 : vector<1x128x128xf32> to vector<128x128xf32>
    %swap3A_328 = vector.shape_cast %add3A_322 : vector<128x128xf32> to vector<1x128x128xf32>
    tpu.vector_store %arg4[%swap3A_323, %swap3A_324, %swap3A_325], %swap3A_328 {strides = array<i32>} : memref<4x128x128xf32, #tpu.memory_space<vmem>>, vector<1x128x128xf32>,
    %get3A_329 = arith.constant 3 : index
    %get3A_330 = arith.constant 0 : index
    %get3A_331 = arith.constant 0 : index
    %get3A_332 = arith.constant 0 : index
    %get3A_333 = vector.load %arg5[%get3A_329, %get3A_330, %get3A_331, %get3A_332] : memref<4x4x128x128xf32, #tpu.memory_space<vmem>>, vector<1x1x128x128xf32>
    %get3A_334 = vector.shape_cast %get3A_333 : vector<1x1x128x128xf32> to vector<128x128xf32>
    %get3A_335 = arith.constant 0 : index
    %get3A_336 = arith.constant 0 : index
    %get3A_337 = arith.constant 0 : index
    %get3A_338 = vector.load %arg3[%get3A_335, %get3A_336, %get3A_337] : memref<4x1000x128xf32, #tpu.memory_space<vmem>>, vector<1x1000x128xf32>
    %get3A_339 = vector.shape_cast %get3A_338 : vector<1x1000x128xf32> to vector<1000x128xf32>
    %dot_general3A_340 = arith.constant dense<0.000000e+00> : vector<128x128xf32>
    %dot_general3A_341 = tpu.matmul %get3A_314, %get3A_339, %dot_general3A_340 {dimension_numbers = #tpu.dot_dimension_numbers<[0], [0], [1], [1], [0, 1, 1, 1], [], []>, transpose_lhs_hint = false} : vector<1000x128xf32>, vector<1000x128xf32>, vector<128x128xf32> -> vector<128x128xf32>
    %add3A_342 = arith.addf %get3A_334, %dot_general3A_341 : vector<128x128xf32>
    %swap3A_343 = arith.constant 3 : index
    %swap3A_344 = arith.constant 0 : index
    %swap3A_345 = arith.constant 0 : index
    %swap3A_346 = arith.constant 0 : index
    %swap3A_347 = vector.load %arg5[%swap3A_343, %swap3A_344, %swap3A_345, %swap3A_346] : memref<4x4x128x128xf32, #tpu.memory_space<vmem>>, vector<1x1x128x128xf32>
    %swap3A_348 = vector.shape_cast %swap3A_347 : vector<1x1x128x128xf32> to vector<128x128xf32>
    %swap3A_349 = vector.shape_cast %add3A_342 : vector<128x128xf32> to vector<1x1x128x128xf32>
    tpu.vector_store %arg5[%swap3A_343, %swap3A_344, %swap3A_345, %swap3A_346], %swap3A_349 {strides = array<i32>} : memref<4x4x128x128xf32, #tpu.memory_space<vmem>>, vector<1x1x128x128xf32>,
    %get3A_350 = arith.constant 3 : index
    %get3A_351 = arith.constant 1 : index
    %get3A_352 = arith.constant 0 : index
    %get3A_353 = arith.constant 0 : index
    %get3A_354 = vector.load %arg5[%get3A_350, %get3A_351, %get3A_352, %get3A_353] : memref<4x4x128x128xf32, #tpu.memory_space<vmem>>, vector<1x1x128x128xf32>
    %get3A_355 = vector.shape_cast %get3A_354 : vector<1x1x128x128xf32> to vector<128x128xf32>
    %get3A_356 = arith.constant 1 : index
    %get3A_357 = arith.constant 0 : index
    %get3A_358 = arith.constant 0 : index
    %get3A_359 = vector.load %arg3[%get3A_356, %get3A_357, %get3A_358] : memref<4x1000x128xf32, #tpu.memory_space<vmem>>, vector<1x1000x128xf32>
    %get3A_360 = vector.shape_cast %get3A_359 : vector<1x1000x128xf32> to vector<1000x128xf32>
    %dot_general3A_361 = arith.constant dense<0.000000e+00> : vector<128x128xf32>
    %dot_general3A_362 = tpu.matmul %get3A_314, %get3A_360, %dot_general3A_361 {dimension_numbers = #tpu.dot_dimension_numbers<[0], [0], [1], [1], [0, 1, 1, 1], [], []>, transpose_lhs_hint = false} : vector<1000x128xf32>, vector<1000x128xf32>, vector<128x128xf32> -> vector<128x128xf32>
    %add3A_363 = arith.addf %get3A_355, %dot_general3A_362 : vector<128x128xf32>
    %swap3A_364 = arith.constant 3 : index
    %swap3A_365 = arith.constant 1 : index
    %swap3A_366 = arith.constant 0 : index
    %swap3A_367 = arith.constant 0 : index
    %swap3A_368 = vector.load %arg5[%swap3A_364, %swap3A_365, %swap3A_366, %swap3A_367] : memref<4x4x128x128xf32, #tpu.memory_space<vmem>>, vector<1x1x128x128xf32>
    %swap3A_369 = vector.shape_cast %swap3A_368 : vector<1x1x128x128xf32> to vector<128x128xf32>
    %swap3A_370 = vector.shape_cast %add3A_363 : vector<128x128xf32> to vector<1x1x128x128xf32>
    tpu.vector_store %arg5[%swap3A_364, %swap3A_365, %swap3A_366, %swap3A_367], %swap3A_370 {strides = array<i32>} : memref<4x4x128x128xf32, #tpu.memory_space<vmem>>, vector<1x1x128x128xf32>,
    %get3A_371 = arith.constant 3 : index
    %get3A_372 = arith.constant 2 : index
    %get3A_373 = arith.constant 0 : index
    %get3A_374 = arith.constant 0 : index
    %get3A_375 = vector.load %arg5[%get3A_371, %get3A_372, %get3A_373, %get3A_374] : memref<4x4x128x128xf32, #tpu.memory_space<vmem>>, vector<1x1x128x128xf32>
    %get3A_376 = vector.shape_cast %get3A_375 : vector<1x1x128x128xf32> to vector<128x128xf32>
    %get3A_377 = arith.constant 2 : index
    %get3A_378 = arith.constant 0 : index
    %get3A_379 = arith.constant 0 : index
    %get3A_380 = vector.load %arg3[%get3A_377, %get3A_378, %get3A_379] : memref<4x1000x128xf32, #tpu.memory_space<vmem>>, vector<1x1000x128xf32>
    %get3A_381 = vector.shape_cast %get3A_380 : vector<1x1000x128xf32> to vector<1000x128xf32>
    %dot_general3A_382 = arith.constant dense<0.000000e+00> : vector<128x128xf32>
    %dot_general3A_383 = tpu.matmul %get3A_314, %get3A_381, %dot_general3A_382 {dimension_numbers = #tpu.dot_dimension_numbers<[0], [0], [1], [1], [0, 1, 1, 1], [], []>, transpose_lhs_hint = false} : vector<1000x128xf32>, vector<1000x128xf32>, vector<128x128xf32> -> vector<128x128xf32>
    %add3A_384 = arith.addf %get3A_376, %dot_general3A_383 : vector<128x128xf32>
    %swap3A_385 = arith.constant 3 : index
    %swap3A_386 = arith.constant 2 : index
    %swap3A_387 = arith.constant 0 : index
    %swap3A_388 = arith.constant 0 : index
    %swap3A_389 = vector.load %arg5[%swap3A_385, %swap3A_386, %swap3A_387, %swap3A_388] : memref<4x4x128x128xf32, #tpu.memory_space<vmem>>, vector<1x1x128x128xf32>
    %swap3A_390 = vector.shape_cast %swap3A_389 : vector<1x1x128x128xf32> to vector<128x128xf32>
    %swap3A_391 = vector.shape_cast %add3A_384 : vector<128x128xf32> to vector<1x1x128x128xf32>
    tpu.vector_store %arg5[%swap3A_385, %swap3A_386, %swap3A_387, %swap3A_388], %swap3A_391 {strides = array<i32>} : memref<4x4x128x128xf32, #tpu.memory_space<vmem>>, vector<1x1x128x128xf32>,
    %get3A_392 = arith.constant 3 : index
    %get3A_393 = arith.constant 3 : index
    %get3A_394 = arith.constant 0 : index
    %get3A_395 = arith.constant 0 : index
    %get3A_396 = vector.load %arg5[%get3A_392, %get3A_393, %get3A_394, %get3A_395] : memref<4x4x128x128xf32, #tpu.memory_space<vmem>>, vector<1x1x128x128xf32>
    %get3A_397 = vector.shape_cast %get3A_396 : vector<1x1x128x128xf32> to vector<128x128xf32>
    %get3A_398 = arith.constant 3 : index
    %get3A_399 = arith.constant 0 : index
    %get3A_400 = arith.constant 0 : index
    %get3A_401 = vector.load %arg3[%get3A_398, %get3A_399, %get3A_400] : memref<4x1000x128xf32, #tpu.memory_space<vmem>>, vector<1x1000x128xf32>
    %get3A_402 = vector.shape_cast %get3A_401 : vector<1x1000x128xf32> to vector<1000x128xf32>
    %dot_general3A_403 = arith.constant dense<0.000000e+00> : vector<128x128xf32>
    %dot_general3A_404 = tpu.matmul %get3A_314, %get3A_402, %dot_general3A_403 {dimension_numbers = #tpu.dot_dimension_numbers<[0], [0], [1], [1], [0, 1, 1, 1], [], []>, transpose_lhs_hint = false} : vector<1000x128xf32>, vector<1000x128xf32>, vector<128x128xf32> -> vector<128x128xf32>
    %add3A_405 = arith.addf %get3A_397, %dot_general3A_404 : vector<128x128xf32>
    %swap3A_406 = arith.constant 3 : index
    %swap3A_407 = arith.constant 3 : index
    %swap3A_408 = arith.constant 0 : index
    %swap3A_409 = arith.constant 0 : index
    %swap3A_410 = vector.load %arg5[%swap3A_406, %swap3A_407, %swap3A_408, %swap3A_409] : memref<4x4x128x128xf32, #tpu.memory_space<vmem>>, vector<1x1x128x128xf32>
    %swap3A_411 = vector.shape_cast %swap3A_410 : vector<1x1x128x128xf32> to vector<128x128xf32>
    %swap3A_412 = vector.shape_cast %add3A_405 : vector<128x128xf32> to vector<1x1x128x128xf32>
    tpu.vector_store %arg5[%swap3A_406, %swap3A_407, %swap3A_408, %swap3A_409], %swap3A_412 {strides = array<i32>} : memref<4x4x128x128xf32, #tpu.memory_space<vmem>>, vector<1x1x128x128xf32>,
    return
  }
  func.func @transform_0(%arg0: i32) -> (i32, i32, i32) {
    %c0_i32 = arith.constant 0 : i32
    %c0_i32_0 = arith.constant 0 : i32
    %c0_i32_1 = arith.constant 0 : i32
    return %c0_i32, %arg0, %c0_i32_0 : i32, i32, i32
  }
  func.func @transform_1(%arg0: i32) -> (i32, i32) {
    %c0_i32 = arith.constant 0 : i32
    %c0_i32_0 = arith.constant 0 : i32
    return %arg0, %c0_i32 : i32, i32
  }
  func.func @transform_2(%arg0: i32) -> (i32, i32, i32) {
    %c0_i32 = arith.constant 0 : i32
    %c0_i32_0 = arith.constant 0 : i32
    %c0_i32_1 = arith.constant 0 : i32
    return %c0_i32, %arg0, %c0_i32_0 : i32, i32, i32
  }
  func.func @transform_3(%arg0: i32) -> (i32, i32, i32) {
    %c0_i32 = arith.constant 0 : i32
    %c0_i32_0 = arith.constant 0 : i32
    %c0_i32_1 = arith.constant 0 : i32
    %c0_i32_2 = arith.constant 0 : i32
    return %c0_i32, %c0_i32_0, %c0_i32_1 : i32, i32, i32
  }
  func.func @transform_4(%arg0: i32) -> (i32, i32, i32, i32) {
    %c0_i32 = arith.constant 0 : i32
    %c0_i32_0 = arith.constant 0 : i32
    %c0_i32_1 = arith.constant 0 : i32
    %c0_i32_2 = arith.constant 0 : i32
    %c0_i32_3 = arith.constant 0 : i32
    return %c0_i32, %c0_i32_0, %c0_i32_1, %c0_i32_2 : i32, i32, i32, i32
  }
}

</mosaic_0001>

<sc_bundles>
// kernel: kernel.6.cloned.1.call-start
scs
__scs_entry_jumppad:
0x0: {  	(pc) =	sbr.rel $0x88, $3  }
0x1: {  	(tag) =	ssettag $0x0;
	lr =	simm.s32 $0x1  }
0x2: {  	[smem:$0x3F9B] =	sst lr;
	_ =	strace $0xD0000000  }
0x3: {  	_ = 	snop  }
0x4: {  	_ = 	snop  }
0x5: {  	_ = 	snop  }
0x6: {  	_ = 	snop  }
0x7: {  	_ = 	snop  }
__scs_overlays_trampoline_lowered:
0x8: {  	[smem:$0x3FAA] =	sst s0  }
0x9: {  	[smem:$0x3FAB] =	sst s1  }
0xa: {  	[smem:$0x3FAC] =	sst s2  }
0xb: {  	[smem:$0x3FAD] =	sst s3  }
0xc: {  	[smem:$0x3FAE] =	sst s4  }
0xd: {  	[smem:$0x3FAF] =	sst s5  }
0xe: {  	[smem:$0x3FB0] =	sst s6  }
0xf: {  	[smem:$0x3FB1] =	sst s7  }
0x10: {  	[smem:$0x3FB2] =	sst s8  }
0x11: {  	[smem:$0x3FB3] =	sst s9;
	s0 =	simm.s32 @!p0 $0x0  }
0x12: {  	s1 =	sld [smem:$0x3F99];
	s0 =	simm.s32 @p0 $0x1  }
0x13: {  	[smem:$0x3FB4] =	sst s0;
	s0 =	simm.s32 @!p1 $0x0  }
0x14: {  	s2 =	sld [smem:$0x3F98];
	s0 =	simm.s32 @p1 $0x1  }
0x15: {  	[smem:$0x3FB5] =	sst s0;
	s0 =	simm.s32 @!p2 $0x0  }
0x16: {  	s3 =	sld [smem:$0x3FDB];
	s0 =	simm.s32 @p2 $0x1  }
0x17: {  	s4 =	simm.s32 $0x1BF5;
	[smem:$0x3FB7] =	sst s0  }
0x18: {  	s0 =	sld [smem:$0x3F9A];
	_ =	swait.ge [sflag:s4], $0x0  }
0x19: {  	s7 =	sld [smem:$0x3F9B]  }
0x1a: {  	s8 =	sadd.s32 $0xFFFFE003, lr  }
0x1b: {  	s9 =	sadd.s32 $0xFFFFFEF7, lr;
	s5 =	simm.s32 $0xFFFFFFFF;
	p2 =	slt.u32 s8, $0xFFFFF086  }
0x1c: {  	p1 =	slt.u32 s9, $0xF7A;
	s5 =	simm.s32 @!p2 $0x0  }
0x1d: {  	s5 =	simm.s32 @p1 $0x1;
	p0 =	seq.s32 s7, s2  }
0x1e: {  	s7 =	smul.u32 @!p0 $0xF7A, s2;
	p2 =	seq.s32 @!p0 s5, $0x0  }
0x1f: {  	s9 =	smul.u32 $0xF7A, s1;
	s8 =	simm.s32 @!p0 $0x1BF5;
	p2 =	por !p2, p0  }
0x20: {  	[sflag:s8] =	ssyncset.s32 @!p0 $0xFFFFF086;
	s6 =	sadd.s32 @!p0 s3, s7;
	s7 =	simm.s32 @!p0 $0x108  }
0x21: {  	s3 =	sadd.s32 s3, s9;
	s6 =	sadd.s32 @!p0 $0x88, s6;
	s7 =	simm.s32 @p2 $0x1082  }
0x22: {  	[simem:s7], [sflag:s8] =	dma.local @!p0 [hbm:s6], $0xF7A  }
0x23: {  	s9 =	sor.u32 $0xD0000000, s2;
	s6 =	simm.s32 $0x108;
	_ =	swait.ge @!p0 [sflag:s8], $0x0  }
0x24: {  	s3 =	sadd.s32 $0x88, s3;
	s6 =	simm.s32 @!p1 $0x1082;
	[sflag:s4] =	ssyncset.s32 $0xFFFFF086  }
0x25: {  	[simem:s6], [sflag:s4] =	dma.local [hbm:s3], $0xF7A  }
0x26: {  	[smem:$0x3F9B] =	sst s1;
	(tag) =	ssettag s2;
	_ =	strace s9  }
0x27: {  	s1 =	sld [smem:$0x3FAB]  }
0x28: {  	s2 =	sld [smem:$0x3FAC]  }
0x29: {  	s4 =	sld [smem:$0x3FAE]  }
0x2a: {  	p0 =	seq.s32 s5, $0x0;
	s5 =	sld [smem:$0x3FAF]  }
0x2b: {  	s6 =	sld [smem:$0x3FB0]  }
0x2c: {  	s7 =	sld [smem:$0x3FB1]  }
0x2d: {  	s3 =	simm.s32 $0x108;
	s8 =	sld [smem:$0x3FB2]  }
0x2e: {  	s3 =	simm.s32 @!p0 $0x1082;
	s9 =	sld [smem:$0x3FB3]  }
0x2f: {  	lr =	sadd.s32 s0, s3;
	s0 =	sld [smem:$0x3FAA]  }
0x30: {  	s3 =	sld [smem:$0x3FAD]  }
0x31: {  	[smem:$0x3FB6] =	sst s10  }
0x32: {  	s10 =	sld [smem:$0x3FB4];
	_ =	sdelay $0x3  }
0x33: {  	p0 =	seq.s32 s10, $0x1;
	s10 =	sld [smem:$0x3FB6];
	_ =	sdelay $0x3  }
0x34: {  	[smem:$0x3FB6] =	sst s10  }
0x35: {  	s10 =	sld [smem:$0x3FB5];
	_ =	sdelay $0x3  }
0x36: {  	p1 =	seq.s32 s10, $0x1;
	s10 =	sld [smem:$0x3FB6];
	_ =	sdelay $0x3  }
0x37: {  	[smem:$0x3FB6] =	sst s10  }
0x38: {  	s10 =	sld [smem:$0x3FB7]  }
0x39: {  	_ = 	snop;
	(pc) =	sbr.ind lr, $3  }
0x3a: {  	_ = 	snop  }
0x3b: {  	_ = 	snop  }
0x3c: {  	p2 =	seq.s32 s10, $0x1;
	s10 =	sld [smem:$0x3FB6]  }
0x3d: {  	_ =	shalt  }
0x3e: {  	_ =	shalt  }
0x3f: {  	_ =	shalt  }
0x40: {  	_ =	shalt  }
0x41: {  	_ =	shalt  }
0x42: {  	_ =	shalt  }
0x43: {  	_ =	shalt  }
0x44: {  	_ =	shalt  }
0x45: {  	_ =	shalt  }
0x46: {  	_ =	shalt  }
0x47: {  	_ =	shalt  }
0x48: {  	_ =	shalt  }
0x49: {  	_ =	shalt  }
0x4a: {  	_ =	shalt  }
0x4b: {  	_ =	shalt  }
0x4c: {  	_ =	shalt  }
0x4d: {  	_ =	shalt  }
0x4e: {  	_ =	shalt  }
0x4f: {  	_ =	shalt  }
0x50: {  	_ =	shalt  }
0x51: {  	_ =	shalt  }
0x52: {  	_ =	shalt  }
0x53: {  	_ =	shalt  }
0x54: {  	_ =	shalt  }
0x55: {  	_ =	shalt  }
0x56: {  	_ =	shalt  }
0x57: {  	_ =	shalt  }
0x58: {  	_ =	shalt  }
0x59: {  	_ =	shalt  }
0x5a: {  	_ =	shalt  }
0x5b: {  	_ =	shalt  }
0x5c: {  	_ =	shalt  }
0x5d: {  	_ =	shalt  }
0x5e: {  	_ =	shalt  }
0x5f: {  	_ =	shalt  }
0x60: {  	_ =	shalt  }
0x61: {  	_ =	shalt  }
0x62: {  	_ =	shalt  }
0x63: {  	_ =	shalt  }
0x64: {  	_ =	shalt  }
0x65: {  	_ =	shalt  }
0x66: {  	_ =	shalt  }
0x67: {  	_ =	shalt  }
0x68: {  	_ =	shalt  }
0x69: {  	_ =	shalt  }
0x6a: {  	_ =	shalt  }
0x6b: {  	_ =	shalt  }
0x6c: {  	_ =	shalt  }
0x6d: {  	_ =	shalt  }
0x6e: {  	_ =	shalt  }
0x6f: {  	_ =	shalt  }
0x70: {  	_ =	shalt  }
0x71: {  	_ =	shalt  }
0x72: {  	_ =	shalt  }
0x73: {  	_ =	shalt  }
0x74: {  	_ =	shalt  }
0x75: {  	_ =	shalt  }
0x76: {  	_ =	shalt  }
0x77: {  	_ =	shalt  }
0x78: {  	_ =	shalt  }
0x79: {  	_ =	shalt  }
0x7a: {  	_ =	shalt  }
0x7b: {  	_ =	shalt  }
0x7c: {  	_ =	shalt  }
0x7d: {  	_ =	shalt  }
0x7e: {  	_ =	shalt  }
0x7f: {  	_ =	shalt  }
0x80: {  	_ =	shalt  }
0x81: {  	_ =	shalt  }
0x82: {  	_ =	shalt  }
0x83: {  	_ =	shalt  }
0x84: {  	_ =	shalt  }
0x85: {  	_ =	shalt  }
0x86: {  	_ =	shalt  }
0x87: {  	_ =	shalt  }
.Lfunc_end0:
.L_simem_size_0:
called_computation_lowered:
.L_overlay_start_0:
0x88: {  	s2 =	sld [smem:$0x3FD9]  }
0x89: {  	s3 =	sld [smem:$0x3FFE];
	_ =	sdelay $0x1  }
0x8a: {  	s1 =	srdreg.scid  }
0x8b: {  	s0 =	sand.u32 $0x1, s1  }
0x8c: {  	s14 =	sshll.u32 s0, $0xA;
	s2 =	sadd.s32 s3, s2  }
0x8d: {  	s2 =	sadd.s32 s2, s14  }
0x8e: {  	[smem:$0x3FC2] =	sst s2  }
0x8f: {  	_ = 	snop  }
0x90: {  	s2 =	sld [smem:$0x3FD0];
	_ =	sdelay $0x2  }
0x91: {  	s4 =	simm.s32 $0xA;
	s5 =	simm.s32 $0x10;
	s15 =	sld [smem:$0x3FC9]  }
0x92: {  	[smem:s5], [sflag:s4] =	dma.local [hbm:s2], $0x1  }
0x93: {  	_ =	swait.eq [sflag:s4], $0x1  }
0x94: {  	[sflag:s4] =	ssyncset.done $0x0  }
0x95: {  	s16 =	sld [smem:$0x10];
	[sflag:s4] =	ssyncadd.s32 $0xFFFFFFFF  }
0x96: {  	s17 =	sld [smem:$0x11];
	(tm) =	ssettm $0x1  }
0x97: {  	s18 =	sld [smem:$0x3FFB];
	_ =	sdelay $0x3  }
0x98: {  	_ =	strace s18  }
0x99: {  	s5 =	sld [smem:$0x3FFC];
	_ =	sdelay $0x3  }
0x9a: {  	_ =	strace s5  }
0x9b: {  	s5 =	sld [smem:$0x3FFD];
	_ =	sdelay $0x3  }
0x9c: {  	_ =	strace s5  }
0x9d: {  	_ =	strace $0x8FFFFFFF  }
0x9e: {  	s19 =	sld [smem:$0x3FDB];
	_ =	sdelay $0x1  }
0x9f: {  	s6 =	simm.s32 $_scs_section_size  }
0xa0: {  	s7 =	simm.s32 $_size__tile_overlayer_lowered;
	s8 =	simm.s32 $_tile_overlayer_lowered  }
0xa1: {  	s22 =	simm.s32 $0x1BFF;
	s21 =	sshll.u32 s8, $0x1;
	s5 =	sadd.s32 s6, s19  }
0xa2: {  	s9 =	simm.s32 $0x0;
	s20 =	sshll.u32 s7, $0x1;
	s7 =	sadd.s32 s21, s5  }
0xa3: {  	[timem:s9], [sflag:s22] =	dma.local [hbm:s7], s20  }
0xa4: {  	_ =	swait.ge [sflag:s22], s20  }
0xa5: {  	s6 =	ssub.s32 $0x0, s20;
	[sflag:s22] =	ssyncset.done $0x0  }
0xa6: {  	[sflag:s22] =	ssyncadd.s32 s6;
	_ =	sdelay $0x1  }
0xa7: {  	s23 =	simm.s32 $0x1B8B  }
0xa8: {  	_ =	swait.ge [sflag:s23], $0x1  }
0xa9: {  	[sflag:s23] =	ssyncset.done $0x0  }
0xaa: {  	s25 =	simm.s32 $0x1B8E;
	s24 =	sld [smem:$0x3FFE];
	[sflag:s23] =	ssyncadd.s32 $0xFFFFFFFF  }
0xab: {  	s26 =	simm.s32 $execute0_lowered;
	[smem:$0x3FD2] =	sst s25  }
0xac: {  	s7 =	sshll.u32 s26, $0x1;
	_ =	strace $0x80000046;
	[dreg:$0x1] =	wrdreg $0xFFFFFFFF  }
0xad: {  	s28 =	simm.s32 $_size_execute0_lowered;
	s5 =	sadd.s32 s5, s7;
	[dreg:$0x0] =	wrdreg $0x0  }
0xae: {  	s7 =	sshll.u32 s28, $0x1;
	[dreg:$0x2] =	wrdreg s5  }
0xaf: {  	[dreg:$0x3] =	wrdreg s7  }
0xb0: {  	[dreg:$0x4] =	wrdreg $0xC0  }
0xb1: {  	_ =	task [dreg:s9], $0x5FFFF  }
0xb2: {  	[dreg:$0x1] =	wrdreg $0xFFFFFFFF  }
0xb3: {  	[dreg:$0x0] =	wrdreg $0x60  }
0xb4: {  	[dreg:$0x2] =	wrdreg s15  }
0xb5: {  	[dreg:$0x3] =	wrdreg s24  }
0xb6: {  	[dreg:$0x4] =	wrdreg s16  }
0xb7: {  	[dreg:$0x5] =	wrdreg s17  }
0xb8: {  	[dreg:$0x6] =	wrdreg $0xA8000  }
0xb9: {  	[dreg:$0x7] =	wrdreg $0x9  }
0xba: {  	_ =	task.clear_ibuf [dreg:s9], $0x8FFFF;
	_ =	strace $0x90000046  }
0xbb: {  	s29 =	simm.s32 $0x9;
	_ =	strace $0x80000048  }
0xbc: {  	_ =	swait.ge [sflag:s29], $0x1  }
0xbd: {  	[sflag:s29] =	ssyncadd.s32 $0xFFFFFFFF  }
0xbe: {  	_ =	strace $0x90000048  }
0xbf: {  	_ =	sfence  }
0xc0: {  	s30 =	sld [smem:$0x0];
	_ =	sdelay $0x2  }
0xc1: {  	s31 =	sshll.u32 s1, $0xD;
	s1 =	sshrl.u32 s1, $0x2  }
0xc2: {  	s3 =	sand.u32 $0x4000, s31;
	s1 =	sadd.s32 s1, s30  }
0xc3: {  	s0 =	sor.u32 s3, s0;
	s1 =	sshll.u32 s1, $0x11  }
0xc4: {  	s0 =	sor.u32 s1, s0  }
0xc5: {  	s0 =	sadd.s32 $0x8F2B, s0  }
0xc6: {  	[sflag:s0] =	ssyncadd.remote.s32 $0x1  }
0xc7: {  	_ =	sfence.sel $0xFFFF  }
0xc8: {  	[dreg:$0x0] =	wrdreg $0xFFFFFFFF;
	(pc) =	sbr.abs _section_cstart, $3  }
0xc9: {  	[dreg:$0x1] =	wrdreg $0xFFFFFFFF  }
0xca: {  	_ =	task.clear_ibuf [dreg:s9], $0x2FFFF;
	_ =	strace $0x9FFFFFFF  }
0xcb: {  	(tm) =	ssettm $0x7FFFFFFF  }
tec
execute0_lowered:
.L_overlay_start_1:
0x0: {  	(tag) =	ssettag $0x1  }
0x1: {  	s0 =	rddreg [dreg:$0x0]  }
0x2: {  	s1 =	rddreg [dreg:$0x1];
	s2 =	srdreg.scid  }
0x3: {  	s5 =	rddreg [dreg:$0x4];
	s9 =	stileid.u32;
	s6 =	simm.s32 $0x0  }
0x4: {  	s12 =	simm.s32 $0x9;
	s13 =	simm.s32 $0x800;
	s14 =	simm.s32 $0x400  }
0x5: {  	s21 =	simm.s32 $0x80;
	s22 =	simm.s32 $0x100;
	s23 =	simm.s32 $0x180  }
0x6: {  	s24 =	simm.s32 $0x200;
	s25 =	simm.s32 $0x280;
	s26 =	simm.s32 $0x300  }
0x7: {  	s28 =	simm.s32 $0x3000;
	s29 =	simm.s32 $0x5800;
	s30 =	simm.s32 $0x1  }
0x8: {  	s31 =	simm.s32 $0x8000;
	s11 =	simm.s32 $0x0;
	s2 =	sand.u32 $0x1, s2  }
0x9: {  	s4 =	smul.u32 $0x14000, s9;
	[smem:$0x7FF] =	sst s6;
	s7 =	sshll.u32 s9, $0xC  }
0xa: {  	s8 =	smul.u32 $0x50000, s9;
	_ =	strace $0x80000047;
	[dreg:$0x7] =	wrdreg s21  }
0xb: {  	s18 =	sshll.u32 s9, $0x6;
	s3 =	smul.u32 $0x140000, s2;
	[dreg:$0x8] =	wrdreg s22  }
0xc: {  	s15 =	ssub.s32 $0x2, s2;
	s7 =	sadd.s32 s7, s1;
	[dreg:$0x9] =	wrdreg s23  }
0xd: {  	p0 =	seq.s32 s2, $0x1;
	s21 =	simm.s32 $0x6;
	[dreg:$0xa] =	wrdreg s24  }
0xe: {  	s22 =	simm.s32 $0x680;
	s23 =	simm.s32 $0x7;
	[dreg:$0xb] =	wrdreg s25  }
0xf: {  	s24 =	simm.s32 $0x700;
	[dreg:$0xc] =	wrdreg s26;
	s25 =	simm.s32 $0x8  }
0x10: {  	s26 =	simm.s32 $0x780;
	s2 =	simm.s32 $0x2;
	s16 =	sshrl.u32 s15, $0x1  }
0x11: {  	s17 =	sshrl.u32 s8, $0x2;
	s8 =	sor.u32 $0x1C09, s18;
	s20 =	sadd.s32 $0x1A00, s7  }
0x12: {  	s10 =	sadd.s32 $0x11A00, s7;
	s18 =	simm.s32 $0x580;
	s3 =	sadd.s32 s4, s3  }
0x13: {  	s4 =	sadd.s32 s17, s5;
	[dreg:$0x6] =	wrdreg s20;
	s17 =	simm.s32 $0x500  }
0x14: {  	s20 =	simm.s32 $0x600;
	[dreg:$0xd] =	wrdreg s8;
	s3 =	sshrl.u32 s3, $0x3  }
.Ltmp0:
0x15: {  	s9 =	sshrl.u32 s4, $0x3;
	s4 =	simm.s32 $0x4;
	(pc) =	sbr.rel .LBB2_1-.Ltmp0, $4  }
0x16: {  	s1 =	sadd.s32 s3, s1;
	s3 =	ssub.s32 s15, s16;
	s15 =	simm.s32 $0x50  }
0x17: {  	s16 =	simm.s32 $0x480;
	[dreg:$0x10] =	wrdreg s9;
	s1 =	sadd.s32 $0x21A00, s1  }
0x18: {  	s19 =	smax.u32 s3, $0x1;
	s3 =	simm.s32 $0x3;
	[dreg:$0xe] =	wrdreg s1  }
0x19: {  	[dreg:$0xf] =	wrdreg s19;
	s19 =	simm.s32 $0x5;
	s1 =	simm.s32 $0x380  }
.LBB2_7:
0x1a: {  	s7 =	sadd.s32 s9, s10;
	[sflag:s25] =	ssyncadd.s32 $0xFFFFD800  }
0x1b: {  	[tilespmem:s14], [sflag:$0x9] =	stream.linear.gather [hbm4b:s7+s6], $0x400, $0x38;
	[tilespmem:$0x1E800] =	vst v63  }
0x1c: {  	_ =	swait.ge [sflag:s12], $0x400  }
0x1d: {  	[sflag:s12] =	ssyncset.done $0x0  }
0x1e: {  	[sflag:s12] =	ssyncadd.s32 $0xFFFFFC00  }
0x1f: {  	[spmem:s5] =	stream.indirect.scatter.add.f32 [tilespmem:s13], [sflag:$0x5], $0x80, s14, s15, $0xb8;
	[tilespmem:$0x1E800] =	vst v63  }
0x20: {  	_ = 	snop  }
0x21: {  	[spmem:s5] =	stream.indirect.scatter.add.f32 [tilespmem:s13], [sflag:$0x6], $0x80, s16, s15, $0xb8;
	[tilespmem:$0x1E800] =	vst v63  }
0x22: {  	_ = 	snop  }
0x23: {  	[spmem:s5] =	stream.indirect.scatter.add.f32 [tilespmem:s13], [sflag:$0x7], $0x80, s17, s15, $0xb8;
	[tilespmem:$0x1E800] =	vst v63  }
0x24: {  	_ = 	snop  }
0x25: {  	[spmem:s5] =	stream.indirect.scatter.add.f32 [tilespmem:s13], [sflag:$0x8], $0x80, s18, s15, $0xb8;
	[tilespmem:$0x1E800] =	vst v63  }
0x26: {  	_ =	swait.ge [sflag:s19], $0x2800  }
0x27: {  	[sflag:s19] =	ssyncset.done $0x0  }
0x28: {  	[sflag:s19] =	ssyncadd.s32 $0xFFFFD800  }
0x29: {  	[spmem:s5] =	stream.indirect.scatter.add.f32 [tilespmem:s13], [sflag:$0x5], $0x80, s20, s15, $0xb8;
	[tilespmem:$0x1E800] =	vst v63  }
0x2a: {  	_ =	swait.ge [sflag:s21], $0x2800  }
0x2b: {  	[sflag:s21] =	ssyncset.done $0x0  }
0x2c: {  	[sflag:s21] =	ssyncadd.s32 $0xFFFFD800  }
0x2d: {  	[spmem:s5] =	stream.indirect.scatter.add.f32 [tilespmem:s13], [sflag:$0x6], $0x80, s22, s15, $0xb8;
	[tilespmem:$0x1E800] =	vst v63  }
0x2e: {  	_ =	swait.ge [sflag:s23], $0x2800  }
0x2f: {  	[sflag:s23] =	ssyncset.done $0x0  }
0x30: {  	[sflag:s23] =	ssyncadd.s32 $0xFFFFD800  }
0x31: {  	[spmem:s5] =	stream.indirect.scatter.add.f32 [tilespmem:s13], [sflag:$0x7], $0x80, s24, s15, $0xb8;
	[tilespmem:$0x1E800] =	vst v63  }
0x32: {  	_ =	swait.ge [sflag:s25], $0x2800  }
0x33: {  	[sflag:s25] =	ssyncset.done $0x0  }
0x34: {  	[sflag:s25] =	ssyncadd.s32 $0xFFFFD800  }
0x35: {  	[spmem:s5] =	stream.indirect.scatter.add.f32 [tilespmem:s13], [sflag:$0x8], $0x80, s26, s15, $0xb8;
	[tilespmem:$0x1E800] =	vst v63  }
0x36: {  	_ =	swait.ge [sflag:s19], $0x2800  }
0x37: {  	[sflag:s19] =	ssyncset.done $0x0  }
0x38: {  	[sflag:s19] =	ssyncadd.s32 $0xFFFFD800  }
0x39: {  	_ =	swait.ge [sflag:s21], $0x2800  }
0x3a: {  	[sflag:s21] =	ssyncset.done $0x0  }
0x3b: {  	[sflag:s21] =	ssyncadd.s32 $0xFFFFD800  }
0x3c: {  	_ =	swait.ge [sflag:s23], $0x2800  }
0x3d: {  	[sflag:s23] =	ssyncset.done $0x0  }
0x3e: {  	[sflag:s23] =	ssyncadd.s32 $0xFFFFD800  }
0x3f: {  	_ =	swait.ge [sflag:s25], $0x2800  }
0x40: {  	[sflag:s25] =	ssyncset.done $0x0;
	s8 =	rddreg [dreg:$0xd]  }
0x41: {  	s11 =	rddreg [dreg:$0x11];
	[sflag:s25] =	ssyncadd.s32 $0xFFFFD800  }
.LBB2_8:
0x42: {  	[bflag:$0x0] =	sbarrier.arrive $0xFFFF  }
0x43: {  	s7 =	rddreg [dreg:$0xe]  }
0x44: {  	s9 =	rddreg [dreg:$0x10]  }
0x45: {  	[hbm:s7], [sflag:s8] =	dma.local [spmem:s9], $0x2800  }
0x46: {  	_ =	swait.ge [sflag:s12], $0x2800  }
0x47: {  	s11 =	sadd.s32 $0x1, s11;
	s7 =	rddreg [dreg:$0xf]  }
0x48: {  	p1 =	sne.s32 s11, s7  }
.Ltmp1:
0x49: {  	_ = 	snop;
	(pc) =	sbr.rel @!p1 .LBB2_9-.Ltmp1, $3  }
0x4a: {  	_ =	sdelay $0x1  }
0x4b: {  	[sflag:s12] =	ssyncset.done $0x0  }
0x4c: {  	[sflag:s12] =	ssyncadd.s32 $0xFFFFD800  }
.LBB2_1:
0x4d: {  	[dreg:$0x11] =	wrdreg s11  }
0x4e: {  	s7 =	rddreg [dreg:$0x2]  }
0x4f: {  	[spmem:s9], [sflag:s8] =	dma.local [hbm:s7], $0x2800  }
.Ltmp2:
0x50: {  	_ =	swait.ge [sflag:s12], $0x2800;
	(pc) =	sbr.rel @!p0 .LBB2_2-.Ltmp2, $3  }
0x51: {  	[sflag:s12] =	ssyncset.done $0x0  }
0x52: {  	[sflag:s12] =	ssyncadd.s32 $0xFFFFD800  }
0x53: {  	[bflag:$0x0] =	sbarrier.arrive $0xFFFF;
	_ =	sdelay $0x1  }
0x54: {  	s7 =	simm.s32 $0x0;
	s8 =	rddreg [dreg:$0x3]  }
0x55: {  	[tilespmem:s13], [sflag:$0x9] =	stream.linear.gather [hbm4b:s8+s7], $0x2800, $0x38;
	[tilespmem:$0x1E800] =	vst v63  }
0x56: {  	_ =	swait.ge [sflag:s12], $0x2800  }
0x57: {  	[sflag:s12] =	ssyncset.done $0x0  }
0x58: {  	s11 =	sadd.s32 $0x0, s10;
	[sflag:s12] =	ssyncadd.s32 $0xFFFFD800  }
0x59: {  	[tilespmem:s14], [sflag:$0x9] =	stream.linear.gather [hbm4b:s11+s6], $0x400, $0x38;
	[tilespmem:$0x1E800] =	vst v63  }
0x5a: {  	_ =	swait.ge [sflag:s12], $0x400  }
0x5b: {  	[sflag:s12] =	ssyncset.done $0x0  }
0x5c: {  	[sflag:s12] =	ssyncadd.s32 $0xFFFFFC00  }
0x5d: {  	[spmem:s5] =	stream.indirect.scatter.add.f32 [tilespmem:s13], [sflag:$0x5], $0x80, s14, s15, $0xb8;
	[tilespmem:$0x1E800] =	vst v63  }
0x5e: {  	_ = 	snop  }
0x5f: {  	[spmem:s5] =	stream.indirect.scatter.add.f32 [tilespmem:s13], [sflag:$0x6], $0x80, s16, s15, $0xb8;
	[tilespmem:$0x1E800] =	vst v63  }
0x60: {  	_ = 	snop  }
0x61: {  	[spmem:s5] =	stream.indirect.scatter.add.f32 [tilespmem:s13], [sflag:$0x7], $0x80, s17, s15, $0xb8;
	[tilespmem:$0x1E800] =	vst v63  }
0x62: {  	_ = 	snop  }
0x63: {  	[spmem:s5] =	stream.indirect.scatter.add.f32 [tilespmem:s13], [sflag:$0x8], $0x80, s18, s15, $0xb8;
	[tilespmem:$0x1E800] =	vst v63  }
0x64: {  	_ =	swait.ge [sflag:s19], $0x2800  }
0x65: {  	[sflag:s19] =	ssyncset.done $0x0  }
0x66: {  	[sflag:s19] =	ssyncadd.s32 $0xFFFFD800  }
0x67: {  	[spmem:s5] =	stream.indirect.scatter.add.f32 [tilespmem:s13], [sflag:$0x5], $0x80, s20, s15, $0xb8;
	[tilespmem:$0x1E800] =	vst v63  }
0x68: {  	_ =	swait.ge [sflag:s21], $0x2800  }
0x69: {  	[sflag:s21] =	ssyncset.done $0x0  }
0x6a: {  	[sflag:s21] =	ssyncadd.s32 $0xFFFFD800  }
0x6b: {  	[spmem:s5] =	stream.indirect.scatter.add.f32 [tilespmem:s13], [sflag:$0x6], $0x80, s22, s15, $0xb8;
	[tilespmem:$0x1E800] =	vst v63  }
0x6c: {  	_ =	swait.ge [sflag:s23], $0x2800  }
0x6d: {  	[sflag:s23] =	ssyncset.done $0x0  }
0x6e: {  	[sflag:s23] =	ssyncadd.s32 $0xFFFFD800  }
0x6f: {  	[spmem:s5] =	stream.indirect.scatter.add.f32 [tilespmem:s13], [sflag:$0x7], $0x80, s24, s15, $0xb8;
	[tilespmem:$0x1E800] =	vst v63  }
0x70: {  	_ =	swait.ge [sflag:s25], $0x2800  }
0x71: {  	[sflag:s25] =	ssyncset.done $0x0  }
0x72: {  	[sflag:s25] =	ssyncadd.s32 $0xFFFFD800  }
0x73: {  	[spmem:s5] =	stream.indirect.scatter.add.f32 [tilespmem:s13], [sflag:$0x8], $0x80, s26, s15, $0xb8;
	[tilespmem:$0x1E800] =	vst v63  }
0x74: {  	_ =	swait.ge [sflag:s19], $0x2800  }
0x75: {  	[sflag:s19] =	ssyncset.done $0x0  }
0x76: {  	[sflag:s19] =	ssyncadd.s32 $0xFFFFD800  }
0x77: {  	_ =	swait.ge [sflag:s21], $0x2800  }
0x78: {  	[sflag:s21] =	ssyncset.done $0x0  }
0x79: {  	[sflag:s21] =	ssyncadd.s32 $0xFFFFD800  }
0x7a: {  	_ =	swait.ge [sflag:s23], $0x2800  }
0x7b: {  	[sflag:s23] =	ssyncset.done $0x0  }
0x7c: {  	[sflag:s23] =	ssyncadd.s32 $0xFFFFD800  }
0x7d: {  	_ =	swait.ge [sflag:s25], $0x2800  }
0x7e: {  	s9 =	simm.s32 $0x80;
	s7 =	simm.s32 $0x100;
	[sflag:s25] =	ssyncset.done $0x0  }
.LBB2_6:
0x7f: {  	s8 =	sadd.s32 s9, s10  }
0x80: {  	[sflag:s25] =	ssyncadd.s32 $0xFFFFD800;
	s9 =	smov.u32 s7;
	s11 =	sadd.s32 $0x80, s7  }
0x81: {  	[tilespmem:s14], [sflag:$0x9] =	stream.linear.gather [hbm4b:s8+s6], $0x400, $0x38;
	[tilespmem:$0x1E800] =	vst v63  }
0x82: {  	p1 =	sne.s32 s7, $0xF80;
	_ =	swait.ge [sflag:s12], $0x400  }
0x83: {  	[sflag:s12] =	ssyncset.done $0x0  }
0x84: {  	[sflag:s12] =	ssyncadd.s32 $0xFFFFFC00  }
0x85: {  	[spmem:s5] =	stream.indirect.scatter.add.f32 [tilespmem:s13], [sflag:$0x5], $0x80, s14, s15, $0xb8;
	[tilespmem:$0x1E800] =	vst v63  }
0x86: {  	_ = 	snop  }
0x87: {  	[spmem:s5] =	stream.indirect.scatter.add.f32 [tilespmem:s13], [sflag:$0x6], $0x80, s16, s15, $0xb8;
	[tilespmem:$0x1E800] =	vst v63  }
0x88: {  	_ = 	snop  }
0x89: {  	[spmem:s5] =	stream.indirect.scatter.add.f32 [tilespmem:s13], [sflag:$0x7], $0x80, s17, s15, $0xb8;
	[tilespmem:$0x1E800] =	vst v63  }
0x8a: {  	_ = 	snop  }
0x8b: {  	[spmem:s5] =	stream.indirect.scatter.add.f32 [tilespmem:s13], [sflag:$0x8], $0x80, s18, s15, $0xb8;
	[tilespmem:$0x1E800] =	vst v63  }
0x8c: {  	_ =	swait.ge [sflag:s19], $0x2800  }
0x8d: {  	[sflag:s19] =	ssyncset.done $0x0  }
0x8e: {  	[sflag:s19] =	ssyncadd.s32 $0xFFFFD800  }
0x8f: {  	[spmem:s5] =	stream.indirect.scatter.add.f32 [tilespmem:s13], [sflag:$0x5], $0x80, s20, s15, $0xb8;
	[tilespmem:$0x1E800] =	vst v63  }
0x90: {  	_ =	swait.ge [sflag:s21], $0x2800  }
0x91: {  	[sflag:s21] =	ssyncset.done $0x0  }
0x92: {  	[sflag:s21] =	ssyncadd.s32 $0xFFFFD800  }
0x93: {  	[spmem:s5] =	stream.indirect.scatter.add.f32 [tilespmem:s13], [sflag:$0x6], $0x80, s22, s15, $0xb8;
	[tilespmem:$0x1E800] =	vst v63  }
0x94: {  	_ =	swait.ge [sflag:s23], $0x2800  }
0x95: {  	[sflag:s23] =	ssyncset.done $0x0  }
0x96: {  	[sflag:s23] =	ssyncadd.s32 $0xFFFFD800  }
0x97: {  	[spmem:s5] =	stream.indirect.scatter.add.f32 [tilespmem:s13], [sflag:$0x7], $0x80, s24, s15, $0xb8;
	[tilespmem:$0x1E800] =	vst v63  }
0x98: {  	_ =	swait.ge [sflag:s25], $0x2800  }
0x99: {  	[sflag:s25] =	ssyncset.done $0x0  }
0x9a: {  	[sflag:s25] =	ssyncadd.s32 $0xFFFFD800  }
0x9b: {  	[spmem:s5] =	stream.indirect.scatter.add.f32 [tilespmem:s13], [sflag:$0x8], $0x80, s26, s15, $0xb8;
	[tilespmem:$0x1E800] =	vst v63  }
0x9c: {  	_ =	swait.ge [sflag:s19], $0x2800  }
0x9d: {  	[sflag:s19] =	ssyncset.done $0x0  }
0x9e: {  	[sflag:s19] =	ssyncadd.s32 $0xFFFFD800  }
0x9f: {  	_ =	swait.ge [sflag:s21], $0x2800  }
0xa0: {  	[sflag:s21] =	ssyncset.done $0x0  }
0xa1: {  	[sflag:s21] =	ssyncadd.s32 $0xFFFFD800  }
.Ltmp3:
0xa2: {  	_ =	swait.ge [sflag:s23], $0x2800;
	(pc) =	sbr.rel @p1 .LBB2_6-.Ltmp3, $4  }
0xa3: {  	[sflag:s23] =	ssyncset.done $0x0  }
0xa4: {  	[sflag:s23] =	ssyncadd.s32 $0xFFFFD800  }
0xa5: {  	_ =	swait.ge [sflag:s25], $0x2800  }
0xa6: {  	s7 =	smov.u32 s11;
	[sflag:s25] =	ssyncset.done $0x0  }
.Ltmp4:
0xa7: {  	_ = 	snop;
	(pc) =	sbr.rel .LBB2_7-.Ltmp4, $1  }
0xa8: {  	_ =	sdelay $0x3  }
.LBB2_2:
0xa9: {  	s7 =	rddreg [dreg:$0x6]  }
0xaa: {  	s7 =	sadd.s32 $0x0, s7  }
0xab: {  	[tilespmem:s6], [sflag:$0x9] =	stream.linear.gather [hbm4b:s7+s6], $0x400, $0x38;
	[tilespmem:$0x1E800] =	vst v63  }
0xac: {  	_ =	swait.ge [sflag:s12], $0x400  }
0xad: {  	[sflag:s12] =	ssyncset.done $0x0  }
0xae: {  	s9 =	sadd.s32 $0x0, s10;
	[sflag:s12] =	ssyncadd.s32 $0xFFFFFC00  }
0xaf: {  	[tilespmem:s14], [sflag:$0x9] =	stream.linear.gather [hbm4b:s9+s6], $0x400, $0x38;
	[tilespmem:$0x1E800] =	vst v63  }
0xb0: {  	_ =	swait.ge [sflag:s12], $0x400  }
0xb1: {  	[sflag:s12] =	ssyncset.done $0x0  }
0xb2: {  	[sflag:s12] =	ssyncadd.s32 $0xFFFFFC00  }
0xb3: {  	[tilespmem:s13], [sflag:$0x1] =	stream.indirect.gather [hbm4b:s0+s15], $0x80, s6, s15, $0xb8;
	[tilespmem:$0x1E800] =	vst v63  }
0xb4: {  	s11 =	rddreg [dreg:$0x7]  }
0xb5: {  	[tilespmem:s28], [sflag:$0x2] =	stream.indirect.gather [hbm4b:s0+s15], $0x80, s11, s15, $0xb8;
	[tilespmem:$0x1E800] =	vst v63  }
0xb6: {  	s9 =	rddreg [dreg:$0x8]  }
0xb7: {  	[tilespmem:s29], [sflag:$0x3] =	stream.indirect.gather [hbm4b:s0+s15], $0x80, s9, s15, $0xb8;
	[tilespmem:$0x1E800] =	vst v63  }
0xb8: {  	_ =	swait.ge [sflag:s30], $0x2800  }
0xb9: {  	[sflag:s30] =	ssyncset.done $0x0  }
0xba: {  	[sflag:s30] =	ssyncadd.s32 $0xFFFFD800  }
0xbb: {  	[spmem:s5] =	stream.indirect.scatter.add.f32 [tilespmem:s13], [sflag:$0x5], $0x80, s14, s15, $0xb8;
	[tilespmem:$0x1E800] =	vst v63  }
0xbc: {  	s9 =	rddreg [dreg:$0x9]  }
0xbd: {  	[tilespmem:s31], [sflag:$0x4] =	stream.indirect.gather [hbm4b:s0+s15], $0x80, s9, s15, $0xb8;
	[tilespmem:$0x1E800] =	vst v63  }
0xbe: {  	_ =	swait.ge [sflag:s2], $0x2800  }
0xbf: {  	[sflag:s2] =	ssyncset.done $0x0  }
0xc0: {  	[sflag:s2] =	ssyncadd.s32 $0xFFFFD800  }
0xc1: {  	[spmem:s5] =	stream.indirect.scatter.add.f32 [tilespmem:s28], [sflag:$0x6], $0x80, s16, s15, $0xb8;
	[tilespmem:$0x1E800] =	vst v63  }
0xc2: {  	_ =	swait.ge [sflag:s19], $0x2800  }
0xc3: {  	[sflag:s19] =	ssyncset.done $0x0  }
0xc4: {  	s11 =	rddreg [dreg:$0xa];
	[sflag:s19] =	ssyncadd.s32 $0xFFFFD800  }
0xc5: {  	[tilespmem:s13], [sflag:$0x1] =	stream.indirect.gather [hbm4b:s0+s15], $0x80, s11, s15, $0xb8;
	[tilespmem:$0x1E800] =	vst v63  }
0xc6: {  	_ =	swait.ge [sflag:s3], $0x2800  }
0xc7: {  	[sflag:s3] =	ssyncset.done $0x0  }
0xc8: {  	[sflag:s3] =	ssyncadd.s32 $0xFFFFD800  }
0xc9: {  	[spmem:s5] =	stream.indirect.scatter.add.f32 [tilespmem:s29], [sflag:$0x7], $0x80, s17, s15, $0xb8;
	[tilespmem:$0x1E800] =	vst v63  }
0xca: {  	_ =	swait.ge [sflag:s21], $0x2800  }
0xcb: {  	[sflag:s21] =	ssyncset.done $0x0  }
0xcc: {  	s9 =	rddreg [dreg:$0xb];
	[sflag:s21] =	ssyncadd.s32 $0xFFFFD800  }
0xcd: {  	[tilespmem:s28], [sflag:$0x2] =	stream.indirect.gather [hbm4b:s0+s15], $0x80, s9, s15, $0xb8;
	[tilespmem:$0x1E800] =	vst v63  }
0xce: {  	_ =	swait.ge [sflag:s4], $0x2800  }
0xcf: {  	[sflag:s4] =	ssyncset.done $0x0  }
0xd0: {  	[sflag:s4] =	ssyncadd.s32 $0xFFFFD800  }
0xd1: {  	[spmem:s5] =	stream.indirect.scatter.add.f32 [tilespmem:s31], [sflag:$0x8], $0x80, s18, s15, $0xb8;
	[tilespmem:$0x1E800] =	vst v63  }
0xd2: {  	_ =	swait.ge [sflag:s23], $0x2800  }
0xd3: {  	[sflag:s23] =	ssyncset.done $0x0  }
0xd4: {  	s11 =	rddreg [dreg:$0xc];
	[sflag:s23] =	ssyncadd.s32 $0xFFFFD800  }
0xd5: {  	[tilespmem:s29], [sflag:$0x3] =	stream.indirect.gather [hbm4b:s0+s15], $0x80, s11, s15, $0xb8;
	[tilespmem:$0x1E800] =	vst v63  }
0xd6: {  	_ =	swait.ge [sflag:s30], $0x2800  }
0xd7: {  	[sflag:s30] =	ssyncset.done $0x0  }
0xd8: {  	[sflag:s30] =	ssyncadd.s32 $0xFFFFD800  }
0xd9: {  	[spmem:s5] =	stream.indirect.scatter.add.f32 [tilespmem:s13], [sflag:$0x5], $0x80, s20, s15, $0xb8;
	[tilespmem:$0x1E800] =	vst v63  }
0xda: {  	_ =	swait.ge [sflag:s25], $0x2800  }
0xdb: {  	[sflag:s25] =	ssyncset.done $0x0  }
0xdc: {  	[sflag:s25] =	ssyncadd.s32 $0xFFFFD800  }
0xdd: {  	[tilespmem:s31], [sflag:$0x4] =	stream.indirect.gather [hbm4b:s0+s15], $0x80, s1, s15, $0xb8;
	[tilespmem:$0x1E800] =	vst v63  }
0xde: {  	_ =	swait.ge [sflag:s2], $0x2800  }
0xdf: {  	[sflag:s2] =	ssyncset.done $0x0  }
0xe0: {  	[sflag:s2] =	ssyncadd.s32 $0xFFFFD800  }
0xe1: {  	[spmem:s5] =	stream.indirect.scatter.add.f32 [tilespmem:s28], [sflag:$0x6], $0x80, s22, s15, $0xb8;
	[tilespmem:$0x1E800] =	vst v63  }
0xe2: {  	_ =	swait.ge [sflag:s3], $0x2800  }
0xe3: {  	[sflag:s3] =	ssyncset.done $0x0  }
0xe4: {  	[sflag:s3] =	ssyncadd.s32 $0xFFFFD800  }
0xe5: {  	[spmem:s5] =	stream.indirect.scatter.add.f32 [tilespmem:s29], [sflag:$0x7], $0x80, s24, s15, $0xb8;
	[tilespmem:$0x1E800] =	vst v63  }
0xe6: {  	_ =	swait.ge [sflag:s4], $0x2800  }
0xe7: {  	[sflag:s4] =	ssyncset.done $0x0  }
0xe8: {  	[sflag:s4] =	ssyncadd.s32 $0xFFFFD800  }
0xe9: {  	[spmem:s5] =	stream.indirect.scatter.add.f32 [tilespmem:s31], [sflag:$0x8], $0x80, s26, s15, $0xb8;
	[tilespmem:$0x1E800] =	vst v63  }
0xea: {  	_ =	swait.ge [sflag:s19], $0x2800  }
0xeb: {  	[sflag:s19] =	ssyncset.done $0x0  }
0xec: {  	[sflag:s19] =	ssyncadd.s32 $0xFFFFD800  }
0xed: {  	_ =	swait.ge [sflag:s21], $0x2800  }
0xee: {  	[sflag:s21] =	ssyncset.done $0x0  }
0xef: {  	[sflag:s21] =	ssyncadd.s32 $0xFFFFD800  }
0xf0: {  	_ =	swait.ge [sflag:s23], $0x2800  }
0xf1: {  	[sflag:s23] =	ssyncset.done $0x0  }
0xf2: {  	[sflag:s23] =	ssyncadd.s32 $0xFFFFD800  }
0xf3: {  	s9 =	simm.s32 $0x80;
	_ =	swait.ge [sflag:s25], $0x2800  }
.LBB2_3:
0xf4: {  	s7 =	rddreg [dreg:$0x6];
	s11 =	smov.u32 s9;
	[sflag:s25] =	ssyncset.done $0x0  }
0xf5: {  	s7 =	sadd.s32 s11, s7;
	[sflag:s25] =	ssyncadd.s32 $0xFFFFD800  }
0xf6: {  	[tilespmem:s6], [sflag:$0x9] =	stream.linear.gather [hbm4b:s7+s6], $0x400, $0x38;
	[tilespmem:$0x1E800] =	vst v63  }
0xf7: {  	_ =	swait.ge [sflag:s12], $0x400  }
0xf8: {  	[sflag:s12] =	ssyncset.done $0x0  }
0xf9: {  	s11 =	sadd.s32 s11, s10;
	[sflag:s12] =	ssyncadd.s32 $0xFFFFFC00  }
0xfa: {  	[tilespmem:s14], [sflag:$0x9] =	stream.linear.gather [hbm4b:s11+s6], $0x400, $0x38;
	[tilespmem:$0x1E800] =	vst v63  }
0xfb: {  	_ =	swait.ge [sflag:s12], $0x400  }
0xfc: {  	[sflag:s12] =	ssyncset.done $0x0  }
0xfd: {  	[sflag:s12] =	ssyncadd.s32 $0xFFFFFC00  }
0xfe: {  	[tilespmem:s13], [sflag:$0x1] =	stream.indirect.gather [hbm4b:s0+s15], $0x80, s6, s15, $0xb8;
	[tilespmem:$0x1E800] =	vst v63  }
0xff: {  	s7 =	rddreg [dreg:$0x7]  }
0x100: {  	[tilespmem:s28], [sflag:$0x2] =	stream.indirect.gather [hbm4b:s0+s15], $0x80, s7, s15, $0xb8;
	[tilespmem:$0x1E800] =	vst v63  }
0x101: {  	s11 =	rddreg [dreg:$0x8]  }
0x102: {  	[tilespmem:s29], [sflag:$0x3] =	stream.indirect.gather [hbm4b:s0+s15], $0x80, s11, s15, $0xb8;
	[tilespmem:$0x1E800] =	vst v63  }
0x103: {  	_ =	swait.ge [sflag:s30], $0x2800  }
0x104: {  	[sflag:s30] =	ssyncset.done $0x0  }
0x105: {  	[sflag:s30] =	ssyncadd.s32 $0xFFFFD800  }
0x106: {  	[spmem:s5] =	stream.indirect.scatter.add.f32 [tilespmem:s13], [sflag:$0x5], $0x80, s14, s15, $0xb8;
	[tilespmem:$0x1E800] =	vst v63  }
0x107: {  	s11 =	rddreg [dreg:$0x9]  }
0x108: {  	[tilespmem:s31], [sflag:$0x4] =	stream.indirect.gather [hbm4b:s0+s15], $0x80, s11, s15, $0xb8;
	[tilespmem:$0x1E800] =	vst v63  }
0x109: {  	_ =	swait.ge [sflag:s2], $0x2800  }
0x10a: {  	[sflag:s2] =	ssyncset.done $0x0  }
0x10b: {  	[sflag:s2] =	ssyncadd.s32 $0xFFFFD800  }
0x10c: {  	[spmem:s5] =	stream.indirect.scatter.add.f32 [tilespmem:s28], [sflag:$0x6], $0x80, s16, s15, $0xb8;
	[tilespmem:$0x1E800] =	vst v63  }
0x10d: {  	_ =	swait.ge [sflag:s19], $0x2800  }
0x10e: {  	[sflag:s19] =	ssyncset.done $0x0  }
0x10f: {  	s11 =	rddreg [dreg:$0xa];
	[sflag:s19] =	ssyncadd.s32 $0xFFFFD800  }
0x110: {  	[tilespmem:s13], [sflag:$0x1] =	stream.indirect.gather [hbm4b:s0+s15], $0x80, s11, s15, $0xb8;
	[tilespmem:$0x1E800] =	vst v63  }
0x111: {  	_ =	swait.ge [sflag:s3], $0x2800  }
0x112: {  	[sflag:s3] =	ssyncset.done $0x0  }
0x113: {  	[sflag:s3] =	ssyncadd.s32 $0xFFFFD800  }
0x114: {  	[spmem:s5] =	stream.indirect.scatter.add.f32 [tilespmem:s29], [sflag:$0x7], $0x80, s17, s15, $0xb8;
	[tilespmem:$0x1E800] =	vst v63  }
0x115: {  	_ =	swait.ge [sflag:s21], $0x2800  }
0x116: {  	[sflag:s21] =	ssyncset.done $0x0  }
0x117: {  	s11 =	rddreg [dreg:$0xb];
	[sflag:s21] =	ssyncadd.s32 $0xFFFFD800  }
0x118: {  	[tilespmem:s28], [sflag:$0x2] =	stream.indirect.gather [hbm4b:s0+s15], $0x80, s11, s15, $0xb8;
	[tilespmem:$0x1E800] =	vst v63  }
0x119: {  	_ =	swait.ge [sflag:s4], $0x2800  }
0x11a: {  	[sflag:s4] =	ssyncset.done $0x0  }
0x11b: {  	[sflag:s4] =	ssyncadd.s32 $0xFFFFD800  }
0x11c: {  	[spmem:s5] =	stream.indirect.scatter.add.f32 [tilespmem:s31], [sflag:$0x8], $0x80, s18, s15, $0xb8;
	[tilespmem:$0x1E800] =	vst v63  }
0x11d: {  	_ =	swait.ge [sflag:s23], $0x2800  }
0x11e: {  	[sflag:s23] =	ssyncset.done $0x0  }
0x11f: {  	s11 =	rddreg [dreg:$0xc];
	[sflag:s23] =	ssyncadd.s32 $0xFFFFD800  }
0x120: {  	[tilespmem:s29], [sflag:$0x3] =	stream.indirect.gather [hbm4b:s0+s15], $0x80, s11, s15, $0xb8;
	[tilespmem:$0x1E800] =	vst v63  }
0x121: {  	_ =	swait.ge [sflag:s30], $0x2800  }
0x122: {  	[sflag:s30] =	ssyncset.done $0x0  }
0x123: {  	[sflag:s30] =	ssyncadd.s32 $0xFFFFD800  }
0x124: {  	[spmem:s5] =	stream.indirect.scatter.add.f32 [tilespmem:s13], [sflag:$0x5], $0x80, s20, s15, $0xb8;
	[tilespmem:$0x1E800] =	vst v63  }
0x125: {  	_ =	swait.ge [sflag:s25], $0x2800  }
0x126: {  	[sflag:s25] =	ssyncset.done $0x0  }
0x127: {  	[sflag:s25] =	ssyncadd.s32 $0xFFFFD800  }
0x128: {  	[tilespmem:s31], [sflag:$0x4] =	stream.indirect.gather [hbm4b:s0+s15], $0x80, s1, s15, $0xb8;
	[tilespmem:$0x1E800] =	vst v63  }
0x129: {  	_ =	swait.ge [sflag:s2], $0x2800  }
0x12a: {  	[sflag:s2] =	ssyncset.done $0x0  }
0x12b: {  	[sflag:s2] =	ssyncadd.s32 $0xFFFFD800  }
0x12c: {  	[spmem:s5] =	stream.indirect.scatter.add.f32 [tilespmem:s28], [sflag:$0x6], $0x80, s22, s15, $0xb8;
	[tilespmem:$0x1E800] =	vst v63  }
0x12d: {  	_ =	swait.ge [sflag:s3], $0x2800  }
0x12e: {  	[sflag:s3] =	ssyncset.done $0x0  }
0x12f: {  	[sflag:s3] =	ssyncadd.s32 $0xFFFFD800  }
0x130: {  	[spmem:s5] =	stream.indirect.scatter.add.f32 [tilespmem:s29], [sflag:$0x7], $0x80, s24, s15, $0xb8;
	[tilespmem:$0x1E800] =	vst v63  }
0x131: {  	_ =	swait.ge [sflag:s4], $0x2800  }
0x132: {  	[sflag:s4] =	ssyncset.done $0x0  }
0x133: {  	[sflag:s4] =	ssyncadd.s32 $0xFFFFD800  }
0x134: {  	[spmem:s5] =	stream.indirect.scatter.add.f32 [tilespmem:s31], [sflag:$0x8], $0x80, s26, s15, $0xb8;
	[tilespmem:$0x1E800] =	vst v63  }
0x135: {  	_ =	swait.ge [sflag:s19], $0x2800  }
0x136: {  	[sflag:s19] =	ssyncset.done $0x0  }
0x137: {  	[sflag:s19] =	ssyncadd.s32 $0xFFFFD800  }
0x138: {  	_ =	swait.ge [sflag:s21], $0x2800  }
0x139: {  	p1 =	seq.s32 s9, $0xF80;
	[sflag:s21] =	ssyncset.done $0x0  }
.Ltmp5:
0x13a: {  	[sflag:s21] =	ssyncadd.s32 $0xFFFFD800;
	(pc) =	sbr.rel @!p1 .LBB2_3-.Ltmp5, $4  }
0x13b: {  	_ =	swait.ge [sflag:s23], $0x2800  }
0x13c: {  	[sflag:s23] =	ssyncset.done $0x0  }
0x13d: {  	[sflag:s23] =	ssyncadd.s32 $0xFFFFD800  }
0x13e: {  	s9 =	sadd.s32 $0x80, s9;
	_ =	swait.ge [sflag:s25], $0x2800  }
.Ltmp6:
0x13f: {  	(pc) =	sbr.rel .LBB2_8-.Ltmp6, $3  }
0x140: {  	_ =	sdelay $0x1  }
0x141: {  	[sflag:s25] =	ssyncset.done $0x0  }
0x142: {  	s11 =	rddreg [dreg:$0x11];
	[sflag:s25] =	ssyncadd.s32 $0xFFFFD800  }
.LBB2_9:
0x143: {  	_ =	sfence.sel $0x180000  }
0x144: {  	[bflag:$0x0] =	sbarrier.arrive $0xFFFF  }
0x145: {  	_ =	strace $0x90000047  }
0x146: {  	s0 =	stileid.u32;
	[bflag:$0x2] =	sbarrier.arrive $0xFFFF  }
0x147: {  	p0 =	sne.s32 s0, $0x0;
	s0 =	rddreg [dreg:$0x5]  }
0x148: {  	s0 =	sadd.s32 @!p0 $0x100000, s0  }
0x149: {  	[sflag:s0] =	ssyncadd.tile.s32 @!p0 $0x1;
	_ =	shalt  }
.Lfunc_end2:
_tile_overlayer_lowered:
.L_overlay_start_2:
0x14a: {  	(tag) =	ssettag $0x2  }
0x14b: {  	s0 =	rddreg [dreg:$0x0];
	s2 =	stileid.u32  }
0x14c: {  	s1 =	rddreg [dreg:$0x1];
	p0 =	sne.s32 s2, $0x0  }
0x14d: {  	s3 =	rddreg [dreg:$0x2];
	[bflag:$0x3] =	sbarrier.arrive $0xFFFF;
	s2 =	simm.s32 @!p0 $0x1C09  }
0x14e: {  	[timem:s3], [sflag:s2] =	dma.local @!p0 [hbm:s0], s1  }
0x14f: {  	s0 =	simm.s32 @!p0 $0x9  }
0x150: {  	_ =	swait.ge @!p0 [sflag:s0], s1  }
0x151: {  	s1 =	ssub.s32 @!p0 $0x0, s1;
	[sflag:s0] =	ssyncset.done @!p0 $0x0  }
0x152: {  	[sflag:s0] =	ssyncadd.s32 @!p0 s1  }
0x153: {  	[bflag:$0x3] =	sbarrier.arrive $0xFFFF  }
0x154: {  	_ =	shalt  }

// kernel: kernel.9.cloned.1.call-start
scs
__scs_entry_jumppad:
0x0: {  	(pc) =	sbr.rel $0x88, $3  }
0x1: {  	(tag) =	ssettag $0x0;
	lr =	simm.s32 $0x1  }
0x2: {  	[smem:$0x3F9B] =	sst lr;
	_ =	strace $0xD0000000  }
0x3: {  	_ = 	snop  }
0x4: {  	_ = 	snop  }
0x5: {  	_ = 	snop  }
0x6: {  	_ = 	snop  }
0x7: {  	_ = 	snop  }
__scs_overlays_trampoline_lowered:
0x8: {  	[smem:$0x3FAA] =	sst s0  }
0x9: {  	[smem:$0x3FAB] =	sst s1  }
0xa: {  	[smem:$0x3FAC] =	sst s2  }
0xb: {  	[smem:$0x3FAD] =	sst s3  }
0xc: {  	[smem:$0x3FAE] =	sst s4  }
0xd: {  	[smem:$0x3FAF] =	sst s5  }
0xe: {  	[smem:$0x3FB0] =	sst s6  }
0xf: {  	[smem:$0x3FB1] =	sst s7  }
0x10: {  	[smem:$0x3FB2] =	sst s8  }
0x11: {  	[smem:$0x3FB3] =	sst s9;
	s0 =	simm.s32 @!p0 $0x0  }
0x12: {  	s1 =	sld [smem:$0x3F99];
	s0 =	simm.s32 @p0 $0x1  }
0x13: {  	[smem:$0x3FB4] =	sst s0;
	s0 =	simm.s32 @!p1 $0x0  }
0x14: {  	s2 =	sld [smem:$0x3F98];
	s0 =	simm.s32 @p1 $0x1  }
0x15: {  	[smem:$0x3FB5] =	sst s0;
	s0 =	simm.s32 @!p2 $0x0  }
0x16: {  	s3 =	sld [smem:$0x3FDB];
	s0 =	simm.s32 @p2 $0x1  }
0x17: {  	s4 =	simm.s32 $0x1BF5;
	[smem:$0x3FB7] =	sst s0  }
0x18: {  	s0 =	sld [smem:$0x3F9A];
	_ =	swait.ge [sflag:s4], $0x0  }
0x19: {  	s7 =	sld [smem:$0x3F9B]  }
0x1a: {  	s8 =	sadd.s32 $0xFFFFE003, lr  }
0x1b: {  	s9 =	sadd.s32 $0xFFFFFEF7, lr;
	s5 =	simm.s32 $0xFFFFFFFF;
	p2 =	slt.u32 s8, $0xFFFFF086  }
0x1c: {  	p1 =	slt.u32 s9, $0xF7A;
	s5 =	simm.s32 @!p2 $0x0  }
0x1d: {  	s5 =	simm.s32 @p1 $0x1;
	p0 =	seq.s32 s7, s2  }
0x1e: {  	s7 =	smul.u32 @!p0 $0xF7A, s2;
	p2 =	seq.s32 @!p0 s5, $0x0  }
0x1f: {  	s9 =	smul.u32 $0xF7A, s1;
	s8 =	simm.s32 @!p0 $0x1BF5;
	p2 =	por !p2, p0  }
0x20: {  	[sflag:s8] =	ssyncset.s32 @!p0 $0xFFFFF086;
	s6 =	sadd.s32 @!p0 s3, s7;
	s7 =	simm.s32 @!p0 $0x108  }
0x21: {  	s3 =	sadd.s32 s3, s9;
	s6 =	sadd.s32 @!p0 $0x88, s6;
	s7 =	simm.s32 @p2 $0x1082  }
0x22: {  	[simem:s7], [sflag:s8] =	dma.local @!p0 [hbm:s6], $0xF7A  }
0x23: {  	s9 =	sor.u32 $0xD0000000, s2;
	s6 =	simm.s32 $0x108;
	_ =	swait.ge @!p0 [sflag:s8], $0x0  }
0x24: {  	s3 =	sadd.s32 $0x88, s3;
	s6 =	simm.s32 @!p1 $0x1082;
	[sflag:s4] =	ssyncset.s32 $0xFFFFF086  }
0x25: {  	[simem:s6], [sflag:s4] =	dma.local [hbm:s3], $0xF7A  }
0x26: {  	[smem:$0x3F9B] =	sst s1;
	(tag) =	ssettag s2;
	_ =	strace s9  }
0x27: {  	s1 =	sld [smem:$0x3FAB]  }
0x28: {  	s2 =	sld [smem:$0x3FAC]  }
0x29: {  	s4 =	sld [smem:$0x3FAE]  }
0x2a: {  	p0 =	seq.s32 s5, $0x0;
	s5 =	sld [smem:$0x3FAF]  }
0x2b: {  	s6 =	sld [smem:$0x3FB0]  }
0x2c: {  	s7 =	sld [smem:$0x3FB1]  }
0x2d: {  	s3 =	simm.s32 $0x108;
	s8 =	sld [smem:$0x3FB2]  }
0x2e: {  	s3 =	simm.s32 @!p0 $0x1082;
	s9 =	sld [smem:$0x3FB3]  }
0x2f: {  	lr =	sadd.s32 s0, s3;
	s0 =	sld [smem:$0x3FAA]  }
0x30: {  	s3 =	sld [smem:$0x3FAD]  }
0x31: {  	[smem:$0x3FB6] =	sst s10  }
0x32: {  	s10 =	sld [smem:$0x3FB4];
	_ =	sdelay $0x3  }
0x33: {  	p0 =	seq.s32 s10, $0x1;
	s10 =	sld [smem:$0x3FB6];
	_ =	sdelay $0x3  }
0x34: {  	[smem:$0x3FB6] =	sst s10  }
0x35: {  	s10 =	sld [smem:$0x3FB5];
	_ =	sdelay $0x3  }
0x36: {  	p1 =	seq.s32 s10, $0x1;
	s10 =	sld [smem:$0x3FB6];
	_ =	sdelay $0x3  }
0x37: {  	[smem:$0x3FB6] =	sst s10  }
0x38: {  	s10 =	sld [smem:$0x3FB7]  }
0x39: {  	_ = 	snop;
	(pc) =	sbr.ind lr, $3  }
0x3a: {  	_ = 	snop  }
0x3b: {  	_ = 	snop  }
0x3c: {  	p2 =	seq.s32 s10, $0x1;
	s10 =	sld [smem:$0x3FB6]  }
0x3d: {  	_ =	shalt  }
0x3e: {  	_ =	shalt  }
0x3f: {  	_ =	shalt  }
0x40: {  	_ =	shalt  }
0x41: {  	_ =	shalt  }
0x42: {  	_ =	shalt  }
0x43: {  	_ =	shalt  }
0x44: {  	_ =	shalt  }
0x45: {  	_ =	shalt  }
0x46: {  	_ =	shalt  }
0x47: {  	_ =	shalt  }
0x48: {  	_ =	shalt  }
0x49: {  	_ =	shalt  }
0x4a: {  	_ =	shalt  }
0x4b: {  	_ =	shalt  }
0x4c: {  	_ =	shalt  }
0x4d: {  	_ =	shalt  }
0x4e: {  	_ =	shalt  }
0x4f: {  	_ =	shalt  }
0x50: {  	_ =	shalt  }
0x51: {  	_ =	shalt  }
0x52: {  	_ =	shalt  }
0x53: {  	_ =	shalt  }
0x54: {  	_ =	shalt  }
0x55: {  	_ =	shalt  }
0x56: {  	_ =	shalt  }
0x57: {  	_ =	shalt  }
0x58: {  	_ =	shalt  }
0x59: {  	_ =	shalt  }
0x5a: {  	_ =	shalt  }
0x5b: {  	_ =	shalt  }
0x5c: {  	_ =	shalt  }
0x5d: {  	_ =	shalt  }
0x5e: {  	_ =	shalt  }
0x5f: {  	_ =	shalt  }
0x60: {  	_ =	shalt  }
0x61: {  	_ =	shalt  }
0x62: {  	_ =	shalt  }
0x63: {  	_ =	shalt  }
0x64: {  	_ =	shalt  }
0x65: {  	_ =	shalt  }
0x66: {  	_ =	shalt  }
0x67: {  	_ =	shalt  }
0x68: {  	_ =	shalt  }
0x69: {  	_ =	shalt  }
0x6a: {  	_ =	shalt  }
0x6b: {  	_ =	shalt  }
0x6c: {  	_ =	shalt  }
0x6d: {  	_ =	shalt  }
0x6e: {  	_ =	shalt  }
0x6f: {  	_ =	shalt  }
0x70: {  	_ =	shalt  }
0x71: {  	_ =	shalt  }
0x72: {  	_ =	shalt  }
0x73: {  	_ =	shalt  }
0x74: {  	_ =	shalt  }
0x75: {  	_ =	shalt  }
0x76: {  	_ =	shalt  }
0x77: {  	_ =	shalt  }
0x78: {  	_ =	shalt  }
0x79: {  	_ =	shalt  }
0x7a: {  	_ =	shalt  }
0x7b: {  	_ =	shalt  }
0x7c: {  	_ =	shalt  }
0x7d: {  	_ =	shalt  }
0x7e: {  	_ =	shalt  }
0x7f: {  	_ =	shalt  }
0x80: {  	_ =	shalt  }
0x81: {  	_ =	shalt  }
0x82: {  	_ =	shalt  }
0x83: {  	_ =	shalt  }
0x84: {  	_ =	shalt  }
0x85: {  	_ =	shalt  }
0x86: {  	_ =	shalt  }
0x87: {  	_ =	shalt  }
.Lfunc_end0:
.L_simem_size_0:
called_computation.1_lowered:
.L_overlay_start_0:
0x88: {  	s2 =	sld [smem:$0x3FD9]  }
0x89: {  	s3 =	sld [smem:$0x3FFE];
	_ =	sdelay $0x1  }
0x8a: {  	s1 =	srdreg.scid  }
0x8b: {  	s0 =	sand.u32 $0x1, s1  }
0x8c: {  	s14 =	sshll.u32 s0, $0xA;
	s2 =	sadd.s32 s3, s2  }
0x8d: {  	s2 =	sadd.s32 s2, s14  }
0x8e: {  	[smem:$0x3FC2] =	sst s2  }
0x8f: {  	_ = 	snop  }
0x90: {  	s2 =	sld [smem:$0x3FD0];
	_ =	sdelay $0x2  }
0x91: {  	s15 =	simm.s32 $0xA;
	s4 =	simm.s32 $0x10  }
0x92: {  	[smem:s4], [sflag:s15] =	dma.local [hbm:s2], $0x1  }
0x93: {  	_ =	swait.eq [sflag:s15], $0x1  }
0x94: {  	[sflag:s15] =	ssyncset.done $0x0  }
0x95: {  	[sflag:s15] =	ssyncadd.s32 $0xFFFFFFFF  }
0x96: {  	s16 =	sld [smem:$0x10];
	(tm) =	ssettm $0x1  }
0x97: {  	s17 =	sld [smem:$0x3FFB];
	_ =	sdelay $0x3  }
0x98: {  	_ =	strace s17  }
0x99: {  	s3 =	sld [smem:$0x3FFC];
	_ =	sdelay $0x3  }
0x9a: {  	_ =	strace s3  }
0x9b: {  	s3 =	sld [smem:$0x3FFD];
	_ =	sdelay $0x3  }
0x9c: {  	_ =	strace s3  }
0x9d: {  	_ =	strace $0x8FFFFFFF  }
0x9e: {  	s18 =	sld [smem:$0x3FDB];
	_ =	sdelay $0x1  }
0x9f: {  	s19 =	simm.s32 $_scs_section_size  }
0xa0: {  	s5 =	simm.s32 $_size__tile_overlayer_lowered;
	s6 =	simm.s32 $_tile_overlayer_lowered  }
0xa1: {  	s22 =	simm.s32 $0x1BFF;
	s21 =	sshll.u32 s6, $0x1;
	s3 =	sadd.s32 s19, s18  }
0xa2: {  	s7 =	simm.s32 $0x0;
	s20 =	sshll.u32 s5, $0x1;
	s5 =	sadd.s32 s21, s3  }
0xa3: {  	[timem:s7], [sflag:s22] =	dma.local [hbm:s5], s20  }
0xa4: {  	_ =	swait.ge [sflag:s22], s20  }
0xa5: {  	s4 =	ssub.s32 $0x0, s20;
	[sflag:s22] =	ssyncset.done $0x0  }
0xa6: {  	[sflag:s22] =	ssyncadd.s32 s4;
	_ =	sdelay $0x1  }
0xa7: {  	s23 =	simm.s32 $0x1B8B  }
0xa8: {  	_ =	swait.ge [sflag:s23], $0x1  }
0xa9: {  	[sflag:s23] =	ssyncset.done $0x0  }
0xaa: {  	s25 =	simm.s32 $0x1B8E;
	s24 =	sld [smem:$0x3FFE];
	[sflag:s23] =	ssyncadd.s32 $0xFFFFFFFF  }
0xab: {  	s26 =	simm.s32 $execute0_lowered;
	[smem:$0x3FD2] =	sst s25  }
0xac: {  	s5 =	sshll.u32 s26, $0x1;
	_ =	strace $0x80000049;
	[dreg:$0x1] =	wrdreg $0xFFFFFFFF  }
0xad: {  	s28 =	simm.s32 $_size_execute0_lowered;
	s3 =	sadd.s32 s3, s5;
	[dreg:$0x0] =	wrdreg $0x0  }
0xae: {  	s5 =	sshll.u32 s28, $0x1;
	[dreg:$0x2] =	wrdreg s3  }
0xaf: {  	[dreg:$0x3] =	wrdreg s5  }
0xb0: {  	[dreg:$0x4] =	wrdreg $0xC0  }
0xb1: {  	_ =	task [dreg:s7], $0x5FFFF  }
0xb2: {  	[dreg:$0x1] =	wrdreg $0xFFFFFFFF  }
0xb3: {  	[dreg:$0x0] =	wrdreg $0x60  }
0xb4: {  	[dreg:$0x2] =	wrdreg s24  }
0xb5: {  	[dreg:$0x3] =	wrdreg s16  }
0xb6: {  	[dreg:$0x4] =	wrdreg $0xA8000  }
0xb7: {  	[dreg:$0x5] =	wrdreg $0x9  }
0xb8: {  	_ =	task.clear_ibuf [dreg:s7], $0x6FFFF;
	_ =	strace $0x90000049  }
0xb9: {  	s29 =	simm.s32 $0x9;
	_ =	strace $0x8000004B  }
0xba: {  	_ =	swait.ge [sflag:s29], $0x1  }
0xbb: {  	[sflag:s29] =	ssyncadd.s32 $0xFFFFFFFF  }
0xbc: {  	_ =	strace $0x9000004B  }
0xbd: {  	_ =	sfence  }
0xbe: {  	s30 =	sld [smem:$0x0];
	_ =	sdelay $0x2  }
0xbf: {  	s31 =	sshll.u32 s1, $0xD;
	s1 =	sshrl.u32 s1, $0x2  }
0xc0: {  	s3 =	sand.u32 $0x4000, s31;
	s1 =	sadd.s32 s1, s30  }
0xc1: {  	s0 =	sor.u32 s3, s0;
	s1 =	sshll.u32 s1, $0x11  }
0xc2: {  	s0 =	sor.u32 s1, s0  }
0xc3: {  	s0 =	sadd.s32 $0x8F2B, s0  }
0xc4: {  	[sflag:s0] =	ssyncadd.remote.s32 $0x1  }
0xc5: {  	_ =	sfence.sel $0xFFFF  }
0xc6: {  	[dreg:$0x0] =	wrdreg $0xFFFFFFFF;
	(pc) =	sbr.abs _section_cstart, $3  }
0xc7: {  	[dreg:$0x1] =	wrdreg $0xFFFFFFFF  }
0xc8: {  	_ =	task.clear_ibuf [dreg:s7], $0x2FFFF;
	_ =	strace $0x9FFFFFFF  }
0xc9: {  	(tm) =	ssettm $0x7FFFFFFF  }
tec
execute0_lowered:
.L_overlay_start_1:
0x0: {  	(tag) =	ssettag $0x1  }
0x1: {  	s0 =	rddreg [dreg:$0x0]  }
0x2: {  	s2 =	rddreg [dreg:$0x2];
	s4 =	simm.s32 $0x0;
	s12 =	stileid.u32  }
0x3: {  	s3 =	srdreg.scid;
	s13 =	simm.s32 $0x9;
	s14 =	simm.s32 $0x400  }
0x4: {  	s15 =	simm.s32 $0x50;
	s16 =	simm.s32 $0x800;
	s18 =	simm.s32 $0x3000  }
0x5: {  	s20 =	simm.s32 $0x5800;
	s21 =	simm.s32 $0x1;
	s29 =	simm.s32 $0x3  }
0x6: {  	s31 =	simm.s32 $0x6;
	s17 =	simm.s32 $0x280;
	[smem:$0x7FF] =	sst s4  }
0x7: {  	s5 =	sadd.s32 $0x91A00, s0;
	s1 =	sshll.u32 s12, $0xC;
	s6 =	smul.u32 $0x50000, s12  }
0x8: {  	s3 =	sand.u32 $0x1, s3;
	s8 =	smul.u32 $0x14000, s12;
	s12 =	sshll.u32 s12, $0x6  }
0x9: {  	_ =	strace $0x8000004A;
	s1 =	sadd.s32 s1, s0;
	s0 =	sadd.s32 $0x12DE00, s0  }
0xa: {  	s7 =	ssub.s32 $0x2, s3;
	s10 =	smul.u32 $0x280000, s3;
	s11 =	sshllo.u32 s3, $0x1  }
0xb: {  	s28 =	sor.u32 $0x1C09, s12;
	s19 =	smul.u32 $0x4E20, s3;
	s3 =	simm.s32 $0x4  }
0xc: {  	s12 =	simm.s32 $0x780;
	s9 =	sshrl.u32 s7, $0x1;
	s23 =	smul.u32 $0x140000, s11  }
0xd: {  	s6 =	sshrl.u32 s6, $0x2;
	s22 =	smul.u32 $0x2710, s11;
	s11 =	sadd.s32 $0x81A00, s1  }
0xe: {  	[dreg:$0x4] =	wrdreg s28;
	s7 =	ssub.s32 s7, s9;
	s6 =	sadd.s32 s6, s2  }
0xf: {  	s10 =	sadd.s32 s8, s10;
	v0 =	vmov s19;
	s19 =	simm.s32 $0x580;
	s9 =	simm.s32 $0x700  }
0x10: {  	s10 =	sshrl.u32 s10, $0x3;
	s8 =	sadd.s32 s8, s23;
	s26 =	smax.u32 s7, $0x1  }
0x11: {  	s30 =	sshrl.u32 s6, $0x3;
	s23 =	simm.s32 $0x8000;
	s7 =	simm.s32 $0x7  }
0x12: {  	s6 =	simm.s32 $0x8;
	v1 =	vmov s22;
	s22 =	simm.s32 $0x300;
	s24 =	sadd.s32 s0, s10  }
0x13: {  	s25 =	sshrl.u32 s8, $0x3;
	[dreg:$0x7] =	wrdreg s26;
	s10 =	sadd.s32 $0x71A00, s1  }
0x14: {  	s26 =	simm.s32 $0x5;
	[dreg:$0x8] =	wrdreg s30;
	s1 =	simm.s32 $0x380  }
0x15: {  	s8 =	simm.s32 $0x680;
	[dreg:$0x5] =	wrdreg s24;
	s0 =	sadd.s32 s0, s25  }
0x16: {  	s24 =	simm.s32 $0x2;
	[dreg:$0x6] =	wrdreg s0;
	s0 =	simm.s32 $0x0  }
.LBB2_1:
0x17: {  	[dreg:$0x9] =	wrdreg s0  }
0x18: {  	s25 =	rddreg [dreg:$0x1]  }
0x19: {  	[spmem:s30], [sflag:s28] =	dma.local [hbm:s25], $0x2800  }
0x1a: {  	_ =	swait.ge [sflag:s13], $0x2800  }
0x1b: {  	[sflag:s13] =	ssyncset.done $0x0  }
0x1c: {  	s0 =	simm.s32 $0x600;
	[sflag:s13] =	ssyncadd.s32 $0xFFFFD800  }
0x1d: {  	s25 =	simm.s32 $0x0;
	s30 =	simm.s32 $0x80;
	[bflag:$0x0] =	sbarrier.arrive $0xFFFF  }
.LBB2_2:
0x1e: {  	s28 =	sadd.s32 s25, s11  }
0x1f: {  	[tilespmem:s4], [sflag:$0x9] =	stream.linear.gather [hbm4b:s28+s4], $0x400, $0x38;
	[tilespmem:$0x1E800] =	vst v63  }
0x20: {  	_ =	swait.ge [sflag:s13], $0x400  }
0x21: {  	[sflag:s13] =	ssyncset.done $0x0  }
0x22: {  	s28 =	sadd.s32 s25, s10;
	[sflag:s13] =	ssyncadd.s32 $0xFFFFFC00  }
0x23: {  	[tilespmem:s14], [sflag:$0x9] =	stream.linear.gather [hbm4b:s28+s4], $0x400, $0x38;
	[tilespmem:$0x1E800] =	vst v63  }
0x24: {  	_ =	swait.ge [sflag:s13], $0x400  }
0x25: {  	[sflag:s13] =	ssyncset.done $0x0  }
0x26: {  	[sflag:s13] =	ssyncadd.s32 $0xFFFFFC00  }
0x27: {  	v2 =	vld [tilespmem:$0x0]  }
0x28: {  	v3 =	vld [tilespmem:$0x10]  }
0x29: {  	v4 =	vld [tilespmem:$0x20]  }
0x2a: {  	v5 =	vld [tilespmem:$0x30]  }
0x2b: {  	v6 =	vld [tilespmem:$0x40]  }
0x2c: {  	v7 =	vld [tilespmem:$0x80];
	v2 =	vadd.s32 v0, v2  }
0x2d: {  	[tilespmem:$0x0] =	vst v2;
	v2 =	vadd.s32 v0, v3;
	v3 =	vld [tilespmem:$0x90]  }
0x2e: {  	v37 =	vld [tilespmem:$0xA0];
	[tilespmem:$0x10] =	vst v2;
	v2 =	vadd.s32 v0, v4  }
0x2f: {  	v38 =	vld [tilespmem:$0xB0];
	[tilespmem:$0x20] =	vst v2;
	v2 =	vadd.s32 v0, v5  }
0x30: {  	v39 =	vld [tilespmem:$0xC0];
	[tilespmem:$0x30] =	vst v2;
	v2 =	vadd.s32 v0, v6  }
0x31: {  	v40 =	vld [tilespmem:$0x100];
	[tilespmem:$0x40] =	vst v2;
	v2 =	vadd.s32 v0, v7  }
0x32: {  	[tilespmem:$0x80] =	vst v2;
	v2 =	vadd.s32 v0, v3;
	v3 =	vld [tilespmem:$0x110]  }
0x33: {  	v41 =	vld [tilespmem:$0x120];
	[tilespmem:$0x90] =	vst v2;
	v2 =	vadd.s32 v0, v37  }
0x34: {  	v42 =	vld [tilespmem:$0x130];
	[tilespmem:$0xA0] =	vst v2;
	v2 =	vadd.s32 v0, v38  }
0x35: {  	v43 =	vld [tilespmem:$0x140];
	[tilespmem:$0xB0] =	vst v2;
	v2 =	vadd.s32 v0, v39  }
0x36: {  	v44 =	vld [tilespmem:$0x180];
	[tilespmem:$0xC0] =	vst v2;
	v2 =	vadd.s32 v0, v40  }
0x37: {  	[tilespmem:$0x100] =	vst v2;
	v2 =	vadd.s32 v0, v3;
	v3 =	vld [tilespmem:$0x190]  }
0x38: {  	v45 =	vld [tilespmem:$0x1A0];
	[tilespmem:$0x110] =	vst v2;
	v2 =	vadd.s32 v0, v41  }
0x39: {  	v46 =	vld [tilespmem:$0x1B0];
	[tilespmem:$0x120] =	vst v2;
	v2 =	vadd.s32 v0, v42  }
0x3a: {  	v47 =	vld [tilespmem:$0x1C0];
	[tilespmem:$0x130] =	vst v2;
	v2 =	vadd.s32 v0, v43  }
0x3b: {  	v48 =	vld [tilespmem:$0x200];
	[tilespmem:$0x140] =	vst v2;
	v2 =	vadd.s32 v0, v44  }
0x3c: {  	[tilespmem:$0x180] =	vst v2;
	v2 =	vadd.s32 v0, v3;
	v3 =	vld [tilespmem:$0x210]  }
0x3d: {  	v49 =	vld [tilespmem:$0x220];
	[tilespmem:$0x190] =	vst v2;
	v2 =	vadd.s32 v0, v45  }
0x3e: {  	v50 =	vld [tilespmem:$0x230];
	[tilespmem:$0x1A0] =	vst v2;
	v2 =	vadd.s32 v0, v46  }
0x3f: {  	v51 =	vld [tilespmem:$0x240];
	[tilespmem:$0x1B0] =	vst v2;
	v2 =	vadd.s32 v0, v47  }
0x40: {  	v52 =	vld [tilespmem:$0x280];
	[tilespmem:$0x1C0] =	vst v2;
	v2 =	vadd.s32 v0, v48  }
0x41: {  	[tilespmem:$0x200] =	vst v2;
	v2 =	vadd.s32 v0, v3;
	v3 =	vld [tilespmem:$0x290]  }
0x42: {  	v53 =	vld [tilespmem:$0x2A0];
	[tilespmem:$0x210] =	vst v2;
	v2 =	vadd.s32 v0, v49  }
0x43: {  	v54 =	vld [tilespmem:$0x2B0];
	[tilespmem:$0x220] =	vst v2;
	v2 =	vadd.s32 v0, v50  }
0x44: {  	v55 =	vld [tilespmem:$0x2C0];
	[tilespmem:$0x230] =	vst v2;
	v2 =	vadd.s32 v0, v51  }
0x45: {  	v56 =	vld [tilespmem:$0x300];
	[tilespmem:$0x240] =	vst v2;
	v2 =	vadd.s32 v0, v52  }
0x46: {  	[tilespmem:$0x280] =	vst v2;
	v2 =	vadd.s32 v0, v3;
	v3 =	vld [tilespmem:$0x310]  }
0x47: {  	v57 =	vld [tilespmem:$0x320];
	[tilespmem:$0x290] =	vst v2;
	v2 =	vadd.s32 v0, v53  }
0x48: {  	v58 =	vld [tilespmem:$0x330];
	[tilespmem:$0x2A0] =	vst v2;
	v2 =	vadd.s32 v0, v54  }
0x49: {  	v59 =	vld [tilespmem:$0x340];
	[tilespmem:$0x2B0] =	vst v2;
	v2 =	vadd.s32 v0, v55  }
0x4a: {  	v60 =	vld [tilespmem:$0x380];
	[tilespmem:$0x2C0] =	vst v2;
	v2 =	vadd.s32 v0, v56  }
0x4b: {  	[tilespmem:$0x300] =	vst v2;
	v2 =	vadd.s32 v0, v3;
	v3 =	vld [tilespmem:$0x390]  }
0x4c: {  	v61 =	vld [tilespmem:$0x3A0];
	[tilespmem:$0x310] =	vst v2;
	v2 =	vadd.s32 v0, v57  }
0x4d: {  	v62 =	vld [tilespmem:$0x3B0];
	[tilespmem:$0x320] =	vst v2;
	v2 =	vadd.s32 v0, v58  }
0x4e: {  	v63 =	vld [tilespmem:$0x3C0];
	[tilespmem:$0x330] =	vst v2;
	v2 =	vadd.s32 v0, v59  }
0x4f: {  	[tilespmem:$0x340] =	vst v2;
	v2 =	vadd.s32 v0, v60  }
0x50: {  	[tilespmem:$0x380] =	vst v2;
	v2 =	vadd.s32 v0, v3  }
0x51: {  	[tilespmem:$0x390] =	vst v2;
	v2 =	vadd.s32 v0, v61  }
0x52: {  	[tilespmem:$0x3A0] =	vst v2;
	v2 =	vadd.s32 v0, v62  }
0x53: {  	[tilespmem:$0x3B0] =	vst v2;
	v2 =	vadd.s32 v0, v63  }
0x54: {  	[tilespmem:$0x3C0] =	vst v2  }
0x55: {  	[tilespmem:s16], [sflag:$0x1] =	stream.indirect.gather [hbm4b:s5+s15], $0x80, s4, s15, $0xb8;
	[tilespmem:$0x1E800] =	vst v63  }
0x56: {  	_ = 	snop  }
0x57: {  	[tilespmem:s18], [sflag:$0x2] =	stream.indirect.gather [hbm4b:s5+s15], $0x80, s30, s15, $0xb8;
	[tilespmem:$0x1E800] =	vst v63  }
0x58: {  	s28 =	simm.s32 $0x100  }
0x59: {  	[tilespmem:s20], [sflag:$0x3] =	stream.indirect.gather [hbm4b:s5+s15], $0x80, s28, s15, $0xb8;
	[tilespmem:$0x1E800] =	vst v63  }
0x5a: {  	_ =	swait.ge [sflag:s21], $0x2800  }
0x5b: {  	[sflag:s21] =	ssyncset.done $0x0  }
0x5c: {  	[sflag:s21] =	ssyncadd.s32 $0xFFFFD800  }
0x5d: {  	[spmem:s2] =	stream.indirect.scatter.add.f32 [tilespmem:s16], [sflag:$0x5], $0x80, s14, s15, $0xb8;
	[tilespmem:$0x1E800] =	vst v63  }
0x5e: {  	s28 =	simm.s32 $0x180  }
0x5f: {  	[tilespmem:s23], [sflag:$0x4] =	stream.indirect.gather [hbm4b:s5+s15], $0x80, s28, s15, $0xb8;
	[tilespmem:$0x1E800] =	vst v63  }
0x60: {  	_ =	swait.ge [sflag:s24], $0x2800  }
0x61: {  	[sflag:s24] =	ssyncset.done $0x0  }
0x62: {  	s28 =	simm.s32 $0x480;
	[sflag:s24] =	ssyncadd.s32 $0xFFFFD800  }
0x63: {  	[spmem:s2] =	stream.indirect.scatter.add.f32 [tilespmem:s18], [sflag:$0x6], $0x80, s28, s15, $0xb8;
	[tilespmem:$0x1E800] =	vst v63  }
0x64: {  	_ =	swait.ge [sflag:s26], $0x2800  }
0x65: {  	[sflag:s26] =	ssyncset.done $0x0  }
0x66: {  	s28 =	simm.s32 $0x200;
	[sflag:s26] =	ssyncadd.s32 $0xFFFFD800  }
0x67: {  	[tilespmem:s16], [sflag:$0x1] =	stream.indirect.gather [hbm4b:s5+s15], $0x80, s28, s15, $0xb8;
	[tilespmem:$0x1E800] =	vst v63  }
0x68: {  	_ =	swait.ge [sflag:s29], $0x2800  }
0x69: {  	[sflag:s29] =	ssyncset.done $0x0  }
0x6a: {  	s28 =	simm.s32 $0x500;
	[sflag:s29] =	ssyncadd.s32 $0xFFFFD800  }
0x6b: {  	[spmem:s2] =	stream.indirect.scatter.add.f32 [tilespmem:s20], [sflag:$0x7], $0x80, s28, s15, $0xb8;
	[tilespmem:$0x1E800] =	vst v63  }
0x6c: {  	_ =	swait.ge [sflag:s31], $0x2800  }
0x6d: {  	[sflag:s31] =	ssyncset.done $0x0  }
0x6e: {  	[sflag:s31] =	ssyncadd.s32 $0xFFFFD800  }
0x6f: {  	[tilespmem:s18], [sflag:$0x2] =	stream.indirect.gather [hbm4b:s5+s15], $0x80, s17, s15, $0xb8;
	[tilespmem:$0x1E800] =	vst v63  }
0x70: {  	_ =	swait.ge [sflag:s3], $0x2800  }
0x71: {  	[sflag:s3] =	ssyncset.done $0x0  }
0x72: {  	[sflag:s3] =	ssyncadd.s32 $0xFFFFD800  }
0x73: {  	[spmem:s2] =	stream.indirect.scatter.add.f32 [tilespmem:s23], [sflag:$0x8], $0x80, s19, s15, $0xb8;
	[tilespmem:$0x1E800] =	vst v63  }
0x74: {  	_ =	swait.ge [sflag:s7], $0x2800  }
0x75: {  	[sflag:s7] =	ssyncset.done $0x0  }
0x76: {  	[sflag:s7] =	ssyncadd.s32 $0xFFFFD800  }
0x77: {  	[tilespmem:s20], [sflag:$0x3] =	stream.indirect.gather [hbm4b:s5+s15], $0x80, s22, s15, $0xb8;
	[tilespmem:$0x1E800] =	vst v63  }
0x78: {  	_ =	swait.ge [sflag:s21], $0x2800  }
0x79: {  	[sflag:s21] =	ssyncset.done $0x0  }
0x7a: {  	[sflag:s21] =	ssyncadd.s32 $0xFFFFD800  }
0x7b: {  	[spmem:s2] =	stream.indirect.scatter.add.f32 [tilespmem:s16], [sflag:$0x5], $0x80, s0, s15, $0xb8;
	[tilespmem:$0x1E800] =	vst v63  }
0x7c: {  	_ =	swait.ge [sflag:s6], $0x2800  }
0x7d: {  	[sflag:s6] =	ssyncset.done $0x0  }
0x7e: {  	[sflag:s6] =	ssyncadd.s32 $0xFFFFD800  }
0x7f: {  	[tilespmem:s23], [sflag:$0x4] =	stream.indirect.gather [hbm4b:s5+s15], $0x80, s1, s15, $0xb8;
	[tilespmem:$0x1E800] =	vst v63  }
0x80: {  	_ =	swait.ge [sflag:s24], $0x2800  }
0x81: {  	[sflag:s24] =	ssyncset.done $0x0  }
0x82: {  	[sflag:s24] =	ssyncadd.s32 $0xFFFFD800  }
0x83: {  	[spmem:s2] =	stream.indirect.scatter.add.f32 [tilespmem:s18], [sflag:$0x6], $0x80, s8, s15, $0xb8;
	[tilespmem:$0x1E800] =	vst v63  }
0x84: {  	_ =	swait.ge [sflag:s29], $0x2800  }
0x85: {  	[sflag:s29] =	ssyncset.done $0x0  }
0x86: {  	[sflag:s29] =	ssyncadd.s32 $0xFFFFD800  }
0x87: {  	[spmem:s2] =	stream.indirect.scatter.add.f32 [tilespmem:s20], [sflag:$0x7], $0x80, s9, s15, $0xb8;
	[tilespmem:$0x1E800] =	vst v63  }
0x88: {  	_ =	swait.ge [sflag:s3], $0x2800  }
0x89: {  	[sflag:s3] =	ssyncset.done $0x0  }
0x8a: {  	[sflag:s3] =	ssyncadd.s32 $0xFFFFD800  }
0x8b: {  	[spmem:s2] =	stream.indirect.scatter.add.f32 [tilespmem:s23], [sflag:$0x8], $0x80, s12, s15, $0xb8;
	[tilespmem:$0x1E800] =	vst v63  }
0x8c: {  	_ =	swait.ge [sflag:s26], $0x2800  }
0x8d: {  	[sflag:s26] =	ssyncset.done $0x0  }
0x8e: {  	[sflag:s26] =	ssyncadd.s32 $0xFFFFD800  }
0x8f: {  	_ =	swait.ge [sflag:s31], $0x2800  }
0x90: {  	[sflag:s31] =	ssyncset.done $0x0  }
0x91: {  	[sflag:s31] =	ssyncadd.s32 $0xFFFFD800  }
0x92: {  	p0 =	sne.s32 s25, $0xF80;
	_ =	swait.ge [sflag:s7], $0x2800  }
.Ltmp0:
0x93: {  	[sflag:s7] =	ssyncset.done $0x0;
	(pc) =	sbr.rel @p0 .LBB2_2-.Ltmp0, $4  }
0x94: {  	[sflag:s7] =	ssyncadd.s32 $0xFFFFD800  }
0x95: {  	_ =	swait.ge [sflag:s6], $0x2800  }
0x96: {  	[sflag:s6] =	ssyncset.done $0x0  }
0x97: {  	s25 =	sadd.s32 $0x80, s25;
	[sflag:s6] =	ssyncadd.s32 $0xFFFFD800  }
0x98: {  	[bflag:$0x0] =	sbarrier.arrive $0xFFFF  }
0x99: {  	s28 =	rddreg [dreg:$0x4]  }
0x9a: {  	s25 =	rddreg [dreg:$0x5]  }
0x9b: {  	s30 =	rddreg [dreg:$0x8]  }
0x9c: {  	[hbm:s25], [sflag:s28] =	dma.local [spmem:s30], $0x2800  }
0x9d: {  	_ =	swait.ge [sflag:s13], $0x2800  }
0x9e: {  	[sflag:s13] =	ssyncset.done $0x0  }
0x9f: {  	[sflag:s13] =	ssyncadd.s32 $0xFFFFD800  }
0xa0: {  	s25 =	rddreg [dreg:$0x1]  }
0xa1: {  	[spmem:s30], [sflag:s28] =	dma.local [hbm:s25], $0x2800  }
0xa2: {  	_ =	swait.ge [sflag:s13], $0x2800  }
0xa3: {  	[sflag:s13] =	ssyncset.done $0x0  }
0xa4: {  	[sflag:s13] =	ssyncadd.s32 $0xFFFFD800  }
0xa5: {  	s30 =	simm.s32 $0x80;
	s25 =	simm.s32 $0x0;
	[bflag:$0x0] =	sbarrier.arrive $0xFFFF  }
.LBB2_4:
0xa6: {  	s28 =	sadd.s32 s25, s11  }
0xa7: {  	[tilespmem:s4], [sflag:$0x9] =	stream.linear.gather [hbm4b:s28+s4], $0x400, $0x38;
	[tilespmem:$0x1E800] =	vst v63  }
0xa8: {  	_ =	swait.ge [sflag:s13], $0x400  }
0xa9: {  	[sflag:s13] =	ssyncset.done $0x0  }
0xaa: {  	s28 =	sadd.s32 s25, s10;
	[sflag:s13] =	ssyncadd.s32 $0xFFFFFC00  }
0xab: {  	[tilespmem:s14], [sflag:$0x9] =	stream.linear.gather [hbm4b:s28+s4], $0x400, $0x38;
	[tilespmem:$0x1E800] =	vst v63  }
0xac: {  	_ =	swait.ge [sflag:s13], $0x400  }
0xad: {  	[sflag:s13] =	ssyncset.done $0x0  }
0xae: {  	[sflag:s13] =	ssyncadd.s32 $0xFFFFFC00  }
0xaf: {  	v2 =	vld [tilespmem:$0x0]  }
0xb0: {  	v3 =	vld [tilespmem:$0x10]  }
0xb1: {  	v4 =	vld [tilespmem:$0x20]  }
0xb2: {  	v5 =	vld [tilespmem:$0x30]  }
0xb3: {  	v6 =	vld [tilespmem:$0x40]  }
0xb4: {  	v7 =	vld [tilespmem:$0x80];
	v2 =	vadd.s32 v1, v2  }
0xb5: {  	[tilespmem:$0x0] =	vst v2;
	v2 =	vadd.s32 v1, v3;
	v3 =	vld [tilespmem:$0x90]  }
0xb6: {  	v37 =	vld [tilespmem:$0xA0];
	[tilespmem:$0x10] =	vst v2;
	v2 =	vadd.s32 v1, v4  }
0xb7: {  	v38 =	vld [tilespmem:$0xB0];
	[tilespmem:$0x20] =	vst v2;
	v2 =	vadd.s32 v1, v5  }
0xb8: {  	v39 =	vld [tilespmem:$0xC0];
	[tilespmem:$0x30] =	vst v2;
	v2 =	vadd.s32 v1, v6  }
0xb9: {  	v40 =	vld [tilespmem:$0x100];
	[tilespmem:$0x40] =	vst v2;
	v2 =	vadd.s32 v1, v7  }
0xba: {  	[tilespmem:$0x80] =	vst v2;
	v2 =	vadd.s32 v1, v3;
	v3 =	vld [tilespmem:$0x110]  }
0xbb: {  	v41 =	vld [tilespmem:$0x120];
	[tilespmem:$0x90] =	vst v2;
	v2 =	vadd.s32 v1, v37  }
0xbc: {  	v42 =	vld [tilespmem:$0x130];
	[tilespmem:$0xA0] =	vst v2;
	v2 =	vadd.s32 v1, v38  }
0xbd: {  	v43 =	vld [tilespmem:$0x140];
	[tilespmem:$0xB0] =	vst v2;
	v2 =	vadd.s32 v1, v39  }
0xbe: {  	v44 =	vld [tilespmem:$0x180];
	[tilespmem:$0xC0] =	vst v2;
	v2 =	vadd.s32 v1, v40  }
0xbf: {  	[tilespmem:$0x100] =	vst v2;
	v2 =	vadd.s32 v1, v3;
	v3 =	vld [tilespmem:$0x190]  }
0xc0: {  	v45 =	vld [tilespmem:$0x1A0];
	[tilespmem:$0x110] =	vst v2;
	v2 =	vadd.s32 v1, v41  }
0xc1: {  	v46 =	vld [tilespmem:$0x1B0];
	[tilespmem:$0x120] =	vst v2;
	v2 =	vadd.s32 v1, v42  }
0xc2: {  	v47 =	vld [tilespmem:$0x1C0];
	[tilespmem:$0x130] =	vst v2;
	v2 =	vadd.s32 v1, v43  }
0xc3: {  	v48 =	vld [tilespmem:$0x200];
	[tilespmem:$0x140] =	vst v2;
	v2 =	vadd.s32 v1, v44  }
0xc4: {  	[tilespmem:$0x180] =	vst v2;
	v2 =	vadd.s32 v1, v3;
	v3 =	vld [tilespmem:$0x210]  }
0xc5: {  	v49 =	vld [tilespmem:$0x220];
	[tilespmem:$0x190] =	vst v2;
	v2 =	vadd.s32 v1, v45  }
0xc6: {  	v50 =	vld [tilespmem:$0x230];
	[tilespmem:$0x1A0] =	vst v2;
	v2 =	vadd.s32 v1, v46  }
0xc7: {  	v51 =	vld [tilespmem:$0x240];
	[tilespmem:$0x1B0] =	vst v2;
	v2 =	vadd.s32 v1, v47  }
0xc8: {  	v52 =	vld [tilespmem:$0x280];
	[tilespmem:$0x1C0] =	vst v2;
	v2 =	vadd.s32 v1, v48  }
0xc9: {  	[tilespmem:$0x200] =	vst v2;
	v2 =	vadd.s32 v1, v3;
	v3 =	vld [tilespmem:$0x290]  }
0xca: {  	v53 =	vld [tilespmem:$0x2A0];
	[tilespmem:$0x210] =	vst v2;
	v2 =	vadd.s32 v1, v49  }
0xcb: {  	v54 =	vld [tilespmem:$0x2B0];
	[tilespmem:$0x220] =	vst v2;
	v2 =	vadd.s32 v1, v50  }
0xcc: {  	v55 =	vld [tilespmem:$0x2C0];
	[tilespmem:$0x230] =	vst v2;
	v2 =	vadd.s32 v1, v51  }
0xcd: {  	v56 =	vld [tilespmem:$0x300];
	[tilespmem:$0x240] =	vst v2;
	v2 =	vadd.s32 v1, v52  }
0xce: {  	[tilespmem:$0x280] =	vst v2;
	v2 =	vadd.s32 v1, v3;
	v3 =	vld [tilespmem:$0x310]  }
0xcf: {  	v57 =	vld [tilespmem:$0x320];
	[tilespmem:$0x290] =	vst v2;
	v2 =	vadd.s32 v1, v53  }
0xd0: {  	v58 =	vld [tilespmem:$0x330];
	[tilespmem:$0x2A0] =	vst v2;
	v2 =	vadd.s32 v1, v54  }
0xd1: {  	v59 =	vld [tilespmem:$0x340];
	[tilespmem:$0x2B0] =	vst v2;
	v2 =	vadd.s32 v1, v55  }
0xd2: {  	v60 =	vld [tilespmem:$0x380];
	[tilespmem:$0x2C0] =	vst v2;
	v2 =	vadd.s32 v1, v56  }
0xd3: {  	[tilespmem:$0x300] =	vst v2;
	v2 =	vadd.s32 v1, v3;
	v3 =	vld [tilespmem:$0x390]  }
0xd4: {  	v61 =	vld [tilespmem:$0x3A0];
	[tilespmem:$0x310] =	vst v2;
	v2 =	vadd.s32 v1, v57  }
0xd5: {  	v62 =	vld [tilespmem:$0x3B0];
	[tilespmem:$0x320] =	vst v2;
	v2 =	vadd.s32 v1, v58  }
0xd6: {  	v63 =	vld [tilespmem:$0x3C0];
	[tilespmem:$0x330] =	vst v2;
	v2 =	vadd.s32 v1, v59  }
0xd7: {  	[tilespmem:$0x340] =	vst v2;
	v2 =	vadd.s32 v1, v60  }
0xd8: {  	[tilespmem:$0x380] =	vst v2;
	v2 =	vadd.s32 v1, v3  }
0xd9: {  	[tilespmem:$0x390] =	vst v2;
	v2 =	vadd.s32 v1, v61  }
0xda: {  	[tilespmem:$0x3A0] =	vst v2;
	v2 =	vadd.s32 v1, v62  }
0xdb: {  	[tilespmem:$0x3B0] =	vst v2;
	v2 =	vadd.s32 v1, v63  }
0xdc: {  	[tilespmem:$0x3C0] =	vst v2  }
0xdd: {  	[tilespmem:s16], [sflag:$0x1] =	stream.indirect.gather [hbm4b:s5+s15], $0x80, s4, s15, $0xb8;
	[tilespmem:$0x1E800] =	vst v63  }
0xde: {  	_ = 	snop  }
0xdf: {  	[tilespmem:s18], [sflag:$0x2] =	stream.indirect.gather [hbm4b:s5+s15], $0x80, s30, s15, $0xb8;
	[tilespmem:$0x1E800] =	vst v63  }
0xe0: {  	s28 =	simm.s32 $0x100  }
0xe1: {  	[tilespmem:s20], [sflag:$0x3] =	stream.indirect.gather [hbm4b:s5+s15], $0x80, s28, s15, $0xb8;
	[tilespmem:$0x1E800] =	vst v63  }
0xe2: {  	_ =	swait.ge [sflag:s21], $0x2800  }
0xe3: {  	[sflag:s21] =	ssyncset.done $0x0  }
0xe4: {  	[sflag:s21] =	ssyncadd.s32 $0xFFFFD800  }
0xe5: {  	[spmem:s2] =	stream.indirect.scatter.add.f32 [tilespmem:s16], [sflag:$0x5], $0x80, s14, s15, $0xb8;
	[tilespmem:$0x1E800] =	vst v63  }
0xe6: {  	s28 =	simm.s32 $0x180  }
0xe7: {  	[tilespmem:s23], [sflag:$0x4] =	stream.indirect.gather [hbm4b:s5+s15], $0x80, s28, s15, $0xb8;
	[tilespmem:$0x1E800] =	vst v63  }
0xe8: {  	_ =	swait.ge [sflag:s24], $0x2800  }
0xe9: {  	[sflag:s24] =	ssyncset.done $0x0  }
0xea: {  	s28 =	simm.s32 $0x480;
	[sflag:s24] =	ssyncadd.s32 $0xFFFFD800  }
0xeb: {  	[spmem:s2] =	stream.indirect.scatter.add.f32 [tilespmem:s18], [sflag:$0x6], $0x80, s28, s15, $0xb8;
	[tilespmem:$0x1E800] =	vst v63  }
0xec: {  	_ =	swait.ge [sflag:s26], $0x2800  }
0xed: {  	[sflag:s26] =	ssyncset.done $0x0  }
0xee: {  	s28 =	simm.s32 $0x200;
	[sflag:s26] =	ssyncadd.s32 $0xFFFFD800  }
0xef: {  	[tilespmem:s16], [sflag:$0x1] =	stream.indirect.gather [hbm4b:s5+s15], $0x80, s28, s15, $0xb8;
	[tilespmem:$0x1E800] =	vst v63  }
0xf0: {  	_ =	swait.ge [sflag:s29], $0x2800  }
0xf1: {  	[sflag:s29] =	ssyncset.done $0x0  }
0xf2: {  	s28 =	simm.s32 $0x500;
	[sflag:s29] =	ssyncadd.s32 $0xFFFFD800  }
0xf3: {  	[spmem:s2] =	stream.indirect.scatter.add.f32 [tilespmem:s20], [sflag:$0x7], $0x80, s28, s15, $0xb8;
	[tilespmem:$0x1E800] =	vst v63  }
0xf4: {  	_ =	swait.ge [sflag:s31], $0x2800  }
0xf5: {  	[sflag:s31] =	ssyncset.done $0x0  }
0xf6: {  	[sflag:s31] =	ssyncadd.s32 $0xFFFFD800  }
0xf7: {  	[tilespmem:s18], [sflag:$0x2] =	stream.indirect.gather [hbm4b:s5+s15], $0x80, s17, s15, $0xb8;
	[tilespmem:$0x1E800] =	vst v63  }
0xf8: {  	_ =	swait.ge [sflag:s3], $0x2800  }
0xf9: {  	[sflag:s3] =	ssyncset.done $0x0  }
0xfa: {  	[sflag:s3] =	ssyncadd.s32 $0xFFFFD800  }
0xfb: {  	[spmem:s2] =	stream.indirect.scatter.add.f32 [tilespmem:s23], [sflag:$0x8], $0x80, s19, s15, $0xb8;
	[tilespmem:$0x1E800] =	vst v63  }
0xfc: {  	_ =	swait.ge [sflag:s7], $0x2800  }
0xfd: {  	[sflag:s7] =	ssyncset.done $0x0  }
0xfe: {  	[sflag:s7] =	ssyncadd.s32 $0xFFFFD800  }
0xff: {  	[tilespmem:s20], [sflag:$0x3] =	stream.indirect.gather [hbm4b:s5+s15], $0x80, s22, s15, $0xb8;
	[tilespmem:$0x1E800] =	vst v63  }
0x100: {  	_ =	swait.ge [sflag:s21], $0x2800  }
0x101: {  	[sflag:s21] =	ssyncset.done $0x0  }
0x102: {  	[sflag:s21] =	ssyncadd.s32 $0xFFFFD800  }
0x103: {  	[spmem:s2] =	stream.indirect.scatter.add.f32 [tilespmem:s16], [sflag:$0x5], $0x80, s0, s15, $0xb8;
	[tilespmem:$0x1E800] =	vst v63  }
0x104: {  	_ =	swait.ge [sflag:s6], $0x2800  }
0x105: {  	[sflag:s6] =	ssyncset.done $0x0  }
0x106: {  	[sflag:s6] =	ssyncadd.s32 $0xFFFFD800  }
0x107: {  	[tilespmem:s23], [sflag:$0x4] =	stream.indirect.gather [hbm4b:s5+s15], $0x80, s1, s15, $0xb8;
	[tilespmem:$0x1E800] =	vst v63  }
0x108: {  	_ =	swait.ge [sflag:s24], $0x2800  }
0x109: {  	[sflag:s24] =	ssyncset.done $0x0  }
0x10a: {  	[sflag:s24] =	ssyncadd.s32 $0xFFFFD800  }
0x10b: {  	[spmem:s2] =	stream.indirect.scatter.add.f32 [tilespmem:s18], [sflag:$0x6], $0x80, s8, s15, $0xb8;
	[tilespmem:$0x1E800] =	vst v63  }
0x10c: {  	_ =	swait.ge [sflag:s29], $0x2800  }
0x10d: {  	[sflag:s29] =	ssyncset.done $0x0  }
0x10e: {  	[sflag:s29] =	ssyncadd.s32 $0xFFFFD800  }
0x10f: {  	[spmem:s2] =	stream.indirect.scatter.add.f32 [tilespmem:s20], [sflag:$0x7], $0x80, s9, s15, $0xb8;
	[tilespmem:$0x1E800] =	vst v63  }
0x110: {  	_ =	swait.ge [sflag:s3], $0x2800  }
0x111: {  	[sflag:s3] =	ssyncset.done $0x0  }
0x112: {  	[sflag:s3] =	ssyncadd.s32 $0xFFFFD800  }
0x113: {  	[spmem:s2] =	stream.indirect.scatter.add.f32 [tilespmem:s23], [sflag:$0x8], $0x80, s12, s15, $0xb8;
	[tilespmem:$0x1E800] =	vst v63  }
0x114: {  	_ =	swait.ge [sflag:s26], $0x2800  }
0x115: {  	[sflag:s26] =	ssyncset.done $0x0  }
0x116: {  	[sflag:s26] =	ssyncadd.s32 $0xFFFFD800  }
0x117: {  	_ =	swait.ge [sflag:s31], $0x2800  }
0x118: {  	[sflag:s31] =	ssyncset.done $0x0  }
0x119: {  	[sflag:s31] =	ssyncadd.s32 $0xFFFFD800  }
0x11a: {  	p0 =	sne.s32 s25, $0xF80;
	_ =	swait.ge [sflag:s7], $0x2800  }
.Ltmp1:
0x11b: {  	[sflag:s7] =	ssyncset.done $0x0;
	(pc) =	sbr.rel @p0 .LBB2_4-.Ltmp1, $4  }
0x11c: {  	[sflag:s7] =	ssyncadd.s32 $0xFFFFD800  }
0x11d: {  	_ =	swait.ge [sflag:s6], $0x2800  }
0x11e: {  	[sflag:s6] =	ssyncset.done $0x0  }
0x11f: {  	s25 =	sadd.s32 $0x80, s25;
	[sflag:s6] =	ssyncadd.s32 $0xFFFFD800  }
0x120: {  	[bflag:$0x0] =	sbarrier.arrive $0xFFFF  }
0x121: {  	s28 =	rddreg [dreg:$0x4]  }
0x122: {  	s25 =	rddreg [dreg:$0x6]  }
0x123: {  	s30 =	rddreg [dreg:$0x8]  }
0x124: {  	[hbm:s25], [sflag:s28] =	dma.local [spmem:s30], $0x2800  }
0x125: {  	_ =	swait.ge [sflag:s13], $0x2800  }
0x126: {  	s0 =	rddreg [dreg:$0x9]  }
0x127: {  	s25 =	rddreg [dreg:$0x7];
	s0 =	sadd.s32 $0x1, s0  }
0x128: {  	p0 =	sne.s32 s0, s25  }
.Ltmp2:
0x129: {  	_ = 	snop;
	(pc) =	sbr.rel @p0 .LBB2_1-.Ltmp2, $3  }
0x12a: {  	_ =	sdelay $0x1  }
0x12b: {  	[sflag:s13] =	ssyncset.done $0x0  }
0x12c: {  	[sflag:s13] =	ssyncadd.s32 $0xFFFFD800  }
0x12d: {  	_ =	sfence.sel $0x180000  }
0x12e: {  	[bflag:$0x0] =	sbarrier.arrive $0xFFFF  }
0x12f: {  	_ =	strace $0x9000004A  }
0x130: {  	s0 =	stileid.u32;
	[bflag:$0x2] =	sbarrier.arrive $0xFFFF  }
0x131: {  	p0 =	sne.s32 s0, $0x0;
	s0 =	rddreg [dreg:$0x3]  }
0x132: {  	s0 =	sadd.s32 @!p0 $0x100000, s0  }
0x133: {  	[sflag:s0] =	ssyncadd.tile.s32 @!p0 $0x1;
	_ =	shalt  }
.Lfunc_end2:
_tile_overlayer_lowered:
.L_overlay_start_2:
0x134: {  	(tag) =	ssettag $0x2  }
0x135: {  	s0 =	rddreg [dreg:$0x0];
	s2 =	stileid.u32  }
0x136: {  	s1 =	rddreg [dreg:$0x1];
	p0 =	sne.s32 s2, $0x0  }
0x137: {  	s3 =	rddreg [dreg:$0x2];
	[bflag:$0x3] =	sbarrier.arrive $0xFFFF;
	s2 =	simm.s32 @!p0 $0x1C09  }
0x138: {  	[timem:s3], [sflag:s2] =	dma.local @!p0 [hbm:s0], s1  }
0x139: {  	s0 =	simm.s32 @!p0 $0x9  }
0x13a: {  	_ =	swait.ge @!p0 [sflag:s0], s1  }
0x13b: {  	s1 =	ssub.s32 @!p0 $0x0, s1;
	[sflag:s0] =	ssyncset.done @!p0 $0x0  }
0x13c: {  	[sflag:s0] =	ssyncadd.s32 @!p0 s1  }
0x13d: {  	[bflag:$0x3] =	sbarrier.arrive $0xFFFF  }
0x13e: {  	_ =	shalt  }

</sc_bundles>
